<compile_context>
chip_gen: v7x
topology: tpu7x:2x2x1
jax: 0.10.2.dev20260603
libtpu: 0.0.44.dev20260713+nightly
codegen_flags: <defaults>
</compile_context>

<pallas_src>
import jax
import jax.numpy as jnp
from jax import lax
from jax.experimental import pallas as pl
from jax.experimental.pallas import tpu as pltpu
from jax.experimental.pallas import tpu_sc as plsc

L = 16
NC = 2
NS = 16
NW = NC * NS

TOTAL = 32768
F = 128
N_GROUPS = 2048
B_PER_W = TOTAL // NW
CHUNK = 128
N_CHUNKS = B_PER_W // CHUNK
CAP = 128
NBUF = 3


def _sc_body(hits_hbm, cond_hbm, gid_hbm, out_hbm,
             idx_v, cond_v, hits_v, out_v, csem, hsem, gsem, osem):
    wid = lax.axis_index("s") * NC + lax.axis_index("c")
    base = wid * B_PER_W

    def start_hits(j):
        pltpu.async_copy(hits_hbm.at[pl.ds(base + j * CHUNK, CHUNK)],
                         hits_v.at[j % NBUF], hsem)

    for j in range(NBUF):
        start_hits(j)

    pltpu.sync_copy(gid_hbm.at[pl.ds(wid * N_CHUNKS, N_CHUNKS)], idx_v)

    lo = idx_v[0, pl.ds(0, L)][0]
    hi = idx_v[N_CHUNKS - 1, pl.ds(CHUNK - L, L)][L - 1]
    start = pl.multiple_of(jnp.minimum(lo, N_GROUPS - CAP) & ~7, 8)

    @pl.when(hi - start < CAP)
    def _fast():
        cload = pltpu.async_copy(cond_hbm.at[pl.ds(start, CAP)], cond_v, csem)
        cload.wait()

        iota = lax.iota(jnp.int32, L)
        cols = [iota + (g * L) for g in range(F // L)]

        stores = []
        for j in range(N_CHUNKS):
            b = j % NBUF
            row0 = base + j * CHUNK
            pltpu.make_async_copy(hits_hbm.at[pl.ds(row0, CHUNK)],
                                  hits_v.at[b], hsem).wait()
            if j >= NBUF:
                stores[j - NBUF].wait()

            @plsc.parallel_loop(0, CHUNK, 1)
            def row_body(r):
                gidm = idx_v[j, pl.ds(r & ~(L - 1), L)] - start
                lane = jnp.broadcast_to(r & (L - 1), (L,))
                rowv = jnp.take_along_axis(gidm, lane, axis=0)
                for g in range(F // L):
                    s = pl.ds(g * L, L)
                    cval = plsc.load_gather(cond_v, [rowv, cols[g]])
                    out_v[b, r, s] = hits_v[b, r, s] - cval

            stores.append(pltpu.async_copy(
                out_v.at[b], out_hbm.at[pl.ds(row0, CHUNK)], osem))
            if j + NBUF < N_CHUNKS:
                start_hits(j + NBUF)

        for j in range(N_CHUNKS - NBUF, N_CHUNKS):
            stores[j].wait()

    @pl.when(hi - start >= CAP)
    def _general():
        for j in range(N_CHUNKS):
            row0 = base + j * CHUNK
            gather = pltpu.async_copy(cond_hbm.at[idx_v.at[j]],
                                      cond_v.at[pl.ds(0, CHUNK)], gsem)
            if j >= NBUF:
                pltpu.async_copy(hits_hbm.at[pl.ds(row0, CHUNK)],
                                 hits_v.at[j % NBUF], hsem)
            pltpu.make_async_copy(hits_hbm.at[pl.ds(row0, CHUNK)],
                                  hits_v.at[j % NBUF], hsem).wait()
            gather.wait()

            @plsc.parallel_loop(0, CHUNK, 1)
            def sub_row(r):
                for g in range(F // L):
                    s = pl.ds(g * L, L)
                    out_v[0, r, s] = hits_v[j % NBUF, r, s] - cond_v[r, s]

            pltpu.sync_copy(out_v.at[0], out_hbm.at[pl.ds(row0, CHUNK)])


@jax.jit
def _call(hits, cond, gid2d):
    mesh = plsc.VectorSubcoreMesh(core_axis_name="c", subcore_axis_name="s")
    k = pl.kernel(
        _sc_body,
        mesh=mesh,
        compiler_params=pltpu.CompilerParams(needs_layout_passes=False),
        out_type=jax.ShapeDtypeStruct((TOTAL, F), jnp.float32),
        scratch_types=[
            pltpu.VMEM((N_CHUNKS, CHUNK), jnp.int32),
            pltpu.VMEM((CAP, F), jnp.float32),
            pltpu.VMEM((NBUF, CHUNK, F), jnp.float32),
            pltpu.VMEM((NBUF, CHUNK, F), jnp.float32),
            pltpu.SemaphoreType.DMA,
            pltpu.SemaphoreType.DMA,
            pltpu.SemaphoreType.DMA,
            pltpu.SemaphoreType.DMA,
        ],
    )
    return k(hits, cond, gid2d)


def kernel(hits, cond, group_ids):
    gid2d = group_ids.astype(jnp.int32).reshape(TOTAL // CHUNK, CHUNK)
    return _call(hits, cond, gid2d)

# --- scband reference (transcript-rebuilt; emitter-appended) ---
"""Pipeline reference for scband-ragged-mix-hit-and-cond-info-43688407335240 (READ-ONLY COPY).

The authoritative reference and input builder live on the scoring server;
editing this copy changes nothing except your own understanding.
"""

import jax, jax.numpy as jnp
import numpy as np


def setup_inputs(seed: int = 0) -> dict:
    key = jax.random.key(seed)
    k1, k2, k3 = jax.random.split(key, 3)
    total_hits = 32768
    n_groups = 2048
    F = 128
    hits = jax.random.normal(k1, (total_hits, F), dtype=jnp.float32)
    cond = jax.random.normal(k2, (n_groups, F), dtype=jnp.float32)
    group_ids = jnp.sort(jax.random.randint(k3, (total_hits,), 0, n_groups)).astype(jnp.int64)
    return {"hits": hits, "cond": cond, "group_ids": group_ids}


def reference(hits, cond, group_ids):
    # Flattened-ragged equivalent of RaggedMixHitAndCondInfo(operation='subtract').
    # Original: hits ragged [B, None(groups), None(hits), F], cond ragged [B, None(groups), F];
    # cond is expand_dims'd on axis=2 and broadcast over the hits-per-group ragged dim,
    # then subtracted from hits. In flat form each hit carries its group id, so the
    # broadcast is a row-gather of the condensation-point features followed by an
    # elementwise subtract.
    cond_per_hit = jnp.take(cond, group_ids, axis=0)  # broadcast cond over hits in each group
    return hits - cond_per_hit

if __name__ == "__main__":
    import jax
    _d = setup_inputs()
    print(jax.jit(kernel)(*tuple(_d.values())))

</pallas_src>

<mosaic_0001>
#map = affine_map<(d0, d1) -> (0, 0)>
module attributes {stable_mosaic.version = 14 : i64} {
  func.func @_sc_body(%arg0: i32, %arg1: i32, %arg2: memref<32768x128xf32, #tpu.memory_space<hbm>>, %arg3: memref<2048x128xf32, #tpu.memory_space<hbm>>, %arg4: memref<256x128xi32, #tpu.memory_space<hbm>>, %arg5: memref<32768x128xf32, #tpu.memory_space<hbm>>, %arg6: memref<8x128xi32, #tpu.memory_space<vmem>>, %arg7: memref<128x128xf32, #tpu.memory_space<vmem>>, %arg8: memref<3x128x128xf32, #tpu.memory_space<vmem>>, %arg9: memref<3x128x128xf32, #tpu.memory_space<vmem>>, %arg10: memref<!tpu.dma_semaphore, #tpu.memory_space<semaphore_mem>>, %arg11: memref<!tpu.dma_semaphore, #tpu.memory_space<semaphore_mem>>, %arg12: memref<!tpu.dma_semaphore, #tpu.memory_space<semaphore_mem>>, %arg13: memref<!tpu.dma_semaphore, #tpu.memory_space<semaphore_mem>>) attributes {dimension_semantics = [#tpu.dimension_semantics<core_parallel>, #tpu.dimension_semantics<subcore_parallel>], iteration_bounds = array<i64: 2, 16>, scalar_prefetch = 0 : i64, scratch_operands = 8 : i64, tpu.core_type = #tpu.core_type<sc_vector_subcore>, window_params = [{transform_indices = #map}, {transform_indices = #map}, {transform_indices = #map}, {transform_indices = #map}]} {
    %mul3A = arith.constant 2 : i32
    %mul3A_0 = arith.muli %arg1, %mul3A : i32
    %add3A = arith.addi %mul3A_0, %arg0 : i32
    %mul3A_1 = arith.constant 1024 : i32
    %mul3A_2 = arith.muli %add3A, %mul3A_1 : i32
    %add3A_3 = arith.constant 0 : i32
    %add3A_4 = arith.addi %mul3A_2, %add3A_3 : i32
    %dma_start3A = arith.constant 0 : i32
    %dma_start3A_5 = arith.constant 0 : i32
    %dma_start3A_6 = arith.constant 0 : i32
    %dma_start3A_7 = tpu.memref_slice %arg8[%dma_start3A, %dma_start3A_5, %dma_start3A_6] : memref<3x128x128xf32, #tpu.memory_space<vmem>> -> memref<1x128x128xf32, #tpu.memory_space<vmem>>
    %dma_start3A_8 = tpu.memref_squeeze %dma_start3A_7 : memref<1x128x128xf32, #tpu.memory_space<vmem>> -> memref<128x128xf32, #tpu.memory_space<vmem>>
    %dma_start3A_9 = arith.constant 0 : i32
    %dma_start3A_10 = tpu.memref_slice %arg2[%add3A_4, %dma_start3A_9] : memref<32768x128xf32, #tpu.memory_space<hbm>> -> memref<128x128xf32, #tpu.memory_space<hbm>>
    %dma_start3A_11 = arith.constant 0 : i32
    %dma_start3A_12 = arith.constant 0 : i32
    %dma_start3A_13 = tpu.memref_slice %arg8[%dma_start3A, %dma_start3A_11, %dma_start3A_12] : memref<3x128x128xf32, #tpu.memory_space<vmem>> -> memref<1x128x128xf32, #tpu.memory_space<vmem>>
    %dma_start3A_14 = tpu.memref_squeeze %dma_start3A_13 : memref<1x128x128xf32, #tpu.memory_space<vmem>> -> memref<128x128xf32, #tpu.memory_space<vmem>>
    %dma_start3A_15 = arith.constant 0 : i32
    %dma_start3A_16 = tpu.memref_slice %arg2[%add3A_4, %dma_start3A_15] : memref<32768x128xf32, #tpu.memory_space<hbm>> -> memref<128x128xf32, #tpu.memory_space<hbm>>
    tpu.enqueue_dma source(%dma_start3A_16 : memref<128x128xf32, #tpu.memory_space<hbm>>) target(%dma_start3A_14 : memref<128x128xf32, #tpu.memory_space<vmem>>) target_semaphore(%arg11 : memref<!tpu.dma_semaphore, #tpu.memory_space<semaphore_mem>>)
    %add3A_17 = arith.constant 128 : i32
    %add3A_18 = arith.addi %mul3A_2, %add3A_17 : i32
    %dma_start3A_19 = arith.constant 1 : i32
    %dma_start3A_20 = arith.constant 0 : i32
    %dma_start3A_21 = arith.constant 0 : i32
    %dma_start3A_22 = tpu.memref_slice %arg8[%dma_start3A_19, %dma_start3A_20, %dma_start3A_21] : memref<3x128x128xf32, #tpu.memory_space<vmem>> -> memref<1x128x128xf32, #tpu.memory_space<vmem>>
    %dma_start3A_23 = tpu.memref_squeeze %dma_start3A_22 : memref<1x128x128xf32, #tpu.memory_space<vmem>> -> memref<128x128xf32, #tpu.memory_space<vmem>>
    %dma_start3A_24 = arith.constant 0 : i32
    %dma_start3A_25 = tpu.memref_slice %arg2[%add3A_18, %dma_start3A_24] : memref<32768x128xf32, #tpu.memory_space<hbm>> -> memref<128x128xf32, #tpu.memory_space<hbm>>
    %dma_start3A_26 = arith.constant 0 : i32
    %dma_start3A_27 = arith.constant 0 : i32
    %dma_start3A_28 = tpu.memref_slice %arg8[%dma_start3A_19, %dma_start3A_26, %dma_start3A_27] : memref<3x128x128xf32, #tpu.memory_space<vmem>> -> memref<1x128x128xf32, #tpu.memory_space<vmem>>
    %dma_start3A_29 = tpu.memref_squeeze %dma_start3A_28 : memref<1x128x128xf32, #tpu.memory_space<vmem>> -> memref<128x128xf32, #tpu.memory_space<vmem>>
    %dma_start3A_30 = arith.constant 0 : i32
    %dma_start3A_31 = tpu.memref_slice %arg2[%add3A_18, %dma_start3A_30] : memref<32768x128xf32, #tpu.memory_space<hbm>> -> memref<128x128xf32, #tpu.memory_space<hbm>>
    tpu.enqueue_dma source(%dma_start3A_31 : memref<128x128xf32, #tpu.memory_space<hbm>>) target(%dma_start3A_29 : memref<128x128xf32, #tpu.memory_space<vmem>>) target_semaphore(%arg11 : memref<!tpu.dma_semaphore, #tpu.memory_space<semaphore_mem>>)
    %add3A_32 = arith.constant 256 : i32
    %add3A_33 = arith.addi %mul3A_2, %add3A_32 : i32
    %dma_start3A_34 = arith.constant 2 : i32
    %dma_start3A_35 = arith.constant 0 : i32
    %dma_start3A_36 = arith.constant 0 : i32
    %dma_start3A_37 = tpu.memref_slice %arg8[%dma_start3A_34, %dma_start3A_35, %dma_start3A_36] : memref<3x128x128xf32, #tpu.memory_space<vmem>> -> memref<1x128x128xf32, #tpu.memory_space<vmem>>
    %dma_start3A_38 = tpu.memref_squeeze %dma_start3A_37 : memref<1x128x128xf32, #tpu.memory_space<vmem>> -> memref<128x128xf32, #tpu.memory_space<vmem>>
    %dma_start3A_39 = arith.constant 0 : i32
    %dma_start3A_40 = tpu.memref_slice %arg2[%add3A_33, %dma_start3A_39] : memref<32768x128xf32, #tpu.memory_space<hbm>> -> memref<128x128xf32, #tpu.memory_space<hbm>>
    %dma_start3A_41 = arith.constant 0 : i32
    %dma_start3A_42 = arith.constant 0 : i32
    %dma_start3A_43 = tpu.memref_slice %arg8[%dma_start3A_34, %dma_start3A_41, %dma_start3A_42] : memref<3x128x128xf32, #tpu.memory_space<vmem>> -> memref<1x128x128xf32, #tpu.memory_space<vmem>>
    %dma_start3A_44 = tpu.memref_squeeze %dma_start3A_43 : memref<1x128x128xf32, #tpu.memory_space<vmem>> -> memref<128x128xf32, #tpu.memory_space<vmem>>
    %dma_start3A_45 = arith.constant 0 : i32
    %dma_start3A_46 = tpu.memref_slice %arg2[%add3A_33, %dma_start3A_45] : memref<32768x128xf32, #tpu.memory_space<hbm>> -> memref<128x128xf32, #tpu.memory_space<hbm>>
    tpu.enqueue_dma source(%dma_start3A_46 : memref<128x128xf32, #tpu.memory_space<hbm>>) target(%dma_start3A_44 : memref<128x128xf32, #tpu.memory_space<vmem>>) target_semaphore(%arg11 : memref<!tpu.dma_semaphore, #tpu.memory_space<semaphore_mem>>)
    %mul3A_47 = arith.constant 8 : i32
    %mul3A_48 = arith.muli %add3A, %mul3A_47 : i32
    "tpu.region"() ({
      %run_scoped3A = tpu.sem_alloc : memref<!tpu.dma_semaphore, #tpu.memory_space<semaphore_mem>>
      %dma_start3A_67 = arith.constant 0 : i32
      %dma_start3A_68 = tpu.memref_slice %arg4[%mul3A_48, %dma_start3A_67] : memref<256x128xi32, #tpu.memory_space<hbm>> -> memref<8x128xi32, #tpu.memory_space<hbm>>
      %dma_start3A_69 = arith.constant 0 : i32
      %dma_start3A_70 = tpu.memref_slice %arg4[%mul3A_48, %dma_start3A_69] : memref<256x128xi32, #tpu.memory_space<hbm>> -> memref<8x128xi32, #tpu.memory_space<hbm>>
      tpu.enqueue_dma source(%dma_start3A_70 : memref<8x128xi32, #tpu.memory_space<hbm>>) target(%arg6 : memref<8x128xi32, #tpu.memory_space<vmem>>) target_semaphore(%run_scoped3A : memref<!tpu.dma_semaphore, #tpu.memory_space<semaphore_mem>>)
      %dma_wait3A = arith.constant 0 : i32
      %dma_wait3A_71 = tpu.memref_slice %arg4[%mul3A_48, %dma_wait3A] : memref<256x128xi32, #tpu.memory_space<hbm>> -> memref<8x128xi32, #tpu.memory_space<hbm>>
      %dma_wait3A_72 = arith.constant 0 : i32
      %dma_wait3A_73 = tpu.memref_slice %arg4[%mul3A_48, %dma_wait3A_72] : memref<256x128xi32, #tpu.memory_space<hbm>> -> memref<8x128xi32, #tpu.memory_space<hbm>>
      tpu.wait_dma2 semaphore(%run_scoped3A : memref<!tpu.dma_semaphore, #tpu.memory_space<semaphore_mem>>) src(%dma_wait3A_73 : memref<8x128xi32, #tpu.memory_space<hbm>>) dst(%arg6 : memref<8x128xi32, #tpu.memory_space<vmem>>)
      tpu.yield
    }) : () -> ()
    %get3A = arith.constant 0 : i32
    %get3A_49 = arith.index_cast %get3A : i32 to index
    %get3A_50 = arith.constant 0 : index
    %get3A_51 = tpu.vector_load %arg6[%get3A_49, %get3A_50] {strides = array<i32>} : memref<8x128xi32, #tpu.memory_space<vmem>>, vector<16xi32>,
    %slice3A = vector.extract_strided_slice %get3A_51 {offsets = [0], sizes = [1], strides = [1]} : vector<16xi32> to vector<1xi32>
    %squeeze3A = vector.extract %slice3A[0] : i32 from vector<1xi32>
    %get3A_52 = arith.constant 7 : i32
    %get3A_53 = arith.index_cast %get3A_52 : i32 to index
    %get3A_54 = arith.constant 112 : index
    %get3A_55 = tpu.vector_load %arg6[%get3A_53, %get3A_54] {strides = array<i32>} : memref<8x128xi32, #tpu.memory_space<vmem>>, vector<16xi32>,
    %slice3A_56 = vector.extract_strided_slice %get3A_55 {offsets = [15], sizes = [1], strides = [1]} : vector<16xi32> to vector<1xi32>
    %squeeze3A_57 = vector.extract %slice3A_56[0] : i32 from vector<1xi32>
    %min3A = arith.constant 1920 : i32
    %min3A_58 = arith.minsi %squeeze3A, %min3A : i32
    %and3A = arith.constant -8 : i32
    %and3A_59 = arith.andi %min3A_58, %and3A : i32
    %multiple_of3A = tpu.assume_multiple %and3A_59, 8 : i32
    %sub3A = arith.subi %squeeze3A_57, %multiple_of3A : i32
    %lt3A = arith.constant 128 : i32
    %lt3A_60 = arith.cmpi slt, %sub3A, %lt3A : i32
    %convert_element_type3A = arith.extui %lt3A_60 : i1 to i32
    %cond3A = arith.constant 0 : i32
    %cond3A_61 = arith.cmpi ne, %convert_element_type3A, %cond3A : i32
    scf.if %cond3A_61 {
      %dma_start3A_67 = arith.constant 0 : i32
      %dma_start3A_68 = tpu.memref_slice %arg3[%multiple_of3A, %dma_start3A_67] : memref<2048x128xf32, #tpu.memory_space<hbm>> -> memref<128x128xf32, #tpu.memory_space<hbm>>
      %dma_start3A_69 = arith.constant 0 : i32
      %dma_start3A_70 = tpu.memref_slice %arg3[%multiple_of3A, %dma_start3A_69] : memref<2048x128xf32, #tpu.memory_space<hbm>> -> memref<128x128xf32, #tpu.memory_space<hbm>>
      tpu.enqueue_dma source(%dma_start3A_70 : memref<128x128xf32, #tpu.memory_space<hbm>>) target(%arg7 : memref<128x128xf32, #tpu.memory_space<vmem>>) target_semaphore(%arg10 : memref<!tpu.dma_semaphore, #tpu.memory_space<semaphore_mem>>)
      %dma_wait3A = arith.constant 0 : i32
      %dma_wait3A_71 = tpu.memref_slice %arg3[%multiple_of3A, %dma_wait3A] : memref<2048x128xf32, #tpu.memory_space<hbm>> -> memref<128x128xf32, #tpu.memory_space<hbm>>
      %dma_wait3A_72 = arith.constant 0 : i32
      %dma_wait3A_73 = tpu.memref_slice %arg3[%multiple_of3A, %dma_wait3A_72] : memref<2048x128xf32, #tpu.memory_space<hbm>> -> memref<128x128xf32, #tpu.memory_space<hbm>>
      tpu.wait_dma2 semaphore(%arg10 : memref<!tpu.dma_semaphore, #tpu.memory_space<semaphore_mem>>) src(%dma_wait3A_73 : memref<128x128xf32, #tpu.memory_space<hbm>>) dst(%arg7 : memref<128x128xf32, #tpu.memory_space<vmem>>)
      %iota3A = tpu.iota {dimensions = array<i32: 0>} : vector<16xi32>
      %add3A_74 = arith.constant 0 : i32
      %add3A_75 = vector.broadcast %add3A_74 : i32 to vector<16xi32>
      %add3A_76 = arith.addi %iota3A, %add3A_75 : vector<16xi32>
      %add3A_77 = arith.constant 16 : i32
      %add3A_78 = vector.broadcast %add3A_77 : i32 to vector<16xi32>
      %add3A_79 = arith.addi %iota3A, %add3A_78 : vector<16xi32>
      %add3A_80 = arith.constant 32 : i32
      %add3A_81 = vector.broadcast %add3A_80 : i32 to vector<16xi32>
      %add3A_82 = arith.addi %iota3A, %add3A_81 : vector<16xi32>
      %add3A_83 = arith.constant 48 : i32
      %add3A_84 = vector.broadcast %add3A_83 : i32 to vector<16xi32>
      %add3A_85 = arith.addi %iota3A, %add3A_84 : vector<16xi32>
      %add3A_86 = arith.constant 64 : i32
      %add3A_87 = vector.broadcast %add3A_86 : i32 to vector<16xi32>
      %add3A_88 = arith.addi %iota3A, %add3A_87 : vector<16xi32>
      %add3A_89 = arith.constant 80 : i32
      %add3A_90 = vector.broadcast %add3A_89 : i32 to vector<16xi32>
      %add3A_91 = arith.addi %iota3A, %add3A_90 : vector<16xi32>
      %add3A_92 = arith.constant 96 : i32
      %add3A_93 = vector.broadcast %add3A_92 : i32 to vector<16xi32>
      %add3A_94 = arith.addi %iota3A, %add3A_93 : vector<16xi32>
      %add3A_95 = arith.constant 112 : i32
      %add3A_96 = vector.broadcast %add3A_95 : i32 to vector<16xi32>
      %add3A_97 = arith.addi %iota3A, %add3A_96 : vector<16xi32>
      %add3A_98 = arith.constant 0 : i32
      %add3A_99 = arith.addi %mul3A_2, %add3A_98 : i32
      %dma_wait3A_100 = arith.constant 0 : i32
      %dma_wait3A_101 = arith.constant 0 : i32
      %dma_wait3A_102 = arith.constant 0 : i32
      %dma_wait3A_103 = tpu.memref_slice %arg8[%dma_wait3A_100, %dma_wait3A_101, %dma_wait3A_102] : memref<3x128x128xf32, #tpu.memory_space<vmem>> -> memref<1x128x128xf32, #tpu.memory_space<vmem>>
      %dma_wait3A_104 = tpu.memref_squeeze %dma_wait3A_103 : memref<1x128x128xf32, #tpu.memory_space<vmem>> -> memref<128x128xf32, #tpu.memory_space<vmem>>
      %dma_wait3A_105 = arith.constant 0 : i32
      %dma_wait3A_106 = tpu.memref_slice %arg2[%add3A_99, %dma_wait3A_105] : memref<32768x128xf32, #tpu.memory_space<hbm>> -> memref<128x128xf32, #tpu.memory_space<hbm>>
      %dma_wait3A_107 = arith.constant 0 : i32
      %dma_wait3A_108 = arith.constant 0 : i32
      %dma_wait3A_109 = tpu.memref_slice %arg8[%dma_wait3A_100, %dma_wait3A_107, %dma_wait3A_108] : memref<3x128x128xf32, #tpu.memory_space<vmem>> -> memref<1x128x128xf32, #tpu.memory_space<vmem>>
      %dma_wait3A_110 = tpu.memref_squeeze %dma_wait3A_109 : memref<1x128x128xf32, #tpu.memory_space<vmem>> -> memref<128x128xf32, #tpu.memory_space<vmem>>
      %dma_wait3A_111 = arith.constant 0 : i32
      %dma_wait3A_112 = tpu.memref_slice %arg2[%add3A_99, %dma_wait3A_111] : memref<32768x128xf32, #tpu.memory_space<hbm>> -> memref<128x128xf32, #tpu.memory_space<hbm>>
      tpu.wait_dma2 semaphore(%arg11 : memref<!tpu.dma_semaphore, #tpu.memory_space<semaphore_mem>>) src(%dma_wait3A_112 : memref<128x128xf32, #tpu.memory_space<hbm>>) dst(%dma_wait3A_110 : memref<128x128xf32, #tpu.memory_space<vmem>>)
      %parallel_loop3A = arith.constant 0 : i32
      %parallel_loop3A_113 = arith.constant 128 : i32
      %parallel_loop3A_114 = arith.constant 1 : i32
      scf.for %parallel_loop3A_524 = %parallel_loop3A to %parallel_loop3A_113 step %parallel_loop3A_114  : i32 {
        %parallel_loop3A_525 = arith.constant -16 : i32
        %parallel_loop3A_526 = arith.andi %parallel_loop3A_524, %parallel_loop3A_525 : i32
        %parallel_loop3A_527 = arith.constant 0 : i32
        %parallel_loop3A_528 = arith.index_cast %parallel_loop3A_527 : i32 to index
        %parallel_loop3A_529 = arith.index_cast %parallel_loop3A_526 : i32 to index
        %parallel_loop3A_530 = tpu.vector_load %arg6[%parallel_loop3A_528, %parallel_loop3A_529] {strides = array<i32>} : memref<8x128xi32, #tpu.memory_space<vmem>>, vector<16xi32>,
        %parallel_loop3A_531 = vector.broadcast %multiple_of3A : i32 to vector<16xi32>
        %parallel_loop3A_532 = arith.subi %parallel_loop3A_530, %parallel_loop3A_531 : vector<16xi32>
        %parallel_loop3A_533 = arith.constant 15 : i32
        %parallel_loop3A_534 = arith.andi %parallel_loop3A_524, %parallel_loop3A_533 : i32
        %parallel_loop3A_535 = vector.broadcast %parallel_loop3A_534 : i32 to vector<16xi32>
        %parallel_loop3A_536 = arith.constant 0 : i32
        %parallel_loop3A_537 = vector.broadcast %parallel_loop3A_536 : i32 to vector<16xi32>
        %parallel_loop3A_538 = arith.cmpi slt, %parallel_loop3A_535, %parallel_loop3A_537 : vector<16xi32>
        %parallel_loop3A_539 = arith.constant 16 : i32
        %parallel_loop3A_540 = vector.broadcast %parallel_loop3A_539 : i32 to vector<16xi32>
        %parallel_loop3A_541 = arith.addi %parallel_loop3A_535, %parallel_loop3A_540 : vector<16xi32>
        %parallel_loop3A_542 = arith.select %parallel_loop3A_538, %parallel_loop3A_541, %parallel_loop3A_535 : vector<16xi1>, vector<16xi32>
        %parallel_loop3A_543 = vector.shape_cast %parallel_loop3A_542 : vector<16xi32> to vector<16x1xi32>
        %parallel_loop3A_544 = vector.shape_cast %parallel_loop3A_543 : vector<16x1xi32> to vector<16xi32>
        %parallel_loop3A_545 = tpu.dynamic_gather %parallel_loop3A_532[%parallel_loop3A_544] in [0] : vector<16xi32>, vector<16xi32> -> vector<16xi32>
        %parallel_loop3A_546 = tpu.vector_load_idx %arg7[%parallel_loop3A_545, %add3A_76] : memref<128x128xf32, #tpu.memory_space<vmem>>[vector<16xi32>, vector<16xi32>], vector<16xf32>,
        %parallel_loop3A_547 = arith.constant 0 : i32
        %parallel_loop3A_548 = arith.index_cast %parallel_loop3A_547 : i32 to index
        %parallel_loop3A_549 = arith.index_cast %parallel_loop3A_524 : i32 to index
        %parallel_loop3A_550 = arith.constant 0 : index
        %parallel_loop3A_551 = tpu.vector_load %arg8[%parallel_loop3A_548, %parallel_loop3A_549, %parallel_loop3A_550] {strides = array<i32>} : memref<3x128x128xf32, #tpu.memory_space<vmem>>, vector<16xf32>,
        %parallel_loop3A_552 = arith.subf %parallel_loop3A_551, %parallel_loop3A_546 : vector<16xf32>
        %parallel_loop3A_553 = arith.constant 0 : i32
        %parallel_loop3A_554 = arith.index_cast %parallel_loop3A_553 : i32 to index
        %parallel_loop3A_555 = arith.index_cast %parallel_loop3A_524 : i32 to index
        %parallel_loop3A_556 = arith.constant 0 : index
        %parallel_loop3A_557 = tpu.vector_load %arg9[%parallel_loop3A_554, %parallel_loop3A_555, %parallel_loop3A_556] {strides = array<i32>} : memref<3x128x128xf32, #tpu.memory_space<vmem>>, vector<16xf32>,
        tpu.vector_store %arg9[%parallel_loop3A_554, %parallel_loop3A_555, %parallel_loop3A_556], %parallel_loop3A_552 {strides = array<i32>} : memref<3x128x128xf32, #tpu.memory_space<vmem>>, vector<16xf32>,
        %parallel_loop3A_558 = tpu.vector_load_idx %arg7[%parallel_loop3A_545, %add3A_79] : memref<128x128xf32, #tpu.memory_space<vmem>>[vector<16xi32>, vector<16xi32>], vector<16xf32>,
        %parallel_loop3A_559 = arith.constant 0 : i32
        %parallel_loop3A_560 = arith.index_cast %parallel_loop3A_559 : i32 to index
        %parallel_loop3A_561 = arith.index_cast %parallel_loop3A_524 : i32 to index
        %parallel_loop3A_562 = arith.constant 16 : index
        %parallel_loop3A_563 = tpu.vector_load %arg8[%parallel_loop3A_560, %parallel_loop3A_561, %parallel_loop3A_562] {strides = array<i32>} : memref<3x128x128xf32, #tpu.memory_space<vmem>>, vector<16xf32>,
        %parallel_loop3A_564 = arith.subf %parallel_loop3A_563, %parallel_loop3A_558 : vector<16xf32>
        %parallel_loop3A_565 = arith.constant 0 : i32
        %parallel_loop3A_566 = arith.index_cast %parallel_loop3A_565 : i32 to index
        %parallel_loop3A_567 = arith.index_cast %parallel_loop3A_524 : i32 to index
        %parallel_loop3A_568 = arith.constant 16 : index
        %parallel_loop3A_569 = tpu.vector_load %arg9[%parallel_loop3A_566, %parallel_loop3A_567, %parallel_loop3A_568] {strides = array<i32>} : memref<3x128x128xf32, #tpu.memory_space<vmem>>, vector<16xf32>,
        tpu.vector_store %arg9[%parallel_loop3A_566, %parallel_loop3A_567, %parallel_loop3A_568], %parallel_loop3A_564 {strides = array<i32>} : memref<3x128x128xf32, #tpu.memory_space<vmem>>, vector<16xf32>,
        %parallel_loop3A_570 = tpu.vector_load_idx %arg7[%parallel_loop3A_545, %add3A_82] : memref<128x128xf32, #tpu.memory_space<vmem>>[vector<16xi32>, vector<16xi32>], vector<16xf32>,
        %parallel_loop3A_571 = arith.constant 0 : i32
        %parallel_loop3A_572 = arith.index_cast %parallel_loop3A_571 : i32 to index
        %parallel_loop3A_573 = arith.index_cast %parallel_loop3A_524 : i32 to index
        %parallel_loop3A_574 = arith.constant 32 : index
        %parallel_loop3A_575 = tpu.vector_load %arg8[%parallel_loop3A_572, %parallel_loop3A_573, %parallel_loop3A_574] {strides = array<i32>} : memref<3x128x128xf32, #tpu.memory_space<vmem>>, vector<16xf32>,
        %parallel_loop3A_576 = arith.subf %parallel_loop3A_575, %parallel_loop3A_570 : vector<16xf32>
        %parallel_loop3A_577 = arith.constant 0 : i32
        %parallel_loop3A_578 = arith.index_cast %parallel_loop3A_577 : i32 to index
        %parallel_loop3A_579 = arith.index_cast %parallel_loop3A_524 : i32 to index
        %parallel_loop3A_580 = arith.constant 32 : index
        %parallel_loop3A_581 = tpu.vector_load %arg9[%parallel_loop3A_578, %parallel_loop3A_579, %parallel_loop3A_580] {strides = array<i32>} : memref<3x128x128xf32, #tpu.memory_space<vmem>>, vector<16xf32>,
        tpu.vector_store %arg9[%parallel_loop3A_578, %parallel_loop3A_579, %parallel_loop3A_580], %parallel_loop3A_576 {strides = array<i32>} : memref<3x128x128xf32, #tpu.memory_space<vmem>>, vector<16xf32>,
        %parallel_loop3A_582 = tpu.vector_load_idx %arg7[%parallel_loop3A_545, %add3A_85] : memref<128x128xf32, #tpu.memory_space<vmem>>[vector<16xi32>, vector<16xi32>], vector<16xf32>,
        %parallel_loop3A_583 = arith.constant 0 : i32
        %parallel_loop3A_584 = arith.index_cast %parallel_loop3A_583 : i32 to index
        %parallel_loop3A_585 = arith.index_cast %parallel_loop3A_524 : i32 to index
        %parallel_loop3A_586 = arith.constant 48 : index
        %parallel_loop3A_587 = tpu.vector_load %arg8[%parallel_loop3A_584, %parallel_loop3A_585, %parallel_loop3A_586] {strides = array<i32>} : memref<3x128x128xf32, #tpu.memory_space<vmem>>, vector<16xf32>,
        %parallel_loop3A_588 = arith.subf %parallel_loop3A_587, %parallel_loop3A_582 : vector<16xf32>
        %parallel_loop3A_589 = arith.constant 0 : i32
        %parallel_loop3A_590 = arith.index_cast %parallel_loop3A_589 : i32 to index
        %parallel_loop3A_591 = arith.index_cast %parallel_loop3A_524 : i32 to index
        %parallel_loop3A_592 = arith.constant 48 : index
        %parallel_loop3A_593 = tpu.vector_load %arg9[%parallel_loop3A_590, %parallel_loop3A_591, %parallel_loop3A_592] {strides = array<i32>} : memref<3x128x128xf32, #tpu.memory_space<vmem>>, vector<16xf32>,
        tpu.vector_store %arg9[%parallel_loop3A_590, %parallel_loop3A_591, %parallel_loop3A_592], %parallel_loop3A_588 {strides = array<i32>} : memref<3x128x128xf32, #tpu.memory_space<vmem>>, vector<16xf32>,
        %parallel_loop3A_594 = tpu.vector_load_idx %arg7[%parallel_loop3A_545, %add3A_88] : memref<128x128xf32, #tpu.memory_space<vmem>>[vector<16xi32>, vector<16xi32>], vector<16xf32>,
        %parallel_loop3A_595 = arith.constant 0 : i32
        %parallel_loop3A_596 = arith.index_cast %parallel_loop3A_595 : i32 to index
        %parallel_loop3A_597 = arith.index_cast %parallel_loop3A_524 : i32 to index
        %parallel_loop3A_598 = arith.constant 64 : index
        %parallel_loop3A_599 = tpu.vector_load %arg8[%parallel_loop3A_596, %parallel_loop3A_597, %parallel_loop3A_598] {strides = array<i32>} : memref<3x128x128xf32, #tpu.memory_space<vmem>>, vector<16xf32>,
        %parallel_loop3A_600 = arith.subf %parallel_loop3A_599, %parallel_loop3A_594 : vector<16xf32>
        %parallel_loop3A_601 = arith.constant 0 : i32
        %parallel_loop3A_602 = arith.index_cast %parallel_loop3A_601 : i32 to index
        %parallel_loop3A_603 = arith.index_cast %parallel_loop3A_524 : i32 to index
        %parallel_loop3A_604 = arith.constant 64 : index
        %parallel_loop3A_605 = tpu.vector_load %arg9[%parallel_loop3A_602, %parallel_loop3A_603, %parallel_loop3A_604] {strides = array<i32>} : memref<3x128x128xf32, #tpu.memory_space<vmem>>, vector<16xf32>,
        tpu.vector_store %arg9[%parallel_loop3A_602, %parallel_loop3A_603, %parallel_loop3A_604], %parallel_loop3A_600 {strides = array<i32>} : memref<3x128x128xf32, #tpu.memory_space<vmem>>, vector<16xf32>,
        %parallel_loop3A_606 = tpu.vector_load_idx %arg7[%parallel_loop3A_545, %add3A_91] : memref<128x128xf32, #tpu.memory_space<vmem>>[vector<16xi32>, vector<16xi32>], vector<16xf32>,
        %parallel_loop3A_607 = arith.constant 0 : i32
        %parallel_loop3A_608 = arith.index_cast %parallel_loop3A_607 : i32 to index
        %parallel_loop3A_609 = arith.index_cast %parallel_loop3A_524 : i32 to index
        %parallel_loop3A_610 = arith.constant 80 : index
        %parallel_loop3A_611 = tpu.vector_load %arg8[%parallel_loop3A_608, %parallel_loop3A_609, %parallel_loop3A_610] {strides = array<i32>} : memref<3x128x128xf32, #tpu.memory_space<vmem>>, vector<16xf32>,
        %parallel_loop3A_612 = arith.subf %parallel_loop3A_611, %parallel_loop3A_606 : vector<16xf32>
        %parallel_loop3A_613 = arith.constant 0 : i32
        %parallel_loop3A_614 = arith.index_cast %parallel_loop3A_613 : i32 to index
        %parallel_loop3A_615 = arith.index_cast %parallel_loop3A_524 : i32 to index
        %parallel_loop3A_616 = arith.constant 80 : index
        %parallel_loop3A_617 = tpu.vector_load %arg9[%parallel_loop3A_614, %parallel_loop3A_615, %parallel_loop3A_616] {strides = array<i32>} : memref<3x128x128xf32, #tpu.memory_space<vmem>>, vector<16xf32>,
        tpu.vector_store %arg9[%parallel_loop3A_614, %parallel_loop3A_615, %parallel_loop3A_616], %parallel_loop3A_612 {strides = array<i32>} : memref<3x128x128xf32, #tpu.memory_space<vmem>>, vector<16xf32>,
        %parallel_loop3A_618 = tpu.vector_load_idx %arg7[%parallel_loop3A_545, %add3A_94] : memref<128x128xf32, #tpu.memory_space<vmem>>[vector<16xi32>, vector<16xi32>], vector<16xf32>,
        %parallel_loop3A_619 = arith.constant 0 : i32
        %parallel_loop3A_620 = arith.index_cast %parallel_loop3A_619 : i32 to index
        %parallel_loop3A_621 = arith.index_cast %parallel_loop3A_524 : i32 to index
        %parallel_loop3A_622 = arith.constant 96 : index
        %parallel_loop3A_623 = tpu.vector_load %arg8[%parallel_loop3A_620, %parallel_loop3A_621, %parallel_loop3A_622] {strides = array<i32>} : memref<3x128x128xf32, #tpu.memory_space<vmem>>, vector<16xf32>,
        %parallel_loop3A_624 = arith.subf %parallel_loop3A_623, %parallel_loop3A_618 : vector<16xf32>
        %parallel_loop3A_625 = arith.constant 0 : i32
        %parallel_loop3A_626 = arith.index_cast %parallel_loop3A_625 : i32 to index
        %parallel_loop3A_627 = arith.index_cast %parallel_loop3A_524 : i32 to index
        %parallel_loop3A_628 = arith.constant 96 : index
        %parallel_loop3A_629 = tpu.vector_load %arg9[%parallel_loop3A_626, %parallel_loop3A_627, %parallel_loop3A_628] {strides = array<i32>} : memref<3x128x128xf32, #tpu.memory_space<vmem>>, vector<16xf32>,
        tpu.vector_store %arg9[%parallel_loop3A_626, %parallel_loop3A_627, %parallel_loop3A_628], %parallel_loop3A_624 {strides = array<i32>} : memref<3x128x128xf32, #tpu.memory_space<vmem>>, vector<16xf32>,
        %parallel_loop3A_630 = tpu.vector_load_idx %arg7[%parallel_loop3A_545, %add3A_97] : memref<128x128xf32, #tpu.memory_space<vmem>>[vector<16xi32>, vector<16xi32>], vector<16xf32>,
        %parallel_loop3A_631 = arith.constant 0 : i32
        %parallel_loop3A_632 = arith.index_cast %parallel_loop3A_631 : i32 to index
        %parallel_loop3A_633 = arith.index_cast %parallel_loop3A_524 : i32 to index
        %parallel_loop3A_634 = arith.constant 112 : index
        %parallel_loop3A_635 = tpu.vector_load %arg8[%parallel_loop3A_632, %parallel_loop3A_633, %parallel_loop3A_634] {strides = array<i32>} : memref<3x128x128xf32, #tpu.memory_space<vmem>>, vector<16xf32>,
        %parallel_loop3A_636 = arith.subf %parallel_loop3A_635, %parallel_loop3A_630 : vector<16xf32>
        %parallel_loop3A_637 = arith.constant 0 : i32
        %parallel_loop3A_638 = arith.index_cast %parallel_loop3A_637 : i32 to index
        %parallel_loop3A_639 = arith.index_cast %parallel_loop3A_524 : i32 to index
        %parallel_loop3A_640 = arith.constant 112 : index
        %parallel_loop3A_641 = tpu.vector_load %arg9[%parallel_loop3A_638, %parallel_loop3A_639, %parallel_loop3A_640] {strides = array<i32>} : memref<3x128x128xf32, #tpu.memory_space<vmem>>, vector<16xf32>,
        tpu.vector_store %arg9[%parallel_loop3A_638, %parallel_loop3A_639, %parallel_loop3A_640], %parallel_loop3A_636 {strides = array<i32>} : memref<3x128x128xf32, #tpu.memory_space<vmem>>, vector<16xf32>,
      } {sc.loop_unroll_factor = 1 : i64, sc.parallel_access}
      %dma_start3A_115 = arith.constant 0 : i32
      %dma_start3A_116 = arith.constant 0 : i32
      %dma_start3A_117 = arith.constant 0 : i32
      %dma_start3A_118 = tpu.memref_slice %arg9[%dma_start3A_115, %dma_start3A_116, %dma_start3A_117] : memref<3x128x128xf32, #tpu.memory_space<vmem>> -> memref<1x128x128xf32, #tpu.memory_space<vmem>>
      %dma_start3A_119 = tpu.memref_squeeze %dma_start3A_118 : memref<1x128x128xf32, #tpu.memory_space<vmem>> -> memref<128x128xf32, #tpu.memory_space<vmem>>
      %dma_start3A_120 = arith.constant 0 : i32
      %dma_start3A_121 = tpu.memref_slice %arg5[%add3A_99, %dma_start3A_120] : memref<32768x128xf32, #tpu.memory_space<hbm>> -> memref<128x128xf32, #tpu.memory_space<hbm>>
      %dma_start3A_122 = arith.constant 0 : i32
      %dma_start3A_123 = tpu.memref_slice %arg5[%add3A_99, %dma_start3A_122] : memref<32768x128xf32, #tpu.memory_space<hbm>> -> memref<128x128xf32, #tpu.memory_space<hbm>>
      %dma_start3A_124 = arith.constant 0 : i32
      %dma_start3A_125 = arith.constant 0 : i32
      %dma_start3A_126 = tpu.memref_slice %arg9[%dma_start3A_115, %dma_start3A_124, %dma_start3A_125] : memref<3x128x128xf32, #tpu.memory_space<vmem>> -> memref<1x128x128xf32, #tpu.memory_space<vmem>>
      %dma_start3A_127 = tpu.memref_squeeze %dma_start3A_126 : memref<1x128x128xf32, #tpu.memory_space<vmem>> -> memref<128x128xf32, #tpu.memory_space<vmem>>
      tpu.enqueue_dma source(%dma_start3A_127 : memref<128x128xf32, #tpu.memory_space<vmem>>) target(%dma_start3A_123 : memref<128x128xf32, #tpu.memory_space<hbm>>) target_semaphore(%arg13 : memref<!tpu.dma_semaphore, #tpu.memory_space<semaphore_mem>>)
      %add3A_128 = arith.constant 384 : i32
      %add3A_129 = arith.addi %mul3A_2, %add3A_128 : i32
      %dma_start3A_130 = arith.constant 0 : i32
      %dma_start3A_131 = arith.constant 0 : i32
      %dma_start3A_132 = arith.constant 0 : i32
      %dma_start3A_133 = tpu.memref_slice %arg8[%dma_start3A_130, %dma_start3A_131, %dma_start3A_132] : memref<3x128x128xf32, #tpu.memory_space<vmem>> -> memref<1x128x128xf32, #tpu.memory_space<vmem>>
      %dma_start3A_134 = tpu.memref_squeeze %dma_start3A_133 : memref<1x128x128xf32, #tpu.memory_space<vmem>> -> memref<128x128xf32, #tpu.memory_space<vmem>>
      %dma_start3A_135 = arith.constant 0 : i32
      %dma_start3A_136 = tpu.memref_slice %arg2[%add3A_129, %dma_start3A_135] : memref<32768x128xf32, #tpu.memory_space<hbm>> -> memref<128x128xf32, #tpu.memory_space<hbm>>
      %dma_start3A_137 = arith.constant 0 : i32
      %dma_start3A_138 = arith.constant 0 : i32
      %dma_start3A_139 = tpu.memref_slice %arg8[%dma_start3A_130, %dma_start3A_137, %dma_start3A_138] : memref<3x128x128xf32, #tpu.memory_space<vmem>> -> memref<1x128x128xf32, #tpu.memory_space<vmem>>
      %dma_start3A_140 = tpu.memref_squeeze %dma_start3A_139 : memref<1x128x128xf32, #tpu.memory_space<vmem>> -> memref<128x128xf32, #tpu.memory_space<vmem>>
      %dma_start3A_141 = arith.constant 0 : i32
      %dma_start3A_142 = tpu.memref_slice %arg2[%add3A_129, %dma_start3A_141] : memref<32768x128xf32, #tpu.memory_space<hbm>> -> memref<128x128xf32, #tpu.memory_space<hbm>>
      tpu.enqueue_dma source(%dma_start3A_142 : memref<128x128xf32, #tpu.memory_space<hbm>>) target(%dma_start3A_140 : memref<128x128xf32, #tpu.memory_space<vmem>>) target_semaphore(%arg11 : memref<!tpu.dma_semaphore, #tpu.memory_space<semaphore_mem>>)
      %add3A_143 = arith.constant 128 : i32
      %add3A_144 = arith.addi %mul3A_2, %add3A_143 : i32
      %dma_wait3A_145 = arith.constant 1 : i32
      %dma_wait3A_146 = arith.constant 0 : i32
      %dma_wait3A_147 = arith.constant 0 : i32
      %dma_wait3A_148 = tpu.memref_slice %arg8[%dma_wait3A_145, %dma_wait3A_146, %dma_wait3A_147] : memref<3x128x128xf32, #tpu.memory_space<vmem>> -> memref<1x128x128xf32, #tpu.memory_space<vmem>>
      %dma_wait3A_149 = tpu.memref_squeeze %dma_wait3A_148 : memref<1x128x128xf32, #tpu.memory_space<vmem>> -> memref<128x128xf32, #tpu.memory_space<vmem>>
      %dma_wait3A_150 = arith.constant 0 : i32
      %dma_wait3A_151 = tpu.memref_slice %arg2[%add3A_144, %dma_wait3A_150] : memref<32768x128xf32, #tpu.memory_space<hbm>> -> memref<128x128xf32, #tpu.memory_space<hbm>>
      %dma_wait3A_152 = arith.constant 0 : i32
      %dma_wait3A_153 = arith.constant 0 : i32
      %dma_wait3A_154 = tpu.memref_slice %arg8[%dma_wait3A_145, %dma_wait3A_152, %dma_wait3A_153] : memref<3x128x128xf32, #tpu.memory_space<vmem>> -> memref<1x128x128xf32, #tpu.memory_space<vmem>>
      %dma_wait3A_155 = tpu.memref_squeeze %dma_wait3A_154 : memref<1x128x128xf32, #tpu.memory_space<vmem>> -> memref<128x128xf32, #tpu.memory_space<vmem>>
      %dma_wait3A_156 = arith.constant 0 : i32
      %dma_wait3A_157 = tpu.memref_slice %arg2[%add3A_144, %dma_wait3A_156] : memref<32768x128xf32, #tpu.memory_space<hbm>> -> memref<128x128xf32, #tpu.memory_space<hbm>>
      tpu.wait_dma2 semaphore(%arg11 : memref<!tpu.dma_semaphore, #tpu.memory_space<semaphore_mem>>) src(%dma_wait3A_157 : memref<128x128xf32, #tpu.memory_space<hbm>>) dst(%dma_wait3A_155 : memref<128x128xf32, #tpu.memory_space<vmem>>)
      %parallel_loop3A_158 = arith.constant 0 : i32
      %parallel_loop3A_159 = arith.constant 128 : i32
      %parallel_loop3A_160 = arith.constant 1 : i32
      scf.for %parallel_loop3A_524 = %parallel_loop3A_158 to %parallel_loop3A_159 step %parallel_loop3A_160  : i32 {
        %parallel_loop3A_525 = arith.constant -16 : i32
        %parallel_loop3A_526 = arith.andi %parallel_loop3A_524, %parallel_loop3A_525 : i32
        %parallel_loop3A_527 = arith.constant 1 : i32
        %parallel_loop3A_528 = arith.index_cast %parallel_loop3A_527 : i32 to index
        %parallel_loop3A_529 = arith.index_cast %parallel_loop3A_526 : i32 to index
        %parallel_loop3A_530 = tpu.vector_load %arg6[%parallel_loop3A_528, %parallel_loop3A_529] {strides = array<i32>} : memref<8x128xi32, #tpu.memory_space<vmem>>, vector<16xi32>,
        %parallel_loop3A_531 = vector.broadcast %multiple_of3A : i32 to vector<16xi32>
        %parallel_loop3A_532 = arith.subi %parallel_loop3A_530, %parallel_loop3A_531 : vector<16xi32>
        %parallel_loop3A_533 = arith.constant 15 : i32
        %parallel_loop3A_534 = arith.andi %parallel_loop3A_524, %parallel_loop3A_533 : i32
        %parallel_loop3A_535 = vector.broadcast %parallel_loop3A_534 : i32 to vector<16xi32>
        %parallel_loop3A_536 = arith.constant 0 : i32
        %parallel_loop3A_537 = vector.broadcast %parallel_loop3A_536 : i32 to vector<16xi32>
        %parallel_loop3A_538 = arith.cmpi slt, %parallel_loop3A_535, %parallel_loop3A_537 : vector<16xi32>
        %parallel_loop3A_539 = arith.constant 16 : i32
        %parallel_loop3A_540 = vector.broadcast %parallel_loop3A_539 : i32 to vector<16xi32>
        %parallel_loop3A_541 = arith.addi %parallel_loop3A_535, %parallel_loop3A_540 : vector<16xi32>
        %parallel_loop3A_542 = arith.select %parallel_loop3A_538, %parallel_loop3A_541, %parallel_loop3A_535 : vector<16xi1>, vector<16xi32>
        %parallel_loop3A_543 = vector.shape_cast %parallel_loop3A_542 : vector<16xi32> to vector<16x1xi32>
        %parallel_loop3A_544 = vector.shape_cast %parallel_loop3A_543 : vector<16x1xi32> to vector<16xi32>
        %parallel_loop3A_545 = tpu.dynamic_gather %parallel_loop3A_532[%parallel_loop3A_544] in [0] : vector<16xi32>, vector<16xi32> -> vector<16xi32>
        %parallel_loop3A_546 = tpu.vector_load_idx %arg7[%parallel_loop3A_545, %add3A_76] : memref<128x128xf32, #tpu.memory_space<vmem>>[vector<16xi32>, vector<16xi32>], vector<16xf32>,
        %parallel_loop3A_547 = arith.constant 1 : i32
        %parallel_loop3A_548 = arith.index_cast %parallel_loop3A_547 : i32 to index
        %parallel_loop3A_549 = arith.index_cast %parallel_loop3A_524 : i32 to index
        %parallel_loop3A_550 = arith.constant 0 : index
        %parallel_loop3A_551 = tpu.vector_load %arg8[%parallel_loop3A_548, %parallel_loop3A_549, %parallel_loop3A_550] {strides = array<i32>} : memref<3x128x128xf32, #tpu.memory_space<vmem>>, vector<16xf32>,
        %parallel_loop3A_552 = arith.subf %parallel_loop3A_551, %parallel_loop3A_546 : vector<16xf32>
        %parallel_loop3A_553 = arith.constant 1 : i32
        %parallel_loop3A_554 = arith.index_cast %parallel_loop3A_553 : i32 to index
        %parallel_loop3A_555 = arith.index_cast %parallel_loop3A_524 : i32 to index
        %parallel_loop3A_556 = arith.constant 0 : index
        %parallel_loop3A_557 = tpu.vector_load %arg9[%parallel_loop3A_554, %parallel_loop3A_555, %parallel_loop3A_556] {strides = array<i32>} : memref<3x128x128xf32, #tpu.memory_space<vmem>>, vector<16xf32>,
        tpu.vector_store %arg9[%parallel_loop3A_554, %parallel_loop3A_555, %parallel_loop3A_556], %parallel_loop3A_552 {strides = array<i32>} : memref<3x128x128xf32, #tpu.memory_space<vmem>>, vector<16xf32>,
        %parallel_loop3A_558 = tpu.vector_load_idx %arg7[%parallel_loop3A_545, %add3A_79] : memref<128x128xf32, #tpu.memory_space<vmem>>[vector<16xi32>, vector<16xi32>], vector<16xf32>,
        %parallel_loop3A_559 = arith.constant 1 : i32
        %parallel_loop3A_560 = arith.index_cast %parallel_loop3A_559 : i32 to index
        %parallel_loop3A_561 = arith.index_cast %parallel_loop3A_524 : i32 to index
        %parallel_loop3A_562 = arith.constant 16 : index
        %parallel_loop3A_563 = tpu.vector_load %arg8[%parallel_loop3A_560, %parallel_loop3A_561, %parallel_loop3A_562] {strides = array<i32>} : memref<3x128x128xf32, #tpu.memory_space<vmem>>, vector<16xf32>,
        %parallel_loop3A_564 = arith.subf %parallel_loop3A_563, %parallel_loop3A_558 : vector<16xf32>
        %parallel_loop3A_565 = arith.constant 1 : i32
        %parallel_loop3A_566 = arith.index_cast %parallel_loop3A_565 : i32 to index
        %parallel_loop3A_567 = arith.index_cast %parallel_loop3A_524 : i32 to index
        %parallel_loop3A_568 = arith.constant 16 : index
        %parallel_loop3A_569 = tpu.vector_load %arg9[%parallel_loop3A_566, %parallel_loop3A_567, %parallel_loop3A_568] {strides = array<i32>} : memref<3x128x128xf32, #tpu.memory_space<vmem>>, vector<16xf32>,
        tpu.vector_store %arg9[%parallel_loop3A_566, %parallel_loop3A_567, %parallel_loop3A_568], %parallel_loop3A_564 {strides = array<i32>} : memref<3x128x128xf32, #tpu.memory_space<vmem>>, vector<16xf32>,
        %parallel_loop3A_570 = tpu.vector_load_idx %arg7[%parallel_loop3A_545, %add3A_82] : memref<128x128xf32, #tpu.memory_space<vmem>>[vector<16xi32>, vector<16xi32>], vector<16xf32>,
        %parallel_loop3A_571 = arith.constant 1 : i32
        %parallel_loop3A_572 = arith.index_cast %parallel_loop3A_571 : i32 to index
        %parallel_loop3A_573 = arith.index_cast %parallel_loop3A_524 : i32 to index
        %parallel_loop3A_574 = arith.constant 32 : index
        %parallel_loop3A_575 = tpu.vector_load %arg8[%parallel_loop3A_572, %parallel_loop3A_573, %parallel_loop3A_574] {strides = array<i32>} : memref<3x128x128xf32, #tpu.memory_space<vmem>>, vector<16xf32>,
        %parallel_loop3A_576 = arith.subf %parallel_loop3A_575, %parallel_loop3A_570 : vector<16xf32>
        %parallel_loop3A_577 = arith.constant 1 : i32
        %parallel_loop3A_578 = arith.index_cast %parallel_loop3A_577 : i32 to index
        %parallel_loop3A_579 = arith.index_cast %parallel_loop3A_524 : i32 to index
        %parallel_loop3A_580 = arith.constant 32 : index
        %parallel_loop3A_581 = tpu.vector_load %arg9[%parallel_loop3A_578, %parallel_loop3A_579, %parallel_loop3A_580] {strides = array<i32>} : memref<3x128x128xf32, #tpu.memory_space<vmem>>, vector<16xf32>,
        tpu.vector_store %arg9[%parallel_loop3A_578, %parallel_loop3A_579, %parallel_loop3A_580], %parallel_loop3A_576 {strides = array<i32>} : memref<3x128x128xf32, #tpu.memory_space<vmem>>, vector<16xf32>,
        %parallel_loop3A_582 = tpu.vector_load_idx %arg7[%parallel_loop3A_545, %add3A_85] : memref<128x128xf32, #tpu.memory_space<vmem>>[vector<16xi32>, vector<16xi32>], vector<16xf32>,
        %parallel_loop3A_583 = arith.constant 1 : i32
        %parallel_loop3A_584 = arith.index_cast %parallel_loop3A_583 : i32 to index
        %parallel_loop3A_585 = arith.index_cast %parallel_loop3A_524 : i32 to index
        %parallel_loop3A_586 = arith.constant 48 : index
        %parallel_loop3A_587 = tpu.vector_load %arg8[%parallel_loop3A_584, %parallel_loop3A_585, %parallel_loop3A_586] {strides = array<i32>} : memref<3x128x128xf32, #tpu.memory_space<vmem>>, vector<16xf32>,
        %parallel_loop3A_588 = arith.subf %parallel_loop3A_587, %parallel_loop3A_582 : vector<16xf32>
        %parallel_loop3A_589 = arith.constant 1 : i32
        %parallel_loop3A_590 = arith.index_cast %parallel_loop3A_589 : i32 to index
        %parallel_loop3A_591 = arith.index_cast %parallel_loop3A_524 : i32 to index
        %parallel_loop3A_592 = arith.constant 48 : index
        %parallel_loop3A_593 = tpu.vector_load %arg9[%parallel_loop3A_590, %parallel_loop3A_591, %parallel_loop3A_592] {strides = array<i32>} : memref<3x128x128xf32, #tpu.memory_space<vmem>>, vector<16xf32>,
        tpu.vector_store %arg9[%parallel_loop3A_590, %parallel_loop3A_591, %parallel_loop3A_592], %parallel_loop3A_588 {strides = array<i32>} : memref<3x128x128xf32, #tpu.memory_space<vmem>>, vector<16xf32>,
        %parallel_loop3A_594 = tpu.vector_load_idx %arg7[%parallel_loop3A_545, %add3A_88] : memref<128x128xf32, #tpu.memory_space<vmem>>[vector<16xi32>, vector<16xi32>], vector<16xf32>,
        %parallel_loop3A_595 = arith.constant 1 : i32
        %parallel_loop3A_596 = arith.index_cast %parallel_loop3A_595 : i32 to index
        %parallel_loop3A_597 = arith.index_cast %parallel_loop3A_524 : i32 to index
        %parallel_loop3A_598 = arith.constant 64 : index
        %parallel_loop3A_599 = tpu.vector_load %arg8[%parallel_loop3A_596, %parallel_loop3A_597, %parallel_loop3A_598] {strides = array<i32>} : memref<3x128x128xf32, #tpu.memory_space<vmem>>, vector<16xf32>,
        %parallel_loop3A_600 = arith.subf %parallel_loop3A_599, %parallel_loop3A_594 : vector<16xf32>
        %parallel_loop3A_601 = arith.constant 1 : i32
        %parallel_loop3A_602 = arith.index_cast %parallel_loop3A_601 : i32 to index
        %parallel_loop3A_603 = arith.index_cast %parallel_loop3A_524 : i32 to index
        %parallel_loop3A_604 = arith.constant 64 : index
        %parallel_loop3A_605 = tpu.vector_load %arg9[%parallel_loop3A_602, %parallel_loop3A_603, %parallel_loop3A_604] {strides = array<i32>} : memref<3x128x128xf32, #tpu.memory_space<vmem>>, vector<16xf32>,
        tpu.vector_store %arg9[%parallel_loop3A_602, %parallel_loop3A_603, %parallel_loop3A_604], %parallel_loop3A_600 {strides = array<i32>} : memref<3x128x128xf32, #tpu.memory_space<vmem>>, vector<16xf32>,
        %parallel_loop3A_606 = tpu.vector_load_idx %arg7[%parallel_loop3A_545, %add3A_91] : memref<128x128xf32, #tpu.memory_space<vmem>>[vector<16xi32>, vector<16xi32>], vector<16xf32>,
        %parallel_loop3A_607 = arith.constant 1 : i32
        %parallel_loop3A_608 = arith.index_cast %parallel_loop3A_607 : i32 to index
        %parallel_loop3A_609 = arith.index_cast %parallel_loop3A_524 : i32 to index
        %parallel_loop3A_610 = arith.constant 80 : index
        %parallel_loop3A_611 = tpu.vector_load %arg8[%parallel_loop3A_608, %parallel_loop3A_609, %parallel_loop3A_610] {strides = array<i32>} : memref<3x128x128xf32, #tpu.memory_space<vmem>>, vector<16xf32>,
        %parallel_loop3A_612 = arith.subf %parallel_loop3A_611, %parallel_loop3A_606 : vector<16xf32>
        %parallel_loop3A_613 = arith.constant 1 : i32
        %parallel_loop3A_614 = arith.index_cast %parallel_loop3A_613 : i32 to index
        %parallel_loop3A_615 = arith.index_cast %parallel_loop3A_524 : i32 to index
        %parallel_loop3A_616 = arith.constant 80 : index
        %parallel_loop3A_617 = tpu.vector_load %arg9[%parallel_loop3A_614, %parallel_loop3A_615, %parallel_loop3A_616] {strides = array<i32>} : memref<3x128x128xf32, #tpu.memory_space<vmem>>, vector<16xf32>,
        tpu.vector_store %arg9[%parallel_loop3A_614, %parallel_loop3A_615, %parallel_loop3A_616], %parallel_loop3A_612 {strides = array<i32>} : memref<3x128x128xf32, #tpu.memory_space<vmem>>, vector<16xf32>,
        %parallel_loop3A_618 = tpu.vector_load_idx %arg7[%parallel_loop3A_545, %add3A_94] : memref<128x128xf32, #tpu.memory_space<vmem>>[vector<16xi32>, vector<16xi32>], vector<16xf32>,
        %parallel_loop3A_619 = arith.constant 1 : i32
        %parallel_loop3A_620 = arith.index_cast %parallel_loop3A_619 : i32 to index
        %parallel_loop3A_621 = arith.index_cast %parallel_loop3A_524 : i32 to index
        %parallel_loop3A_622 = arith.constant 96 : index
        %parallel_loop3A_623 = tpu.vector_load %arg8[%parallel_loop3A_620, %parallel_loop3A_621, %parallel_loop3A_622] {strides = array<i32>} : memref<3x128x128xf32, #tpu.memory_space<vmem>>, vector<16xf32>,
        %parallel_loop3A_624 = arith.subf %parallel_loop3A_623, %parallel_loop3A_618 : vector<16xf32>
        %parallel_loop3A_625 = arith.constant 1 : i32
        %parallel_loop3A_626 = arith.index_cast %parallel_loop3A_625 : i32 to index
        %parallel_loop3A_627 = arith.index_cast %parallel_loop3A_524 : i32 to index
        %parallel_loop3A_628 = arith.constant 96 : index
        %parallel_loop3A_629 = tpu.vector_load %arg9[%parallel_loop3A_626, %parallel_loop3A_627, %parallel_loop3A_628] {strides = array<i32>} : memref<3x128x128xf32, #tpu.memory_space<vmem>>, vector<16xf32>,
        tpu.vector_store %arg9[%parallel_loop3A_626, %parallel_loop3A_627, %parallel_loop3A_628], %parallel_loop3A_624 {strides = array<i32>} : memref<3x128x128xf32, #tpu.memory_space<vmem>>, vector<16xf32>,
        %parallel_loop3A_630 = tpu.vector_load_idx %arg7[%parallel_loop3A_545, %add3A_97] : memref<128x128xf32, #tpu.memory_space<vmem>>[vector<16xi32>, vector<16xi32>], vector<16xf32>,
        %parallel_loop3A_631 = arith.constant 1 : i32
        %parallel_loop3A_632 = arith.index_cast %parallel_loop3A_631 : i32 to index
        %parallel_loop3A_633 = arith.index_cast %parallel_loop3A_524 : i32 to index
        %parallel_loop3A_634 = arith.constant 112 : index
        %parallel_loop3A_635 = tpu.vector_load %arg8[%parallel_loop3A_632, %parallel_loop3A_633, %parallel_loop3A_634] {strides = array<i32>} : memref<3x128x128xf32, #tpu.memory_space<vmem>>, vector<16xf32>,
        %parallel_loop3A_636 = arith.subf %parallel_loop3A_635, %parallel_loop3A_630 : vector<16xf32>
        %parallel_loop3A_637 = arith.constant 1 : i32
        %parallel_loop3A_638 = arith.index_cast %parallel_loop3A_637 : i32 to index
        %parallel_loop3A_639 = arith.index_cast %parallel_loop3A_524 : i32 to index
        %parallel_loop3A_640 = arith.constant 112 : index
        %parallel_loop3A_641 = tpu.vector_load %arg9[%parallel_loop3A_638, %parallel_loop3A_639, %parallel_loop3A_640] {strides = array<i32>} : memref<3x128x128xf32, #tpu.memory_space<vmem>>, vector<16xf32>,
        tpu.vector_store %arg9[%parallel_loop3A_638, %parallel_loop3A_639, %parallel_loop3A_640], %parallel_loop3A_636 {strides = array<i32>} : memref<3x128x128xf32, #tpu.memory_space<vmem>>, vector<16xf32>,
      } {sc.loop_unroll_factor = 1 : i64, sc.parallel_access}
      %dma_start3A_161 = arith.constant 1 : i32
      %dma_start3A_162 = arith.constant 0 : i32
      %dma_start3A_163 = arith.constant 0 : i32
      %dma_start3A_164 = tpu.memref_slice %arg9[%dma_start3A_161, %dma_start3A_162, %dma_start3A_163] : memref<3x128x128xf32, #tpu.memory_space<vmem>> -> memref<1x128x128xf32, #tpu.memory_space<vmem>>
      %dma_start3A_165 = tpu.memref_squeeze %dma_start3A_164 : memref<1x128x128xf32, #tpu.memory_space<vmem>> -> memref<128x128xf32, #tpu.memory_space<vmem>>
      %dma_start3A_166 = arith.constant 0 : i32
      %dma_start3A_167 = tpu.memref_slice %arg5[%add3A_144, %dma_start3A_166] : memref<32768x128xf32, #tpu.memory_space<hbm>> -> memref<128x128xf32, #tpu.memory_space<hbm>>
      %dma_start3A_168 = arith.constant 0 : i32
      %dma_start3A_169 = tpu.memref_slice %arg5[%add3A_144, %dma_start3A_168] : memref<32768x128xf32, #tpu.memory_space<hbm>> -> memref<128x128xf32, #tpu.memory_space<hbm>>
      %dma_start3A_170 = arith.constant 0 : i32
      %dma_start3A_171 = arith.constant 0 : i32
      %dma_start3A_172 = tpu.memref_slice %arg9[%dma_start3A_161, %dma_start3A_170, %dma_start3A_171] : memref<3x128x128xf32, #tpu.memory_space<vmem>> -> memref<1x128x128xf32, #tpu.memory_space<vmem>>
      %dma_start3A_173 = tpu.memref_squeeze %dma_start3A_172 : memref<1x128x128xf32, #tpu.memory_space<vmem>> -> memref<128x128xf32, #tpu.memory_space<vmem>>
      tpu.enqueue_dma source(%dma_start3A_173 : memref<128x128xf32, #tpu.memory_space<vmem>>) target(%dma_start3A_169 : memref<128x128xf32, #tpu.memory_space<hbm>>) target_semaphore(%arg13 : memref<!tpu.dma_semaphore, #tpu.memory_space<semaphore_mem>>)
      %add3A_174 = arith.constant 512 : i32
      %add3A_175 = arith.addi %mul3A_2, %add3A_174 : i32
      %dma_start3A_176 = arith.constant 1 : i32
      %dma_start3A_177 = arith.constant 0 : i32
      %dma_start3A_178 = arith.constant 0 : i32
      %dma_start3A_179 = tpu.memref_slice %arg8[%dma_start3A_176, %dma_start3A_177, %dma_start3A_178] : memref<3x128x128xf32, #tpu.memory_space<vmem>> -> memref<1x128x128xf32, #tpu.memory_space<vmem>>
      %dma_start3A_180 = tpu.memref_squeeze %dma_start3A_179 : memref<1x128x128xf32, #tpu.memory_space<vmem>> -> memref<128x128xf32, #tpu.memory_space<vmem>>
      %dma_start3A_181 = arith.constant 0 : i32
      %dma_start3A_182 = tpu.memref_slice %arg2[%add3A_175, %dma_start3A_181] : memref<32768x128xf32, #tpu.memory_space<hbm>> -> memref<128x128xf32, #tpu.memory_space<hbm>>
      %dma_start3A_183 = arith.constant 0 : i32
      %dma_start3A_184 = arith.constant 0 : i32
      %dma_start3A_185 = tpu.memref_slice %arg8[%dma_start3A_176, %dma_start3A_183, %dma_start3A_184] : memref<3x128x128xf32, #tpu.memory_space<vmem>> -> memref<1x128x128xf32, #tpu.memory_space<vmem>>
      %dma_start3A_186 = tpu.memref_squeeze %dma_start3A_185 : memref<1x128x128xf32, #tpu.memory_space<vmem>> -> memref<128x128xf32, #tpu.memory_space<vmem>>
      %dma_start3A_187 = arith.constant 0 : i32
      %dma_start3A_188 = tpu.memref_slice %arg2[%add3A_175, %dma_start3A_187] : memref<32768x128xf32, #tpu.memory_space<hbm>> -> memref<128x128xf32, #tpu.memory_space<hbm>>
      tpu.enqueue_dma source(%dma_start3A_188 : memref<128x128xf32, #tpu.memory_space<hbm>>) target(%dma_start3A_186 : memref<128x128xf32, #tpu.memory_space<vmem>>) target_semaphore(%arg11 : memref<!tpu.dma_semaphore, #tpu.memory_space<semaphore_mem>>)
      %add3A_189 = arith.constant 256 : i32
      %add3A_190 = arith.addi %mul3A_2, %add3A_189 : i32
      %dma_wait3A_191 = arith.constant 2 : i32
      %dma_wait3A_192 = arith.constant 0 : i32
      %dma_wait3A_193 = arith.constant 0 : i32
      %dma_wait3A_194 = tpu.memref_slice %arg8[%dma_wait3A_191, %dma_wait3A_192, %dma_wait3A_193] : memref<3x128x128xf32, #tpu.memory_space<vmem>> -> memref<1x128x128xf32, #tpu.memory_space<vmem>>
      %dma_wait3A_195 = tpu.memref_squeeze %dma_wait3A_194 : memref<1x128x128xf32, #tpu.memory_space<vmem>> -> memref<128x128xf32, #tpu.memory_space<vmem>>
      %dma_wait3A_196 = arith.constant 0 : i32
      %dma_wait3A_197 = tpu.memref_slice %arg2[%add3A_190, %dma_wait3A_196] : memref<32768x128xf32, #tpu.memory_space<hbm>> -> memref<128x128xf32, #tpu.memory_space<hbm>>
      %dma_wait3A_198 = arith.constant 0 : i32
      %dma_wait3A_199 = arith.constant 0 : i32
      %dma_wait3A_200 = tpu.memref_slice %arg8[%dma_wait3A_191, %dma_wait3A_198, %dma_wait3A_199] : memref<3x128x128xf32, #tpu.memory_space<vmem>> -> memref<1x128x128xf32, #tpu.memory_space<vmem>>
      %dma_wait3A_201 = tpu.memref_squeeze %dma_wait3A_200 : memref<1x128x128xf32, #tpu.memory_space<vmem>> -> memref<128x128xf32, #tpu.memory_space<vmem>>
      %dma_wait3A_202 = arith.constant 0 : i32
      %dma_wait3A_203 = tpu.memref_slice %arg2[%add3A_190, %dma_wait3A_202] : memref<32768x128xf32, #tpu.memory_space<hbm>> -> memref<128x128xf32, #tpu.memory_space<hbm>>
      tpu.wait_dma2 semaphore(%arg11 : memref<!tpu.dma_semaphore, #tpu.memory_space<semaphore_mem>>) src(%dma_wait3A_203 : memref<128x128xf32, #tpu.memory_space<hbm>>) dst(%dma_wait3A_201 : memref<128x128xf32, #tpu.memory_space<vmem>>)
      %parallel_loop3A_204 = arith.constant 0 : i32
      %parallel_loop3A_205 = arith.constant 128 : i32
      %parallel_loop3A_206 = arith.constant 1 : i32
      scf.for %parallel_loop3A_524 = %parallel_loop3A_204 to %parallel_loop3A_205 step %parallel_loop3A_206  : i32 {
        %parallel_loop3A_525 = arith.constant -16 : i32
        %parallel_loop3A_526 = arith.andi %parallel_loop3A_524, %parallel_loop3A_525 : i32
        %parallel_loop3A_527 = arith.constant 2 : i32
        %parallel_loop3A_528 = arith.index_cast %parallel_loop3A_527 : i32 to index
        %parallel_loop3A_529 = arith.index_cast %parallel_loop3A_526 : i32 to index
        %parallel_loop3A_530 = tpu.vector_load %arg6[%parallel_loop3A_528, %parallel_loop3A_529] {strides = array<i32>} : memref<8x128xi32, #tpu.memory_space<vmem>>, vector<16xi32>,
        %parallel_loop3A_531 = vector.broadcast %multiple_of3A : i32 to vector<16xi32>
        %parallel_loop3A_532 = arith.subi %parallel_loop3A_530, %parallel_loop3A_531 : vector<16xi32>
        %parallel_loop3A_533 = arith.constant 15 : i32
        %parallel_loop3A_534 = arith.andi %parallel_loop3A_524, %parallel_loop3A_533 : i32
        %parallel_loop3A_535 = vector.broadcast %parallel_loop3A_534 : i32 to vector<16xi32>
        %parallel_loop3A_536 = arith.constant 0 : i32
        %parallel_loop3A_537 = vector.broadcast %parallel_loop3A_536 : i32 to vector<16xi32>
        %parallel_loop3A_538 = arith.cmpi slt, %parallel_loop3A_535, %parallel_loop3A_537 : vector<16xi32>
        %parallel_loop3A_539 = arith.constant 16 : i32
        %parallel_loop3A_540 = vector.broadcast %parallel_loop3A_539 : i32 to vector<16xi32>
        %parallel_loop3A_541 = arith.addi %parallel_loop3A_535, %parallel_loop3A_540 : vector<16xi32>
        %parallel_loop3A_542 = arith.select %parallel_loop3A_538, %parallel_loop3A_541, %parallel_loop3A_535 : vector<16xi1>, vector<16xi32>
        %parallel_loop3A_543 = vector.shape_cast %parallel_loop3A_542 : vector<16xi32> to vector<16x1xi32>
        %parallel_loop3A_544 = vector.shape_cast %parallel_loop3A_543 : vector<16x1xi32> to vector<16xi32>
        %parallel_loop3A_545 = tpu.dynamic_gather %parallel_loop3A_532[%parallel_loop3A_544] in [0] : vector<16xi32>, vector<16xi32> -> vector<16xi32>
        %parallel_loop3A_546 = tpu.vector_load_idx %arg7[%parallel_loop3A_545, %add3A_76] : memref<128x128xf32, #tpu.memory_space<vmem>>[vector<16xi32>, vector<16xi32>], vector<16xf32>,
        %parallel_loop3A_547 = arith.constant 2 : i32
        %parallel_loop3A_548 = arith.index_cast %parallel_loop3A_547 : i32 to index
        %parallel_loop3A_549 = arith.index_cast %parallel_loop3A_524 : i32 to index
        %parallel_loop3A_550 = arith.constant 0 : index
        %parallel_loop3A_551 = tpu.vector_load %arg8[%parallel_loop3A_548, %parallel_loop3A_549, %parallel_loop3A_550] {strides = array<i32>} : memref<3x128x128xf32, #tpu.memory_space<vmem>>, vector<16xf32>,
        %parallel_loop3A_552 = arith.subf %parallel_loop3A_551, %parallel_loop3A_546 : vector<16xf32>
        %parallel_loop3A_553 = arith.constant 2 : i32
        %parallel_loop3A_554 = arith.index_cast %parallel_loop3A_553 : i32 to index
        %parallel_loop3A_555 = arith.index_cast %parallel_loop3A_524 : i32 to index
        %parallel_loop3A_556 = arith.constant 0 : index
        %parallel_loop3A_557 = tpu.vector_load %arg9[%parallel_loop3A_554, %parallel_loop3A_555, %parallel_loop3A_556] {strides = array<i32>} : memref<3x128x128xf32, #tpu.memory_space<vmem>>, vector<16xf32>,
        tpu.vector_store %arg9[%parallel_loop3A_554, %parallel_loop3A_555, %parallel_loop3A_556], %parallel_loop3A_552 {strides = array<i32>} : memref<3x128x128xf32, #tpu.memory_space<vmem>>, vector<16xf32>,
        %parallel_loop3A_558 = tpu.vector_load_idx %arg7[%parallel_loop3A_545, %add3A_79] : memref<128x128xf32, #tpu.memory_space<vmem>>[vector<16xi32>, vector<16xi32>], vector<16xf32>,
        %parallel_loop3A_559 = arith.constant 2 : i32
        %parallel_loop3A_560 = arith.index_cast %parallel_loop3A_559 : i32 to index
        %parallel_loop3A_561 = arith.index_cast %parallel_loop3A_524 : i32 to index
        %parallel_loop3A_562 = arith.constant 16 : index
        %parallel_loop3A_563 = tpu.vector_load %arg8[%parallel_loop3A_560, %parallel_loop3A_561, %parallel_loop3A_562] {strides = array<i32>} : memref<3x128x128xf32, #tpu.memory_space<vmem>>, vector<16xf32>,
        %parallel_loop3A_564 = arith.subf %parallel_loop3A_563, %parallel_loop3A_558 : vector<16xf32>
        %parallel_loop3A_565 = arith.constant 2 : i32
        %parallel_loop3A_566 = arith.index_cast %parallel_loop3A_565 : i32 to index
        %parallel_loop3A_567 = arith.index_cast %parallel_loop3A_524 : i32 to index
        %parallel_loop3A_568 = arith.constant 16 : index
        %parallel_loop3A_569 = tpu.vector_load %arg9[%parallel_loop3A_566, %parallel_loop3A_567, %parallel_loop3A_568] {strides = array<i32>} : memref<3x128x128xf32, #tpu.memory_space<vmem>>, vector<16xf32>,
        tpu.vector_store %arg9[%parallel_loop3A_566, %parallel_loop3A_567, %parallel_loop3A_568], %parallel_loop3A_564 {strides = array<i32>} : memref<3x128x128xf32, #tpu.memory_space<vmem>>, vector<16xf32>,
        %parallel_loop3A_570 = tpu.vector_load_idx %arg7[%parallel_loop3A_545, %add3A_82] : memref<128x128xf32, #tpu.memory_space<vmem>>[vector<16xi32>, vector<16xi32>], vector<16xf32>,
        %parallel_loop3A_571 = arith.constant 2 : i32
        %parallel_loop3A_572 = arith.index_cast %parallel_loop3A_571 : i32 to index
        %parallel_loop3A_573 = arith.index_cast %parallel_loop3A_524 : i32 to index
        %parallel_loop3A_574 = arith.constant 32 : index
        %parallel_loop3A_575 = tpu.vector_load %arg8[%parallel_loop3A_572, %parallel_loop3A_573, %parallel_loop3A_574] {strides = array<i32>} : memref<3x128x128xf32, #tpu.memory_space<vmem>>, vector<16xf32>,
        %parallel_loop3A_576 = arith.subf %parallel_loop3A_575, %parallel_loop3A_570 : vector<16xf32>
        %parallel_loop3A_577 = arith.constant 2 : i32
        %parallel_loop3A_578 = arith.index_cast %parallel_loop3A_577 : i32 to index
        %parallel_loop3A_579 = arith.index_cast %parallel_loop3A_524 : i32 to index
        %parallel_loop3A_580 = arith.constant 32 : index
        %parallel_loop3A_581 = tpu.vector_load %arg9[%parallel_loop3A_578, %parallel_loop3A_579, %parallel_loop3A_580] {strides = array<i32>} : memref<3x128x128xf32, #tpu.memory_space<vmem>>, vector<16xf32>,
        tpu.vector_store %arg9[%parallel_loop3A_578, %parallel_loop3A_579, %parallel_loop3A_580], %parallel_loop3A_576 {strides = array<i32>} : memref<3x128x128xf32, #tpu.memory_space<vmem>>, vector<16xf32>,
        %parallel_loop3A_582 = tpu.vector_load_idx %arg7[%parallel_loop3A_545, %add3A_85] : memref<128x128xf32, #tpu.memory_space<vmem>>[vector<16xi32>, vector<16xi32>], vector<16xf32>,
        %parallel_loop3A_583 = arith.constant 2 : i32
        %parallel_loop3A_584 = arith.index_cast %parallel_loop3A_583 : i32 to index
        %parallel_loop3A_585 = arith.index_cast %parallel_loop3A_524 : i32 to index
        %parallel_loop3A_586 = arith.constant 48 : index
        %parallel_loop3A_587 = tpu.vector_load %arg8[%parallel_loop3A_584, %parallel_loop3A_585, %parallel_loop3A_586] {strides = array<i32>} : memref<3x128x128xf32, #tpu.memory_space<vmem>>, vector<16xf32>,
        %parallel_loop3A_588 = arith.subf %parallel_loop3A_587, %parallel_loop3A_582 : vector<16xf32>
        %parallel_loop3A_589 = arith.constant 2 : i32
        %parallel_loop3A_590 = arith.index_cast %parallel_loop3A_589 : i32 to index
        %parallel_loop3A_591 = arith.index_cast %parallel_loop3A_524 : i32 to index
        %parallel_loop3A_592 = arith.constant 48 : index
        %parallel_loop3A_593 = tpu.vector_load %arg9[%parallel_loop3A_590, %parallel_loop3A_591, %parallel_loop3A_592] {strides = array<i32>} : memref<3x128x128xf32, #tpu.memory_space<vmem>>, vector<16xf32>,
        tpu.vector_store %arg9[%parallel_loop3A_590, %parallel_loop3A_591, %parallel_loop3A_592], %parallel_loop3A_588 {strides = array<i32>} : memref<3x128x128xf32, #tpu.memory_space<vmem>>, vector<16xf32>,
        %parallel_loop3A_594 = tpu.vector_load_idx %arg7[%parallel_loop3A_545, %add3A_88] : memref<128x128xf32, #tpu.memory_space<vmem>>[vector<16xi32>, vector<16xi32>], vector<16xf32>,
        %parallel_loop3A_595 = arith.constant 2 : i32
        %parallel_loop3A_596 = arith.index_cast %parallel_loop3A_595 : i32 to index
        %parallel_loop3A_597 = arith.index_cast %parallel_loop3A_524 : i32 to index
        %parallel_loop3A_598 = arith.constant 64 : index
        %parallel_loop3A_599 = tpu.vector_load %arg8[%parallel_loop3A_596, %parallel_loop3A_597, %parallel_loop3A_598] {strides = array<i32>} : memref<3x128x128xf32, #tpu.memory_space<vmem>>, vector<16xf32>,
        %parallel_loop3A_600 = arith.subf %parallel_loop3A_599, %parallel_loop3A_594 : vector<16xf32>
        %parallel_loop3A_601 = arith.constant 2 : i32
        %parallel_loop3A_602 = arith.index_cast %parallel_loop3A_601 : i32 to index
        %parallel_loop3A_603 = arith.index_cast %parallel_loop3A_524 : i32 to index
        %parallel_loop3A_604 = arith.constant 64 : index
        %parallel_loop3A_605 = tpu.vector_load %arg9[%parallel_loop3A_602, %parallel_loop3A_603, %parallel_loop3A_604] {strides = array<i32>} : memref<3x128x128xf32, #tpu.memory_space<vmem>>, vector<16xf32>,
        tpu.vector_store %arg9[%parallel_loop3A_602, %parallel_loop3A_603, %parallel_loop3A_604], %parallel_loop3A_600 {strides = array<i32>} : memref<3x128x128xf32, #tpu.memory_space<vmem>>, vector<16xf32>,
        %parallel_loop3A_606 = tpu.vector_load_idx %arg7[%parallel_loop3A_545, %add3A_91] : memref<128x128xf32, #tpu.memory_space<vmem>>[vector<16xi32>, vector<16xi32>], vector<16xf32>,
        %parallel_loop3A_607 = arith.constant 2 : i32
        %parallel_loop3A_608 = arith.index_cast %parallel_loop3A_607 : i32 to index
        %parallel_loop3A_609 = arith.index_cast %parallel_loop3A_524 : i32 to index
        %parallel_loop3A_610 = arith.constant 80 : index
        %parallel_loop3A_611 = tpu.vector_load %arg8[%parallel_loop3A_608, %parallel_loop3A_609, %parallel_loop3A_610] {strides = array<i32>} : memref<3x128x128xf32, #tpu.memory_space<vmem>>, vector<16xf32>,
        %parallel_loop3A_612 = arith.subf %parallel_loop3A_611, %parallel_loop3A_606 : vector<16xf32>
        %parallel_loop3A_613 = arith.constant 2 : i32
        %parallel_loop3A_614 = arith.index_cast %parallel_loop3A_613 : i32 to index
        %parallel_loop3A_615 = arith.index_cast %parallel_loop3A_524 : i32 to index
        %parallel_loop3A_616 = arith.constant 80 : index
        %parallel_loop3A_617 = tpu.vector_load %arg9[%parallel_loop3A_614, %parallel_loop3A_615, %parallel_loop3A_616] {strides = array<i32>} : memref<3x128x128xf32, #tpu.memory_space<vmem>>, vector<16xf32>,
        tpu.vector_store %arg9[%parallel_loop3A_614, %parallel_loop3A_615, %parallel_loop3A_616], %parallel_loop3A_612 {strides = array<i32>} : memref<3x128x128xf32, #tpu.memory_space<vmem>>, vector<16xf32>,
        %parallel_loop3A_618 = tpu.vector_load_idx %arg7[%parallel_loop3A_545, %add3A_94] : memref<128x128xf32, #tpu.memory_space<vmem>>[vector<16xi32>, vector<16xi32>], vector<16xf32>,
        %parallel_loop3A_619 = arith.constant 2 : i32
        %parallel_loop3A_620 = arith.index_cast %parallel_loop3A_619 : i32 to index
        %parallel_loop3A_621 = arith.index_cast %parallel_loop3A_524 : i32 to index
        %parallel_loop3A_622 = arith.constant 96 : index
        %parallel_loop3A_623 = tpu.vector_load %arg8[%parallel_loop3A_620, %parallel_loop3A_621, %parallel_loop3A_622] {strides = array<i32>} : memref<3x128x128xf32, #tpu.memory_space<vmem>>, vector<16xf32>,
        %parallel_loop3A_624 = arith.subf %parallel_loop3A_623, %parallel_loop3A_618 : vector<16xf32>
        %parallel_loop3A_625 = arith.constant 2 : i32
        %parallel_loop3A_626 = arith.index_cast %parallel_loop3A_625 : i32 to index
        %parallel_loop3A_627 = arith.index_cast %parallel_loop3A_524 : i32 to index
        %parallel_loop3A_628 = arith.constant 96 : index
        %parallel_loop3A_629 = tpu.vector_load %arg9[%parallel_loop3A_626, %parallel_loop3A_627, %parallel_loop3A_628] {strides = array<i32>} : memref<3x128x128xf32, #tpu.memory_space<vmem>>, vector<16xf32>,
        tpu.vector_store %arg9[%parallel_loop3A_626, %parallel_loop3A_627, %parallel_loop3A_628], %parallel_loop3A_624 {strides = array<i32>} : memref<3x128x128xf32, #tpu.memory_space<vmem>>, vector<16xf32>,
        %parallel_loop3A_630 = tpu.vector_load_idx %arg7[%parallel_loop3A_545, %add3A_97] : memref<128x128xf32, #tpu.memory_space<vmem>>[vector<16xi32>, vector<16xi32>], vector<16xf32>,
        %parallel_loop3A_631 = arith.constant 2 : i32
        %parallel_loop3A_632 = arith.index_cast %parallel_loop3A_631 : i32 to index
        %parallel_loop3A_633 = arith.index_cast %parallel_loop3A_524 : i32 to index
        %parallel_loop3A_634 = arith.constant 112 : index
        %parallel_loop3A_635 = tpu.vector_load %arg8[%parallel_loop3A_632, %parallel_loop3A_633, %parallel_loop3A_634] {strides = array<i32>} : memref<3x128x128xf32, #tpu.memory_space<vmem>>, vector<16xf32>,
        %parallel_loop3A_636 = arith.subf %parallel_loop3A_635, %parallel_loop3A_630 : vector<16xf32>
        %parallel_loop3A_637 = arith.constant 2 : i32
        %parallel_loop3A_638 = arith.index_cast %parallel_loop3A_637 : i32 to index
        %parallel_loop3A_639 = arith.index_cast %parallel_loop3A_524 : i32 to index
        %parallel_loop3A_640 = arith.constant 112 : index
        %parallel_loop3A_641 = tpu.vector_load %arg9[%parallel_loop3A_638, %parallel_loop3A_639, %parallel_loop3A_640] {strides = array<i32>} : memref<3x128x128xf32, #tpu.memory_space<vmem>>, vector<16xf32>,
        tpu.vector_store %arg9[%parallel_loop3A_638, %parallel_loop3A_639, %parallel_loop3A_640], %parallel_loop3A_636 {strides = array<i32>} : memref<3x128x128xf32, #tpu.memory_space<vmem>>, vector<16xf32>,
      } {sc.loop_unroll_factor = 1 : i64, sc.parallel_access}
      %dma_start3A_207 = arith.constant 2 : i32
      %dma_start3A_208 = arith.constant 0 : i32
      %dma_start3A_209 = arith.constant 0 : i32
      %dma_start3A_210 = tpu.memref_slice %arg9[%dma_start3A_207, %dma_start3A_208, %dma_start3A_209] : memref<3x128x128xf32, #tpu.memory_space<vmem>> -> memref<1x128x128xf32, #tpu.memory_space<vmem>>
      %dma_start3A_211 = tpu.memref_squeeze %dma_start3A_210 : memref<1x128x128xf32, #tpu.memory_space<vmem>> -> memref<128x128xf32, #tpu.memory_space<vmem>>
      %dma_start3A_212 = arith.constant 0 : i32
      %dma_start3A_213 = tpu.memref_slice %arg5[%add3A_190, %dma_start3A_212] : memref<32768x128xf32, #tpu.memory_space<hbm>> -> memref<128x128xf32, #tpu.memory_space<hbm>>
      %dma_start3A_214 = arith.constant 0 : i32
      %dma_start3A_215 = tpu.memref_slice %arg5[%add3A_190, %dma_start3A_214] : memref<32768x128xf32, #tpu.memory_space<hbm>> -> memref<128x128xf32, #tpu.memory_space<hbm>>
      %dma_start3A_216 = arith.constant 0 : i32
      %dma_start3A_217 = arith.constant 0 : i32
      %dma_start3A_218 = tpu.memref_slice %arg9[%dma_start3A_207, %dma_start3A_216, %dma_start3A_217] : memref<3x128x128xf32, #tpu.memory_space<vmem>> -> memref<1x128x128xf32, #tpu.memory_space<vmem>>
      %dma_start3A_219 = tpu.memref_squeeze %dma_start3A_218 : memref<1x128x128xf32, #tpu.memory_space<vmem>> -> memref<128x128xf32, #tpu.memory_space<vmem>>
      tpu.enqueue_dma source(%dma_start3A_219 : memref<128x128xf32, #tpu.memory_space<vmem>>) target(%dma_start3A_215 : memref<128x128xf32, #tpu.memory_space<hbm>>) target_semaphore(%arg13 : memref<!tpu.dma_semaphore, #tpu.memory_space<semaphore_mem>>)
      %add3A_220 = arith.constant 640 : i32
      %add3A_221 = arith.addi %mul3A_2, %add3A_220 : i32
      %dma_start3A_222 = arith.constant 2 : i32
      %dma_start3A_223 = arith.constant 0 : i32
      %dma_start3A_224 = arith.constant 0 : i32
      %dma_start3A_225 = tpu.memref_slice %arg8[%dma_start3A_222, %dma_start3A_223, %dma_start3A_224] : memref<3x128x128xf32, #tpu.memory_space<vmem>> -> memref<1x128x128xf32, #tpu.memory_space<vmem>>
      %dma_start3A_226 = tpu.memref_squeeze %dma_start3A_225 : memref<1x128x128xf32, #tpu.memory_space<vmem>> -> memref<128x128xf32, #tpu.memory_space<vmem>>
      %dma_start3A_227 = arith.constant 0 : i32
      %dma_start3A_228 = tpu.memref_slice %arg2[%add3A_221, %dma_start3A_227] : memref<32768x128xf32, #tpu.memory_space<hbm>> -> memref<128x128xf32, #tpu.memory_space<hbm>>
      %dma_start3A_229 = arith.constant 0 : i32
      %dma_start3A_230 = arith.constant 0 : i32
      %dma_start3A_231 = tpu.memref_slice %arg8[%dma_start3A_222, %dma_start3A_229, %dma_start3A_230] : memref<3x128x128xf32, #tpu.memory_space<vmem>> -> memref<1x128x128xf32, #tpu.memory_space<vmem>>
      %dma_start3A_232 = tpu.memref_squeeze %dma_start3A_231 : memref<1x128x128xf32, #tpu.memory_space<vmem>> -> memref<128x128xf32, #tpu.memory_space<vmem>>
      %dma_start3A_233 = arith.constant 0 : i32
      %dma_start3A_234 = tpu.memref_slice %arg2[%add3A_221, %dma_start3A_233] : memref<32768x128xf32, #tpu.memory_space<hbm>> -> memref<128x128xf32, #tpu.memory_space<hbm>>
      tpu.enqueue_dma source(%dma_start3A_234 : memref<128x128xf32, #tpu.memory_space<hbm>>) target(%dma_start3A_232 : memref<128x128xf32, #tpu.memory_space<vmem>>) target_semaphore(%arg11 : memref<!tpu.dma_semaphore, #tpu.memory_space<semaphore_mem>>)
      %add3A_235 = arith.constant 384 : i32
      %add3A_236 = arith.addi %mul3A_2, %add3A_235 : i32
      %dma_wait3A_237 = arith.constant 0 : i32
      %dma_wait3A_238 = arith.constant 0 : i32
      %dma_wait3A_239 = arith.constant 0 : i32
      %dma_wait3A_240 = tpu.memref_slice %arg8[%dma_wait3A_237, %dma_wait3A_238, %dma_wait3A_239] : memref<3x128x128xf32, #tpu.memory_space<vmem>> -> memref<1x128x128xf32, #tpu.memory_space<vmem>>
      %dma_wait3A_241 = tpu.memref_squeeze %dma_wait3A_240 : memref<1x128x128xf32, #tpu.memory_space<vmem>> -> memref<128x128xf32, #tpu.memory_space<vmem>>
      %dma_wait3A_242 = arith.constant 0 : i32
      %dma_wait3A_243 = tpu.memref_slice %arg2[%add3A_236, %dma_wait3A_242] : memref<32768x128xf32, #tpu.memory_space<hbm>> -> memref<128x128xf32, #tpu.memory_space<hbm>>
      %dma_wait3A_244 = arith.constant 0 : i32
      %dma_wait3A_245 = arith.constant 0 : i32
      %dma_wait3A_246 = tpu.memref_slice %arg8[%dma_wait3A_237, %dma_wait3A_244, %dma_wait3A_245] : memref<3x128x128xf32, #tpu.memory_space<vmem>> -> memref<1x128x128xf32, #tpu.memory_space<vmem>>
      %dma_wait3A_247 = tpu.memref_squeeze %dma_wait3A_246 : memref<1x128x128xf32, #tpu.memory_space<vmem>> -> memref<128x128xf32, #tpu.memory_space<vmem>>
      %dma_wait3A_248 = arith.constant 0 : i32
      %dma_wait3A_249 = tpu.memref_slice %arg2[%add3A_236, %dma_wait3A_248] : memref<32768x128xf32, #tpu.memory_space<hbm>> -> memref<128x128xf32, #tpu.memory_space<hbm>>
      tpu.wait_dma2 semaphore(%arg11 : memref<!tpu.dma_semaphore, #tpu.memory_space<semaphore_mem>>) src(%dma_wait3A_249 : memref<128x128xf32, #tpu.memory_space<hbm>>) dst(%dma_wait3A_247 : memref<128x128xf32, #tpu.memory_space<vmem>>)
      %dma_wait3A_250 = arith.constant 0 : i32
      %dma_wait3A_251 = arith.constant 0 : i32
      %dma_wait3A_252 = arith.constant 0 : i32
      %dma_wait3A_253 = tpu.memref_slice %arg9[%dma_wait3A_250, %dma_wait3A_251, %dma_wait3A_252] : memref<3x128x128xf32, #tpu.memory_space<vmem>> -> memref<1x128x128xf32, #tpu.memory_space<vmem>>
      %dma_wait3A_254 = tpu.memref_squeeze %dma_wait3A_253 : memref<1x128x128xf32, #tpu.memory_space<vmem>> -> memref<128x128xf32, #tpu.memory_space<vmem>>
      %dma_wait3A_255 = arith.constant 0 : i32
      %dma_wait3A_256 = tpu.memref_slice %arg5[%add3A_99, %dma_wait3A_255] : memref<32768x128xf32, #tpu.memory_space<hbm>> -> memref<128x128xf32, #tpu.memory_space<hbm>>
      %dma_wait3A_257 = arith.constant 0 : i32
      %dma_wait3A_258 = tpu.memref_slice %arg5[%add3A_99, %dma_wait3A_257] : memref<32768x128xf32, #tpu.memory_space<hbm>> -> memref<128x128xf32, #tpu.memory_space<hbm>>
      %dma_wait3A_259 = arith.constant 0 : i32
      %dma_wait3A_260 = arith.constant 0 : i32
      %dma_wait3A_261 = tpu.memref_slice %arg9[%dma_wait3A_250, %dma_wait3A_259, %dma_wait3A_260] : memref<3x128x128xf32, #tpu.memory_space<vmem>> -> memref<1x128x128xf32, #tpu.memory_space<vmem>>
      %dma_wait3A_262 = tpu.memref_squeeze %dma_wait3A_261 : memref<1x128x128xf32, #tpu.memory_space<vmem>> -> memref<128x128xf32, #tpu.memory_space<vmem>>
      tpu.wait_dma2 semaphore(%arg13 : memref<!tpu.dma_semaphore, #tpu.memory_space<semaphore_mem>>) src(%dma_wait3A_262 : memref<128x128xf32, #tpu.memory_space<vmem>>) dst(%dma_wait3A_258 : memref<128x128xf32, #tpu.memory_space<hbm>>)
      %parallel_loop3A_263 = arith.constant 0 : i32
      %parallel_loop3A_264 = arith.constant 128 : i32
      %parallel_loop3A_265 = arith.constant 1 : i32
      scf.for %parallel_loop3A_524 = %parallel_loop3A_263 to %parallel_loop3A_264 step %parallel_loop3A_265  : i32 {
        %parallel_loop3A_525 = arith.constant -16 : i32
        %parallel_loop3A_526 = arith.andi %parallel_loop3A_524, %parallel_loop3A_525 : i32
        %parallel_loop3A_527 = arith.constant 3 : i32
        %parallel_loop3A_528 = arith.index_cast %parallel_loop3A_527 : i32 to index
        %parallel_loop3A_529 = arith.index_cast %parallel_loop3A_526 : i32 to index
        %parallel_loop3A_530 = tpu.vector_load %arg6[%parallel_loop3A_528, %parallel_loop3A_529] {strides = array<i32>} : memref<8x128xi32, #tpu.memory_space<vmem>>, vector<16xi32>,
        %parallel_loop3A_531 = vector.broadcast %multiple_of3A : i32 to vector<16xi32>
        %parallel_loop3A_532 = arith.subi %parallel_loop3A_530, %parallel_loop3A_531 : vector<16xi32>
        %parallel_loop3A_533 = arith.constant 15 : i32
        %parallel_loop3A_534 = arith.andi %parallel_loop3A_524, %parallel_loop3A_533 : i32
        %parallel_loop3A_535 = vector.broadcast %parallel_loop3A_534 : i32 to vector<16xi32>
        %parallel_loop3A_536 = arith.constant 0 : i32
        %parallel_loop3A_537 = vector.broadcast %parallel_loop3A_536 : i32 to vector<16xi32>
        %parallel_loop3A_538 = arith.cmpi slt, %parallel_loop3A_535, %parallel_loop3A_537 : vector<16xi32>
        %parallel_loop3A_539 = arith.constant 16 : i32
        %parallel_loop3A_540 = vector.broadcast %parallel_loop3A_539 : i32 to vector<16xi32>
        %parallel_loop3A_541 = arith.addi %parallel_loop3A_535, %parallel_loop3A_540 : vector<16xi32>
        %parallel_loop3A_542 = arith.select %parallel_loop3A_538, %parallel_loop3A_541, %parallel_loop3A_535 : vector<16xi1>, vector<16xi32>
        %parallel_loop3A_543 = vector.shape_cast %parallel_loop3A_542 : vector<16xi32> to vector<16x1xi32>
        %parallel_loop3A_544 = vector.shape_cast %parallel_loop3A_543 : vector<16x1xi32> to vector<16xi32>
        %parallel_loop3A_545 = tpu.dynamic_gather %parallel_loop3A_532[%parallel_loop3A_544] in [0] : vector<16xi32>, vector<16xi32> -> vector<16xi32>
        %parallel_loop3A_546 = tpu.vector_load_idx %arg7[%parallel_loop3A_545, %add3A_76] : memref<128x128xf32, #tpu.memory_space<vmem>>[vector<16xi32>, vector<16xi32>], vector<16xf32>,
        %parallel_loop3A_547 = arith.constant 0 : i32
        %parallel_loop3A_548 = arith.index_cast %parallel_loop3A_547 : i32 to index
        %parallel_loop3A_549 = arith.index_cast %parallel_loop3A_524 : i32 to index
        %parallel_loop3A_550 = arith.constant 0 : index
        %parallel_loop3A_551 = tpu.vector_load %arg8[%parallel_loop3A_548, %parallel_loop3A_549, %parallel_loop3A_550] {strides = array<i32>} : memref<3x128x128xf32, #tpu.memory_space<vmem>>, vector<16xf32>,
        %parallel_loop3A_552 = arith.subf %parallel_loop3A_551, %parallel_loop3A_546 : vector<16xf32>
        %parallel_loop3A_553 = arith.constant 0 : i32
        %parallel_loop3A_554 = arith.index_cast %parallel_loop3A_553 : i32 to index
        %parallel_loop3A_555 = arith.index_cast %parallel_loop3A_524 : i32 to index
        %parallel_loop3A_556 = arith.constant 0 : index
        %parallel_loop3A_557 = tpu.vector_load %arg9[%parallel_loop3A_554, %parallel_loop3A_555, %parallel_loop3A_556] {strides = array<i32>} : memref<3x128x128xf32, #tpu.memory_space<vmem>>, vector<16xf32>,
        tpu.vector_store %arg9[%parallel_loop3A_554, %parallel_loop3A_555, %parallel_loop3A_556], %parallel_loop3A_552 {strides = array<i32>} : memref<3x128x128xf32, #tpu.memory_space<vmem>>, vector<16xf32>,
        %parallel_loop3A_558 = tpu.vector_load_idx %arg7[%parallel_loop3A_545, %add3A_79] : memref<128x128xf32, #tpu.memory_space<vmem>>[vector<16xi32>, vector<16xi32>], vector<16xf32>,
        %parallel_loop3A_559 = arith.constant 0 : i32
        %parallel_loop3A_560 = arith.index_cast %parallel_loop3A_559 : i32 to index
        %parallel_loop3A_561 = arith.index_cast %parallel_loop3A_524 : i32 to index
        %parallel_loop3A_562 = arith.constant 16 : index
        %parallel_loop3A_563 = tpu.vector_load %arg8[%parallel_loop3A_560, %parallel_loop3A_561, %parallel_loop3A_562] {strides = array<i32>} : memref<3x128x128xf32, #tpu.memory_space<vmem>>, vector<16xf32>,
        %parallel_loop3A_564 = arith.subf %parallel_loop3A_563, %parallel_loop3A_558 : vector<16xf32>
        %parallel_loop3A_565 = arith.constant 0 : i32
        %parallel_loop3A_566 = arith.index_cast %parallel_loop3A_565 : i32 to index
        %parallel_loop3A_567 = arith.index_cast %parallel_loop3A_524 : i32 to index
        %parallel_loop3A_568 = arith.constant 16 : index
        %parallel_loop3A_569 = tpu.vector_load %arg9[%parallel_loop3A_566, %parallel_loop3A_567, %parallel_loop3A_568] {strides = array<i32>} : memref<3x128x128xf32, #tpu.memory_space<vmem>>, vector<16xf32>,
        tpu.vector_store %arg9[%parallel_loop3A_566, %parallel_loop3A_567, %parallel_loop3A_568], %parallel_loop3A_564 {strides = array<i32>} : memref<3x128x128xf32, #tpu.memory_space<vmem>>, vector<16xf32>,
        %parallel_loop3A_570 = tpu.vector_load_idx %arg7[%parallel_loop3A_545, %add3A_82] : memref<128x128xf32, #tpu.memory_space<vmem>>[vector<16xi32>, vector<16xi32>], vector<16xf32>,
        %parallel_loop3A_571 = arith.constant 0 : i32
        %parallel_loop3A_572 = arith.index_cast %parallel_loop3A_571 : i32 to index
        %parallel_loop3A_573 = arith.index_cast %parallel_loop3A_524 : i32 to index
        %parallel_loop3A_574 = arith.constant 32 : index
        %parallel_loop3A_575 = tpu.vector_load %arg8[%parallel_loop3A_572, %parallel_loop3A_573, %parallel_loop3A_574] {strides = array<i32>} : memref<3x128x128xf32, #tpu.memory_space<vmem>>, vector<16xf32>,
        %parallel_loop3A_576 = arith.subf %parallel_loop3A_575, %parallel_loop3A_570 : vector<16xf32>
        %parallel_loop3A_577 = arith.constant 0 : i32
        %parallel_loop3A_578 = arith.index_cast %parallel_loop3A_577 : i32 to index
        %parallel_loop3A_579 = arith.index_cast %parallel_loop3A_524 : i32 to index
        %parallel_loop3A_580 = arith.constant 32 : index
        %parallel_loop3A_581 = tpu.vector_load %arg9[%parallel_loop3A_578, %parallel_loop3A_579, %parallel_loop3A_580] {strides = array<i32>} : memref<3x128x128xf32, #tpu.memory_space<vmem>>, vector<16xf32>,
        tpu.vector_store %arg9[%parallel_loop3A_578, %parallel_loop3A_579, %parallel_loop3A_580], %parallel_loop3A_576 {strides = array<i32>} : memref<3x128x128xf32, #tpu.memory_space<vmem>>, vector<16xf32>,
        %parallel_loop3A_582 = tpu.vector_load_idx %arg7[%parallel_loop3A_545, %add3A_85] : memref<128x128xf32, #tpu.memory_space<vmem>>[vector<16xi32>, vector<16xi32>], vector<16xf32>,
        %parallel_loop3A_583 = arith.constant 0 : i32
        %parallel_loop3A_584 = arith.index_cast %parallel_loop3A_583 : i32 to index
        %parallel_loop3A_585 = arith.index_cast %parallel_loop3A_524 : i32 to index
        %parallel_loop3A_586 = arith.constant 48 : index
        %parallel_loop3A_587 = tpu.vector_load %arg8[%parallel_loop3A_584, %parallel_loop3A_585, %parallel_loop3A_586] {strides = array<i32>} : memref<3x128x128xf32, #tpu.memory_space<vmem>>, vector<16xf32>,
        %parallel_loop3A_588 = arith.subf %parallel_loop3A_587, %parallel_loop3A_582 : vector<16xf32>
        %parallel_loop3A_589 = arith.constant 0 : i32
        %parallel_loop3A_590 = arith.index_cast %parallel_loop3A_589 : i32 to index
        %parallel_loop3A_591 = arith.index_cast %parallel_loop3A_524 : i32 to index
        %parallel_loop3A_592 = arith.constant 48 : index
        %parallel_loop3A_593 = tpu.vector_load %arg9[%parallel_loop3A_590, %parallel_loop3A_591, %parallel_loop3A_592] {strides = array<i32>} : memref<3x128x128xf32, #tpu.memory_space<vmem>>, vector<16xf32>,
        tpu.vector_store %arg9[%parallel_loop3A_590, %parallel_loop3A_591, %parallel_loop3A_592], %parallel_loop3A_588 {strides = array<i32>} : memref<3x128x128xf32, #tpu.memory_space<vmem>>, vector<16xf32>,
        %parallel_loop3A_594 = tpu.vector_load_idx %arg7[%parallel_loop3A_545, %add3A_88] : memref<128x128xf32, #tpu.memory_space<vmem>>[vector<16xi32>, vector<16xi32>], vector<16xf32>,
        %parallel_loop3A_595 = arith.constant 0 : i32
        %parallel_loop3A_596 = arith.index_cast %parallel_loop3A_595 : i32 to index
        %parallel_loop3A_597 = arith.index_cast %parallel_loop3A_524 : i32 to index
        %parallel_loop3A_598 = arith.constant 64 : index
        %parallel_loop3A_599 = tpu.vector_load %arg8[%parallel_loop3A_596, %parallel_loop3A_597, %parallel_loop3A_598] {strides = array<i32>} : memref<3x128x128xf32, #tpu.memory_space<vmem>>, vector<16xf32>,
        %parallel_loop3A_600 = arith.subf %parallel_loop3A_599, %parallel_loop3A_594 : vector<16xf32>
        %parallel_loop3A_601 = arith.constant 0 : i32
        %parallel_loop3A_602 = arith.index_cast %parallel_loop3A_601 : i32 to index
        %parallel_loop3A_603 = arith.index_cast %parallel_loop3A_524 : i32 to index
        %parallel_loop3A_604 = arith.constant 64 : index
        %parallel_loop3A_605 = tpu.vector_load %arg9[%parallel_loop3A_602, %parallel_loop3A_603, %parallel_loop3A_604] {strides = array<i32>} : memref<3x128x128xf32, #tpu.memory_space<vmem>>, vector<16xf32>,
        tpu.vector_store %arg9[%parallel_loop3A_602, %parallel_loop3A_603, %parallel_loop3A_604], %parallel_loop3A_600 {strides = array<i32>} : memref<3x128x128xf32, #tpu.memory_space<vmem>>, vector<16xf32>,
        %parallel_loop3A_606 = tpu.vector_load_idx %arg7[%parallel_loop3A_545, %add3A_91] : memref<128x128xf32, #tpu.memory_space<vmem>>[vector<16xi32>, vector<16xi32>], vector<16xf32>,
        %parallel_loop3A_607 = arith.constant 0 : i32
        %parallel_loop3A_608 = arith.index_cast %parallel_loop3A_607 : i32 to index
        %parallel_loop3A_609 = arith.index_cast %parallel_loop3A_524 : i32 to index
        %parallel_loop3A_610 = arith.constant 80 : index
        %parallel_loop3A_611 = tpu.vector_load %arg8[%parallel_loop3A_608, %parallel_loop3A_609, %parallel_loop3A_610] {strides = array<i32>} : memref<3x128x128xf32, #tpu.memory_space<vmem>>, vector<16xf32>,
        %parallel_loop3A_612 = arith.subf %parallel_loop3A_611, %parallel_loop3A_606 : vector<16xf32>
        %parallel_loop3A_613 = arith.constant 0 : i32
        %parallel_loop3A_614 = arith.index_cast %parallel_loop3A_613 : i32 to index
        %parallel_loop3A_615 = arith.index_cast %parallel_loop3A_524 : i32 to index
        %parallel_loop3A_616 = arith.constant 80 : index
        %parallel_loop3A_617 = tpu.vector_load %arg9[%parallel_loop3A_614, %parallel_loop3A_615, %parallel_loop3A_616] {strides = array<i32>} : memref<3x128x128xf32, #tpu.memory_space<vmem>>, vector<16xf32>,
        tpu.vector_store %arg9[%parallel_loop3A_614, %parallel_loop3A_615, %parallel_loop3A_616], %parallel_loop3A_612 {strides = array<i32>} : memref<3x128x128xf32, #tpu.memory_space<vmem>>, vector<16xf32>,
        %parallel_loop3A_618 = tpu.vector_load_idx %arg7[%parallel_loop3A_545, %add3A_94] : memref<128x128xf32, #tpu.memory_space<vmem>>[vector<16xi32>, vector<16xi32>], vector<16xf32>,
        %parallel_loop3A_619 = arith.constant 0 : i32
        %parallel_loop3A_620 = arith.index_cast %parallel_loop3A_619 : i32 to index
        %parallel_loop3A_621 = arith.index_cast %parallel_loop3A_524 : i32 to index
        %parallel_loop3A_622 = arith.constant 96 : index
        %parallel_loop3A_623 = tpu.vector_load %arg8[%parallel_loop3A_620, %parallel_loop3A_621, %parallel_loop3A_622] {strides = array<i32>} : memref<3x128x128xf32, #tpu.memory_space<vmem>>, vector<16xf32>,
        %parallel_loop3A_624 = arith.subf %parallel_loop3A_623, %parallel_loop3A_618 : vector<16xf32>
        %parallel_loop3A_625 = arith.constant 0 : i32
        %parallel_loop3A_626 = arith.index_cast %parallel_loop3A_625 : i32 to index
        %parallel_loop3A_627 = arith.index_cast %parallel_loop3A_524 : i32 to index
        %parallel_loop3A_628 = arith.constant 96 : index
        %parallel_loop3A_629 = tpu.vector_load %arg9[%parallel_loop3A_626, %parallel_loop3A_627, %parallel_loop3A_628] {strides = array<i32>} : memref<3x128x128xf32, #tpu.memory_space<vmem>>, vector<16xf32>,
        tpu.vector_store %arg9[%parallel_loop3A_626, %parallel_loop3A_627, %parallel_loop3A_628], %parallel_loop3A_624 {strides = array<i32>} : memref<3x128x128xf32, #tpu.memory_space<vmem>>, vector<16xf32>,
        %parallel_loop3A_630 = tpu.vector_load_idx %arg7[%parallel_loop3A_545, %add3A_97] : memref<128x128xf32, #tpu.memory_space<vmem>>[vector<16xi32>, vector<16xi32>], vector<16xf32>,
        %parallel_loop3A_631 = arith.constant 0 : i32
        %parallel_loop3A_632 = arith.index_cast %parallel_loop3A_631 : i32 to index
        %parallel_loop3A_633 = arith.index_cast %parallel_loop3A_524 : i32 to index
        %parallel_loop3A_634 = arith.constant 112 : index
        %parallel_loop3A_635 = tpu.vector_load %arg8[%parallel_loop3A_632, %parallel_loop3A_633, %parallel_loop3A_634] {strides = array<i32>} : memref<3x128x128xf32, #tpu.memory_space<vmem>>, vector<16xf32>,
        %parallel_loop3A_636 = arith.subf %parallel_loop3A_635, %parallel_loop3A_630 : vector<16xf32>
        %parallel_loop3A_637 = arith.constant 0 : i32
        %parallel_loop3A_638 = arith.index_cast %parallel_loop3A_637 : i32 to index
        %parallel_loop3A_639 = arith.index_cast %parallel_loop3A_524 : i32 to index
        %parallel_loop3A_640 = arith.constant 112 : index
        %parallel_loop3A_641 = tpu.vector_load %arg9[%parallel_loop3A_638, %parallel_loop3A_639, %parallel_loop3A_640] {strides = array<i32>} : memref<3x128x128xf32, #tpu.memory_space<vmem>>, vector<16xf32>,
        tpu.vector_store %arg9[%parallel_loop3A_638, %parallel_loop3A_639, %parallel_loop3A_640], %parallel_loop3A_636 {strides = array<i32>} : memref<3x128x128xf32, #tpu.memory_space<vmem>>, vector<16xf32>,
      } {sc.loop_unroll_factor = 1 : i64, sc.parallel_access}
      %dma_start3A_266 = arith.constant 0 : i32
      %dma_start3A_267 = arith.constant 0 : i32
      %dma_start3A_268 = arith.constant 0 : i32
      %dma_start3A_269 = tpu.memref_slice %arg9[%dma_start3A_266, %dma_start3A_267, %dma_start3A_268] : memref<3x128x128xf32, #tpu.memory_space<vmem>> -> memref<1x128x128xf32, #tpu.memory_space<vmem>>
      %dma_start3A_270 = tpu.memref_squeeze %dma_start3A_269 : memref<1x128x128xf32, #tpu.memory_space<vmem>> -> memref<128x128xf32, #tpu.memory_space<vmem>>
      %dma_start3A_271 = arith.constant 0 : i32
      %dma_start3A_272 = tpu.memref_slice %arg5[%add3A_236, %dma_start3A_271] : memref<32768x128xf32, #tpu.memory_space<hbm>> -> memref<128x128xf32, #tpu.memory_space<hbm>>
      %dma_start3A_273 = arith.constant 0 : i32
      %dma_start3A_274 = tpu.memref_slice %arg5[%add3A_236, %dma_start3A_273] : memref<32768x128xf32, #tpu.memory_space<hbm>> -> memref<128x128xf32, #tpu.memory_space<hbm>>
      %dma_start3A_275 = arith.constant 0 : i32
      %dma_start3A_276 = arith.constant 0 : i32
      %dma_start3A_277 = tpu.memref_slice %arg9[%dma_start3A_266, %dma_start3A_275, %dma_start3A_276] : memref<3x128x128xf32, #tpu.memory_space<vmem>> -> memref<1x128x128xf32, #tpu.memory_space<vmem>>
      %dma_start3A_278 = tpu.memref_squeeze %dma_start3A_277 : memref<1x128x128xf32, #tpu.memory_space<vmem>> -> memref<128x128xf32, #tpu.memory_space<vmem>>
      tpu.enqueue_dma source(%dma_start3A_278 : memref<128x128xf32, #tpu.memory_space<vmem>>) target(%dma_start3A_274 : memref<128x128xf32, #tpu.memory_space<hbm>>) target_semaphore(%arg13 : memref<!tpu.dma_semaphore, #tpu.memory_space<semaphore_mem>>)
      %add3A_279 = arith.constant 768 : i32
      %add3A_280 = arith.addi %mul3A_2, %add3A_279 : i32
      %dma_start3A_281 = arith.constant 0 : i32
      %dma_start3A_282 = arith.constant 0 : i32
      %dma_start3A_283 = arith.constant 0 : i32
      %dma_start3A_284 = tpu.memref_slice %arg8[%dma_start3A_281, %dma_start3A_282, %dma_start3A_283] : memref<3x128x128xf32, #tpu.memory_space<vmem>> -> memref<1x128x128xf32, #tpu.memory_space<vmem>>
      %dma_start3A_285 = tpu.memref_squeeze %dma_start3A_284 : memref<1x128x128xf32, #tpu.memory_space<vmem>> -> memref<128x128xf32, #tpu.memory_space<vmem>>
      %dma_start3A_286 = arith.constant 0 : i32
      %dma_start3A_287 = tpu.memref_slice %arg2[%add3A_280, %dma_start3A_286] : memref<32768x128xf32, #tpu.memory_space<hbm>> -> memref<128x128xf32, #tpu.memory_space<hbm>>
      %dma_start3A_288 = arith.constant 0 : i32
      %dma_start3A_289 = arith.constant 0 : i32
      %dma_start3A_290 = tpu.memref_slice %arg8[%dma_start3A_281, %dma_start3A_288, %dma_start3A_289] : memref<3x128x128xf32, #tpu.memory_space<vmem>> -> memref<1x128x128xf32, #tpu.memory_space<vmem>>
      %dma_start3A_291 = tpu.memref_squeeze %dma_start3A_290 : memref<1x128x128xf32, #tpu.memory_space<vmem>> -> memref<128x128xf32, #tpu.memory_space<vmem>>
      %dma_start3A_292 = arith.constant 0 : i32
      %dma_start3A_293 = tpu.memref_slice %arg2[%add3A_280, %dma_start3A_292] : memref<32768x128xf32, #tpu.memory_space<hbm>> -> memref<128x128xf32, #tpu.memory_space<hbm>>
      tpu.enqueue_dma source(%dma_start3A_293 : memref<128x128xf32, #tpu.memory_space<hbm>>) target(%dma_start3A_291 : memref<128x128xf32, #tpu.memory_space<vmem>>) target_semaphore(%arg11 : memref<!tpu.dma_semaphore, #tpu.memory_space<semaphore_mem>>)
      %add3A_294 = arith.constant 512 : i32
      %add3A_295 = arith.addi %mul3A_2, %add3A_294 : i32
      %dma_wait3A_296 = arith.constant 1 : i32
      %dma_wait3A_297 = arith.constant 0 : i32
      %dma_wait3A_298 = arith.constant 0 : i32
      %dma_wait3A_299 = tpu.memref_slice %arg8[%dma_wait3A_296, %dma_wait3A_297, %dma_wait3A_298] : memref<3x128x128xf32, #tpu.memory_space<vmem>> -> memref<1x128x128xf32, #tpu.memory_space<vmem>>
      %dma_wait3A_300 = tpu.memref_squeeze %dma_wait3A_299 : memref<1x128x128xf32, #tpu.memory_space<vmem>> -> memref<128x128xf32, #tpu.memory_space<vmem>>
      %dma_wait3A_301 = arith.constant 0 : i32
      %dma_wait3A_302 = tpu.memref_slice %arg2[%add3A_295, %dma_wait3A_301] : memref<32768x128xf32, #tpu.memory_space<hbm>> -> memref<128x128xf32, #tpu.memory_space<hbm>>
      %dma_wait3A_303 = arith.constant 0 : i32
      %dma_wait3A_304 = arith.constant 0 : i32
      %dma_wait3A_305 = tpu.memref_slice %arg8[%dma_wait3A_296, %dma_wait3A_303, %dma_wait3A_304] : memref<3x128x128xf32, #tpu.memory_space<vmem>> -> memref<1x128x128xf32, #tpu.memory_space<vmem>>
      %dma_wait3A_306 = tpu.memref_squeeze %dma_wait3A_305 : memref<1x128x128xf32, #tpu.memory_space<vmem>> -> memref<128x128xf32, #tpu.memory_space<vmem>>
      %dma_wait3A_307 = arith.constant 0 : i32
      %dma_wait3A_308 = tpu.memref_slice %arg2[%add3A_295, %dma_wait3A_307] : memref<32768x128xf32, #tpu.memory_space<hbm>> -> memref<128x128xf32, #tpu.memory_space<hbm>>
      tpu.wait_dma2 semaphore(%arg11 : memref<!tpu.dma_semaphore, #tpu.memory_space<semaphore_mem>>) src(%dma_wait3A_308 : memref<128x128xf32, #tpu.memory_space<hbm>>) dst(%dma_wait3A_306 : memref<128x128xf32, #tpu.memory_space<vmem>>)
      %dma_wait3A_309 = arith.constant 1 : i32
      %dma_wait3A_310 = arith.constant 0 : i32
      %dma_wait3A_311 = arith.constant 0 : i32
      %dma_wait3A_312 = tpu.memref_slice %arg9[%dma_wait3A_309, %dma_wait3A_310, %dma_wait3A_311] : memref<3x128x128xf32, #tpu.memory_space<vmem>> -> memref<1x128x128xf32, #tpu.memory_space<vmem>>
      %dma_wait3A_313 = tpu.memref_squeeze %dma_wait3A_312 : memref<1x128x128xf32, #tpu.memory_space<vmem>> -> memref<128x128xf32, #tpu.memory_space<vmem>>
      %dma_wait3A_314 = arith.constant 0 : i32
      %dma_wait3A_315 = tpu.memref_slice %arg5[%add3A_144, %dma_wait3A_314] : memref<32768x128xf32, #tpu.memory_space<hbm>> -> memref<128x128xf32, #tpu.memory_space<hbm>>
      %dma_wait3A_316 = arith.constant 0 : i32
      %dma_wait3A_317 = tpu.memref_slice %arg5[%add3A_144, %dma_wait3A_316] : memref<32768x128xf32, #tpu.memory_space<hbm>> -> memref<128x128xf32, #tpu.memory_space<hbm>>
      %dma_wait3A_318 = arith.constant 0 : i32
      %dma_wait3A_319 = arith.constant 0 : i32
      %dma_wait3A_320 = tpu.memref_slice %arg9[%dma_wait3A_309, %dma_wait3A_318, %dma_wait3A_319] : memref<3x128x128xf32, #tpu.memory_space<vmem>> -> memref<1x128x128xf32, #tpu.memory_space<vmem>>
      %dma_wait3A_321 = tpu.memref_squeeze %dma_wait3A_320 : memref<1x128x128xf32, #tpu.memory_space<vmem>> -> memref<128x128xf32, #tpu.memory_space<vmem>>
      tpu.wait_dma2 semaphore(%arg13 : memref<!tpu.dma_semaphore, #tpu.memory_space<semaphore_mem>>) src(%dma_wait3A_321 : memref<128x128xf32, #tpu.memory_space<vmem>>) dst(%dma_wait3A_317 : memref<128x128xf32, #tpu.memory_space<hbm>>)
      %parallel_loop3A_322 = arith.constant 0 : i32
      %parallel_loop3A_323 = arith.constant 128 : i32
      %parallel_loop3A_324 = arith.constant 1 : i32
      scf.for %parallel_loop3A_524 = %parallel_loop3A_322 to %parallel_loop3A_323 step %parallel_loop3A_324  : i32 {
        %parallel_loop3A_525 = arith.constant -16 : i32
        %parallel_loop3A_526 = arith.andi %parallel_loop3A_524, %parallel_loop3A_525 : i32
        %parallel_loop3A_527 = arith.constant 4 : i32
        %parallel_loop3A_528 = arith.index_cast %parallel_loop3A_527 : i32 to index
        %parallel_loop3A_529 = arith.index_cast %parallel_loop3A_526 : i32 to index
        %parallel_loop3A_530 = tpu.vector_load %arg6[%parallel_loop3A_528, %parallel_loop3A_529] {strides = array<i32>} : memref<8x128xi32, #tpu.memory_space<vmem>>, vector<16xi32>,
        %parallel_loop3A_531 = vector.broadcast %multiple_of3A : i32 to vector<16xi32>
        %parallel_loop3A_532 = arith.subi %parallel_loop3A_530, %parallel_loop3A_531 : vector<16xi32>
        %parallel_loop3A_533 = arith.constant 15 : i32
        %parallel_loop3A_534 = arith.andi %parallel_loop3A_524, %parallel_loop3A_533 : i32
        %parallel_loop3A_535 = vector.broadcast %parallel_loop3A_534 : i32 to vector<16xi32>
        %parallel_loop3A_536 = arith.constant 0 : i32
        %parallel_loop3A_537 = vector.broadcast %parallel_loop3A_536 : i32 to vector<16xi32>
        %parallel_loop3A_538 = arith.cmpi slt, %parallel_loop3A_535, %parallel_loop3A_537 : vector<16xi32>
        %parallel_loop3A_539 = arith.constant 16 : i32
        %parallel_loop3A_540 = vector.broadcast %parallel_loop3A_539 : i32 to vector<16xi32>
        %parallel_loop3A_541 = arith.addi %parallel_loop3A_535, %parallel_loop3A_540 : vector<16xi32>
        %parallel_loop3A_542 = arith.select %parallel_loop3A_538, %parallel_loop3A_541, %parallel_loop3A_535 : vector<16xi1>, vector<16xi32>
        %parallel_loop3A_543 = vector.shape_cast %parallel_loop3A_542 : vector<16xi32> to vector<16x1xi32>
        %parallel_loop3A_544 = vector.shape_cast %parallel_loop3A_543 : vector<16x1xi32> to vector<16xi32>
        %parallel_loop3A_545 = tpu.dynamic_gather %parallel_loop3A_532[%parallel_loop3A_544] in [0] : vector<16xi32>, vector<16xi32> -> vector<16xi32>
        %parallel_loop3A_546 = tpu.vector_load_idx %arg7[%parallel_loop3A_545, %add3A_76] : memref<128x128xf32, #tpu.memory_space<vmem>>[vector<16xi32>, vector<16xi32>], vector<16xf32>,
        %parallel_loop3A_547 = arith.constant 1 : i32
        %parallel_loop3A_548 = arith.index_cast %parallel_loop3A_547 : i32 to index
        %parallel_loop3A_549 = arith.index_cast %parallel_loop3A_524 : i32 to index
        %parallel_loop3A_550 = arith.constant 0 : index
        %parallel_loop3A_551 = tpu.vector_load %arg8[%parallel_loop3A_548, %parallel_loop3A_549, %parallel_loop3A_550] {strides = array<i32>} : memref<3x128x128xf32, #tpu.memory_space<vmem>>, vector<16xf32>,
        %parallel_loop3A_552 = arith.subf %parallel_loop3A_551, %parallel_loop3A_546 : vector<16xf32>
        %parallel_loop3A_553 = arith.constant 1 : i32
        %parallel_loop3A_554 = arith.index_cast %parallel_loop3A_553 : i32 to index
        %parallel_loop3A_555 = arith.index_cast %parallel_loop3A_524 : i32 to index
        %parallel_loop3A_556 = arith.constant 0 : index
        %parallel_loop3A_557 = tpu.vector_load %arg9[%parallel_loop3A_554, %parallel_loop3A_555, %parallel_loop3A_556] {strides = array<i32>} : memref<3x128x128xf32, #tpu.memory_space<vmem>>, vector<16xf32>,
        tpu.vector_store %arg9[%parallel_loop3A_554, %parallel_loop3A_555, %parallel_loop3A_556], %parallel_loop3A_552 {strides = array<i32>} : memref<3x128x128xf32, #tpu.memory_space<vmem>>, vector<16xf32>,
        %parallel_loop3A_558 = tpu.vector_load_idx %arg7[%parallel_loop3A_545, %add3A_79] : memref<128x128xf32, #tpu.memory_space<vmem>>[vector<16xi32>, vector<16xi32>], vector<16xf32>,
        %parallel_loop3A_559 = arith.constant 1 : i32
        %parallel_loop3A_560 = arith.index_cast %parallel_loop3A_559 : i32 to index
        %parallel_loop3A_561 = arith.index_cast %parallel_loop3A_524 : i32 to index
        %parallel_loop3A_562 = arith.constant 16 : index
        %parallel_loop3A_563 = tpu.vector_load %arg8[%parallel_loop3A_560, %parallel_loop3A_561, %parallel_loop3A_562] {strides = array<i32>} : memref<3x128x128xf32, #tpu.memory_space<vmem>>, vector<16xf32>,
        %parallel_loop3A_564 = arith.subf %parallel_loop3A_563, %parallel_loop3A_558 : vector<16xf32>
        %parallel_loop3A_565 = arith.constant 1 : i32
        %parallel_loop3A_566 = arith.index_cast %parallel_loop3A_565 : i32 to index
        %parallel_loop3A_567 = arith.index_cast %parallel_loop3A_524 : i32 to index
        %parallel_loop3A_568 = arith.constant 16 : index
        %parallel_loop3A_569 = tpu.vector_load %arg9[%parallel_loop3A_566, %parallel_loop3A_567, %parallel_loop3A_568] {strides = array<i32>} : memref<3x128x128xf32, #tpu.memory_space<vmem>>, vector<16xf32>,
        tpu.vector_store %arg9[%parallel_loop3A_566, %parallel_loop3A_567, %parallel_loop3A_568], %parallel_loop3A_564 {strides = array<i32>} : memref<3x128x128xf32, #tpu.memory_space<vmem>>, vector<16xf32>,
        %parallel_loop3A_570 = tpu.vector_load_idx %arg7[%parallel_loop3A_545, %add3A_82] : memref<128x128xf32, #tpu.memory_space<vmem>>[vector<16xi32>, vector<16xi32>], vector<16xf32>,
        %parallel_loop3A_571 = arith.constant 1 : i32
        %parallel_loop3A_572 = arith.index_cast %parallel_loop3A_571 : i32 to index
        %parallel_loop3A_573 = arith.index_cast %parallel_loop3A_524 : i32 to index
        %parallel_loop3A_574 = arith.constant 32 : index
        %parallel_loop3A_575 = tpu.vector_load %arg8[%parallel_loop3A_572, %parallel_loop3A_573, %parallel_loop3A_574] {strides = array<i32>} : memref<3x128x128xf32, #tpu.memory_space<vmem>>, vector<16xf32>,
        %parallel_loop3A_576 = arith.subf %parallel_loop3A_575, %parallel_loop3A_570 : vector<16xf32>
        %parallel_loop3A_577 = arith.constant 1 : i32
        %parallel_loop3A_578 = arith.index_cast %parallel_loop3A_577 : i32 to index
        %parallel_loop3A_579 = arith.index_cast %parallel_loop3A_524 : i32 to index
        %parallel_loop3A_580 = arith.constant 32 : index
        %parallel_loop3A_581 = tpu.vector_load %arg9[%parallel_loop3A_578, %parallel_loop3A_579, %parallel_loop3A_580] {strides = array<i32>} : memref<3x128x128xf32, #tpu.memory_space<vmem>>, vector<16xf32>,
        tpu.vector_store %arg9[%parallel_loop3A_578, %parallel_loop3A_579, %parallel_loop3A_580], %parallel_loop3A_576 {strides = array<i32>} : memref<3x128x128xf32, #tpu.memory_space<vmem>>, vector<16xf32>,
        %parallel_loop3A_582 = tpu.vector_load_idx %arg7[%parallel_loop3A_545, %add3A_85] : memref<128x128xf32, #tpu.memory_space<vmem>>[vector<16xi32>, vector<16xi32>], vector<16xf32>,
        %parallel_loop3A_583 = arith.constant 1 : i32
        %parallel_loop3A_584 = arith.index_cast %parallel_loop3A_583 : i32 to index
        %parallel_loop3A_585 = arith.index_cast %parallel_loop3A_524 : i32 to index
        %parallel_loop3A_586 = arith.constant 48 : index
        %parallel_loop3A_587 = tpu.vector_load %arg8[%parallel_loop3A_584, %parallel_loop3A_585, %parallel_loop3A_586] {strides = array<i32>} : memref<3x128x128xf32, #tpu.memory_space<vmem>>, vector<16xf32>,
        %parallel_loop3A_588 = arith.subf %parallel_loop3A_587, %parallel_loop3A_582 : vector<16xf32>
        %parallel_loop3A_589 = arith.constant 1 : i32
        %parallel_loop3A_590 = arith.index_cast %parallel_loop3A_589 : i32 to index
        %parallel_loop3A_591 = arith.index_cast %parallel_loop3A_524 : i32 to index
        %parallel_loop3A_592 = arith.constant 48 : index
        %parallel_loop3A_593 = tpu.vector_load %arg9[%parallel_loop3A_590, %parallel_loop3A_591, %parallel_loop3A_592] {strides = array<i32>} : memref<3x128x128xf32, #tpu.memory_space<vmem>>, vector<16xf32>,
        tpu.vector_store %arg9[%parallel_loop3A_590, %parallel_loop3A_591, %parallel_loop3A_592], %parallel_loop3A_588 {strides = array<i32>} : memref<3x128x128xf32, #tpu.memory_space<vmem>>, vector<16xf32>,
        %parallel_loop3A_594 = tpu.vector_load_idx %arg7[%parallel_loop3A_545, %add3A_88] : memref<128x128xf32, #tpu.memory_space<vmem>>[vector<16xi32>, vector<16xi32>], vector<16xf32>,
        %parallel_loop3A_595 = arith.constant 1 : i32
        %parallel_loop3A_596 = arith.index_cast %parallel_loop3A_595 : i32 to index
        %parallel_loop3A_597 = arith.index_cast %parallel_loop3A_524 : i32 to index
        %parallel_loop3A_598 = arith.constant 64 : index
        %parallel_loop3A_599 = tpu.vector_load %arg8[%parallel_loop3A_596, %parallel_loop3A_597, %parallel_loop3A_598] {strides = array<i32>} : memref<3x128x128xf32, #tpu.memory_space<vmem>>, vector<16xf32>,
        %parallel_loop3A_600 = arith.subf %parallel_loop3A_599, %parallel_loop3A_594 : vector<16xf32>
        %parallel_loop3A_601 = arith.constant 1 : i32
        %parallel_loop3A_602 = arith.index_cast %parallel_loop3A_601 : i32 to index
        %parallel_loop3A_603 = arith.index_cast %parallel_loop3A_524 : i32 to index
        %parallel_loop3A_604 = arith.constant 64 : index
        %parallel_loop3A_605 = tpu.vector_load %arg9[%parallel_loop3A_602, %parallel_loop3A_603, %parallel_loop3A_604] {strides = array<i32>} : memref<3x128x128xf32, #tpu.memory_space<vmem>>, vector<16xf32>,
        tpu.vector_store %arg9[%parallel_loop3A_602, %parallel_loop3A_603, %parallel_loop3A_604], %parallel_loop3A_600 {strides = array<i32>} : memref<3x128x128xf32, #tpu.memory_space<vmem>>, vector<16xf32>,
        %parallel_loop3A_606 = tpu.vector_load_idx %arg7[%parallel_loop3A_545, %add3A_91] : memref<128x128xf32, #tpu.memory_space<vmem>>[vector<16xi32>, vector<16xi32>], vector<16xf32>,
        %parallel_loop3A_607 = arith.constant 1 : i32
        %parallel_loop3A_608 = arith.index_cast %parallel_loop3A_607 : i32 to index
        %parallel_loop3A_609 = arith.index_cast %parallel_loop3A_524 : i32 to index
        %parallel_loop3A_610 = arith.constant 80 : index
        %parallel_loop3A_611 = tpu.vector_load %arg8[%parallel_loop3A_608, %parallel_loop3A_609, %parallel_loop3A_610] {strides = array<i32>} : memref<3x128x128xf32, #tpu.memory_space<vmem>>, vector<16xf32>,
        %parallel_loop3A_612 = arith.subf %parallel_loop3A_611, %parallel_loop3A_606 : vector<16xf32>
        %parallel_loop3A_613 = arith.constant 1 : i32
        %parallel_loop3A_614 = arith.index_cast %parallel_loop3A_613 : i32 to index
        %parallel_loop3A_615 = arith.index_cast %parallel_loop3A_524 : i32 to index
        %parallel_loop3A_616 = arith.constant 80 : index
        %parallel_loop3A_617 = tpu.vector_load %arg9[%parallel_loop3A_614, %parallel_loop3A_615, %parallel_loop3A_616] {strides = array<i32>} : memref<3x128x128xf32, #tpu.memory_space<vmem>>, vector<16xf32>,
        tpu.vector_store %arg9[%parallel_loop3A_614, %parallel_loop3A_615, %parallel_loop3A_616], %parallel_loop3A_612 {strides = array<i32>} : memref<3x128x128xf32, #tpu.memory_space<vmem>>, vector<16xf32>,
        %parallel_loop3A_618 = tpu.vector_load_idx %arg7[%parallel_loop3A_545, %add3A_94] : memref<128x128xf32, #tpu.memory_space<vmem>>[vector<16xi32>, vector<16xi32>], vector<16xf32>,
        %parallel_loop3A_619 = arith.constant 1 : i32
        %parallel_loop3A_620 = arith.index_cast %parallel_loop3A_619 : i32 to index
        %parallel_loop3A_621 = arith.index_cast %parallel_loop3A_524 : i32 to index
        %parallel_loop3A_622 = arith.constant 96 : index
        %parallel_loop3A_623 = tpu.vector_load %arg8[%parallel_loop3A_620, %parallel_loop3A_621, %parallel_loop3A_622] {strides = array<i32>} : memref<3x128x128xf32, #tpu.memory_space<vmem>>, vector<16xf32>,
        %parallel_loop3A_624 = arith.subf %parallel_loop3A_623, %parallel_loop3A_618 : vector<16xf32>
        %parallel_loop3A_625 = arith.constant 1 : i32
        %parallel_loop3A_626 = arith.index_cast %parallel_loop3A_625 : i32 to index
        %parallel_loop3A_627 = arith.index_cast %parallel_loop3A_524 : i32 to index
        %parallel_loop3A_628 = arith.constant 96 : index
        %parallel_loop3A_629 = tpu.vector_load %arg9[%parallel_loop3A_626, %parallel_loop3A_627, %parallel_loop3A_628] {strides = array<i32>} : memref<3x128x128xf32, #tpu.memory_space<vmem>>, vector<16xf32>,
        tpu.vector_store %arg9[%parallel_loop3A_626, %parallel_loop3A_627, %parallel_loop3A_628], %parallel_loop3A_624 {strides = array<i32>} : memref<3x128x128xf32, #tpu.memory_space<vmem>>, vector<16xf32>,
        %parallel_loop3A_630 = tpu.vector_load_idx %arg7[%parallel_loop3A_545, %add3A_97] : memref<128x128xf32, #tpu.memory_space<vmem>>[vector<16xi32>, vector<16xi32>], vector<16xf32>,
        %parallel_loop3A_631 = arith.constant 1 : i32
        %parallel_loop3A_632 = arith.index_cast %parallel_loop3A_631 : i32 to index
        %parallel_loop3A_633 = arith.index_cast %parallel_loop3A_524 : i32 to index
        %parallel_loop3A_634 = arith.constant 112 : index
        %parallel_loop3A_635 = tpu.vector_load %arg8[%parallel_loop3A_632, %parallel_loop3A_633, %parallel_loop3A_634] {strides = array<i32>} : memref<3x128x128xf32, #tpu.memory_space<vmem>>, vector<16xf32>,
        %parallel_loop3A_636 = arith.subf %parallel_loop3A_635, %parallel_loop3A_630 : vector<16xf32>
        %parallel_loop3A_637 = arith.constant 1 : i32
        %parallel_loop3A_638 = arith.index_cast %parallel_loop3A_637 : i32 to index
        %parallel_loop3A_639 = arith.index_cast %parallel_loop3A_524 : i32 to index
        %parallel_loop3A_640 = arith.constant 112 : index
        %parallel_loop3A_641 = tpu.vector_load %arg9[%parallel_loop3A_638, %parallel_loop3A_639, %parallel_loop3A_640] {strides = array<i32>} : memref<3x128x128xf32, #tpu.memory_space<vmem>>, vector<16xf32>,
        tpu.vector_store %arg9[%parallel_loop3A_638, %parallel_loop3A_639, %parallel_loop3A_640], %parallel_loop3A_636 {strides = array<i32>} : memref<3x128x128xf32, #tpu.memory_space<vmem>>, vector<16xf32>,
      } {sc.loop_unroll_factor = 1 : i64, sc.parallel_access}
      %dma_start3A_325 = arith.constant 1 : i32
      %dma_start3A_326 = arith.constant 0 : i32
      %dma_start3A_327 = arith.constant 0 : i32
      %dma_start3A_328 = tpu.memref_slice %arg9[%dma_start3A_325, %dma_start3A_326, %dma_start3A_327] : memref<3x128x128xf32, #tpu.memory_space<vmem>> -> memref<1x128x128xf32, #tpu.memory_space<vmem>>
      %dma_start3A_329 = tpu.memref_squeeze %dma_start3A_328 : memref<1x128x128xf32, #tpu.memory_space<vmem>> -> memref<128x128xf32, #tpu.memory_space<vmem>>
      %dma_start3A_330 = arith.constant 0 : i32
      %dma_start3A_331 = tpu.memref_slice %arg5[%add3A_295, %dma_start3A_330] : memref<32768x128xf32, #tpu.memory_space<hbm>> -> memref<128x128xf32, #tpu.memory_space<hbm>>
      %dma_start3A_332 = arith.constant 0 : i32
      %dma_start3A_333 = tpu.memref_slice %arg5[%add3A_295, %dma_start3A_332] : memref<32768x128xf32, #tpu.memory_space<hbm>> -> memref<128x128xf32, #tpu.memory_space<hbm>>
      %dma_start3A_334 = arith.constant 0 : i32
      %dma_start3A_335 = arith.constant 0 : i32
      %dma_start3A_336 = tpu.memref_slice %arg9[%dma_start3A_325, %dma_start3A_334, %dma_start3A_335] : memref<3x128x128xf32, #tpu.memory_space<vmem>> -> memref<1x128x128xf32, #tpu.memory_space<vmem>>
      %dma_start3A_337 = tpu.memref_squeeze %dma_start3A_336 : memref<1x128x128xf32, #tpu.memory_space<vmem>> -> memref<128x128xf32, #tpu.memory_space<vmem>>
      tpu.enqueue_dma source(%dma_start3A_337 : memref<128x128xf32, #tpu.memory_space<vmem>>) target(%dma_start3A_333 : memref<128x128xf32, #tpu.memory_space<hbm>>) target_semaphore(%arg13 : memref<!tpu.dma_semaphore, #tpu.memory_space<semaphore_mem>>)
      %add3A_338 = arith.constant 896 : i32
      %add3A_339 = arith.addi %mul3A_2, %add3A_338 : i32
      %dma_start3A_340 = arith.constant 1 : i32
      %dma_start3A_341 = arith.constant 0 : i32
      %dma_start3A_342 = arith.constant 0 : i32
      %dma_start3A_343 = tpu.memref_slice %arg8[%dma_start3A_340, %dma_start3A_341, %dma_start3A_342] : memref<3x128x128xf32, #tpu.memory_space<vmem>> -> memref<1x128x128xf32, #tpu.memory_space<vmem>>
      %dma_start3A_344 = tpu.memref_squeeze %dma_start3A_343 : memref<1x128x128xf32, #tpu.memory_space<vmem>> -> memref<128x128xf32, #tpu.memory_space<vmem>>
      %dma_start3A_345 = arith.constant 0 : i32
      %dma_start3A_346 = tpu.memref_slice %arg2[%add3A_339, %dma_start3A_345] : memref<32768x128xf32, #tpu.memory_space<hbm>> -> memref<128x128xf32, #tpu.memory_space<hbm>>
      %dma_start3A_347 = arith.constant 0 : i32
      %dma_start3A_348 = arith.constant 0 : i32
      %dma_start3A_349 = tpu.memref_slice %arg8[%dma_start3A_340, %dma_start3A_347, %dma_start3A_348] : memref<3x128x128xf32, #tpu.memory_space<vmem>> -> memref<1x128x128xf32, #tpu.memory_space<vmem>>
      %dma_start3A_350 = tpu.memref_squeeze %dma_start3A_349 : memref<1x128x128xf32, #tpu.memory_space<vmem>> -> memref<128x128xf32, #tpu.memory_space<vmem>>
      %dma_start3A_351 = arith.constant 0 : i32
      %dma_start3A_352 = tpu.memref_slice %arg2[%add3A_339, %dma_start3A_351] : memref<32768x128xf32, #tpu.memory_space<hbm>> -> memref<128x128xf32, #tpu.memory_space<hbm>>
      tpu.enqueue_dma source(%dma_start3A_352 : memref<128x128xf32, #tpu.memory_space<hbm>>) target(%dma_start3A_350 : memref<128x128xf32, #tpu.memory_space<vmem>>) target_semaphore(%arg11 : memref<!tpu.dma_semaphore, #tpu.memory_space<semaphore_mem>>)
      %add3A_353 = arith.constant 640 : i32
      %add3A_354 = arith.addi %mul3A_2, %add3A_353 : i32
      %dma_wait3A_355 = arith.constant 2 : i32
      %dma_wait3A_356 = arith.constant 0 : i32
      %dma_wait3A_357 = arith.constant 0 : i32
      %dma_wait3A_358 = tpu.memref_slice %arg8[%dma_wait3A_355, %dma_wait3A_356, %dma_wait3A_357] : memref<3x128x128xf32, #tpu.memory_space<vmem>> -> memref<1x128x128xf32, #tpu.memory_space<vmem>>
      %dma_wait3A_359 = tpu.memref_squeeze %dma_wait3A_358 : memref<1x128x128xf32, #tpu.memory_space<vmem>> -> memref<128x128xf32, #tpu.memory_space<vmem>>
      %dma_wait3A_360 = arith.constant 0 : i32
      %dma_wait3A_361 = tpu.memref_slice %arg2[%add3A_354, %dma_wait3A_360] : memref<32768x128xf32, #tpu.memory_space<hbm>> -> memref<128x128xf32, #tpu.memory_space<hbm>>
      %dma_wait3A_362 = arith.constant 0 : i32
      %dma_wait3A_363 = arith.constant 0 : i32
      %dma_wait3A_364 = tpu.memref_slice %arg8[%dma_wait3A_355, %dma_wait3A_362, %dma_wait3A_363] : memref<3x128x128xf32, #tpu.memory_space<vmem>> -> memref<1x128x128xf32, #tpu.memory_space<vmem>>
      %dma_wait3A_365 = tpu.memref_squeeze %dma_wait3A_364 : memref<1x128x128xf32, #tpu.memory_space<vmem>> -> memref<128x128xf32, #tpu.memory_space<vmem>>
      %dma_wait3A_366 = arith.constant 0 : i32
      %dma_wait3A_367 = tpu.memref_slice %arg2[%add3A_354, %dma_wait3A_366] : memref<32768x128xf32, #tpu.memory_space<hbm>> -> memref<128x128xf32, #tpu.memory_space<hbm>>
      tpu.wait_dma2 semaphore(%arg11 : memref<!tpu.dma_semaphore, #tpu.memory_space<semaphore_mem>>) src(%dma_wait3A_367 : memref<128x128xf32, #tpu.memory_space<hbm>>) dst(%dma_wait3A_365 : memref<128x128xf32, #tpu.memory_space<vmem>>)
      %dma_wait3A_368 = arith.constant 2 : i32
      %dma_wait3A_369 = arith.constant 0 : i32
      %dma_wait3A_370 = arith.constant 0 : i32
      %dma_wait3A_371 = tpu.memref_slice %arg9[%dma_wait3A_368, %dma_wait3A_369, %dma_wait3A_370] : memref<3x128x128xf32, #tpu.memory_space<vmem>> -> memref<1x128x128xf32, #tpu.memory_space<vmem>>
      %dma_wait3A_372 = tpu.memref_squeeze %dma_wait3A_371 : memref<1x128x128xf32, #tpu.memory_space<vmem>> -> memref<128x128xf32, #tpu.memory_space<vmem>>
      %dma_wait3A_373 = arith.constant 0 : i32
      %dma_wait3A_374 = tpu.memref_slice %arg5[%add3A_190, %dma_wait3A_373] : memref<32768x128xf32, #tpu.memory_space<hbm>> -> memref<128x128xf32, #tpu.memory_space<hbm>>
      %dma_wait3A_375 = arith.constant 0 : i32
      %dma_wait3A_376 = tpu.memref_slice %arg5[%add3A_190, %dma_wait3A_375] : memref<32768x128xf32, #tpu.memory_space<hbm>> -> memref<128x128xf32, #tpu.memory_space<hbm>>
      %dma_wait3A_377 = arith.constant 0 : i32
      %dma_wait3A_378 = arith.constant 0 : i32
      %dma_wait3A_379 = tpu.memref_slice %arg9[%dma_wait3A_368, %dma_wait3A_377, %dma_wait3A_378] : memref<3x128x128xf32, #tpu.memory_space<vmem>> -> memref<1x128x128xf32, #tpu.memory_space<vmem>>
      %dma_wait3A_380 = tpu.memref_squeeze %dma_wait3A_379 : memref<1x128x128xf32, #tpu.memory_space<vmem>> -> memref<128x128xf32, #tpu.memory_space<vmem>>
      tpu.wait_dma2 semaphore(%arg13 : memref<!tpu.dma_semaphore, #tpu.memory_space<semaphore_mem>>) src(%dma_wait3A_380 : memref<128x128xf32, #tpu.memory_space<vmem>>) dst(%dma_wait3A_376 : memref<128x128xf32, #tpu.memory_space<hbm>>)
      %parallel_loop3A_381 = arith.constant 0 : i32
      %parallel_loop3A_382 = arith.constant 128 : i32
      %parallel_loop3A_383 = arith.constant 1 : i32
      scf.for %parallel_loop3A_524 = %parallel_loop3A_381 to %parallel_loop3A_382 step %parallel_loop3A_383  : i32 {
        %parallel_loop3A_525 = arith.constant -16 : i32
        %parallel_loop3A_526 = arith.andi %parallel_loop3A_524, %parallel_loop3A_525 : i32
        %parallel_loop3A_527 = arith.constant 5 : i32
        %parallel_loop3A_528 = arith.index_cast %parallel_loop3A_527 : i32 to index
        %parallel_loop3A_529 = arith.index_cast %parallel_loop3A_526 : i32 to index
        %parallel_loop3A_530 = tpu.vector_load %arg6[%parallel_loop3A_528, %parallel_loop3A_529] {strides = array<i32>} : memref<8x128xi32, #tpu.memory_space<vmem>>, vector<16xi32>,
        %parallel_loop3A_531 = vector.broadcast %multiple_of3A : i32 to vector<16xi32>
        %parallel_loop3A_532 = arith.subi %parallel_loop3A_530, %parallel_loop3A_531 : vector<16xi32>
        %parallel_loop3A_533 = arith.constant 15 : i32
        %parallel_loop3A_534 = arith.andi %parallel_loop3A_524, %parallel_loop3A_533 : i32
        %parallel_loop3A_535 = vector.broadcast %parallel_loop3A_534 : i32 to vector<16xi32>
        %parallel_loop3A_536 = arith.constant 0 : i32
        %parallel_loop3A_537 = vector.broadcast %parallel_loop3A_536 : i32 to vector<16xi32>
        %parallel_loop3A_538 = arith.cmpi slt, %parallel_loop3A_535, %parallel_loop3A_537 : vector<16xi32>
        %parallel_loop3A_539 = arith.constant 16 : i32
        %parallel_loop3A_540 = vector.broadcast %parallel_loop3A_539 : i32 to vector<16xi32>
        %parallel_loop3A_541 = arith.addi %parallel_loop3A_535, %parallel_loop3A_540 : vector<16xi32>
        %parallel_loop3A_542 = arith.select %parallel_loop3A_538, %parallel_loop3A_541, %parallel_loop3A_535 : vector<16xi1>, vector<16xi32>
        %parallel_loop3A_543 = vector.shape_cast %parallel_loop3A_542 : vector<16xi32> to vector<16x1xi32>
        %parallel_loop3A_544 = vector.shape_cast %parallel_loop3A_543 : vector<16x1xi32> to vector<16xi32>
        %parallel_loop3A_545 = tpu.dynamic_gather %parallel_loop3A_532[%parallel_loop3A_544] in [0] : vector<16xi32>, vector<16xi32> -> vector<16xi32>
        %parallel_loop3A_546 = tpu.vector_load_idx %arg7[%parallel_loop3A_545, %add3A_76] : memref<128x128xf32, #tpu.memory_space<vmem>>[vector<16xi32>, vector<16xi32>], vector<16xf32>,
        %parallel_loop3A_547 = arith.constant 2 : i32
        %parallel_loop3A_548 = arith.index_cast %parallel_loop3A_547 : i32 to index
        %parallel_loop3A_549 = arith.index_cast %parallel_loop3A_524 : i32 to index
        %parallel_loop3A_550 = arith.constant 0 : index
        %parallel_loop3A_551 = tpu.vector_load %arg8[%parallel_loop3A_548, %parallel_loop3A_549, %parallel_loop3A_550] {strides = array<i32>} : memref<3x128x128xf32, #tpu.memory_space<vmem>>, vector<16xf32>,
        %parallel_loop3A_552 = arith.subf %parallel_loop3A_551, %parallel_loop3A_546 : vector<16xf32>
        %parallel_loop3A_553 = arith.constant 2 : i32
        %parallel_loop3A_554 = arith.index_cast %parallel_loop3A_553 : i32 to index
        %parallel_loop3A_555 = arith.index_cast %parallel_loop3A_524 : i32 to index
        %parallel_loop3A_556 = arith.constant 0 : index
        %parallel_loop3A_557 = tpu.vector_load %arg9[%parallel_loop3A_554, %parallel_loop3A_555, %parallel_loop3A_556] {strides = array<i32>} : memref<3x128x128xf32, #tpu.memory_space<vmem>>, vector<16xf32>,
        tpu.vector_store %arg9[%parallel_loop3A_554, %parallel_loop3A_555, %parallel_loop3A_556], %parallel_loop3A_552 {strides = array<i32>} : memref<3x128x128xf32, #tpu.memory_space<vmem>>, vector<16xf32>,
        %parallel_loop3A_558 = tpu.vector_load_idx %arg7[%parallel_loop3A_545, %add3A_79] : memref<128x128xf32, #tpu.memory_space<vmem>>[vector<16xi32>, vector<16xi32>], vector<16xf32>,
        %parallel_loop3A_559 = arith.constant 2 : i32
        %parallel_loop3A_560 = arith.index_cast %parallel_loop3A_559 : i32 to index
        %parallel_loop3A_561 = arith.index_cast %parallel_loop3A_524 : i32 to index
        %parallel_loop3A_562 = arith.constant 16 : index
        %parallel_loop3A_563 = tpu.vector_load %arg8[%parallel_loop3A_560, %parallel_loop3A_561, %parallel_loop3A_562] {strides = array<i32>} : memref<3x128x128xf32, #tpu.memory_space<vmem>>, vector<16xf32>,
        %parallel_loop3A_564 = arith.subf %parallel_loop3A_563, %parallel_loop3A_558 : vector<16xf32>
        %parallel_loop3A_565 = arith.constant 2 : i32
        %parallel_loop3A_566 = arith.index_cast %parallel_loop3A_565 : i32 to index
        %parallel_loop3A_567 = arith.index_cast %parallel_loop3A_524 : i32 to index
        %parallel_loop3A_568 = arith.constant 16 : index
        %parallel_loop3A_569 = tpu.vector_load %arg9[%parallel_loop3A_566, %parallel_loop3A_567, %parallel_loop3A_568] {strides = array<i32>} : memref<3x128x128xf32, #tpu.memory_space<vmem>>, vector<16xf32>,
        tpu.vector_store %arg9[%parallel_loop3A_566, %parallel_loop3A_567, %parallel_loop3A_568], %parallel_loop3A_564 {strides = array<i32>} : memref<3x128x128xf32, #tpu.memory_space<vmem>>, vector<16xf32>,
        %parallel_loop3A_570 = tpu.vector_load_idx %arg7[%parallel_loop3A_545, %add3A_82] : memref<128x128xf32, #tpu.memory_space<vmem>>[vector<16xi32>, vector<16xi32>], vector<16xf32>,
        %parallel_loop3A_571 = arith.constant 2 : i32
        %parallel_loop3A_572 = arith.index_cast %parallel_loop3A_571 : i32 to index
        %parallel_loop3A_573 = arith.index_cast %parallel_loop3A_524 : i32 to index
        %parallel_loop3A_574 = arith.constant 32 : index
        %parallel_loop3A_575 = tpu.vector_load %arg8[%parallel_loop3A_572, %parallel_loop3A_573, %parallel_loop3A_574] {strides = array<i32>} : memref<3x128x128xf32, #tpu.memory_space<vmem>>, vector<16xf32>,
        %parallel_loop3A_576 = arith.subf %parallel_loop3A_575, %parallel_loop3A_570 : vector<16xf32>
        %parallel_loop3A_577 = arith.constant 2 : i32
        %parallel_loop3A_578 = arith.index_cast %parallel_loop3A_577 : i32 to index
        %parallel_loop3A_579 = arith.index_cast %parallel_loop3A_524 : i32 to index
        %parallel_loop3A_580 = arith.constant 32 : index
        %parallel_loop3A_581 = tpu.vector_load %arg9[%parallel_loop3A_578, %parallel_loop3A_579, %parallel_loop3A_580] {strides = array<i32>} : memref<3x128x128xf32, #tpu.memory_space<vmem>>, vector<16xf32>,
        tpu.vector_store %arg9[%parallel_loop3A_578, %parallel_loop3A_579, %parallel_loop3A_580], %parallel_loop3A_576 {strides = array<i32>} : memref<3x128x128xf32, #tpu.memory_space<vmem>>, vector<16xf32>,
        %parallel_loop3A_582 = tpu.vector_load_idx %arg7[%parallel_loop3A_545, %add3A_85] : memref<128x128xf32, #tpu.memory_space<vmem>>[vector<16xi32>, vector<16xi32>], vector<16xf32>,
        %parallel_loop3A_583 = arith.constant 2 : i32
        %parallel_loop3A_584 = arith.index_cast %parallel_loop3A_583 : i32 to index
        %parallel_loop3A_585 = arith.index_cast %parallel_loop3A_524 : i32 to index
        %parallel_loop3A_586 = arith.constant 48 : index
        %parallel_loop3A_587 = tpu.vector_load %arg8[%parallel_loop3A_584, %parallel_loop3A_585, %parallel_loop3A_586] {strides = array<i32>} : memref<3x128x128xf32, #tpu.memory_space<vmem>>, vector<16xf32>,
        %parallel_loop3A_588 = arith.subf %parallel_loop3A_587, %parallel_loop3A_582 : vector<16xf32>
        %parallel_loop3A_589 = arith.constant 2 : i32
        %parallel_loop3A_590 = arith.index_cast %parallel_loop3A_589 : i32 to index
        %parallel_loop3A_591 = arith.index_cast %parallel_loop3A_524 : i32 to index
        %parallel_loop3A_592 = arith.constant 48 : index
        %parallel_loop3A_593 = tpu.vector_load %arg9[%parallel_loop3A_590, %parallel_loop3A_591, %parallel_loop3A_592] {strides = array<i32>} : memref<3x128x128xf32, #tpu.memory_space<vmem>>, vector<16xf32>,
        tpu.vector_store %arg9[%parallel_loop3A_590, %parallel_loop3A_591, %parallel_loop3A_592], %parallel_loop3A_588 {strides = array<i32>} : memref<3x128x128xf32, #tpu.memory_space<vmem>>, vector<16xf32>,
        %parallel_loop3A_594 = tpu.vector_load_idx %arg7[%parallel_loop3A_545, %add3A_88] : memref<128x128xf32, #tpu.memory_space<vmem>>[vector<16xi32>, vector<16xi32>], vector<16xf32>,
        %parallel_loop3A_595 = arith.constant 2 : i32
        %parallel_loop3A_596 = arith.index_cast %parallel_loop3A_595 : i32 to index
        %parallel_loop3A_597 = arith.index_cast %parallel_loop3A_524 : i32 to index
        %parallel_loop3A_598 = arith.constant 64 : index
        %parallel_loop3A_599 = tpu.vector_load %arg8[%parallel_loop3A_596, %parallel_loop3A_597, %parallel_loop3A_598] {strides = array<i32>} : memref<3x128x128xf32, #tpu.memory_space<vmem>>, vector<16xf32>,
        %parallel_loop3A_600 = arith.subf %parallel_loop3A_599, %parallel_loop3A_594 : vector<16xf32>
        %parallel_loop3A_601 = arith.constant 2 : i32
        %parallel_loop3A_602 = arith.index_cast %parallel_loop3A_601 : i32 to index
        %parallel_loop3A_603 = arith.index_cast %parallel_loop3A_524 : i32 to index
        %parallel_loop3A_604 = arith.constant 64 : index
        %parallel_loop3A_605 = tpu.vector_load %arg9[%parallel_loop3A_602, %parallel_loop3A_603, %parallel_loop3A_604] {strides = array<i32>} : memref<3x128x128xf32, #tpu.memory_space<vmem>>, vector<16xf32>,
        tpu.vector_store %arg9[%parallel_loop3A_602, %parallel_loop3A_603, %parallel_loop3A_604], %parallel_loop3A_600 {strides = array<i32>} : memref<3x128x128xf32, #tpu.memory_space<vmem>>, vector<16xf32>,
        %parallel_loop3A_606 = tpu.vector_load_idx %arg7[%parallel_loop3A_545, %add3A_91] : memref<128x128xf32, #tpu.memory_space<vmem>>[vector<16xi32>, vector<16xi32>], vector<16xf32>,
        %parallel_loop3A_607 = arith.constant 2 : i32
        %parallel_loop3A_608 = arith.index_cast %parallel_loop3A_607 : i32 to index
        %parallel_loop3A_609 = arith.index_cast %parallel_loop3A_524 : i32 to index
        %parallel_loop3A_610 = arith.constant 80 : index
        %parallel_loop3A_611 = tpu.vector_load %arg8[%parallel_loop3A_608, %parallel_loop3A_609, %parallel_loop3A_610] {strides = array<i32>} : memref<3x128x128xf32, #tpu.memory_space<vmem>>, vector<16xf32>,
        %parallel_loop3A_612 = arith.subf %parallel_loop3A_611, %parallel_loop3A_606 : vector<16xf32>
        %parallel_loop3A_613 = arith.constant 2 : i32
        %parallel_loop3A_614 = arith.index_cast %parallel_loop3A_613 : i32 to index
        %parallel_loop3A_615 = arith.index_cast %parallel_loop3A_524 : i32 to index
        %parallel_loop3A_616 = arith.constant 80 : index
        %parallel_loop3A_617 = tpu.vector_load %arg9[%parallel_loop3A_614, %parallel_loop3A_615, %parallel_loop3A_616] {strides = array<i32>} : memref<3x128x128xf32, #tpu.memory_space<vmem>>, vector<16xf32>,
        tpu.vector_store %arg9[%parallel_loop3A_614, %parallel_loop3A_615, %parallel_loop3A_616], %parallel_loop3A_612 {strides = array<i32>} : memref<3x128x128xf32, #tpu.memory_space<vmem>>, vector<16xf32>,
        %parallel_loop3A_618 = tpu.vector_load_idx %arg7[%parallel_loop3A_545, %add3A_94] : memref<128x128xf32, #tpu.memory_space<vmem>>[vector<16xi32>, vector<16xi32>], vector<16xf32>,
        %parallel_loop3A_619 = arith.constant 2 : i32
        %parallel_loop3A_620 = arith.index_cast %parallel_loop3A_619 : i32 to index
        %parallel_loop3A_621 = arith.index_cast %parallel_loop3A_524 : i32 to index
        %parallel_loop3A_622 = arith.constant 96 : index
        %parallel_loop3A_623 = tpu.vector_load %arg8[%parallel_loop3A_620, %parallel_loop3A_621, %parallel_loop3A_622] {strides = array<i32>} : memref<3x128x128xf32, #tpu.memory_space<vmem>>, vector<16xf32>,
        %parallel_loop3A_624 = arith.subf %parallel_loop3A_623, %parallel_loop3A_618 : vector<16xf32>
        %parallel_loop3A_625 = arith.constant 2 : i32
        %parallel_loop3A_626 = arith.index_cast %parallel_loop3A_625 : i32 to index
        %parallel_loop3A_627 = arith.index_cast %parallel_loop3A_524 : i32 to index
        %parallel_loop3A_628 = arith.constant 96 : index
        %parallel_loop3A_629 = tpu.vector_load %arg9[%parallel_loop3A_626, %parallel_loop3A_627, %parallel_loop3A_628] {strides = array<i32>} : memref<3x128x128xf32, #tpu.memory_space<vmem>>, vector<16xf32>,
        tpu.vector_store %arg9[%parallel_loop3A_626, %parallel_loop3A_627, %parallel_loop3A_628], %parallel_loop3A_624 {strides = array<i32>} : memref<3x128x128xf32, #tpu.memory_space<vmem>>, vector<16xf32>,
        %parallel_loop3A_630 = tpu.vector_load_idx %arg7[%parallel_loop3A_545, %add3A_97] : memref<128x128xf32, #tpu.memory_space<vmem>>[vector<16xi32>, vector<16xi32>], vector<16xf32>,
        %parallel_loop3A_631 = arith.constant 2 : i32
        %parallel_loop3A_632 = arith.index_cast %parallel_loop3A_631 : i32 to index
        %parallel_loop3A_633 = arith.index_cast %parallel_loop3A_524 : i32 to index
        %parallel_loop3A_634 = arith.constant 112 : index
        %parallel_loop3A_635 = tpu.vector_load %arg8[%parallel_loop3A_632, %parallel_loop3A_633, %parallel_loop3A_634] {strides = array<i32>} : memref<3x128x128xf32, #tpu.memory_space<vmem>>, vector<16xf32>,
        %parallel_loop3A_636 = arith.subf %parallel_loop3A_635, %parallel_loop3A_630 : vector<16xf32>
        %parallel_loop3A_637 = arith.constant 2 : i32
        %parallel_loop3A_638 = arith.index_cast %parallel_loop3A_637 : i32 to index
        %parallel_loop3A_639 = arith.index_cast %parallel_loop3A_524 : i32 to index
        %parallel_loop3A_640 = arith.constant 112 : index
        %parallel_loop3A_641 = tpu.vector_load %arg9[%parallel_loop3A_638, %parallel_loop3A_639, %parallel_loop3A_640] {strides = array<i32>} : memref<3x128x128xf32, #tpu.memory_space<vmem>>, vector<16xf32>,
        tpu.vector_store %arg9[%parallel_loop3A_638, %parallel_loop3A_639, %parallel_loop3A_640], %parallel_loop3A_636 {strides = array<i32>} : memref<3x128x128xf32, #tpu.memory_space<vmem>>, vector<16xf32>,
      } {sc.loop_unroll_factor = 1 : i64, sc.parallel_access}
      %dma_start3A_384 = arith.constant 2 : i32
      %dma_start3A_385 = arith.constant 0 : i32
      %dma_start3A_386 = arith.constant 0 : i32
      %dma_start3A_387 = tpu.memref_slice %arg9[%dma_start3A_384, %dma_start3A_385, %dma_start3A_386] : memref<3x128x128xf32, #tpu.memory_space<vmem>> -> memref<1x128x128xf32, #tpu.memory_space<vmem>>
      %dma_start3A_388 = tpu.memref_squeeze %dma_start3A_387 : memref<1x128x128xf32, #tpu.memory_space<vmem>> -> memref<128x128xf32, #tpu.memory_space<vmem>>
      %dma_start3A_389 = arith.constant 0 : i32
      %dma_start3A_390 = tpu.memref_slice %arg5[%add3A_354, %dma_start3A_389] : memref<32768x128xf32, #tpu.memory_space<hbm>> -> memref<128x128xf32, #tpu.memory_space<hbm>>
      %dma_start3A_391 = arith.constant 0 : i32
      %dma_start3A_392 = tpu.memref_slice %arg5[%add3A_354, %dma_start3A_391] : memref<32768x128xf32, #tpu.memory_space<hbm>> -> memref<128x128xf32, #tpu.memory_space<hbm>>
      %dma_start3A_393 = arith.constant 0 : i32
      %dma_start3A_394 = arith.constant 0 : i32
      %dma_start3A_395 = tpu.memref_slice %arg9[%dma_start3A_384, %dma_start3A_393, %dma_start3A_394] : memref<3x128x128xf32, #tpu.memory_space<vmem>> -> memref<1x128x128xf32, #tpu.memory_space<vmem>>
      %dma_start3A_396 = tpu.memref_squeeze %dma_start3A_395 : memref<1x128x128xf32, #tpu.memory_space<vmem>> -> memref<128x128xf32, #tpu.memory_space<vmem>>
      tpu.enqueue_dma source(%dma_start3A_396 : memref<128x128xf32, #tpu.memory_space<vmem>>) target(%dma_start3A_392 : memref<128x128xf32, #tpu.memory_space<hbm>>) target_semaphore(%arg13 : memref<!tpu.dma_semaphore, #tpu.memory_space<semaphore_mem>>)
      %add3A_397 = arith.constant 768 : i32
      %add3A_398 = arith.addi %mul3A_2, %add3A_397 : i32
      %dma_wait3A_399 = arith.constant 0 : i32
      %dma_wait3A_400 = arith.constant 0 : i32
      %dma_wait3A_401 = arith.constant 0 : i32
      %dma_wait3A_402 = tpu.memref_slice %arg8[%dma_wait3A_399, %dma_wait3A_400, %dma_wait3A_401] : memref<3x128x128xf32, #tpu.memory_space<vmem>> -> memref<1x128x128xf32, #tpu.memory_space<vmem>>
      %dma_wait3A_403 = tpu.memref_squeeze %dma_wait3A_402 : memref<1x128x128xf32, #tpu.memory_space<vmem>> -> memref<128x128xf32, #tpu.memory_space<vmem>>
      %dma_wait3A_404 = arith.constant 0 : i32
      %dma_wait3A_405 = tpu.memref_slice %arg2[%add3A_398, %dma_wait3A_404] : memref<32768x128xf32, #tpu.memory_space<hbm>> -> memref<128x128xf32, #tpu.memory_space<hbm>>
      %dma_wait3A_406 = arith.constant 0 : i32
      %dma_wait3A_407 = arith.constant 0 : i32
      %dma_wait3A_408 = tpu.memref_slice %arg8[%dma_wait3A_399, %dma_wait3A_406, %dma_wait3A_407] : memref<3x128x128xf32, #tpu.memory_space<vmem>> -> memref<1x128x128xf32, #tpu.memory_space<vmem>>
      %dma_wait3A_409 = tpu.memref_squeeze %dma_wait3A_408 : memref<1x128x128xf32, #tpu.memory_space<vmem>> -> memref<128x128xf32, #tpu.memory_space<vmem>>
      %dma_wait3A_410 = arith.constant 0 : i32
      %dma_wait3A_411 = tpu.memref_slice %arg2[%add3A_398, %dma_wait3A_410] : memref<32768x128xf32, #tpu.memory_space<hbm>> -> memref<128x128xf32, #tpu.memory_space<hbm>>
      tpu.wait_dma2 semaphore(%arg11 : memref<!tpu.dma_semaphore, #tpu.memory_space<semaphore_mem>>) src(%dma_wait3A_411 : memref<128x128xf32, #tpu.memory_space<hbm>>) dst(%dma_wait3A_409 : memref<128x128xf32, #tpu.memory_space<vmem>>)
      %dma_wait3A_412 = arith.constant 0 : i32
      %dma_wait3A_413 = arith.constant 0 : i32
      %dma_wait3A_414 = arith.constant 0 : i32
      %dma_wait3A_415 = tpu.memref_slice %arg9[%dma_wait3A_412, %dma_wait3A_413, %dma_wait3A_414] : memref<3x128x128xf32, #tpu.memory_space<vmem>> -> memref<1x128x128xf32, #tpu.memory_space<vmem>>
      %dma_wait3A_416 = tpu.memref_squeeze %dma_wait3A_415 : memref<1x128x128xf32, #tpu.memory_space<vmem>> -> memref<128x128xf32, #tpu.memory_space<vmem>>
      %dma_wait3A_417 = arith.constant 0 : i32
      %dma_wait3A_418 = tpu.memref_slice %arg5[%add3A_236, %dma_wait3A_417] : memref<32768x128xf32, #tpu.memory_space<hbm>> -> memref<128x128xf32, #tpu.memory_space<hbm>>
      %dma_wait3A_419 = arith.constant 0 : i32
      %dma_wait3A_420 = tpu.memref_slice %arg5[%add3A_236, %dma_wait3A_419] : memref<32768x128xf32, #tpu.memory_space<hbm>> -> memref<128x128xf32, #tpu.memory_space<hbm>>
      %dma_wait3A_421 = arith.constant 0 : i32
      %dma_wait3A_422 = arith.constant 0 : i32
      %dma_wait3A_423 = tpu.memref_slice %arg9[%dma_wait3A_412, %dma_wait3A_421, %dma_wait3A_422] : memref<3x128x128xf32, #tpu.memory_space<vmem>> -> memref<1x128x128xf32, #tpu.memory_space<vmem>>
      %dma_wait3A_424 = tpu.memref_squeeze %dma_wait3A_423 : memref<1x128x128xf32, #tpu.memory_space<vmem>> -> memref<128x128xf32, #tpu.memory_space<vmem>>
      tpu.wait_dma2 semaphore(%arg13 : memref<!tpu.dma_semaphore, #tpu.memory_space<semaphore_mem>>) src(%dma_wait3A_424 : memref<128x128xf32, #tpu.memory_space<vmem>>) dst(%dma_wait3A_420 : memref<128x128xf32, #tpu.memory_space<hbm>>)
      %parallel_loop3A_425 = arith.constant 0 : i32
      %parallel_loop3A_426 = arith.constant 128 : i32
      %parallel_loop3A_427 = arith.constant 1 : i32
      scf.for %parallel_loop3A_524 = %parallel_loop3A_425 to %parallel_loop3A_426 step %parallel_loop3A_427  : i32 {
        %parallel_loop3A_525 = arith.constant -16 : i32
        %parallel_loop3A_526 = arith.andi %parallel_loop3A_524, %parallel_loop3A_525 : i32
        %parallel_loop3A_527 = arith.constant 6 : i32
        %parallel_loop3A_528 = arith.index_cast %parallel_loop3A_527 : i32 to index
        %parallel_loop3A_529 = arith.index_cast %parallel_loop3A_526 : i32 to index
        %parallel_loop3A_530 = tpu.vector_load %arg6[%parallel_loop3A_528, %parallel_loop3A_529] {strides = array<i32>} : memref<8x128xi32, #tpu.memory_space<vmem>>, vector<16xi32>,
        %parallel_loop3A_531 = vector.broadcast %multiple_of3A : i32 to vector<16xi32>
        %parallel_loop3A_532 = arith.subi %parallel_loop3A_530, %parallel_loop3A_531 : vector<16xi32>
        %parallel_loop3A_533 = arith.constant 15 : i32
        %parallel_loop3A_534 = arith.andi %parallel_loop3A_524, %parallel_loop3A_533 : i32
        %parallel_loop3A_535 = vector.broadcast %parallel_loop3A_534 : i32 to vector<16xi32>
        %parallel_loop3A_536 = arith.constant 0 : i32
        %parallel_loop3A_537 = vector.broadcast %parallel_loop3A_536 : i32 to vector<16xi32>
        %parallel_loop3A_538 = arith.cmpi slt, %parallel_loop3A_535, %parallel_loop3A_537 : vector<16xi32>
        %parallel_loop3A_539 = arith.constant 16 : i32
        %parallel_loop3A_540 = vector.broadcast %parallel_loop3A_539 : i32 to vector<16xi32>
        %parallel_loop3A_541 = arith.addi %parallel_loop3A_535, %parallel_loop3A_540 : vector<16xi32>
        %parallel_loop3A_542 = arith.select %parallel_loop3A_538, %parallel_loop3A_541, %parallel_loop3A_535 : vector<16xi1>, vector<16xi32>
        %parallel_loop3A_543 = vector.shape_cast %parallel_loop3A_542 : vector<16xi32> to vector<16x1xi32>
        %parallel_loop3A_544 = vector.shape_cast %parallel_loop3A_543 : vector<16x1xi32> to vector<16xi32>
        %parallel_loop3A_545 = tpu.dynamic_gather %parallel_loop3A_532[%parallel_loop3A_544] in [0] : vector<16xi32>, vector<16xi32> -> vector<16xi32>
        %parallel_loop3A_546 = tpu.vector_load_idx %arg7[%parallel_loop3A_545, %add3A_76] : memref<128x128xf32, #tpu.memory_space<vmem>>[vector<16xi32>, vector<16xi32>], vector<16xf32>,
        %parallel_loop3A_547 = arith.constant 0 : i32
        %parallel_loop3A_548 = arith.index_cast %parallel_loop3A_547 : i32 to index
        %parallel_loop3A_549 = arith.index_cast %parallel_loop3A_524 : i32 to index
        %parallel_loop3A_550 = arith.constant 0 : index
        %parallel_loop3A_551 = tpu.vector_load %arg8[%parallel_loop3A_548, %parallel_loop3A_549, %parallel_loop3A_550] {strides = array<i32>} : memref<3x128x128xf32, #tpu.memory_space<vmem>>, vector<16xf32>,
        %parallel_loop3A_552 = arith.subf %parallel_loop3A_551, %parallel_loop3A_546 : vector<16xf32>
        %parallel_loop3A_553 = arith.constant 0 : i32
        %parallel_loop3A_554 = arith.index_cast %parallel_loop3A_553 : i32 to index
        %parallel_loop3A_555 = arith.index_cast %parallel_loop3A_524 : i32 to index
        %parallel_loop3A_556 = arith.constant 0 : index
        %parallel_loop3A_557 = tpu.vector_load %arg9[%parallel_loop3A_554, %parallel_loop3A_555, %parallel_loop3A_556] {strides = array<i32>} : memref<3x128x128xf32, #tpu.memory_space<vmem>>, vector<16xf32>,
        tpu.vector_store %arg9[%parallel_loop3A_554, %parallel_loop3A_555, %parallel_loop3A_556], %parallel_loop3A_552 {strides = array<i32>} : memref<3x128x128xf32, #tpu.memory_space<vmem>>, vector<16xf32>,
        %parallel_loop3A_558 = tpu.vector_load_idx %arg7[%parallel_loop3A_545, %add3A_79] : memref<128x128xf32, #tpu.memory_space<vmem>>[vector<16xi32>, vector<16xi32>], vector<16xf32>,
        %parallel_loop3A_559 = arith.constant 0 : i32
        %parallel_loop3A_560 = arith.index_cast %parallel_loop3A_559 : i32 to index
        %parallel_loop3A_561 = arith.index_cast %parallel_loop3A_524 : i32 to index
        %parallel_loop3A_562 = arith.constant 16 : index
        %parallel_loop3A_563 = tpu.vector_load %arg8[%parallel_loop3A_560, %parallel_loop3A_561, %parallel_loop3A_562] {strides = array<i32>} : memref<3x128x128xf32, #tpu.memory_space<vmem>>, vector<16xf32>,
        %parallel_loop3A_564 = arith.subf %parallel_loop3A_563, %parallel_loop3A_558 : vector<16xf32>
        %parallel_loop3A_565 = arith.constant 0 : i32
        %parallel_loop3A_566 = arith.index_cast %parallel_loop3A_565 : i32 to index
        %parallel_loop3A_567 = arith.index_cast %parallel_loop3A_524 : i32 to index
        %parallel_loop3A_568 = arith.constant 16 : index
        %parallel_loop3A_569 = tpu.vector_load %arg9[%parallel_loop3A_566, %parallel_loop3A_567, %parallel_loop3A_568] {strides = array<i32>} : memref<3x128x128xf32, #tpu.memory_space<vmem>>, vector<16xf32>,
        tpu.vector_store %arg9[%parallel_loop3A_566, %parallel_loop3A_567, %parallel_loop3A_568], %parallel_loop3A_564 {strides = array<i32>} : memref<3x128x128xf32, #tpu.memory_space<vmem>>, vector<16xf32>,
        %parallel_loop3A_570 = tpu.vector_load_idx %arg7[%parallel_loop3A_545, %add3A_82] : memref<128x128xf32, #tpu.memory_space<vmem>>[vector<16xi32>, vector<16xi32>], vector<16xf32>,
        %parallel_loop3A_571 = arith.constant 0 : i32
        %parallel_loop3A_572 = arith.index_cast %parallel_loop3A_571 : i32 to index
        %parallel_loop3A_573 = arith.index_cast %parallel_loop3A_524 : i32 to index
        %parallel_loop3A_574 = arith.constant 32 : index
        %parallel_loop3A_575 = tpu.vector_load %arg8[%parallel_loop3A_572, %parallel_loop3A_573, %parallel_loop3A_574] {strides = array<i32>} : memref<3x128x128xf32, #tpu.memory_space<vmem>>, vector<16xf32>,
        %parallel_loop3A_576 = arith.subf %parallel_loop3A_575, %parallel_loop3A_570 : vector<16xf32>
        %parallel_loop3A_577 = arith.constant 0 : i32
        %parallel_loop3A_578 = arith.index_cast %parallel_loop3A_577 : i32 to index
        %parallel_loop3A_579 = arith.index_cast %parallel_loop3A_524 : i32 to index
        %parallel_loop3A_580 = arith.constant 32 : index
        %parallel_loop3A_581 = tpu.vector_load %arg9[%parallel_loop3A_578, %parallel_loop3A_579, %parallel_loop3A_580] {strides = array<i32>} : memref<3x128x128xf32, #tpu.memory_space<vmem>>, vector<16xf32>,
        tpu.vector_store %arg9[%parallel_loop3A_578, %parallel_loop3A_579, %parallel_loop3A_580], %parallel_loop3A_576 {strides = array<i32>} : memref<3x128x128xf32, #tpu.memory_space<vmem>>, vector<16xf32>,
        %parallel_loop3A_582 = tpu.vector_load_idx %arg7[%parallel_loop3A_545, %add3A_85] : memref<128x128xf32, #tpu.memory_space<vmem>>[vector<16xi32>, vector<16xi32>], vector<16xf32>,
        %parallel_loop3A_583 = arith.constant 0 : i32
        %parallel_loop3A_584 = arith.index_cast %parallel_loop3A_583 : i32 to index
        %parallel_loop3A_585 = arith.index_cast %parallel_loop3A_524 : i32 to index
        %parallel_loop3A_586 = arith.constant 48 : index
        %parallel_loop3A_587 = tpu.vector_load %arg8[%parallel_loop3A_584, %parallel_loop3A_585, %parallel_loop3A_586] {strides = array<i32>} : memref<3x128x128xf32, #tpu.memory_space<vmem>>, vector<16xf32>,
        %parallel_loop3A_588 = arith.subf %parallel_loop3A_587, %parallel_loop3A_582 : vector<16xf32>
        %parallel_loop3A_589 = arith.constant 0 : i32
        %parallel_loop3A_590 = arith.index_cast %parallel_loop3A_589 : i32 to index
        %parallel_loop3A_591 = arith.index_cast %parallel_loop3A_524 : i32 to index
        %parallel_loop3A_592 = arith.constant 48 : index
        %parallel_loop3A_593 = tpu.vector_load %arg9[%parallel_loop3A_590, %parallel_loop3A_591, %parallel_loop3A_592] {strides = array<i32>} : memref<3x128x128xf32, #tpu.memory_space<vmem>>, vector<16xf32>,
        tpu.vector_store %arg9[%parallel_loop3A_590, %parallel_loop3A_591, %parallel_loop3A_592], %parallel_loop3A_588 {strides = array<i32>} : memref<3x128x128xf32, #tpu.memory_space<vmem>>, vector<16xf32>,
        %parallel_loop3A_594 = tpu.vector_load_idx %arg7[%parallel_loop3A_545, %add3A_88] : memref<128x128xf32, #tpu.memory_space<vmem>>[vector<16xi32>, vector<16xi32>], vector<16xf32>,
        %parallel_loop3A_595 = arith.constant 0 : i32
        %parallel_loop3A_596 = arith.index_cast %parallel_loop3A_595 : i32 to index
        %parallel_loop3A_597 = arith.index_cast %parallel_loop3A_524 : i32 to index
        %parallel_loop3A_598 = arith.constant 64 : index
        %parallel_loop3A_599 = tpu.vector_load %arg8[%parallel_loop3A_596, %parallel_loop3A_597, %parallel_loop3A_598] {strides = array<i32>} : memref<3x128x128xf32, #tpu.memory_space<vmem>>, vector<16xf32>,
        %parallel_loop3A_600 = arith.subf %parallel_loop3A_599, %parallel_loop3A_594 : vector<16xf32>
        %parallel_loop3A_601 = arith.constant 0 : i32
        %parallel_loop3A_602 = arith.index_cast %parallel_loop3A_601 : i32 to index
        %parallel_loop3A_603 = arith.index_cast %parallel_loop3A_524 : i32 to index
        %parallel_loop3A_604 = arith.constant 64 : index
        %parallel_loop3A_605 = tpu.vector_load %arg9[%parallel_loop3A_602, %parallel_loop3A_603, %parallel_loop3A_604] {strides = array<i32>} : memref<3x128x128xf32, #tpu.memory_space<vmem>>, vector<16xf32>,
        tpu.vector_store %arg9[%parallel_loop3A_602, %parallel_loop3A_603, %parallel_loop3A_604], %parallel_loop3A_600 {strides = array<i32>} : memref<3x128x128xf32, #tpu.memory_space<vmem>>, vector<16xf32>,
        %parallel_loop3A_606 = tpu.vector_load_idx %arg7[%parallel_loop3A_545, %add3A_91] : memref<128x128xf32, #tpu.memory_space<vmem>>[vector<16xi32>, vector<16xi32>], vector<16xf32>,
        %parallel_loop3A_607 = arith.constant 0 : i32
        %parallel_loop3A_608 = arith.index_cast %parallel_loop3A_607 : i32 to index
        %parallel_loop3A_609 = arith.index_cast %parallel_loop3A_524 : i32 to index
        %parallel_loop3A_610 = arith.constant 80 : index
        %parallel_loop3A_611 = tpu.vector_load %arg8[%parallel_loop3A_608, %parallel_loop3A_609, %parallel_loop3A_610] {strides = array<i32>} : memref<3x128x128xf32, #tpu.memory_space<vmem>>, vector<16xf32>,
        %parallel_loop3A_612 = arith.subf %parallel_loop3A_611, %parallel_loop3A_606 : vector<16xf32>
        %parallel_loop3A_613 = arith.constant 0 : i32
        %parallel_loop3A_614 = arith.index_cast %parallel_loop3A_613 : i32 to index
        %parallel_loop3A_615 = arith.index_cast %parallel_loop3A_524 : i32 to index
        %parallel_loop3A_616 = arith.constant 80 : index
        %parallel_loop3A_617 = tpu.vector_load %arg9[%parallel_loop3A_614, %parallel_loop3A_615, %parallel_loop3A_616] {strides = array<i32>} : memref<3x128x128xf32, #tpu.memory_space<vmem>>, vector<16xf32>,
        tpu.vector_store %arg9[%parallel_loop3A_614, %parallel_loop3A_615, %parallel_loop3A_616], %parallel_loop3A_612 {strides = array<i32>} : memref<3x128x128xf32, #tpu.memory_space<vmem>>, vector<16xf32>,
        %parallel_loop3A_618 = tpu.vector_load_idx %arg7[%parallel_loop3A_545, %add3A_94] : memref<128x128xf32, #tpu.memory_space<vmem>>[vector<16xi32>, vector<16xi32>], vector<16xf32>,
        %parallel_loop3A_619 = arith.constant 0 : i32
        %parallel_loop3A_620 = arith.index_cast %parallel_loop3A_619 : i32 to index
        %parallel_loop3A_621 = arith.index_cast %parallel_loop3A_524 : i32 to index
        %parallel_loop3A_622 = arith.constant 96 : index
        %parallel_loop3A_623 = tpu.vector_load %arg8[%parallel_loop3A_620, %parallel_loop3A_621, %parallel_loop3A_622] {strides = array<i32>} : memref<3x128x128xf32, #tpu.memory_space<vmem>>, vector<16xf32>,
        %parallel_loop3A_624 = arith.subf %parallel_loop3A_623, %parallel_loop3A_618 : vector<16xf32>
        %parallel_loop3A_625 = arith.constant 0 : i32
        %parallel_loop3A_626 = arith.index_cast %parallel_loop3A_625 : i32 to index
        %parallel_loop3A_627 = arith.index_cast %parallel_loop3A_524 : i32 to index
        %parallel_loop3A_628 = arith.constant 96 : index
        %parallel_loop3A_629 = tpu.vector_load %arg9[%parallel_loop3A_626, %parallel_loop3A_627, %parallel_loop3A_628] {strides = array<i32>} : memref<3x128x128xf32, #tpu.memory_space<vmem>>, vector<16xf32>,
        tpu.vector_store %arg9[%parallel_loop3A_626, %parallel_loop3A_627, %parallel_loop3A_628], %parallel_loop3A_624 {strides = array<i32>} : memref<3x128x128xf32, #tpu.memory_space<vmem>>, vector<16xf32>,
        %parallel_loop3A_630 = tpu.vector_load_idx %arg7[%parallel_loop3A_545, %add3A_97] : memref<128x128xf32, #tpu.memory_space<vmem>>[vector<16xi32>, vector<16xi32>], vector<16xf32>,
        %parallel_loop3A_631 = arith.constant 0 : i32
        %parallel_loop3A_632 = arith.index_cast %parallel_loop3A_631 : i32 to index
        %parallel_loop3A_633 = arith.index_cast %parallel_loop3A_524 : i32 to index
        %parallel_loop3A_634 = arith.constant 112 : index
        %parallel_loop3A_635 = tpu.vector_load %arg8[%parallel_loop3A_632, %parallel_loop3A_633, %parallel_loop3A_634] {strides = array<i32>} : memref<3x128x128xf32, #tpu.memory_space<vmem>>, vector<16xf32>,
        %parallel_loop3A_636 = arith.subf %parallel_loop3A_635, %parallel_loop3A_630 : vector<16xf32>
        %parallel_loop3A_637 = arith.constant 0 : i32
        %parallel_loop3A_638 = arith.index_cast %parallel_loop3A_637 : i32 to index
        %parallel_loop3A_639 = arith.index_cast %parallel_loop3A_524 : i32 to index
        %parallel_loop3A_640 = arith.constant 112 : index
        %parallel_loop3A_641 = tpu.vector_load %arg9[%parallel_loop3A_638, %parallel_loop3A_639, %parallel_loop3A_640] {strides = array<i32>} : memref<3x128x128xf32, #tpu.memory_space<vmem>>, vector<16xf32>,
        tpu.vector_store %arg9[%parallel_loop3A_638, %parallel_loop3A_639, %parallel_loop3A_640], %parallel_loop3A_636 {strides = array<i32>} : memref<3x128x128xf32, #tpu.memory_space<vmem>>, vector<16xf32>,
      } {sc.loop_unroll_factor = 1 : i64, sc.parallel_access}
      %dma_start3A_428 = arith.constant 0 : i32
      %dma_start3A_429 = arith.constant 0 : i32
      %dma_start3A_430 = arith.constant 0 : i32
      %dma_start3A_431 = tpu.memref_slice %arg9[%dma_start3A_428, %dma_start3A_429, %dma_start3A_430] : memref<3x128x128xf32, #tpu.memory_space<vmem>> -> memref<1x128x128xf32, #tpu.memory_space<vmem>>
      %dma_start3A_432 = tpu.memref_squeeze %dma_start3A_431 : memref<1x128x128xf32, #tpu.memory_space<vmem>> -> memref<128x128xf32, #tpu.memory_space<vmem>>
      %dma_start3A_433 = arith.constant 0 : i32
      %dma_start3A_434 = tpu.memref_slice %arg5[%add3A_398, %dma_start3A_433] : memref<32768x128xf32, #tpu.memory_space<hbm>> -> memref<128x128xf32, #tpu.memory_space<hbm>>
      %dma_start3A_435 = arith.constant 0 : i32
      %dma_start3A_436 = tpu.memref_slice %arg5[%add3A_398, %dma_start3A_435] : memref<32768x128xf32, #tpu.memory_space<hbm>> -> memref<128x128xf32, #tpu.memory_space<hbm>>
      %dma_start3A_437 = arith.constant 0 : i32
      %dma_start3A_438 = arith.constant 0 : i32
      %dma_start3A_439 = tpu.memref_slice %arg9[%dma_start3A_428, %dma_start3A_437, %dma_start3A_438] : memref<3x128x128xf32, #tpu.memory_space<vmem>> -> memref<1x128x128xf32, #tpu.memory_space<vmem>>
      %dma_start3A_440 = tpu.memref_squeeze %dma_start3A_439 : memref<1x128x128xf32, #tpu.memory_space<vmem>> -> memref<128x128xf32, #tpu.memory_space<vmem>>
      tpu.enqueue_dma source(%dma_start3A_440 : memref<128x128xf32, #tpu.memory_space<vmem>>) target(%dma_start3A_436 : memref<128x128xf32, #tpu.memory_space<hbm>>) target_semaphore(%arg13 : memref<!tpu.dma_semaphore, #tpu.memory_space<semaphore_mem>>)
      %add3A_441 = arith.constant 896 : i32
      %add3A_442 = arith.addi %mul3A_2, %add3A_441 : i32
      %dma_wait3A_443 = arith.constant 1 : i32
      %dma_wait3A_444 = arith.constant 0 : i32
      %dma_wait3A_445 = arith.constant 0 : i32
      %dma_wait3A_446 = tpu.memref_slice %arg8[%dma_wait3A_443, %dma_wait3A_444, %dma_wait3A_445] : memref<3x128x128xf32, #tpu.memory_space<vmem>> -> memref<1x128x128xf32, #tpu.memory_space<vmem>>
      %dma_wait3A_447 = tpu.memref_squeeze %dma_wait3A_446 : memref<1x128x128xf32, #tpu.memory_space<vmem>> -> memref<128x128xf32, #tpu.memory_space<vmem>>
      %dma_wait3A_448 = arith.constant 0 : i32
      %dma_wait3A_449 = tpu.memref_slice %arg2[%add3A_442, %dma_wait3A_448] : memref<32768x128xf32, #tpu.memory_space<hbm>> -> memref<128x128xf32, #tpu.memory_space<hbm>>
      %dma_wait3A_450 = arith.constant 0 : i32
      %dma_wait3A_451 = arith.constant 0 : i32
      %dma_wait3A_452 = tpu.memref_slice %arg8[%dma_wait3A_443, %dma_wait3A_450, %dma_wait3A_451] : memref<3x128x128xf32, #tpu.memory_space<vmem>> -> memref<1x128x128xf32, #tpu.memory_space<vmem>>
      %dma_wait3A_453 = tpu.memref_squeeze %dma_wait3A_452 : memref<1x128x128xf32, #tpu.memory_space<vmem>> -> memref<128x128xf32, #tpu.memory_space<vmem>>
      %dma_wait3A_454 = arith.constant 0 : i32
      %dma_wait3A_455 = tpu.memref_slice %arg2[%add3A_442, %dma_wait3A_454] : memref<32768x128xf32, #tpu.memory_space<hbm>> -> memref<128x128xf32, #tpu.memory_space<hbm>>
      tpu.wait_dma2 semaphore(%arg11 : memref<!tpu.dma_semaphore, #tpu.memory_space<semaphore_mem>>) src(%dma_wait3A_455 : memref<128x128xf32, #tpu.memory_space<hbm>>) dst(%dma_wait3A_453 : memref<128x128xf32, #tpu.memory_space<vmem>>)
      %dma_wait3A_456 = arith.constant 1 : i32
      %dma_wait3A_457 = arith.constant 0 : i32
      %dma_wait3A_458 = arith.constant 0 : i32
      %dma_wait3A_459 = tpu.memref_slice %arg9[%dma_wait3A_456, %dma_wait3A_457, %dma_wait3A_458] : memref<3x128x128xf32, #tpu.memory_space<vmem>> -> memref<1x128x128xf32, #tpu.memory_space<vmem>>
      %dma_wait3A_460 = tpu.memref_squeeze %dma_wait3A_459 : memref<1x128x128xf32, #tpu.memory_space<vmem>> -> memref<128x128xf32, #tpu.memory_space<vmem>>
      %dma_wait3A_461 = arith.constant 0 : i32
      %dma_wait3A_462 = tpu.memref_slice %arg5[%add3A_295, %dma_wait3A_461] : memref<32768x128xf32, #tpu.memory_space<hbm>> -> memref<128x128xf32, #tpu.memory_space<hbm>>
      %dma_wait3A_463 = arith.constant 0 : i32
      %dma_wait3A_464 = tpu.memref_slice %arg5[%add3A_295, %dma_wait3A_463] : memref<32768x128xf32, #tpu.memory_space<hbm>> -> memref<128x128xf32, #tpu.memory_space<hbm>>
      %dma_wait3A_465 = arith.constant 0 : i32
      %dma_wait3A_466 = arith.constant 0 : i32
      %dma_wait3A_467 = tpu.memref_slice %arg9[%dma_wait3A_456, %dma_wait3A_465, %dma_wait3A_466] : memref<3x128x128xf32, #tpu.memory_space<vmem>> -> memref<1x128x128xf32, #tpu.memory_space<vmem>>
      %dma_wait3A_468 = tpu.memref_squeeze %dma_wait3A_467 : memref<1x128x128xf32, #tpu.memory_space<vmem>> -> memref<128x128xf32, #tpu.memory_space<vmem>>
      tpu.wait_dma2 semaphore(%arg13 : memref<!tpu.dma_semaphore, #tpu.memory_space<semaphore_mem>>) src(%dma_wait3A_468 : memref<128x128xf32, #tpu.memory_space<vmem>>) dst(%dma_wait3A_464 : memref<128x128xf32, #tpu.memory_space<hbm>>)
      %parallel_loop3A_469 = arith.constant 0 : i32
      %parallel_loop3A_470 = arith.constant 128 : i32
      %parallel_loop3A_471 = arith.constant 1 : i32
      scf.for %parallel_loop3A_524 = %parallel_loop3A_469 to %parallel_loop3A_470 step %parallel_loop3A_471  : i32 {
        %parallel_loop3A_525 = arith.constant -16 : i32
        %parallel_loop3A_526 = arith.andi %parallel_loop3A_524, %parallel_loop3A_525 : i32
        %parallel_loop3A_527 = arith.constant 7 : i32
        %parallel_loop3A_528 = arith.index_cast %parallel_loop3A_527 : i32 to index
        %parallel_loop3A_529 = arith.index_cast %parallel_loop3A_526 : i32 to index
        %parallel_loop3A_530 = tpu.vector_load %arg6[%parallel_loop3A_528, %parallel_loop3A_529] {strides = array<i32>} : memref<8x128xi32, #tpu.memory_space<vmem>>, vector<16xi32>,
        %parallel_loop3A_531 = vector.broadcast %multiple_of3A : i32 to vector<16xi32>
        %parallel_loop3A_532 = arith.subi %parallel_loop3A_530, %parallel_loop3A_531 : vector<16xi32>
        %parallel_loop3A_533 = arith.constant 15 : i32
        %parallel_loop3A_534 = arith.andi %parallel_loop3A_524, %parallel_loop3A_533 : i32
        %parallel_loop3A_535 = vector.broadcast %parallel_loop3A_534 : i32 to vector<16xi32>
        %parallel_loop3A_536 = arith.constant 0 : i32
        %parallel_loop3A_537 = vector.broadcast %parallel_loop3A_536 : i32 to vector<16xi32>
        %parallel_loop3A_538 = arith.cmpi slt, %parallel_loop3A_535, %parallel_loop3A_537 : vector<16xi32>
        %parallel_loop3A_539 = arith.constant 16 : i32
        %parallel_loop3A_540 = vector.broadcast %parallel_loop3A_539 : i32 to vector<16xi32>
        %parallel_loop3A_541 = arith.addi %parallel_loop3A_535, %parallel_loop3A_540 : vector<16xi32>
        %parallel_loop3A_542 = arith.select %parallel_loop3A_538, %parallel_loop3A_541, %parallel_loop3A_535 : vector<16xi1>, vector<16xi32>
        %parallel_loop3A_543 = vector.shape_cast %parallel_loop3A_542 : vector<16xi32> to vector<16x1xi32>
        %parallel_loop3A_544 = vector.shape_cast %parallel_loop3A_543 : vector<16x1xi32> to vector<16xi32>
        %parallel_loop3A_545 = tpu.dynamic_gather %parallel_loop3A_532[%parallel_loop3A_544] in [0] : vector<16xi32>, vector<16xi32> -> vector<16xi32>
        %parallel_loop3A_546 = tpu.vector_load_idx %arg7[%parallel_loop3A_545, %add3A_76] : memref<128x128xf32, #tpu.memory_space<vmem>>[vector<16xi32>, vector<16xi32>], vector<16xf32>,
        %parallel_loop3A_547 = arith.constant 1 : i32
        %parallel_loop3A_548 = arith.index_cast %parallel_loop3A_547 : i32 to index
        %parallel_loop3A_549 = arith.index_cast %parallel_loop3A_524 : i32 to index
        %parallel_loop3A_550 = arith.constant 0 : index
        %parallel_loop3A_551 = tpu.vector_load %arg8[%parallel_loop3A_548, %parallel_loop3A_549, %parallel_loop3A_550] {strides = array<i32>} : memref<3x128x128xf32, #tpu.memory_space<vmem>>, vector<16xf32>,
        %parallel_loop3A_552 = arith.subf %parallel_loop3A_551, %parallel_loop3A_546 : vector<16xf32>
        %parallel_loop3A_553 = arith.constant 1 : i32
        %parallel_loop3A_554 = arith.index_cast %parallel_loop3A_553 : i32 to index
        %parallel_loop3A_555 = arith.index_cast %parallel_loop3A_524 : i32 to index
        %parallel_loop3A_556 = arith.constant 0 : index
        %parallel_loop3A_557 = tpu.vector_load %arg9[%parallel_loop3A_554, %parallel_loop3A_555, %parallel_loop3A_556] {strides = array<i32>} : memref<3x128x128xf32, #tpu.memory_space<vmem>>, vector<16xf32>,
        tpu.vector_store %arg9[%parallel_loop3A_554, %parallel_loop3A_555, %parallel_loop3A_556], %parallel_loop3A_552 {strides = array<i32>} : memref<3x128x128xf32, #tpu.memory_space<vmem>>, vector<16xf32>,
        %parallel_loop3A_558 = tpu.vector_load_idx %arg7[%parallel_loop3A_545, %add3A_79] : memref<128x128xf32, #tpu.memory_space<vmem>>[vector<16xi32>, vector<16xi32>], vector<16xf32>,
        %parallel_loop3A_559 = arith.constant 1 : i32
        %parallel_loop3A_560 = arith.index_cast %parallel_loop3A_559 : i32 to index
        %parallel_loop3A_561 = arith.index_cast %parallel_loop3A_524 : i32 to index
        %parallel_loop3A_562 = arith.constant 16 : index
        %parallel_loop3A_563 = tpu.vector_load %arg8[%parallel_loop3A_560, %parallel_loop3A_561, %parallel_loop3A_562] {strides = array<i32>} : memref<3x128x128xf32, #tpu.memory_space<vmem>>, vector<16xf32>,
        %parallel_loop3A_564 = arith.subf %parallel_loop3A_563, %parallel_loop3A_558 : vector<16xf32>
        %parallel_loop3A_565 = arith.constant 1 : i32
        %parallel_loop3A_566 = arith.index_cast %parallel_loop3A_565 : i32 to index
        %parallel_loop3A_567 = arith.index_cast %parallel_loop3A_524 : i32 to index
        %parallel_loop3A_568 = arith.constant 16 : index
        %parallel_loop3A_569 = tpu.vector_load %arg9[%parallel_loop3A_566, %parallel_loop3A_567, %parallel_loop3A_568] {strides = array<i32>} : memref<3x128x128xf32, #tpu.memory_space<vmem>>, vector<16xf32>,
        tpu.vector_store %arg9[%parallel_loop3A_566, %parallel_loop3A_567, %parallel_loop3A_568], %parallel_loop3A_564 {strides = array<i32>} : memref<3x128x128xf32, #tpu.memory_space<vmem>>, vector<16xf32>,
        %parallel_loop3A_570 = tpu.vector_load_idx %arg7[%parallel_loop3A_545, %add3A_82] : memref<128x128xf32, #tpu.memory_space<vmem>>[vector<16xi32>, vector<16xi32>], vector<16xf32>,
        %parallel_loop3A_571 = arith.constant 1 : i32
        %parallel_loop3A_572 = arith.index_cast %parallel_loop3A_571 : i32 to index
        %parallel_loop3A_573 = arith.index_cast %parallel_loop3A_524 : i32 to index
        %parallel_loop3A_574 = arith.constant 32 : index
        %parallel_loop3A_575 = tpu.vector_load %arg8[%parallel_loop3A_572, %parallel_loop3A_573, %parallel_loop3A_574] {strides = array<i32>} : memref<3x128x128xf32, #tpu.memory_space<vmem>>, vector<16xf32>,
        %parallel_loop3A_576 = arith.subf %parallel_loop3A_575, %parallel_loop3A_570 : vector<16xf32>
        %parallel_loop3A_577 = arith.constant 1 : i32
        %parallel_loop3A_578 = arith.index_cast %parallel_loop3A_577 : i32 to index
        %parallel_loop3A_579 = arith.index_cast %parallel_loop3A_524 : i32 to index
        %parallel_loop3A_580 = arith.constant 32 : index
        %parallel_loop3A_581 = tpu.vector_load %arg9[%parallel_loop3A_578, %parallel_loop3A_579, %parallel_loop3A_580] {strides = array<i32>} : memref<3x128x128xf32, #tpu.memory_space<vmem>>, vector<16xf32>,
        tpu.vector_store %arg9[%parallel_loop3A_578, %parallel_loop3A_579, %parallel_loop3A_580], %parallel_loop3A_576 {strides = array<i32>} : memref<3x128x128xf32, #tpu.memory_space<vmem>>, vector<16xf32>,
        %parallel_loop3A_582 = tpu.vector_load_idx %arg7[%parallel_loop3A_545, %add3A_85] : memref<128x128xf32, #tpu.memory_space<vmem>>[vector<16xi32>, vector<16xi32>], vector<16xf32>,
        %parallel_loop3A_583 = arith.constant 1 : i32
        %parallel_loop3A_584 = arith.index_cast %parallel_loop3A_583 : i32 to index
        %parallel_loop3A_585 = arith.index_cast %parallel_loop3A_524 : i32 to index
        %parallel_loop3A_586 = arith.constant 48 : index
        %parallel_loop3A_587 = tpu.vector_load %arg8[%parallel_loop3A_584, %parallel_loop3A_585, %parallel_loop3A_586] {strides = array<i32>} : memref<3x128x128xf32, #tpu.memory_space<vmem>>, vector<16xf32>,
        %parallel_loop3A_588 = arith.subf %parallel_loop3A_587, %parallel_loop3A_582 : vector<16xf32>
        %parallel_loop3A_589 = arith.constant 1 : i32
        %parallel_loop3A_590 = arith.index_cast %parallel_loop3A_589 : i32 to index
        %parallel_loop3A_591 = arith.index_cast %parallel_loop3A_524 : i32 to index
        %parallel_loop3A_592 = arith.constant 48 : index
        %parallel_loop3A_593 = tpu.vector_load %arg9[%parallel_loop3A_590, %parallel_loop3A_591, %parallel_loop3A_592] {strides = array<i32>} : memref<3x128x128xf32, #tpu.memory_space<vmem>>, vector<16xf32>,
        tpu.vector_store %arg9[%parallel_loop3A_590, %parallel_loop3A_591, %parallel_loop3A_592], %parallel_loop3A_588 {strides = array<i32>} : memref<3x128x128xf32, #tpu.memory_space<vmem>>, vector<16xf32>,
        %parallel_loop3A_594 = tpu.vector_load_idx %arg7[%parallel_loop3A_545, %add3A_88] : memref<128x128xf32, #tpu.memory_space<vmem>>[vector<16xi32>, vector<16xi32>], vector<16xf32>,
        %parallel_loop3A_595 = arith.constant 1 : i32
        %parallel_loop3A_596 = arith.index_cast %parallel_loop3A_595 : i32 to index
        %parallel_loop3A_597 = arith.index_cast %parallel_loop3A_524 : i32 to index
        %parallel_loop3A_598 = arith.constant 64 : index
        %parallel_loop3A_599 = tpu.vector_load %arg8[%parallel_loop3A_596, %parallel_loop3A_597, %parallel_loop3A_598] {strides = array<i32>} : memref<3x128x128xf32, #tpu.memory_space<vmem>>, vector<16xf32>,
        %parallel_loop3A_600 = arith.subf %parallel_loop3A_599, %parallel_loop3A_594 : vector<16xf32>
        %parallel_loop3A_601 = arith.constant 1 : i32
        %parallel_loop3A_602 = arith.index_cast %parallel_loop3A_601 : i32 to index
        %parallel_loop3A_603 = arith.index_cast %parallel_loop3A_524 : i32 to index
        %parallel_loop3A_604 = arith.constant 64 : index
        %parallel_loop3A_605 = tpu.vector_load %arg9[%parallel_loop3A_602, %parallel_loop3A_603, %parallel_loop3A_604] {strides = array<i32>} : memref<3x128x128xf32, #tpu.memory_space<vmem>>, vector<16xf32>,
        tpu.vector_store %arg9[%parallel_loop3A_602, %parallel_loop3A_603, %parallel_loop3A_604], %parallel_loop3A_600 {strides = array<i32>} : memref<3x128x128xf32, #tpu.memory_space<vmem>>, vector<16xf32>,
        %parallel_loop3A_606 = tpu.vector_load_idx %arg7[%parallel_loop3A_545, %add3A_91] : memref<128x128xf32, #tpu.memory_space<vmem>>[vector<16xi32>, vector<16xi32>], vector<16xf32>,
        %parallel_loop3A_607 = arith.constant 1 : i32
        %parallel_loop3A_608 = arith.index_cast %parallel_loop3A_607 : i32 to index
        %parallel_loop3A_609 = arith.index_cast %parallel_loop3A_524 : i32 to index
        %parallel_loop3A_610 = arith.constant 80 : index
        %parallel_loop3A_611 = tpu.vector_load %arg8[%parallel_loop3A_608, %parallel_loop3A_609, %parallel_loop3A_610] {strides = array<i32>} : memref<3x128x128xf32, #tpu.memory_space<vmem>>, vector<16xf32>,
        %parallel_loop3A_612 = arith.subf %parallel_loop3A_611, %parallel_loop3A_606 : vector<16xf32>
        %parallel_loop3A_613 = arith.constant 1 : i32
        %parallel_loop3A_614 = arith.index_cast %parallel_loop3A_613 : i32 to index
        %parallel_loop3A_615 = arith.index_cast %parallel_loop3A_524 : i32 to index
        %parallel_loop3A_616 = arith.constant 80 : index
        %parallel_loop3A_617 = tpu.vector_load %arg9[%parallel_loop3A_614, %parallel_loop3A_615, %parallel_loop3A_616] {strides = array<i32>} : memref<3x128x128xf32, #tpu.memory_space<vmem>>, vector<16xf32>,
        tpu.vector_store %arg9[%parallel_loop3A_614, %parallel_loop3A_615, %parallel_loop3A_616], %parallel_loop3A_612 {strides = array<i32>} : memref<3x128x128xf32, #tpu.memory_space<vmem>>, vector<16xf32>,
        %parallel_loop3A_618 = tpu.vector_load_idx %arg7[%parallel_loop3A_545, %add3A_94] : memref<128x128xf32, #tpu.memory_space<vmem>>[vector<16xi32>, vector<16xi32>], vector<16xf32>,
        %parallel_loop3A_619 = arith.constant 1 : i32
        %parallel_loop3A_620 = arith.index_cast %parallel_loop3A_619 : i32 to index
        %parallel_loop3A_621 = arith.index_cast %parallel_loop3A_524 : i32 to index
        %parallel_loop3A_622 = arith.constant 96 : index
        %parallel_loop3A_623 = tpu.vector_load %arg8[%parallel_loop3A_620, %parallel_loop3A_621, %parallel_loop3A_622] {strides = array<i32>} : memref<3x128x128xf32, #tpu.memory_space<vmem>>, vector<16xf32>,
        %parallel_loop3A_624 = arith.subf %parallel_loop3A_623, %parallel_loop3A_618 : vector<16xf32>
        %parallel_loop3A_625 = arith.constant 1 : i32
        %parallel_loop3A_626 = arith.index_cast %parallel_loop3A_625 : i32 to index
        %parallel_loop3A_627 = arith.index_cast %parallel_loop3A_524 : i32 to index
        %parallel_loop3A_628 = arith.constant 96 : index
        %parallel_loop3A_629 = tpu.vector_load %arg9[%parallel_loop3A_626, %parallel_loop3A_627, %parallel_loop3A_628] {strides = array<i32>} : memref<3x128x128xf32, #tpu.memory_space<vmem>>, vector<16xf32>,
        tpu.vector_store %arg9[%parallel_loop3A_626, %parallel_loop3A_627, %parallel_loop3A_628], %parallel_loop3A_624 {strides = array<i32>} : memref<3x128x128xf32, #tpu.memory_space<vmem>>, vector<16xf32>,
        %parallel_loop3A_630 = tpu.vector_load_idx %arg7[%parallel_loop3A_545, %add3A_97] : memref<128x128xf32, #tpu.memory_space<vmem>>[vector<16xi32>, vector<16xi32>], vector<16xf32>,
        %parallel_loop3A_631 = arith.constant 1 : i32
        %parallel_loop3A_632 = arith.index_cast %parallel_loop3A_631 : i32 to index
        %parallel_loop3A_633 = arith.index_cast %parallel_loop3A_524 : i32 to index
        %parallel_loop3A_634 = arith.constant 112 : index
        %parallel_loop3A_635 = tpu.vector_load %arg8[%parallel_loop3A_632, %parallel_loop3A_633, %parallel_loop3A_634] {strides = array<i32>} : memref<3x128x128xf32, #tpu.memory_space<vmem>>, vector<16xf32>,
        %parallel_loop3A_636 = arith.subf %parallel_loop3A_635, %parallel_loop3A_630 : vector<16xf32>
        %parallel_loop3A_637 = arith.constant 1 : i32
        %parallel_loop3A_638 = arith.index_cast %parallel_loop3A_637 : i32 to index
        %parallel_loop3A_639 = arith.index_cast %parallel_loop3A_524 : i32 to index
        %parallel_loop3A_640 = arith.constant 112 : index
        %parallel_loop3A_641 = tpu.vector_load %arg9[%parallel_loop3A_638, %parallel_loop3A_639, %parallel_loop3A_640] {strides = array<i32>} : memref<3x128x128xf32, #tpu.memory_space<vmem>>, vector<16xf32>,
        tpu.vector_store %arg9[%parallel_loop3A_638, %parallel_loop3A_639, %parallel_loop3A_640], %parallel_loop3A_636 {strides = array<i32>} : memref<3x128x128xf32, #tpu.memory_space<vmem>>, vector<16xf32>,
      } {sc.loop_unroll_factor = 1 : i64, sc.parallel_access}
      %dma_start3A_472 = arith.constant 1 : i32
      %dma_start3A_473 = arith.constant 0 : i32
      %dma_start3A_474 = arith.constant 0 : i32
      %dma_start3A_475 = tpu.memref_slice %arg9[%dma_start3A_472, %dma_start3A_473, %dma_start3A_474] : memref<3x128x128xf32, #tpu.memory_space<vmem>> -> memref<1x128x128xf32, #tpu.memory_space<vmem>>
      %dma_start3A_476 = tpu.memref_squeeze %dma_start3A_475 : memref<1x128x128xf32, #tpu.memory_space<vmem>> -> memref<128x128xf32, #tpu.memory_space<vmem>>
      %dma_start3A_477 = arith.constant 0 : i32
      %dma_start3A_478 = tpu.memref_slice %arg5[%add3A_442, %dma_start3A_477] : memref<32768x128xf32, #tpu.memory_space<hbm>> -> memref<128x128xf32, #tpu.memory_space<hbm>>
      %dma_start3A_479 = arith.constant 0 : i32
      %dma_start3A_480 = tpu.memref_slice %arg5[%add3A_442, %dma_start3A_479] : memref<32768x128xf32, #tpu.memory_space<hbm>> -> memref<128x128xf32, #tpu.memory_space<hbm>>
      %dma_start3A_481 = arith.constant 0 : i32
      %dma_start3A_482 = arith.constant 0 : i32
      %dma_start3A_483 = tpu.memref_slice %arg9[%dma_start3A_472, %dma_start3A_481, %dma_start3A_482] : memref<3x128x128xf32, #tpu.memory_space<vmem>> -> memref<1x128x128xf32, #tpu.memory_space<vmem>>
      %dma_start3A_484 = tpu.memref_squeeze %dma_start3A_483 : memref<1x128x128xf32, #tpu.memory_space<vmem>> -> memref<128x128xf32, #tpu.memory_space<vmem>>
      tpu.enqueue_dma source(%dma_start3A_484 : memref<128x128xf32, #tpu.memory_space<vmem>>) target(%dma_start3A_480 : memref<128x128xf32, #tpu.memory_space<hbm>>) target_semaphore(%arg13 : memref<!tpu.dma_semaphore, #tpu.memory_space<semaphore_mem>>)
      %dma_wait3A_485 = arith.constant 2 : i32
      %dma_wait3A_486 = arith.constant 0 : i32
      %dma_wait3A_487 = arith.constant 0 : i32
      %dma_wait3A_488 = tpu.memref_slice %arg9[%dma_wait3A_485, %dma_wait3A_486, %dma_wait3A_487] : memref<3x128x128xf32, #tpu.memory_space<vmem>> -> memref<1x128x128xf32, #tpu.memory_space<vmem>>
      %dma_wait3A_489 = tpu.memref_squeeze %dma_wait3A_488 : memref<1x128x128xf32, #tpu.memory_space<vmem>> -> memref<128x128xf32, #tpu.memory_space<vmem>>
      %dma_wait3A_490 = arith.constant 0 : i32
      %dma_wait3A_491 = tpu.memref_slice %arg5[%add3A_354, %dma_wait3A_490] : memref<32768x128xf32, #tpu.memory_space<hbm>> -> memref<128x128xf32, #tpu.memory_space<hbm>>
      %dma_wait3A_492 = arith.constant 0 : i32
      %dma_wait3A_493 = tpu.memref_slice %arg5[%add3A_354, %dma_wait3A_492] : memref<32768x128xf32, #tpu.memory_space<hbm>> -> memref<128x128xf32, #tpu.memory_space<hbm>>
      %dma_wait3A_494 = arith.constant 0 : i32
      %dma_wait3A_495 = arith.constant 0 : i32
      %dma_wait3A_496 = tpu.memref_slice %arg9[%dma_wait3A_485, %dma_wait3A_494, %dma_wait3A_495] : memref<3x128x128xf32, #tpu.memory_space<vmem>> -> memref<1x128x128xf32, #tpu.memory_space<vmem>>
      %dma_wait3A_497 = tpu.memref_squeeze %dma_wait3A_496 : memref<1x128x128xf32, #tpu.memory_space<vmem>> -> memref<128x128xf32, #tpu.memory_space<vmem>>
      tpu.wait_dma2 semaphore(%arg13 : memref<!tpu.dma_semaphore, #tpu.memory_space<semaphore_mem>>) src(%dma_wait3A_497 : memref<128x128xf32, #tpu.memory_space<vmem>>) dst(%dma_wait3A_493 : memref<128x128xf32, #tpu.memory_space<hbm>>)
      %dma_wait3A_498 = arith.constant 0 : i32
      %dma_wait3A_499 = arith.constant 0 : i32
      %dma_wait3A_500 = arith.constant 0 : i32
      %dma_wait3A_501 = tpu.memref_slice %arg9[%dma_wait3A_498, %dma_wait3A_499, %dma_wait3A_500] : memref<3x128x128xf32, #tpu.memory_space<vmem>> -> memref<1x128x128xf32, #tpu.memory_space<vmem>>
      %dma_wait3A_502 = tpu.memref_squeeze %dma_wait3A_501 : memref<1x128x128xf32, #tpu.memory_space<vmem>> -> memref<128x128xf32, #tpu.memory_space<vmem>>
      %dma_wait3A_503 = arith.constant 0 : i32
      %dma_wait3A_504 = tpu.memref_slice %arg5[%add3A_398, %dma_wait3A_503] : memref<32768x128xf32, #tpu.memory_space<hbm>> -> memref<128x128xf32, #tpu.memory_space<hbm>>
      %dma_wait3A_505 = arith.constant 0 : i32
      %dma_wait3A_506 = tpu.memref_slice %arg5[%add3A_398, %dma_wait3A_505] : memref<32768x128xf32, #tpu.memory_space<hbm>> -> memref<128x128xf32, #tpu.memory_space<hbm>>
      %dma_wait3A_507 = arith.constant 0 : i32
      %dma_wait3A_508 = arith.constant 0 : i32
      %dma_wait3A_509 = tpu.memref_slice %arg9[%dma_wait3A_498, %dma_wait3A_507, %dma_wait3A_508] : memref<3x128x128xf32, #tpu.memory_space<vmem>> -> memref<1x128x128xf32, #tpu.memory_space<vmem>>
      %dma_wait3A_510 = tpu.memref_squeeze %dma_wait3A_509 : memref<1x128x128xf32, #tpu.memory_space<vmem>> -> memref<128x128xf32, #tpu.memory_space<vmem>>
      tpu.wait_dma2 semaphore(%arg13 : memref<!tpu.dma_semaphore, #tpu.memory_space<semaphore_mem>>) src(%dma_wait3A_510 : memref<128x128xf32, #tpu.memory_space<vmem>>) dst(%dma_wait3A_506 : memref<128x128xf32, #tpu.memory_space<hbm>>)
      %dma_wait3A_511 = arith.constant 1 : i32
      %dma_wait3A_512 = arith.constant 0 : i32
      %dma_wait3A_513 = arith.constant 0 : i32
      %dma_wait3A_514 = tpu.memref_slice %arg9[%dma_wait3A_511, %dma_wait3A_512, %dma_wait3A_513] : memref<3x128x128xf32, #tpu.memory_space<vmem>> -> memref<1x128x128xf32, #tpu.memory_space<vmem>>
      %dma_wait3A_515 = tpu.memref_squeeze %dma_wait3A_514 : memref<1x128x128xf32, #tpu.memory_space<vmem>> -> memref<128x128xf32, #tpu.memory_space<vmem>>
      %dma_wait3A_516 = arith.constant 0 : i32
      %dma_wait3A_517 = tpu.memref_slice %arg5[%add3A_442, %dma_wait3A_516] : memref<32768x128xf32, #tpu.memory_space<hbm>> -> memref<128x128xf32, #tpu.memory_space<hbm>>
      %dma_wait3A_518 = arith.constant 0 : i32
      %dma_wait3A_519 = tpu.memref_slice %arg5[%add3A_442, %dma_wait3A_518] : memref<32768x128xf32, #tpu.memory_space<hbm>> -> memref<128x128xf32, #tpu.memory_space<hbm>>
      %dma_wait3A_520 = arith.constant 0 : i32
      %dma_wait3A_521 = arith.constant 0 : i32
      %dma_wait3A_522 = tpu.memref_slice %arg9[%dma_wait3A_511, %dma_wait3A_520, %dma_wait3A_521] : memref<3x128x128xf32, #tpu.memory_space<vmem>> -> memref<1x128x128xf32, #tpu.memory_space<vmem>>
      %dma_wait3A_523 = tpu.memref_squeeze %dma_wait3A_522 : memref<1x128x128xf32, #tpu.memory_space<vmem>> -> memref<128x128xf32, #tpu.memory_space<vmem>>
      tpu.wait_dma2 semaphore(%arg13 : memref<!tpu.dma_semaphore, #tpu.memory_space<semaphore_mem>>) src(%dma_wait3A_523 : memref<128x128xf32, #tpu.memory_space<vmem>>) dst(%dma_wait3A_519 : memref<128x128xf32, #tpu.memory_space<hbm>>)
    } else {
    }
    %sub3A_62 = arith.subi %squeeze3A_57, %multiple_of3A : i32
    %ge3A = arith.constant 128 : i32
    %ge3A_63 = arith.cmpi sge, %sub3A_62, %ge3A : i32
    %convert_element_type3A_64 = arith.extui %ge3A_63 : i1 to i32
    %cond3A_65 = arith.constant 0 : i32
    %cond3A_66 = arith.cmpi ne, %convert_element_type3A_64, %cond3A_65 : i32
    scf.if %cond3A_66 {
      %add3A_67 = arith.constant 0 : i32
      %add3A_68 = arith.addi %mul3A_2, %add3A_67 : i32
      %dma_start3A_69 = arith.constant 0 : i32
      %dma_start3A_70 = arith.constant 0 : i32
      %dma_start3A_71 = arith.constant 0 : i32
      %dma_start3A_72 = tpu.memref_slice %arg7[%dma_start3A_70, %dma_start3A_71] : memref<128x128xf32, #tpu.memory_space<vmem>> -> memref<128x128xf32, #tpu.memory_space<vmem>>
      %dma_start3A_73 = arith.constant 0 : i32
      %dma_start3A_74 = tpu.memref_slice %arg6[%dma_start3A_69, %dma_start3A_73] : memref<8x128xi32, #tpu.memory_space<vmem>> -> memref<1x128xi32, #tpu.memory_space<vmem>>
      %dma_start3A_75 = tpu.memref_squeeze %dma_start3A_74 : memref<1x128xi32, #tpu.memory_space<vmem>> -> memref<128xi32, #tpu.memory_space<vmem>>
      %dma_start3A_76 = arith.constant 0 : i32
      %dma_start3A_77 = arith.constant 0 : i32
      %dma_start3A_78 = tpu.memref_slice %arg3[%dma_start3A_76, %dma_start3A_77] : memref<2048x128xf32, #tpu.memory_space<hbm>> -> memref<2048x128xf32, #tpu.memory_space<hbm>>
      tpu.enqueue_indirect_dma source(%dma_start3A_78 : memref<2048x128xf32, #tpu.memory_space<hbm>>) target(%dma_start3A_72 : memref<128x128xf32, #tpu.memory_space<vmem>>) offsets(%dma_start3A_75 : memref<128xi32, #tpu.memory_space<vmem>>) semaphore(%arg12 : memref<!tpu.dma_semaphore, #tpu.memory_space<semaphore_mem>>)
      %dma_wait3A = arith.constant 0 : i32
      %dma_wait3A_79 = arith.constant 0 : i32
      %dma_wait3A_80 = arith.constant 0 : i32
      %dma_wait3A_81 = tpu.memref_slice %arg8[%dma_wait3A, %dma_wait3A_79, %dma_wait3A_80] : memref<3x128x128xf32, #tpu.memory_space<vmem>> -> memref<1x128x128xf32, #tpu.memory_space<vmem>>
      %dma_wait3A_82 = tpu.memref_squeeze %dma_wait3A_81 : memref<1x128x128xf32, #tpu.memory_space<vmem>> -> memref<128x128xf32, #tpu.memory_space<vmem>>
      %dma_wait3A_83 = arith.constant 0 : i32
      %dma_wait3A_84 = tpu.memref_slice %arg2[%add3A_68, %dma_wait3A_83] : memref<32768x128xf32, #tpu.memory_space<hbm>> -> memref<128x128xf32, #tpu.memory_space<hbm>>
      %dma_wait3A_85 = arith.constant 0 : i32
      %dma_wait3A_86 = arith.constant 0 : i32
      %dma_wait3A_87 = tpu.memref_slice %arg8[%dma_wait3A, %dma_wait3A_85, %dma_wait3A_86] : memref<3x128x128xf32, #tpu.memory_space<vmem>> -> memref<1x128x128xf32, #tpu.memory_space<vmem>>
      %dma_wait3A_88 = tpu.memref_squeeze %dma_wait3A_87 : memref<1x128x128xf32, #tpu.memory_space<vmem>> -> memref<128x128xf32, #tpu.memory_space<vmem>>
      %dma_wait3A_89 = arith.constant 0 : i32
      %dma_wait3A_90 = tpu.memref_slice %arg2[%add3A_68, %dma_wait3A_89] : memref<32768x128xf32, #tpu.memory_space<hbm>> -> memref<128x128xf32, #tpu.memory_space<hbm>>
      tpu.wait_dma2 semaphore(%arg11 : memref<!tpu.dma_semaphore, #tpu.memory_space<semaphore_mem>>) src(%dma_wait3A_90 : memref<128x128xf32, #tpu.memory_space<hbm>>) dst(%dma_wait3A_88 : memref<128x128xf32, #tpu.memory_space<vmem>>)
      %dma_wait3A_91 = arith.constant 0 : i32
      %dma_wait3A_92 = arith.constant 0 : i32
      %dma_wait3A_93 = arith.constant 0 : i32
      %dma_wait3A_94 = tpu.memref_slice %arg7[%dma_wait3A_92, %dma_wait3A_93] : memref<128x128xf32, #tpu.memory_space<vmem>> -> memref<128x128xf32, #tpu.memory_space<vmem>>
      %dma_wait3A_95 = arith.constant 0 : i32
      %dma_wait3A_96 = tpu.memref_slice %arg6[%dma_wait3A_91, %dma_wait3A_95] : memref<8x128xi32, #tpu.memory_space<vmem>> -> memref<1x128xi32, #tpu.memory_space<vmem>>
      %dma_wait3A_97 = tpu.memref_squeeze %dma_wait3A_96 : memref<1x128xi32, #tpu.memory_space<vmem>> -> memref<128xi32, #tpu.memory_space<vmem>>
      %dma_wait3A_98 = arith.constant 0 : i32
      %dma_wait3A_99 = arith.constant 0 : i32
      %dma_wait3A_100 = tpu.memref_slice %arg3[%dma_wait3A_98, %dma_wait3A_99] : memref<2048x128xf32, #tpu.memory_space<hbm>> -> memref<2048x128xf32, #tpu.memory_space<hbm>>
      tpu.wait_indirect_dma semaphore(%arg12 : memref<!tpu.dma_semaphore, #tpu.memory_space<semaphore_mem>>) src(%dma_wait3A_100 : memref<2048x128xf32, #tpu.memory_space<hbm>>) dst(%dma_wait3A_94 : memref<128x128xf32, #tpu.memory_space<vmem>>)
      %parallel_loop3A = arith.constant 0 : i32
      %parallel_loop3A_101 = arith.constant 128 : i32
      %parallel_loop3A_102 = arith.constant 1 : i32
      scf.for %parallel_loop3A_441 = %parallel_loop3A to %parallel_loop3A_101 step %parallel_loop3A_102  : i32 {
        %parallel_loop3A_442 = arith.constant 0 : i32
        %parallel_loop3A_443 = arith.index_cast %parallel_loop3A_442 : i32 to index
        %parallel_loop3A_444 = arith.index_cast %parallel_loop3A_441 : i32 to index
        %parallel_loop3A_445 = arith.constant 0 : index
        %parallel_loop3A_446 = tpu.vector_load %arg8[%parallel_loop3A_443, %parallel_loop3A_444, %parallel_loop3A_445] {strides = array<i32>} : memref<3x128x128xf32, #tpu.memory_space<vmem>>, vector<16xf32>,
        %parallel_loop3A_447 = arith.index_cast %parallel_loop3A_441 : i32 to index
        %parallel_loop3A_448 = arith.constant 0 : index
        %parallel_loop3A_449 = tpu.vector_load %arg7[%parallel_loop3A_447, %parallel_loop3A_448] {strides = array<i32>} : memref<128x128xf32, #tpu.memory_space<vmem>>, vector<16xf32>,
        %parallel_loop3A_450 = arith.subf %parallel_loop3A_446, %parallel_loop3A_449 : vector<16xf32>
        %parallel_loop3A_451 = arith.constant 0 : i32
        %parallel_loop3A_452 = arith.index_cast %parallel_loop3A_451 : i32 to index
        %parallel_loop3A_453 = arith.index_cast %parallel_loop3A_441 : i32 to index
        %parallel_loop3A_454 = arith.constant 0 : index
        %parallel_loop3A_455 = tpu.vector_load %arg9[%parallel_loop3A_452, %parallel_loop3A_453, %parallel_loop3A_454] {strides = array<i32>} : memref<3x128x128xf32, #tpu.memory_space<vmem>>, vector<16xf32>,
        tpu.vector_store %arg9[%parallel_loop3A_452, %parallel_loop3A_453, %parallel_loop3A_454], %parallel_loop3A_450 {strides = array<i32>} : memref<3x128x128xf32, #tpu.memory_space<vmem>>, vector<16xf32>,
        %parallel_loop3A_456 = arith.constant 0 : i32
        %parallel_loop3A_457 = arith.index_cast %parallel_loop3A_456 : i32 to index
        %parallel_loop3A_458 = arith.index_cast %parallel_loop3A_441 : i32 to index
        %parallel_loop3A_459 = arith.constant 16 : index
        %parallel_loop3A_460 = tpu.vector_load %arg8[%parallel_loop3A_457, %parallel_loop3A_458, %parallel_loop3A_459] {strides = array<i32>} : memref<3x128x128xf32, #tpu.memory_space<vmem>>, vector<16xf32>,
        %parallel_loop3A_461 = arith.index_cast %parallel_loop3A_441 : i32 to index
        %parallel_loop3A_462 = arith.constant 16 : index
        %parallel_loop3A_463 = tpu.vector_load %arg7[%parallel_loop3A_461, %parallel_loop3A_462] {strides = array<i32>} : memref<128x128xf32, #tpu.memory_space<vmem>>, vector<16xf32>,
        %parallel_loop3A_464 = arith.subf %parallel_loop3A_460, %parallel_loop3A_463 : vector<16xf32>
        %parallel_loop3A_465 = arith.constant 0 : i32
        %parallel_loop3A_466 = arith.index_cast %parallel_loop3A_465 : i32 to index
        %parallel_loop3A_467 = arith.index_cast %parallel_loop3A_441 : i32 to index
        %parallel_loop3A_468 = arith.constant 16 : index
        %parallel_loop3A_469 = tpu.vector_load %arg9[%parallel_loop3A_466, %parallel_loop3A_467, %parallel_loop3A_468] {strides = array<i32>} : memref<3x128x128xf32, #tpu.memory_space<vmem>>, vector<16xf32>,
        tpu.vector_store %arg9[%parallel_loop3A_466, %parallel_loop3A_467, %parallel_loop3A_468], %parallel_loop3A_464 {strides = array<i32>} : memref<3x128x128xf32, #tpu.memory_space<vmem>>, vector<16xf32>,
        %parallel_loop3A_470 = arith.constant 0 : i32
        %parallel_loop3A_471 = arith.index_cast %parallel_loop3A_470 : i32 to index
        %parallel_loop3A_472 = arith.index_cast %parallel_loop3A_441 : i32 to index
        %parallel_loop3A_473 = arith.constant 32 : index
        %parallel_loop3A_474 = tpu.vector_load %arg8[%parallel_loop3A_471, %parallel_loop3A_472, %parallel_loop3A_473] {strides = array<i32>} : memref<3x128x128xf32, #tpu.memory_space<vmem>>, vector<16xf32>,
        %parallel_loop3A_475 = arith.index_cast %parallel_loop3A_441 : i32 to index
        %parallel_loop3A_476 = arith.constant 32 : index
        %parallel_loop3A_477 = tpu.vector_load %arg7[%parallel_loop3A_475, %parallel_loop3A_476] {strides = array<i32>} : memref<128x128xf32, #tpu.memory_space<vmem>>, vector<16xf32>,
        %parallel_loop3A_478 = arith.subf %parallel_loop3A_474, %parallel_loop3A_477 : vector<16xf32>
        %parallel_loop3A_479 = arith.constant 0 : i32
        %parallel_loop3A_480 = arith.index_cast %parallel_loop3A_479 : i32 to index
        %parallel_loop3A_481 = arith.index_cast %parallel_loop3A_441 : i32 to index
        %parallel_loop3A_482 = arith.constant 32 : index
        %parallel_loop3A_483 = tpu.vector_load %arg9[%parallel_loop3A_480, %parallel_loop3A_481, %parallel_loop3A_482] {strides = array<i32>} : memref<3x128x128xf32, #tpu.memory_space<vmem>>, vector<16xf32>,
        tpu.vector_store %arg9[%parallel_loop3A_480, %parallel_loop3A_481, %parallel_loop3A_482], %parallel_loop3A_478 {strides = array<i32>} : memref<3x128x128xf32, #tpu.memory_space<vmem>>, vector<16xf32>,
        %parallel_loop3A_484 = arith.constant 0 : i32
        %parallel_loop3A_485 = arith.index_cast %parallel_loop3A_484 : i32 to index
        %parallel_loop3A_486 = arith.index_cast %parallel_loop3A_441 : i32 to index
        %parallel_loop3A_487 = arith.constant 48 : index
        %parallel_loop3A_488 = tpu.vector_load %arg8[%parallel_loop3A_485, %parallel_loop3A_486, %parallel_loop3A_487] {strides = array<i32>} : memref<3x128x128xf32, #tpu.memory_space<vmem>>, vector<16xf32>,
        %parallel_loop3A_489 = arith.index_cast %parallel_loop3A_441 : i32 to index
        %parallel_loop3A_490 = arith.constant 48 : index
        %parallel_loop3A_491 = tpu.vector_load %arg7[%parallel_loop3A_489, %parallel_loop3A_490] {strides = array<i32>} : memref<128x128xf32, #tpu.memory_space<vmem>>, vector<16xf32>,
        %parallel_loop3A_492 = arith.subf %parallel_loop3A_488, %parallel_loop3A_491 : vector<16xf32>
        %parallel_loop3A_493 = arith.constant 0 : i32
        %parallel_loop3A_494 = arith.index_cast %parallel_loop3A_493 : i32 to index
        %parallel_loop3A_495 = arith.index_cast %parallel_loop3A_441 : i32 to index
        %parallel_loop3A_496 = arith.constant 48 : index
        %parallel_loop3A_497 = tpu.vector_load %arg9[%parallel_loop3A_494, %parallel_loop3A_495, %parallel_loop3A_496] {strides = array<i32>} : memref<3x128x128xf32, #tpu.memory_space<vmem>>, vector<16xf32>,
        tpu.vector_store %arg9[%parallel_loop3A_494, %parallel_loop3A_495, %parallel_loop3A_496], %parallel_loop3A_492 {strides = array<i32>} : memref<3x128x128xf32, #tpu.memory_space<vmem>>, vector<16xf32>,
        %parallel_loop3A_498 = arith.constant 0 : i32
        %parallel_loop3A_499 = arith.index_cast %parallel_loop3A_498 : i32 to index
        %parallel_loop3A_500 = arith.index_cast %parallel_loop3A_441 : i32 to index
        %parallel_loop3A_501 = arith.constant 64 : index
        %parallel_loop3A_502 = tpu.vector_load %arg8[%parallel_loop3A_499, %parallel_loop3A_500, %parallel_loop3A_501] {strides = array<i32>} : memref<3x128x128xf32, #tpu.memory_space<vmem>>, vector<16xf32>,
        %parallel_loop3A_503 = arith.index_cast %parallel_loop3A_441 : i32 to index
        %parallel_loop3A_504 = arith.constant 64 : index
        %parallel_loop3A_505 = tpu.vector_load %arg7[%parallel_loop3A_503, %parallel_loop3A_504] {strides = array<i32>} : memref<128x128xf32, #tpu.memory_space<vmem>>, vector<16xf32>,
        %parallel_loop3A_506 = arith.subf %parallel_loop3A_502, %parallel_loop3A_505 : vector<16xf32>
        %parallel_loop3A_507 = arith.constant 0 : i32
        %parallel_loop3A_508 = arith.index_cast %parallel_loop3A_507 : i32 to index
        %parallel_loop3A_509 = arith.index_cast %parallel_loop3A_441 : i32 to index
        %parallel_loop3A_510 = arith.constant 64 : index
        %parallel_loop3A_511 = tpu.vector_load %arg9[%parallel_loop3A_508, %parallel_loop3A_509, %parallel_loop3A_510] {strides = array<i32>} : memref<3x128x128xf32, #tpu.memory_space<vmem>>, vector<16xf32>,
        tpu.vector_store %arg9[%parallel_loop3A_508, %parallel_loop3A_509, %parallel_loop3A_510], %parallel_loop3A_506 {strides = array<i32>} : memref<3x128x128xf32, #tpu.memory_space<vmem>>, vector<16xf32>,
        %parallel_loop3A_512 = arith.constant 0 : i32
        %parallel_loop3A_513 = arith.index_cast %parallel_loop3A_512 : i32 to index
        %parallel_loop3A_514 = arith.index_cast %parallel_loop3A_441 : i32 to index
        %parallel_loop3A_515 = arith.constant 80 : index
        %parallel_loop3A_516 = tpu.vector_load %arg8[%parallel_loop3A_513, %parallel_loop3A_514, %parallel_loop3A_515] {strides = array<i32>} : memref<3x128x128xf32, #tpu.memory_space<vmem>>, vector<16xf32>,
        %parallel_loop3A_517 = arith.index_cast %parallel_loop3A_441 : i32 to index
        %parallel_loop3A_518 = arith.constant 80 : index
        %parallel_loop3A_519 = tpu.vector_load %arg7[%parallel_loop3A_517, %parallel_loop3A_518] {strides = array<i32>} : memref<128x128xf32, #tpu.memory_space<vmem>>, vector<16xf32>,
        %parallel_loop3A_520 = arith.subf %parallel_loop3A_516, %parallel_loop3A_519 : vector<16xf32>
        %parallel_loop3A_521 = arith.constant 0 : i32
        %parallel_loop3A_522 = arith.index_cast %parallel_loop3A_521 : i32 to index
        %parallel_loop3A_523 = arith.index_cast %parallel_loop3A_441 : i32 to index
        %parallel_loop3A_524 = arith.constant 80 : index
        %parallel_loop3A_525 = tpu.vector_load %arg9[%parallel_loop3A_522, %parallel_loop3A_523, %parallel_loop3A_524] {strides = array<i32>} : memref<3x128x128xf32, #tpu.memory_space<vmem>>, vector<16xf32>,
        tpu.vector_store %arg9[%parallel_loop3A_522, %parallel_loop3A_523, %parallel_loop3A_524], %parallel_loop3A_520 {strides = array<i32>} : memref<3x128x128xf32, #tpu.memory_space<vmem>>, vector<16xf32>,
        %parallel_loop3A_526 = arith.constant 0 : i32
        %parallel_loop3A_527 = arith.index_cast %parallel_loop3A_526 : i32 to index
        %parallel_loop3A_528 = arith.index_cast %parallel_loop3A_441 : i32 to index
        %parallel_loop3A_529 = arith.constant 96 : index
        %parallel_loop3A_530 = tpu.vector_load %arg8[%parallel_loop3A_527, %parallel_loop3A_528, %parallel_loop3A_529] {strides = array<i32>} : memref<3x128x128xf32, #tpu.memory_space<vmem>>, vector<16xf32>,
        %parallel_loop3A_531 = arith.index_cast %parallel_loop3A_441 : i32 to index
        %parallel_loop3A_532 = arith.constant 96 : index
        %parallel_loop3A_533 = tpu.vector_load %arg7[%parallel_loop3A_531, %parallel_loop3A_532] {strides = array<i32>} : memref<128x128xf32, #tpu.memory_space<vmem>>, vector<16xf32>,
        %parallel_loop3A_534 = arith.subf %parallel_loop3A_530, %parallel_loop3A_533 : vector<16xf32>
        %parallel_loop3A_535 = arith.constant 0 : i32
        %parallel_loop3A_536 = arith.index_cast %parallel_loop3A_535 : i32 to index
        %parallel_loop3A_537 = arith.index_cast %parallel_loop3A_441 : i32 to index
        %parallel_loop3A_538 = arith.constant 96 : index
        %parallel_loop3A_539 = tpu.vector_load %arg9[%parallel_loop3A_536, %parallel_loop3A_537, %parallel_loop3A_538] {strides = array<i32>} : memref<3x128x128xf32, #tpu.memory_space<vmem>>, vector<16xf32>,
        tpu.vector_store %arg9[%parallel_loop3A_536, %parallel_loop3A_537, %parallel_loop3A_538], %parallel_loop3A_534 {strides = array<i32>} : memref<3x128x128xf32, #tpu.memory_space<vmem>>, vector<16xf32>,
        %parallel_loop3A_540 = arith.constant 0 : i32
        %parallel_loop3A_541 = arith.index_cast %parallel_loop3A_540 : i32 to index
        %parallel_loop3A_542 = arith.index_cast %parallel_loop3A_441 : i32 to index
        %parallel_loop3A_543 = arith.constant 112 : index
        %parallel_loop3A_544 = tpu.vector_load %arg8[%parallel_loop3A_541, %parallel_loop3A_542, %parallel_loop3A_543] {strides = array<i32>} : memref<3x128x128xf32, #tpu.memory_space<vmem>>, vector<16xf32>,
        %parallel_loop3A_545 = arith.index_cast %parallel_loop3A_441 : i32 to index
        %parallel_loop3A_546 = arith.constant 112 : index
        %parallel_loop3A_547 = tpu.vector_load %arg7[%parallel_loop3A_545, %parallel_loop3A_546] {strides = array<i32>} : memref<128x128xf32, #tpu.memory_space<vmem>>, vector<16xf32>,
        %parallel_loop3A_548 = arith.subf %parallel_loop3A_544, %parallel_loop3A_547 : vector<16xf32>
        %parallel_loop3A_549 = arith.constant 0 : i32
        %parallel_loop3A_550 = arith.index_cast %parallel_loop3A_549 : i32 to index
        %parallel_loop3A_551 = arith.index_cast %parallel_loop3A_441 : i32 to index
        %parallel_loop3A_552 = arith.constant 112 : index
        %parallel_loop3A_553 = tpu.vector_load %arg9[%parallel_loop3A_550, %parallel_loop3A_551, %parallel_loop3A_552] {strides = array<i32>} : memref<3x128x128xf32, #tpu.memory_space<vmem>>, vector<16xf32>,
        tpu.vector_store %arg9[%parallel_loop3A_550, %parallel_loop3A_551, %parallel_loop3A_552], %parallel_loop3A_548 {strides = array<i32>} : memref<3x128x128xf32, #tpu.memory_space<vmem>>, vector<16xf32>,
      } {sc.loop_unroll_factor = 1 : i64, sc.parallel_access}
      %run_scoped3A = arith.constant 0 : i32
      "tpu.region"() ({
        %run_scoped3A_441 = tpu.sem_alloc : memref<!tpu.dma_semaphore, #tpu.memory_space<semaphore_mem>>
        %dma_start3A_442 = arith.constant 0 : i32
        %dma_start3A_443 = arith.constant 0 : i32
        %dma_start3A_444 = tpu.memref_slice %arg9[%run_scoped3A, %dma_start3A_442, %dma_start3A_443] : memref<3x128x128xf32, #tpu.memory_space<vmem>> -> memref<1x128x128xf32, #tpu.memory_space<vmem>>
        %dma_start3A_445 = tpu.memref_squeeze %dma_start3A_444 : memref<1x128x128xf32, #tpu.memory_space<vmem>> -> memref<128x128xf32, #tpu.memory_space<vmem>>
        %dma_start3A_446 = arith.constant 0 : i32
        %dma_start3A_447 = tpu.memref_slice %arg5[%add3A_68, %dma_start3A_446] : memref<32768x128xf32, #tpu.memory_space<hbm>> -> memref<128x128xf32, #tpu.memory_space<hbm>>
        %dma_start3A_448 = arith.constant 0 : i32
        %dma_start3A_449 = tpu.memref_slice %arg5[%add3A_68, %dma_start3A_448] : memref<32768x128xf32, #tpu.memory_space<hbm>> -> memref<128x128xf32, #tpu.memory_space<hbm>>
        %dma_start3A_450 = arith.constant 0 : i32
        %dma_start3A_451 = arith.constant 0 : i32
        %dma_start3A_452 = tpu.memref_slice %arg9[%run_scoped3A, %dma_start3A_450, %dma_start3A_451] : memref<3x128x128xf32, #tpu.memory_space<vmem>> -> memref<1x128x128xf32, #tpu.memory_space<vmem>>
        %dma_start3A_453 = tpu.memref_squeeze %dma_start3A_452 : memref<1x128x128xf32, #tpu.memory_space<vmem>> -> memref<128x128xf32, #tpu.memory_space<vmem>>
        tpu.enqueue_dma source(%dma_start3A_453 : memref<128x128xf32, #tpu.memory_space<vmem>>) target(%dma_start3A_449 : memref<128x128xf32, #tpu.memory_space<hbm>>) target_semaphore(%run_scoped3A_441 : memref<!tpu.dma_semaphore, #tpu.memory_space<semaphore_mem>>)
        %dma_wait3A_454 = arith.constant 0 : i32
        %dma_wait3A_455 = arith.constant 0 : i32
        %dma_wait3A_456 = tpu.memref_slice %arg9[%run_scoped3A, %dma_wait3A_454, %dma_wait3A_455] : memref<3x128x128xf32, #tpu.memory_space<vmem>> -> memref<1x128x128xf32, #tpu.memory_space<vmem>>
        %dma_wait3A_457 = tpu.memref_squeeze %dma_wait3A_456 : memref<1x128x128xf32, #tpu.memory_space<vmem>> -> memref<128x128xf32, #tpu.memory_space<vmem>>
        %dma_wait3A_458 = arith.constant 0 : i32
        %dma_wait3A_459 = tpu.memref_slice %arg5[%add3A_68, %dma_wait3A_458] : memref<32768x128xf32, #tpu.memory_space<hbm>> -> memref<128x128xf32, #tpu.memory_space<hbm>>
        %dma_wait3A_460 = arith.constant 0 : i32
        %dma_wait3A_461 = tpu.memref_slice %arg5[%add3A_68, %dma_wait3A_460] : memref<32768x128xf32, #tpu.memory_space<hbm>> -> memref<128x128xf32, #tpu.memory_space<hbm>>
        %dma_wait3A_462 = arith.constant 0 : i32
        %dma_wait3A_463 = arith.constant 0 : i32
        %dma_wait3A_464 = tpu.memref_slice %arg9[%run_scoped3A, %dma_wait3A_462, %dma_wait3A_463] : memref<3x128x128xf32, #tpu.memory_space<vmem>> -> memref<1x128x128xf32, #tpu.memory_space<vmem>>
        %dma_wait3A_465 = tpu.memref_squeeze %dma_wait3A_464 : memref<1x128x128xf32, #tpu.memory_space<vmem>> -> memref<128x128xf32, #tpu.memory_space<vmem>>
        tpu.wait_dma2 semaphore(%run_scoped3A_441 : memref<!tpu.dma_semaphore, #tpu.memory_space<semaphore_mem>>) src(%dma_wait3A_465 : memref<128x128xf32, #tpu.memory_space<vmem>>) dst(%dma_wait3A_461 : memref<128x128xf32, #tpu.memory_space<hbm>>)
        tpu.yield
      }) : () -> ()
      %add3A_103 = arith.constant 128 : i32
      %add3A_104 = arith.addi %mul3A_2, %add3A_103 : i32
      %dma_start3A_105 = arith.constant 1 : i32
      %dma_start3A_106 = arith.constant 0 : i32
      %dma_start3A_107 = arith.constant 0 : i32
      %dma_start3A_108 = tpu.memref_slice %arg7[%dma_start3A_106, %dma_start3A_107] : memref<128x128xf32, #tpu.memory_space<vmem>> -> memref<128x128xf32, #tpu.memory_space<vmem>>
      %dma_start3A_109 = arith.constant 0 : i32
      %dma_start3A_110 = tpu.memref_slice %arg6[%dma_start3A_105, %dma_start3A_109] : memref<8x128xi32, #tpu.memory_space<vmem>> -> memref<1x128xi32, #tpu.memory_space<vmem>>
      %dma_start3A_111 = tpu.memref_squeeze %dma_start3A_110 : memref<1x128xi32, #tpu.memory_space<vmem>> -> memref<128xi32, #tpu.memory_space<vmem>>
      %dma_start3A_112 = arith.constant 0 : i32
      %dma_start3A_113 = arith.constant 0 : i32
      %dma_start3A_114 = tpu.memref_slice %arg3[%dma_start3A_112, %dma_start3A_113] : memref<2048x128xf32, #tpu.memory_space<hbm>> -> memref<2048x128xf32, #tpu.memory_space<hbm>>
      tpu.enqueue_indirect_dma source(%dma_start3A_114 : memref<2048x128xf32, #tpu.memory_space<hbm>>) target(%dma_start3A_108 : memref<128x128xf32, #tpu.memory_space<vmem>>) offsets(%dma_start3A_111 : memref<128xi32, #tpu.memory_space<vmem>>) semaphore(%arg12 : memref<!tpu.dma_semaphore, #tpu.memory_space<semaphore_mem>>)
      %dma_wait3A_115 = arith.constant 1 : i32
      %dma_wait3A_116 = arith.constant 0 : i32
      %dma_wait3A_117 = arith.constant 0 : i32
      %dma_wait3A_118 = tpu.memref_slice %arg8[%dma_wait3A_115, %dma_wait3A_116, %dma_wait3A_117] : memref<3x128x128xf32, #tpu.memory_space<vmem>> -> memref<1x128x128xf32, #tpu.memory_space<vmem>>
      %dma_wait3A_119 = tpu.memref_squeeze %dma_wait3A_118 : memref<1x128x128xf32, #tpu.memory_space<vmem>> -> memref<128x128xf32, #tpu.memory_space<vmem>>
      %dma_wait3A_120 = arith.constant 0 : i32
      %dma_wait3A_121 = tpu.memref_slice %arg2[%add3A_104, %dma_wait3A_120] : memref<32768x128xf32, #tpu.memory_space<hbm>> -> memref<128x128xf32, #tpu.memory_space<hbm>>
      %dma_wait3A_122 = arith.constant 0 : i32
      %dma_wait3A_123 = arith.constant 0 : i32
      %dma_wait3A_124 = tpu.memref_slice %arg8[%dma_wait3A_115, %dma_wait3A_122, %dma_wait3A_123] : memref<3x128x128xf32, #tpu.memory_space<vmem>> -> memref<1x128x128xf32, #tpu.memory_space<vmem>>
      %dma_wait3A_125 = tpu.memref_squeeze %dma_wait3A_124 : memref<1x128x128xf32, #tpu.memory_space<vmem>> -> memref<128x128xf32, #tpu.memory_space<vmem>>
      %dma_wait3A_126 = arith.constant 0 : i32
      %dma_wait3A_127 = tpu.memref_slice %arg2[%add3A_104, %dma_wait3A_126] : memref<32768x128xf32, #tpu.memory_space<hbm>> -> memref<128x128xf32, #tpu.memory_space<hbm>>
      tpu.wait_dma2 semaphore(%arg11 : memref<!tpu.dma_semaphore, #tpu.memory_space<semaphore_mem>>) src(%dma_wait3A_127 : memref<128x128xf32, #tpu.memory_space<hbm>>) dst(%dma_wait3A_125 : memref<128x128xf32, #tpu.memory_space<vmem>>)
      %dma_wait3A_128 = arith.constant 1 : i32
      %dma_wait3A_129 = arith.constant 0 : i32
      %dma_wait3A_130 = arith.constant 0 : i32
      %dma_wait3A_131 = tpu.memref_slice %arg7[%dma_wait3A_129, %dma_wait3A_130] : memref<128x128xf32, #tpu.memory_space<vmem>> -> memref<128x128xf32, #tpu.memory_space<vmem>>
      %dma_wait3A_132 = arith.constant 0 : i32
      %dma_wait3A_133 = tpu.memref_slice %arg6[%dma_wait3A_128, %dma_wait3A_132] : memref<8x128xi32, #tpu.memory_space<vmem>> -> memref<1x128xi32, #tpu.memory_space<vmem>>
      %dma_wait3A_134 = tpu.memref_squeeze %dma_wait3A_133 : memref<1x128xi32, #tpu.memory_space<vmem>> -> memref<128xi32, #tpu.memory_space<vmem>>
      %dma_wait3A_135 = arith.constant 0 : i32
      %dma_wait3A_136 = arith.constant 0 : i32
      %dma_wait3A_137 = tpu.memref_slice %arg3[%dma_wait3A_135, %dma_wait3A_136] : memref<2048x128xf32, #tpu.memory_space<hbm>> -> memref<2048x128xf32, #tpu.memory_space<hbm>>
      tpu.wait_indirect_dma semaphore(%arg12 : memref<!tpu.dma_semaphore, #tpu.memory_space<semaphore_mem>>) src(%dma_wait3A_137 : memref<2048x128xf32, #tpu.memory_space<hbm>>) dst(%dma_wait3A_131 : memref<128x128xf32, #tpu.memory_space<vmem>>)
      %parallel_loop3A_138 = arith.constant 0 : i32
      %parallel_loop3A_139 = arith.constant 128 : i32
      %parallel_loop3A_140 = arith.constant 1 : i32
      scf.for %parallel_loop3A_441 = %parallel_loop3A_138 to %parallel_loop3A_139 step %parallel_loop3A_140  : i32 {
        %parallel_loop3A_442 = arith.constant 1 : i32
        %parallel_loop3A_443 = arith.index_cast %parallel_loop3A_442 : i32 to index
        %parallel_loop3A_444 = arith.index_cast %parallel_loop3A_441 : i32 to index
        %parallel_loop3A_445 = arith.constant 0 : index
        %parallel_loop3A_446 = tpu.vector_load %arg8[%parallel_loop3A_443, %parallel_loop3A_444, %parallel_loop3A_445] {strides = array<i32>} : memref<3x128x128xf32, #tpu.memory_space<vmem>>, vector<16xf32>,
        %parallel_loop3A_447 = arith.index_cast %parallel_loop3A_441 : i32 to index
        %parallel_loop3A_448 = arith.constant 0 : index
        %parallel_loop3A_449 = tpu.vector_load %arg7[%parallel_loop3A_447, %parallel_loop3A_448] {strides = array<i32>} : memref<128x128xf32, #tpu.memory_space<vmem>>, vector<16xf32>,
        %parallel_loop3A_450 = arith.subf %parallel_loop3A_446, %parallel_loop3A_449 : vector<16xf32>
        %parallel_loop3A_451 = arith.constant 0 : i32
        %parallel_loop3A_452 = arith.index_cast %parallel_loop3A_451 : i32 to index
        %parallel_loop3A_453 = arith.index_cast %parallel_loop3A_441 : i32 to index
        %parallel_loop3A_454 = arith.constant 0 : index
        %parallel_loop3A_455 = tpu.vector_load %arg9[%parallel_loop3A_452, %parallel_loop3A_453, %parallel_loop3A_454] {strides = array<i32>} : memref<3x128x128xf32, #tpu.memory_space<vmem>>, vector<16xf32>,
        tpu.vector_store %arg9[%parallel_loop3A_452, %parallel_loop3A_453, %parallel_loop3A_454], %parallel_loop3A_450 {strides = array<i32>} : memref<3x128x128xf32, #tpu.memory_space<vmem>>, vector<16xf32>,
        %parallel_loop3A_456 = arith.constant 1 : i32
        %parallel_loop3A_457 = arith.index_cast %parallel_loop3A_456 : i32 to index
        %parallel_loop3A_458 = arith.index_cast %parallel_loop3A_441 : i32 to index
        %parallel_loop3A_459 = arith.constant 16 : index
        %parallel_loop3A_460 = tpu.vector_load %arg8[%parallel_loop3A_457, %parallel_loop3A_458, %parallel_loop3A_459] {strides = array<i32>} : memref<3x128x128xf32, #tpu.memory_space<vmem>>, vector<16xf32>,
        %parallel_loop3A_461 = arith.index_cast %parallel_loop3A_441 : i32 to index
        %parallel_loop3A_462 = arith.constant 16 : index
        %parallel_loop3A_463 = tpu.vector_load %arg7[%parallel_loop3A_461, %parallel_loop3A_462] {strides = array<i32>} : memref<128x128xf32, #tpu.memory_space<vmem>>, vector<16xf32>,
        %parallel_loop3A_464 = arith.subf %parallel_loop3A_460, %parallel_loop3A_463 : vector<16xf32>
        %parallel_loop3A_465 = arith.constant 0 : i32
        %parallel_loop3A_466 = arith.index_cast %parallel_loop3A_465 : i32 to index
        %parallel_loop3A_467 = arith.index_cast %parallel_loop3A_441 : i32 to index
        %parallel_loop3A_468 = arith.constant 16 : index
        %parallel_loop3A_469 = tpu.vector_load %arg9[%parallel_loop3A_466, %parallel_loop3A_467, %parallel_loop3A_468] {strides = array<i32>} : memref<3x128x128xf32, #tpu.memory_space<vmem>>, vector<16xf32>,
        tpu.vector_store %arg9[%parallel_loop3A_466, %parallel_loop3A_467, %parallel_loop3A_468], %parallel_loop3A_464 {strides = array<i32>} : memref<3x128x128xf32, #tpu.memory_space<vmem>>, vector<16xf32>,
        %parallel_loop3A_470 = arith.constant 1 : i32
        %parallel_loop3A_471 = arith.index_cast %parallel_loop3A_470 : i32 to index
        %parallel_loop3A_472 = arith.index_cast %parallel_loop3A_441 : i32 to index
        %parallel_loop3A_473 = arith.constant 32 : index
        %parallel_loop3A_474 = tpu.vector_load %arg8[%parallel_loop3A_471, %parallel_loop3A_472, %parallel_loop3A_473] {strides = array<i32>} : memref<3x128x128xf32, #tpu.memory_space<vmem>>, vector<16xf32>,
        %parallel_loop3A_475 = arith.index_cast %parallel_loop3A_441 : i32 to index
        %parallel_loop3A_476 = arith.constant 32 : index
        %parallel_loop3A_477 = tpu.vector_load %arg7[%parallel_loop3A_475, %parallel_loop3A_476] {strides = array<i32>} : memref<128x128xf32, #tpu.memory_space<vmem>>, vector<16xf32>,
        %parallel_loop3A_478 = arith.subf %parallel_loop3A_474, %parallel_loop3A_477 : vector<16xf32>
        %parallel_loop3A_479 = arith.constant 0 : i32
        %parallel_loop3A_480 = arith.index_cast %parallel_loop3A_479 : i32 to index
        %parallel_loop3A_481 = arith.index_cast %parallel_loop3A_441 : i32 to index
        %parallel_loop3A_482 = arith.constant 32 : index
        %parallel_loop3A_483 = tpu.vector_load %arg9[%parallel_loop3A_480, %parallel_loop3A_481, %parallel_loop3A_482] {strides = array<i32>} : memref<3x128x128xf32, #tpu.memory_space<vmem>>, vector<16xf32>,
        tpu.vector_store %arg9[%parallel_loop3A_480, %parallel_loop3A_481, %parallel_loop3A_482], %parallel_loop3A_478 {strides = array<i32>} : memref<3x128x128xf32, #tpu.memory_space<vmem>>, vector<16xf32>,
        %parallel_loop3A_484 = arith.constant 1 : i32
        %parallel_loop3A_485 = arith.index_cast %parallel_loop3A_484 : i32 to index
        %parallel_loop3A_486 = arith.index_cast %parallel_loop3A_441 : i32 to index
        %parallel_loop3A_487 = arith.constant 48 : index
        %parallel_loop3A_488 = tpu.vector_load %arg8[%parallel_loop3A_485, %parallel_loop3A_486, %parallel_loop3A_487] {strides = array<i32>} : memref<3x128x128xf32, #tpu.memory_space<vmem>>, vector<16xf32>,
        %parallel_loop3A_489 = arith.index_cast %parallel_loop3A_441 : i32 to index
        %parallel_loop3A_490 = arith.constant 48 : index
        %parallel_loop3A_491 = tpu.vector_load %arg7[%parallel_loop3A_489, %parallel_loop3A_490] {strides = array<i32>} : memref<128x128xf32, #tpu.memory_space<vmem>>, vector<16xf32>,
        %parallel_loop3A_492 = arith.subf %parallel_loop3A_488, %parallel_loop3A_491 : vector<16xf32>
        %parallel_loop3A_493 = arith.constant 0 : i32
        %parallel_loop3A_494 = arith.index_cast %parallel_loop3A_493 : i32 to index
        %parallel_loop3A_495 = arith.index_cast %parallel_loop3A_441 : i32 to index
        %parallel_loop3A_496 = arith.constant 48 : index
        %parallel_loop3A_497 = tpu.vector_load %arg9[%parallel_loop3A_494, %parallel_loop3A_495, %parallel_loop3A_496] {strides = array<i32>} : memref<3x128x128xf32, #tpu.memory_space<vmem>>, vector<16xf32>,
        tpu.vector_store %arg9[%parallel_loop3A_494, %parallel_loop3A_495, %parallel_loop3A_496], %parallel_loop3A_492 {strides = array<i32>} : memref<3x128x128xf32, #tpu.memory_space<vmem>>, vector<16xf32>,
        %parallel_loop3A_498 = arith.constant 1 : i32
        %parallel_loop3A_499 = arith.index_cast %parallel_loop3A_498 : i32 to index
        %parallel_loop3A_500 = arith.index_cast %parallel_loop3A_441 : i32 to index
        %parallel_loop3A_501 = arith.constant 64 : index
        %parallel_loop3A_502 = tpu.vector_load %arg8[%parallel_loop3A_499, %parallel_loop3A_500, %parallel_loop3A_501] {strides = array<i32>} : memref<3x128x128xf32, #tpu.memory_space<vmem>>, vector<16xf32>,
        %parallel_loop3A_503 = arith.index_cast %parallel_loop3A_441 : i32 to index
        %parallel_loop3A_504 = arith.constant 64 : index
        %parallel_loop3A_505 = tpu.vector_load %arg7[%parallel_loop3A_503, %parallel_loop3A_504] {strides = array<i32>} : memref<128x128xf32, #tpu.memory_space<vmem>>, vector<16xf32>,
        %parallel_loop3A_506 = arith.subf %parallel_loop3A_502, %parallel_loop3A_505 : vector<16xf32>
        %parallel_loop3A_507 = arith.constant 0 : i32
        %parallel_loop3A_508 = arith.index_cast %parallel_loop3A_507 : i32 to index
        %parallel_loop3A_509 = arith.index_cast %parallel_loop3A_441 : i32 to index
        %parallel_loop3A_510 = arith.constant 64 : index
        %parallel_loop3A_511 = tpu.vector_load %arg9[%parallel_loop3A_508, %parallel_loop3A_509, %parallel_loop3A_510] {strides = array<i32>} : memref<3x128x128xf32, #tpu.memory_space<vmem>>, vector<16xf32>,
        tpu.vector_store %arg9[%parallel_loop3A_508, %parallel_loop3A_509, %parallel_loop3A_510], %parallel_loop3A_506 {strides = array<i32>} : memref<3x128x128xf32, #tpu.memory_space<vmem>>, vector<16xf32>,
        %parallel_loop3A_512 = arith.constant 1 : i32
        %parallel_loop3A_513 = arith.index_cast %parallel_loop3A_512 : i32 to index
        %parallel_loop3A_514 = arith.index_cast %parallel_loop3A_441 : i32 to index
        %parallel_loop3A_515 = arith.constant 80 : index
        %parallel_loop3A_516 = tpu.vector_load %arg8[%parallel_loop3A_513, %parallel_loop3A_514, %parallel_loop3A_515] {strides = array<i32>} : memref<3x128x128xf32, #tpu.memory_space<vmem>>, vector<16xf32>,
        %parallel_loop3A_517 = arith.index_cast %parallel_loop3A_441 : i32 to index
        %parallel_loop3A_518 = arith.constant 80 : index
        %parallel_loop3A_519 = tpu.vector_load %arg7[%parallel_loop3A_517, %parallel_loop3A_518] {strides = array<i32>} : memref<128x128xf32, #tpu.memory_space<vmem>>, vector<16xf32>,
        %parallel_loop3A_520 = arith.subf %parallel_loop3A_516, %parallel_loop3A_519 : vector<16xf32>
        %parallel_loop3A_521 = arith.constant 0 : i32
        %parallel_loop3A_522 = arith.index_cast %parallel_loop3A_521 : i32 to index
        %parallel_loop3A_523 = arith.index_cast %parallel_loop3A_441 : i32 to index
        %parallel_loop3A_524 = arith.constant 80 : index
        %parallel_loop3A_525 = tpu.vector_load %arg9[%parallel_loop3A_522, %parallel_loop3A_523, %parallel_loop3A_524] {strides = array<i32>} : memref<3x128x128xf32, #tpu.memory_space<vmem>>, vector<16xf32>,
        tpu.vector_store %arg9[%parallel_loop3A_522, %parallel_loop3A_523, %parallel_loop3A_524], %parallel_loop3A_520 {strides = array<i32>} : memref<3x128x128xf32, #tpu.memory_space<vmem>>, vector<16xf32>,
        %parallel_loop3A_526 = arith.constant 1 : i32
        %parallel_loop3A_527 = arith.index_cast %parallel_loop3A_526 : i32 to index
        %parallel_loop3A_528 = arith.index_cast %parallel_loop3A_441 : i32 to index
        %parallel_loop3A_529 = arith.constant 96 : index
        %parallel_loop3A_530 = tpu.vector_load %arg8[%parallel_loop3A_527, %parallel_loop3A_528, %parallel_loop3A_529] {strides = array<i32>} : memref<3x128x128xf32, #tpu.memory_space<vmem>>, vector<16xf32>,
        %parallel_loop3A_531 = arith.index_cast %parallel_loop3A_441 : i32 to index
        %parallel_loop3A_532 = arith.constant 96 : index
        %parallel_loop3A_533 = tpu.vector_load %arg7[%parallel_loop3A_531, %parallel_loop3A_532] {strides = array<i32>} : memref<128x128xf32, #tpu.memory_space<vmem>>, vector<16xf32>,
        %parallel_loop3A_534 = arith.subf %parallel_loop3A_530, %parallel_loop3A_533 : vector<16xf32>
        %parallel_loop3A_535 = arith.constant 0 : i32
        %parallel_loop3A_536 = arith.index_cast %parallel_loop3A_535 : i32 to index
        %parallel_loop3A_537 = arith.index_cast %parallel_loop3A_441 : i32 to index
        %parallel_loop3A_538 = arith.constant 96 : index
        %parallel_loop3A_539 = tpu.vector_load %arg9[%parallel_loop3A_536, %parallel_loop3A_537, %parallel_loop3A_538] {strides = array<i32>} : memref<3x128x128xf32, #tpu.memory_space<vmem>>, vector<16xf32>,
        tpu.vector_store %arg9[%parallel_loop3A_536, %parallel_loop3A_537, %parallel_loop3A_538], %parallel_loop3A_534 {strides = array<i32>} : memref<3x128x128xf32, #tpu.memory_space<vmem>>, vector<16xf32>,
        %parallel_loop3A_540 = arith.constant 1 : i32
        %parallel_loop3A_541 = arith.index_cast %parallel_loop3A_540 : i32 to index
        %parallel_loop3A_542 = arith.index_cast %parallel_loop3A_441 : i32 to index
        %parallel_loop3A_543 = arith.constant 112 : index
        %parallel_loop3A_544 = tpu.vector_load %arg8[%parallel_loop3A_541, %parallel_loop3A_542, %parallel_loop3A_543] {strides = array<i32>} : memref<3x128x128xf32, #tpu.memory_space<vmem>>, vector<16xf32>,
        %parallel_loop3A_545 = arith.index_cast %parallel_loop3A_441 : i32 to index
        %parallel_loop3A_546 = arith.constant 112 : index
        %parallel_loop3A_547 = tpu.vector_load %arg7[%parallel_loop3A_545, %parallel_loop3A_546] {strides = array<i32>} : memref<128x128xf32, #tpu.memory_space<vmem>>, vector<16xf32>,
        %parallel_loop3A_548 = arith.subf %parallel_loop3A_544, %parallel_loop3A_547 : vector<16xf32>
        %parallel_loop3A_549 = arith.constant 0 : i32
        %parallel_loop3A_550 = arith.index_cast %parallel_loop3A_549 : i32 to index
        %parallel_loop3A_551 = arith.index_cast %parallel_loop3A_441 : i32 to index
        %parallel_loop3A_552 = arith.constant 112 : index
        %parallel_loop3A_553 = tpu.vector_load %arg9[%parallel_loop3A_550, %parallel_loop3A_551, %parallel_loop3A_552] {strides = array<i32>} : memref<3x128x128xf32, #tpu.memory_space<vmem>>, vector<16xf32>,
        tpu.vector_store %arg9[%parallel_loop3A_550, %parallel_loop3A_551, %parallel_loop3A_552], %parallel_loop3A_548 {strides = array<i32>} : memref<3x128x128xf32, #tpu.memory_space<vmem>>, vector<16xf32>,
      } {sc.loop_unroll_factor = 1 : i64, sc.parallel_access}
      %run_scoped3A_141 = arith.constant 0 : i32
      "tpu.region"() ({
        %run_scoped3A_441 = tpu.sem_alloc : memref<!tpu.dma_semaphore, #tpu.memory_space<semaphore_mem>>
        %dma_start3A_442 = arith.constant 0 : i32
        %dma_start3A_443 = arith.constant 0 : i32
        %dma_start3A_444 = tpu.memref_slice %arg9[%run_scoped3A_141, %dma_start3A_442, %dma_start3A_443] : memref<3x128x128xf32, #tpu.memory_space<vmem>> -> memref<1x128x128xf32, #tpu.memory_space<vmem>>
        %dma_start3A_445 = tpu.memref_squeeze %dma_start3A_444 : memref<1x128x128xf32, #tpu.memory_space<vmem>> -> memref<128x128xf32, #tpu.memory_space<vmem>>
        %dma_start3A_446 = arith.constant 0 : i32
        %dma_start3A_447 = tpu.memref_slice %arg5[%add3A_104, %dma_start3A_446] : memref<32768x128xf32, #tpu.memory_space<hbm>> -> memref<128x128xf32, #tpu.memory_space<hbm>>
        %dma_start3A_448 = arith.constant 0 : i32
        %dma_start3A_449 = tpu.memref_slice %arg5[%add3A_104, %dma_start3A_448] : memref<32768x128xf32, #tpu.memory_space<hbm>> -> memref<128x128xf32, #tpu.memory_space<hbm>>
        %dma_start3A_450 = arith.constant 0 : i32
        %dma_start3A_451 = arith.constant 0 : i32
        %dma_start3A_452 = tpu.memref_slice %arg9[%run_scoped3A_141, %dma_start3A_450, %dma_start3A_451] : memref<3x128x128xf32, #tpu.memory_space<vmem>> -> memref<1x128x128xf32, #tpu.memory_space<vmem>>
        %dma_start3A_453 = tpu.memref_squeeze %dma_start3A_452 : memref<1x128x128xf32, #tpu.memory_space<vmem>> -> memref<128x128xf32, #tpu.memory_space<vmem>>
        tpu.enqueue_dma source(%dma_start3A_453 : memref<128x128xf32, #tpu.memory_space<vmem>>) target(%dma_start3A_449 : memref<128x128xf32, #tpu.memory_space<hbm>>) target_semaphore(%run_scoped3A_441 : memref<!tpu.dma_semaphore, #tpu.memory_space<semaphore_mem>>)
        %dma_wait3A_454 = arith.constant 0 : i32
        %dma_wait3A_455 = arith.constant 0 : i32
        %dma_wait3A_456 = tpu.memref_slice %arg9[%run_scoped3A_141, %dma_wait3A_454, %dma_wait3A_455] : memref<3x128x128xf32, #tpu.memory_space<vmem>> -> memref<1x128x128xf32, #tpu.memory_space<vmem>>
        %dma_wait3A_457 = tpu.memref_squeeze %dma_wait3A_456 : memref<1x128x128xf32, #tpu.memory_space<vmem>> -> memref<128x128xf32, #tpu.memory_space<vmem>>
        %dma_wait3A_458 = arith.constant 0 : i32
        %dma_wait3A_459 = tpu.memref_slice %arg5[%add3A_104, %dma_wait3A_458] : memref<32768x128xf32, #tpu.memory_space<hbm>> -> memref<128x128xf32, #tpu.memory_space<hbm>>
        %dma_wait3A_460 = arith.constant 0 : i32
        %dma_wait3A_461 = tpu.memref_slice %arg5[%add3A_104, %dma_wait3A_460] : memref<32768x128xf32, #tpu.memory_space<hbm>> -> memref<128x128xf32, #tpu.memory_space<hbm>>
        %dma_wait3A_462 = arith.constant 0 : i32
        %dma_wait3A_463 = arith.constant 0 : i32
        %dma_wait3A_464 = tpu.memref_slice %arg9[%run_scoped3A_141, %dma_wait3A_462, %dma_wait3A_463] : memref<3x128x128xf32, #tpu.memory_space<vmem>> -> memref<1x128x128xf32, #tpu.memory_space<vmem>>
        %dma_wait3A_465 = tpu.memref_squeeze %dma_wait3A_464 : memref<1x128x128xf32, #tpu.memory_space<vmem>> -> memref<128x128xf32, #tpu.memory_space<vmem>>
        tpu.wait_dma2 semaphore(%run_scoped3A_441 : memref<!tpu.dma_semaphore, #tpu.memory_space<semaphore_mem>>) src(%dma_wait3A_465 : memref<128x128xf32, #tpu.memory_space<vmem>>) dst(%dma_wait3A_461 : memref<128x128xf32, #tpu.memory_space<hbm>>)
        tpu.yield
      }) : () -> ()
      %add3A_142 = arith.constant 256 : i32
      %add3A_143 = arith.addi %mul3A_2, %add3A_142 : i32
      %dma_start3A_144 = arith.constant 2 : i32
      %dma_start3A_145 = arith.constant 0 : i32
      %dma_start3A_146 = arith.constant 0 : i32
      %dma_start3A_147 = tpu.memref_slice %arg7[%dma_start3A_145, %dma_start3A_146] : memref<128x128xf32, #tpu.memory_space<vmem>> -> memref<128x128xf32, #tpu.memory_space<vmem>>
      %dma_start3A_148 = arith.constant 0 : i32
      %dma_start3A_149 = tpu.memref_slice %arg6[%dma_start3A_144, %dma_start3A_148] : memref<8x128xi32, #tpu.memory_space<vmem>> -> memref<1x128xi32, #tpu.memory_space<vmem>>
      %dma_start3A_150 = tpu.memref_squeeze %dma_start3A_149 : memref<1x128xi32, #tpu.memory_space<vmem>> -> memref<128xi32, #tpu.memory_space<vmem>>
      %dma_start3A_151 = arith.constant 0 : i32
      %dma_start3A_152 = arith.constant 0 : i32
      %dma_start3A_153 = tpu.memref_slice %arg3[%dma_start3A_151, %dma_start3A_152] : memref<2048x128xf32, #tpu.memory_space<hbm>> -> memref<2048x128xf32, #tpu.memory_space<hbm>>
      tpu.enqueue_indirect_dma source(%dma_start3A_153 : memref<2048x128xf32, #tpu.memory_space<hbm>>) target(%dma_start3A_147 : memref<128x128xf32, #tpu.memory_space<vmem>>) offsets(%dma_start3A_150 : memref<128xi32, #tpu.memory_space<vmem>>) semaphore(%arg12 : memref<!tpu.dma_semaphore, #tpu.memory_space<semaphore_mem>>)
      %dma_wait3A_154 = arith.constant 2 : i32
      %dma_wait3A_155 = arith.constant 0 : i32
      %dma_wait3A_156 = arith.constant 0 : i32
      %dma_wait3A_157 = tpu.memref_slice %arg8[%dma_wait3A_154, %dma_wait3A_155, %dma_wait3A_156] : memref<3x128x128xf32, #tpu.memory_space<vmem>> -> memref<1x128x128xf32, #tpu.memory_space<vmem>>
      %dma_wait3A_158 = tpu.memref_squeeze %dma_wait3A_157 : memref<1x128x128xf32, #tpu.memory_space<vmem>> -> memref<128x128xf32, #tpu.memory_space<vmem>>
      %dma_wait3A_159 = arith.constant 0 : i32
      %dma_wait3A_160 = tpu.memref_slice %arg2[%add3A_143, %dma_wait3A_159] : memref<32768x128xf32, #tpu.memory_space<hbm>> -> memref<128x128xf32, #tpu.memory_space<hbm>>
      %dma_wait3A_161 = arith.constant 0 : i32
      %dma_wait3A_162 = arith.constant 0 : i32
      %dma_wait3A_163 = tpu.memref_slice %arg8[%dma_wait3A_154, %dma_wait3A_161, %dma_wait3A_162] : memref<3x128x128xf32, #tpu.memory_space<vmem>> -> memref<1x128x128xf32, #tpu.memory_space<vmem>>
      %dma_wait3A_164 = tpu.memref_squeeze %dma_wait3A_163 : memref<1x128x128xf32, #tpu.memory_space<vmem>> -> memref<128x128xf32, #tpu.memory_space<vmem>>
      %dma_wait3A_165 = arith.constant 0 : i32
      %dma_wait3A_166 = tpu.memref_slice %arg2[%add3A_143, %dma_wait3A_165] : memref<32768x128xf32, #tpu.memory_space<hbm>> -> memref<128x128xf32, #tpu.memory_space<hbm>>
      tpu.wait_dma2 semaphore(%arg11 : memref<!tpu.dma_semaphore, #tpu.memory_space<semaphore_mem>>) src(%dma_wait3A_166 : memref<128x128xf32, #tpu.memory_space<hbm>>) dst(%dma_wait3A_164 : memref<128x128xf32, #tpu.memory_space<vmem>>)
      %dma_wait3A_167 = arith.constant 2 : i32
      %dma_wait3A_168 = arith.constant 0 : i32
      %dma_wait3A_169 = arith.constant 0 : i32
      %dma_wait3A_170 = tpu.memref_slice %arg7[%dma_wait3A_168, %dma_wait3A_169] : memref<128x128xf32, #tpu.memory_space<vmem>> -> memref<128x128xf32, #tpu.memory_space<vmem>>
      %dma_wait3A_171 = arith.constant 0 : i32
      %dma_wait3A_172 = tpu.memref_slice %arg6[%dma_wait3A_167, %dma_wait3A_171] : memref<8x128xi32, #tpu.memory_space<vmem>> -> memref<1x128xi32, #tpu.memory_space<vmem>>
      %dma_wait3A_173 = tpu.memref_squeeze %dma_wait3A_172 : memref<1x128xi32, #tpu.memory_space<vmem>> -> memref<128xi32, #tpu.memory_space<vmem>>
      %dma_wait3A_174 = arith.constant 0 : i32
      %dma_wait3A_175 = arith.constant 0 : i32
      %dma_wait3A_176 = tpu.memref_slice %arg3[%dma_wait3A_174, %dma_wait3A_175] : memref<2048x128xf32, #tpu.memory_space<hbm>> -> memref<2048x128xf32, #tpu.memory_space<hbm>>
      tpu.wait_indirect_dma semaphore(%arg12 : memref<!tpu.dma_semaphore, #tpu.memory_space<semaphore_mem>>) src(%dma_wait3A_176 : memref<2048x128xf32, #tpu.memory_space<hbm>>) dst(%dma_wait3A_170 : memref<128x128xf32, #tpu.memory_space<vmem>>)
      %parallel_loop3A_177 = arith.constant 0 : i32
      %parallel_loop3A_178 = arith.constant 128 : i32
      %parallel_loop3A_179 = arith.constant 1 : i32
      scf.for %parallel_loop3A_441 = %parallel_loop3A_177 to %parallel_loop3A_178 step %parallel_loop3A_179  : i32 {
        %parallel_loop3A_442 = arith.constant 2 : i32
        %parallel_loop3A_443 = arith.index_cast %parallel_loop3A_442 : i32 to index
        %parallel_loop3A_444 = arith.index_cast %parallel_loop3A_441 : i32 to index
        %parallel_loop3A_445 = arith.constant 0 : index
        %parallel_loop3A_446 = tpu.vector_load %arg8[%parallel_loop3A_443, %parallel_loop3A_444, %parallel_loop3A_445] {strides = array<i32>} : memref<3x128x128xf32, #tpu.memory_space<vmem>>, vector<16xf32>,
        %parallel_loop3A_447 = arith.index_cast %parallel_loop3A_441 : i32 to index
        %parallel_loop3A_448 = arith.constant 0 : index
        %parallel_loop3A_449 = tpu.vector_load %arg7[%parallel_loop3A_447, %parallel_loop3A_448] {strides = array<i32>} : memref<128x128xf32, #tpu.memory_space<vmem>>, vector<16xf32>,
        %parallel_loop3A_450 = arith.subf %parallel_loop3A_446, %parallel_loop3A_449 : vector<16xf32>
        %parallel_loop3A_451 = arith.constant 0 : i32
        %parallel_loop3A_452 = arith.index_cast %parallel_loop3A_451 : i32 to index
        %parallel_loop3A_453 = arith.index_cast %parallel_loop3A_441 : i32 to index
        %parallel_loop3A_454 = arith.constant 0 : index
        %parallel_loop3A_455 = tpu.vector_load %arg9[%parallel_loop3A_452, %parallel_loop3A_453, %parallel_loop3A_454] {strides = array<i32>} : memref<3x128x128xf32, #tpu.memory_space<vmem>>, vector<16xf32>,
        tpu.vector_store %arg9[%parallel_loop3A_452, %parallel_loop3A_453, %parallel_loop3A_454], %parallel_loop3A_450 {strides = array<i32>} : memref<3x128x128xf32, #tpu.memory_space<vmem>>, vector<16xf32>,
        %parallel_loop3A_456 = arith.constant 2 : i32
        %parallel_loop3A_457 = arith.index_cast %parallel_loop3A_456 : i32 to index
        %parallel_loop3A_458 = arith.index_cast %parallel_loop3A_441 : i32 to index
        %parallel_loop3A_459 = arith.constant 16 : index
        %parallel_loop3A_460 = tpu.vector_load %arg8[%parallel_loop3A_457, %parallel_loop3A_458, %parallel_loop3A_459] {strides = array<i32>} : memref<3x128x128xf32, #tpu.memory_space<vmem>>, vector<16xf32>,
        %parallel_loop3A_461 = arith.index_cast %parallel_loop3A_441 : i32 to index
        %parallel_loop3A_462 = arith.constant 16 : index
        %parallel_loop3A_463 = tpu.vector_load %arg7[%parallel_loop3A_461, %parallel_loop3A_462] {strides = array<i32>} : memref<128x128xf32, #tpu.memory_space<vmem>>, vector<16xf32>,
        %parallel_loop3A_464 = arith.subf %parallel_loop3A_460, %parallel_loop3A_463 : vector<16xf32>
        %parallel_loop3A_465 = arith.constant 0 : i32
        %parallel_loop3A_466 = arith.index_cast %parallel_loop3A_465 : i32 to index
        %parallel_loop3A_467 = arith.index_cast %parallel_loop3A_441 : i32 to index
        %parallel_loop3A_468 = arith.constant 16 : index
        %parallel_loop3A_469 = tpu.vector_load %arg9[%parallel_loop3A_466, %parallel_loop3A_467, %parallel_loop3A_468] {strides = array<i32>} : memref<3x128x128xf32, #tpu.memory_space<vmem>>, vector<16xf32>,
        tpu.vector_store %arg9[%parallel_loop3A_466, %parallel_loop3A_467, %parallel_loop3A_468], %parallel_loop3A_464 {strides = array<i32>} : memref<3x128x128xf32, #tpu.memory_space<vmem>>, vector<16xf32>,
        %parallel_loop3A_470 = arith.constant 2 : i32
        %parallel_loop3A_471 = arith.index_cast %parallel_loop3A_470 : i32 to index
        %parallel_loop3A_472 = arith.index_cast %parallel_loop3A_441 : i32 to index
        %parallel_loop3A_473 = arith.constant 32 : index
        %parallel_loop3A_474 = tpu.vector_load %arg8[%parallel_loop3A_471, %parallel_loop3A_472, %parallel_loop3A_473] {strides = array<i32>} : memref<3x128x128xf32, #tpu.memory_space<vmem>>, vector<16xf32>,
        %parallel_loop3A_475 = arith.index_cast %parallel_loop3A_441 : i32 to index
        %parallel_loop3A_476 = arith.constant 32 : index
        %parallel_loop3A_477 = tpu.vector_load %arg7[%parallel_loop3A_475, %parallel_loop3A_476] {strides = array<i32>} : memref<128x128xf32, #tpu.memory_space<vmem>>, vector<16xf32>,
        %parallel_loop3A_478 = arith.subf %parallel_loop3A_474, %parallel_loop3A_477 : vector<16xf32>
        %parallel_loop3A_479 = arith.constant 0 : i32
        %parallel_loop3A_480 = arith.index_cast %parallel_loop3A_479 : i32 to index
        %parallel_loop3A_481 = arith.index_cast %parallel_loop3A_441 : i32 to index
        %parallel_loop3A_482 = arith.constant 32 : index
        %parallel_loop3A_483 = tpu.vector_load %arg9[%parallel_loop3A_480, %parallel_loop3A_481, %parallel_loop3A_482] {strides = array<i32>} : memref<3x128x128xf32, #tpu.memory_space<vmem>>, vector<16xf32>,
        tpu.vector_store %arg9[%parallel_loop3A_480, %parallel_loop3A_481, %parallel_loop3A_482], %parallel_loop3A_478 {strides = array<i32>} : memref<3x128x128xf32, #tpu.memory_space<vmem>>, vector<16xf32>,
        %parallel_loop3A_484 = arith.constant 2 : i32
        %parallel_loop3A_485 = arith.index_cast %parallel_loop3A_484 : i32 to index
        %parallel_loop3A_486 = arith.index_cast %parallel_loop3A_441 : i32 to index
        %parallel_loop3A_487 = arith.constant 48 : index
        %parallel_loop3A_488 = tpu.vector_load %arg8[%parallel_loop3A_485, %parallel_loop3A_486, %parallel_loop3A_487] {strides = array<i32>} : memref<3x128x128xf32, #tpu.memory_space<vmem>>, vector<16xf32>,
        %parallel_loop3A_489 = arith.index_cast %parallel_loop3A_441 : i32 to index
        %parallel_loop3A_490 = arith.constant 48 : index
        %parallel_loop3A_491 = tpu.vector_load %arg7[%parallel_loop3A_489, %parallel_loop3A_490] {strides = array<i32>} : memref<128x128xf32, #tpu.memory_space<vmem>>, vector<16xf32>,
        %parallel_loop3A_492 = arith.subf %parallel_loop3A_488, %parallel_loop3A_491 : vector<16xf32>
        %parallel_loop3A_493 = arith.constant 0 : i32
        %parallel_loop3A_494 = arith.index_cast %parallel_loop3A_493 : i32 to index
        %parallel_loop3A_495 = arith.index_cast %parallel_loop3A_441 : i32 to index
        %parallel_loop3A_496 = arith.constant 48 : index
        %parallel_loop3A_497 = tpu.vector_load %arg9[%parallel_loop3A_494, %parallel_loop3A_495, %parallel_loop3A_496] {strides = array<i32>} : memref<3x128x128xf32, #tpu.memory_space<vmem>>, vector<16xf32>,
        tpu.vector_store %arg9[%parallel_loop3A_494, %parallel_loop3A_495, %parallel_loop3A_496], %parallel_loop3A_492 {strides = array<i32>} : memref<3x128x128xf32, #tpu.memory_space<vmem>>, vector<16xf32>,
        %parallel_loop3A_498 = arith.constant 2 : i32
        %parallel_loop3A_499 = arith.index_cast %parallel_loop3A_498 : i32 to index
        %parallel_loop3A_500 = arith.index_cast %parallel_loop3A_441 : i32 to index
        %parallel_loop3A_501 = arith.constant 64 : index
        %parallel_loop3A_502 = tpu.vector_load %arg8[%parallel_loop3A_499, %parallel_loop3A_500, %parallel_loop3A_501] {strides = array<i32>} : memref<3x128x128xf32, #tpu.memory_space<vmem>>, vector<16xf32>,
        %parallel_loop3A_503 = arith.index_cast %parallel_loop3A_441 : i32 to index
        %parallel_loop3A_504 = arith.constant 64 : index
        %parallel_loop3A_505 = tpu.vector_load %arg7[%parallel_loop3A_503, %parallel_loop3A_504] {strides = array<i32>} : memref<128x128xf32, #tpu.memory_space<vmem>>, vector<16xf32>,
        %parallel_loop3A_506 = arith.subf %parallel_loop3A_502, %parallel_loop3A_505 : vector<16xf32>
        %parallel_loop3A_507 = arith.constant 0 : i32
        %parallel_loop3A_508 = arith.index_cast %parallel_loop3A_507 : i32 to index
        %parallel_loop3A_509 = arith.index_cast %parallel_loop3A_441 : i32 to index
        %parallel_loop3A_510 = arith.constant 64 : index
        %parallel_loop3A_511 = tpu.vector_load %arg9[%parallel_loop3A_508, %parallel_loop3A_509, %parallel_loop3A_510] {strides = array<i32>} : memref<3x128x128xf32, #tpu.memory_space<vmem>>, vector<16xf32>,
        tpu.vector_store %arg9[%parallel_loop3A_508, %parallel_loop3A_509, %parallel_loop3A_510], %parallel_loop3A_506 {strides = array<i32>} : memref<3x128x128xf32, #tpu.memory_space<vmem>>, vector<16xf32>,
        %parallel_loop3A_512 = arith.constant 2 : i32
        %parallel_loop3A_513 = arith.index_cast %parallel_loop3A_512 : i32 to index
        %parallel_loop3A_514 = arith.index_cast %parallel_loop3A_441 : i32 to index
        %parallel_loop3A_515 = arith.constant 80 : index
        %parallel_loop3A_516 = tpu.vector_load %arg8[%parallel_loop3A_513, %parallel_loop3A_514, %parallel_loop3A_515] {strides = array<i32>} : memref<3x128x128xf32, #tpu.memory_space<vmem>>, vector<16xf32>,
        %parallel_loop3A_517 = arith.index_cast %parallel_loop3A_441 : i32 to index
        %parallel_loop3A_518 = arith.constant 80 : index
        %parallel_loop3A_519 = tpu.vector_load %arg7[%parallel_loop3A_517, %parallel_loop3A_518] {strides = array<i32>} : memref<128x128xf32, #tpu.memory_space<vmem>>, vector<16xf32>,
        %parallel_loop3A_520 = arith.subf %parallel_loop3A_516, %parallel_loop3A_519 : vector<16xf32>
        %parallel_loop3A_521 = arith.constant 0 : i32
        %parallel_loop3A_522 = arith.index_cast %parallel_loop3A_521 : i32 to index
        %parallel_loop3A_523 = arith.index_cast %parallel_loop3A_441 : i32 to index
        %parallel_loop3A_524 = arith.constant 80 : index
        %parallel_loop3A_525 = tpu.vector_load %arg9[%parallel_loop3A_522, %parallel_loop3A_523, %parallel_loop3A_524] {strides = array<i32>} : memref<3x128x128xf32, #tpu.memory_space<vmem>>, vector<16xf32>,
        tpu.vector_store %arg9[%parallel_loop3A_522, %parallel_loop3A_523, %parallel_loop3A_524], %parallel_loop3A_520 {strides = array<i32>} : memref<3x128x128xf32, #tpu.memory_space<vmem>>, vector<16xf32>,
        %parallel_loop3A_526 = arith.constant 2 : i32
        %parallel_loop3A_527 = arith.index_cast %parallel_loop3A_526 : i32 to index
        %parallel_loop3A_528 = arith.index_cast %parallel_loop3A_441 : i32 to index
        %parallel_loop3A_529 = arith.constant 96 : index
        %parallel_loop3A_530 = tpu.vector_load %arg8[%parallel_loop3A_527, %parallel_loop3A_528, %parallel_loop3A_529] {strides = array<i32>} : memref<3x128x128xf32, #tpu.memory_space<vmem>>, vector<16xf32>,
        %parallel_loop3A_531 = arith.index_cast %parallel_loop3A_441 : i32 to index
        %parallel_loop3A_532 = arith.constant 96 : index
        %parallel_loop3A_533 = tpu.vector_load %arg7[%parallel_loop3A_531, %parallel_loop3A_532] {strides = array<i32>} : memref<128x128xf32, #tpu.memory_space<vmem>>, vector<16xf32>,
        %parallel_loop3A_534 = arith.subf %parallel_loop3A_530, %parallel_loop3A_533 : vector<16xf32>
        %parallel_loop3A_535 = arith.constant 0 : i32
        %parallel_loop3A_536 = arith.index_cast %parallel_loop3A_535 : i32 to index
        %parallel_loop3A_537 = arith.index_cast %parallel_loop3A_441 : i32 to index
        %parallel_loop3A_538 = arith.constant 96 : index
        %parallel_loop3A_539 = tpu.vector_load %arg9[%parallel_loop3A_536, %parallel_loop3A_537, %parallel_loop3A_538] {strides = array<i32>} : memref<3x128x128xf32, #tpu.memory_space<vmem>>, vector<16xf32>,
        tpu.vector_store %arg9[%parallel_loop3A_536, %parallel_loop3A_537, %parallel_loop3A_538], %parallel_loop3A_534 {strides = array<i32>} : memref<3x128x128xf32, #tpu.memory_space<vmem>>, vector<16xf32>,
        %parallel_loop3A_540 = arith.constant 2 : i32
        %parallel_loop3A_541 = arith.index_cast %parallel_loop3A_540 : i32 to index
        %parallel_loop3A_542 = arith.index_cast %parallel_loop3A_441 : i32 to index
        %parallel_loop3A_543 = arith.constant 112 : index
        %parallel_loop3A_544 = tpu.vector_load %arg8[%parallel_loop3A_541, %parallel_loop3A_542, %parallel_loop3A_543] {strides = array<i32>} : memref<3x128x128xf32, #tpu.memory_space<vmem>>, vector<16xf32>,
        %parallel_loop3A_545 = arith.index_cast %parallel_loop3A_441 : i32 to index
        %parallel_loop3A_546 = arith.constant 112 : index
        %parallel_loop3A_547 = tpu.vector_load %arg7[%parallel_loop3A_545, %parallel_loop3A_546] {strides = array<i32>} : memref<128x128xf32, #tpu.memory_space<vmem>>, vector<16xf32>,
        %parallel_loop3A_548 = arith.subf %parallel_loop3A_544, %parallel_loop3A_547 : vector<16xf32>
        %parallel_loop3A_549 = arith.constant 0 : i32
        %parallel_loop3A_550 = arith.index_cast %parallel_loop3A_549 : i32 to index
        %parallel_loop3A_551 = arith.index_cast %parallel_loop3A_441 : i32 to index
        %parallel_loop3A_552 = arith.constant 112 : index
        %parallel_loop3A_553 = tpu.vector_load %arg9[%parallel_loop3A_550, %parallel_loop3A_551, %parallel_loop3A_552] {strides = array<i32>} : memref<3x128x128xf32, #tpu.memory_space<vmem>>, vector<16xf32>,
        tpu.vector_store %arg9[%parallel_loop3A_550, %parallel_loop3A_551, %parallel_loop3A_552], %parallel_loop3A_548 {strides = array<i32>} : memref<3x128x128xf32, #tpu.memory_space<vmem>>, vector<16xf32>,
      } {sc.loop_unroll_factor = 1 : i64, sc.parallel_access}
      %run_scoped3A_180 = arith.constant 0 : i32
      "tpu.region"() ({
        %run_scoped3A_441 = tpu.sem_alloc : memref<!tpu.dma_semaphore, #tpu.memory_space<semaphore_mem>>
        %dma_start3A_442 = arith.constant 0 : i32
        %dma_start3A_443 = arith.constant 0 : i32
        %dma_start3A_444 = tpu.memref_slice %arg9[%run_scoped3A_180, %dma_start3A_442, %dma_start3A_443] : memref<3x128x128xf32, #tpu.memory_space<vmem>> -> memref<1x128x128xf32, #tpu.memory_space<vmem>>
        %dma_start3A_445 = tpu.memref_squeeze %dma_start3A_444 : memref<1x128x128xf32, #tpu.memory_space<vmem>> -> memref<128x128xf32, #tpu.memory_space<vmem>>
        %dma_start3A_446 = arith.constant 0 : i32
        %dma_start3A_447 = tpu.memref_slice %arg5[%add3A_143, %dma_start3A_446] : memref<32768x128xf32, #tpu.memory_space<hbm>> -> memref<128x128xf32, #tpu.memory_space<hbm>>
        %dma_start3A_448 = arith.constant 0 : i32
        %dma_start3A_449 = tpu.memref_slice %arg5[%add3A_143, %dma_start3A_448] : memref<32768x128xf32, #tpu.memory_space<hbm>> -> memref<128x128xf32, #tpu.memory_space<hbm>>
        %dma_start3A_450 = arith.constant 0 : i32
        %dma_start3A_451 = arith.constant 0 : i32
        %dma_start3A_452 = tpu.memref_slice %arg9[%run_scoped3A_180, %dma_start3A_450, %dma_start3A_451] : memref<3x128x128xf32, #tpu.memory_space<vmem>> -> memref<1x128x128xf32, #tpu.memory_space<vmem>>
        %dma_start3A_453 = tpu.memref_squeeze %dma_start3A_452 : memref<1x128x128xf32, #tpu.memory_space<vmem>> -> memref<128x128xf32, #tpu.memory_space<vmem>>
        tpu.enqueue_dma source(%dma_start3A_453 : memref<128x128xf32, #tpu.memory_space<vmem>>) target(%dma_start3A_449 : memref<128x128xf32, #tpu.memory_space<hbm>>) target_semaphore(%run_scoped3A_441 : memref<!tpu.dma_semaphore, #tpu.memory_space<semaphore_mem>>)
        %dma_wait3A_454 = arith.constant 0 : i32
        %dma_wait3A_455 = arith.constant 0 : i32
        %dma_wait3A_456 = tpu.memref_slice %arg9[%run_scoped3A_180, %dma_wait3A_454, %dma_wait3A_455] : memref<3x128x128xf32, #tpu.memory_space<vmem>> -> memref<1x128x128xf32, #tpu.memory_space<vmem>>
        %dma_wait3A_457 = tpu.memref_squeeze %dma_wait3A_456 : memref<1x128x128xf32, #tpu.memory_space<vmem>> -> memref<128x128xf32, #tpu.memory_space<vmem>>
        %dma_wait3A_458 = arith.constant 0 : i32
        %dma_wait3A_459 = tpu.memref_slice %arg5[%add3A_143, %dma_wait3A_458] : memref<32768x128xf32, #tpu.memory_space<hbm>> -> memref<128x128xf32, #tpu.memory_space<hbm>>
        %dma_wait3A_460 = arith.constant 0 : i32
        %dma_wait3A_461 = tpu.memref_slice %arg5[%add3A_143, %dma_wait3A_460] : memref<32768x128xf32, #tpu.memory_space<hbm>> -> memref<128x128xf32, #tpu.memory_space<hbm>>
        %dma_wait3A_462 = arith.constant 0 : i32
        %dma_wait3A_463 = arith.constant 0 : i32
        %dma_wait3A_464 = tpu.memref_slice %arg9[%run_scoped3A_180, %dma_wait3A_462, %dma_wait3A_463] : memref<3x128x128xf32, #tpu.memory_space<vmem>> -> memref<1x128x128xf32, #tpu.memory_space<vmem>>
        %dma_wait3A_465 = tpu.memref_squeeze %dma_wait3A_464 : memref<1x128x128xf32, #tpu.memory_space<vmem>> -> memref<128x128xf32, #tpu.memory_space<vmem>>
        tpu.wait_dma2 semaphore(%run_scoped3A_441 : memref<!tpu.dma_semaphore, #tpu.memory_space<semaphore_mem>>) src(%dma_wait3A_465 : memref<128x128xf32, #tpu.memory_space<vmem>>) dst(%dma_wait3A_461 : memref<128x128xf32, #tpu.memory_space<hbm>>)
        tpu.yield
      }) : () -> ()
      %add3A_181 = arith.constant 384 : i32
      %add3A_182 = arith.addi %mul3A_2, %add3A_181 : i32
      %dma_start3A_183 = arith.constant 3 : i32
      %dma_start3A_184 = arith.constant 0 : i32
      %dma_start3A_185 = arith.constant 0 : i32
      %dma_start3A_186 = tpu.memref_slice %arg7[%dma_start3A_184, %dma_start3A_185] : memref<128x128xf32, #tpu.memory_space<vmem>> -> memref<128x128xf32, #tpu.memory_space<vmem>>
      %dma_start3A_187 = arith.constant 0 : i32
      %dma_start3A_188 = tpu.memref_slice %arg6[%dma_start3A_183, %dma_start3A_187] : memref<8x128xi32, #tpu.memory_space<vmem>> -> memref<1x128xi32, #tpu.memory_space<vmem>>
      %dma_start3A_189 = tpu.memref_squeeze %dma_start3A_188 : memref<1x128xi32, #tpu.memory_space<vmem>> -> memref<128xi32, #tpu.memory_space<vmem>>
      %dma_start3A_190 = arith.constant 0 : i32
      %dma_start3A_191 = arith.constant 0 : i32
      %dma_start3A_192 = tpu.memref_slice %arg3[%dma_start3A_190, %dma_start3A_191] : memref<2048x128xf32, #tpu.memory_space<hbm>> -> memref<2048x128xf32, #tpu.memory_space<hbm>>
      tpu.enqueue_indirect_dma source(%dma_start3A_192 : memref<2048x128xf32, #tpu.memory_space<hbm>>) target(%dma_start3A_186 : memref<128x128xf32, #tpu.memory_space<vmem>>) offsets(%dma_start3A_189 : memref<128xi32, #tpu.memory_space<vmem>>) semaphore(%arg12 : memref<!tpu.dma_semaphore, #tpu.memory_space<semaphore_mem>>)
      %dma_start3A_193 = arith.constant 0 : i32
      %dma_start3A_194 = arith.constant 0 : i32
      %dma_start3A_195 = arith.constant 0 : i32
      %dma_start3A_196 = tpu.memref_slice %arg8[%dma_start3A_193, %dma_start3A_194, %dma_start3A_195] : memref<3x128x128xf32, #tpu.memory_space<vmem>> -> memref<1x128x128xf32, #tpu.memory_space<vmem>>
      %dma_start3A_197 = tpu.memref_squeeze %dma_start3A_196 : memref<1x128x128xf32, #tpu.memory_space<vmem>> -> memref<128x128xf32, #tpu.memory_space<vmem>>
      %dma_start3A_198 = arith.constant 0 : i32
      %dma_start3A_199 = tpu.memref_slice %arg2[%add3A_182, %dma_start3A_198] : memref<32768x128xf32, #tpu.memory_space<hbm>> -> memref<128x128xf32, #tpu.memory_space<hbm>>
      %dma_start3A_200 = arith.constant 0 : i32
      %dma_start3A_201 = arith.constant 0 : i32
      %dma_start3A_202 = tpu.memref_slice %arg8[%dma_start3A_193, %dma_start3A_200, %dma_start3A_201] : memref<3x128x128xf32, #tpu.memory_space<vmem>> -> memref<1x128x128xf32, #tpu.memory_space<vmem>>
      %dma_start3A_203 = tpu.memref_squeeze %dma_start3A_202 : memref<1x128x128xf32, #tpu.memory_space<vmem>> -> memref<128x128xf32, #tpu.memory_space<vmem>>
      %dma_start3A_204 = arith.constant 0 : i32
      %dma_start3A_205 = tpu.memref_slice %arg2[%add3A_182, %dma_start3A_204] : memref<32768x128xf32, #tpu.memory_space<hbm>> -> memref<128x128xf32, #tpu.memory_space<hbm>>
      tpu.enqueue_dma source(%dma_start3A_205 : memref<128x128xf32, #tpu.memory_space<hbm>>) target(%dma_start3A_203 : memref<128x128xf32, #tpu.memory_space<vmem>>) target_semaphore(%arg11 : memref<!tpu.dma_semaphore, #tpu.memory_space<semaphore_mem>>)
      %dma_wait3A_206 = arith.constant 0 : i32
      %dma_wait3A_207 = arith.constant 0 : i32
      %dma_wait3A_208 = arith.constant 0 : i32
      %dma_wait3A_209 = tpu.memref_slice %arg8[%dma_wait3A_206, %dma_wait3A_207, %dma_wait3A_208] : memref<3x128x128xf32, #tpu.memory_space<vmem>> -> memref<1x128x128xf32, #tpu.memory_space<vmem>>
      %dma_wait3A_210 = tpu.memref_squeeze %dma_wait3A_209 : memref<1x128x128xf32, #tpu.memory_space<vmem>> -> memref<128x128xf32, #tpu.memory_space<vmem>>
      %dma_wait3A_211 = arith.constant 0 : i32
      %dma_wait3A_212 = tpu.memref_slice %arg2[%add3A_182, %dma_wait3A_211] : memref<32768x128xf32, #tpu.memory_space<hbm>> -> memref<128x128xf32, #tpu.memory_space<hbm>>
      %dma_wait3A_213 = arith.constant 0 : i32
      %dma_wait3A_214 = arith.constant 0 : i32
      %dma_wait3A_215 = tpu.memref_slice %arg8[%dma_wait3A_206, %dma_wait3A_213, %dma_wait3A_214] : memref<3x128x128xf32, #tpu.memory_space<vmem>> -> memref<1x128x128xf32, #tpu.memory_space<vmem>>
      %dma_wait3A_216 = tpu.memref_squeeze %dma_wait3A_215 : memref<1x128x128xf32, #tpu.memory_space<vmem>> -> memref<128x128xf32, #tpu.memory_space<vmem>>
      %dma_wait3A_217 = arith.constant 0 : i32
      %dma_wait3A_218 = tpu.memref_slice %arg2[%add3A_182, %dma_wait3A_217] : memref<32768x128xf32, #tpu.memory_space<hbm>> -> memref<128x128xf32, #tpu.memory_space<hbm>>
      tpu.wait_dma2 semaphore(%arg11 : memref<!tpu.dma_semaphore, #tpu.memory_space<semaphore_mem>>) src(%dma_wait3A_218 : memref<128x128xf32, #tpu.memory_space<hbm>>) dst(%dma_wait3A_216 : memref<128x128xf32, #tpu.memory_space<vmem>>)
      %dma_wait3A_219 = arith.constant 3 : i32
      %dma_wait3A_220 = arith.constant 0 : i32
      %dma_wait3A_221 = arith.constant 0 : i32
      %dma_wait3A_222 = tpu.memref_slice %arg7[%dma_wait3A_220, %dma_wait3A_221] : memref<128x128xf32, #tpu.memory_space<vmem>> -> memref<128x128xf32, #tpu.memory_space<vmem>>
      %dma_wait3A_223 = arith.constant 0 : i32
      %dma_wait3A_224 = tpu.memref_slice %arg6[%dma_wait3A_219, %dma_wait3A_223] : memref<8x128xi32, #tpu.memory_space<vmem>> -> memref<1x128xi32, #tpu.memory_space<vmem>>
      %dma_wait3A_225 = tpu.memref_squeeze %dma_wait3A_224 : memref<1x128xi32, #tpu.memory_space<vmem>> -> memref<128xi32, #tpu.memory_space<vmem>>
      %dma_wait3A_226 = arith.constant 0 : i32
      %dma_wait3A_227 = arith.constant 0 : i32
      %dma_wait3A_228 = tpu.memref_slice %arg3[%dma_wait3A_226, %dma_wait3A_227] : memref<2048x128xf32, #tpu.memory_space<hbm>> -> memref<2048x128xf32, #tpu.memory_space<hbm>>
      tpu.wait_indirect_dma semaphore(%arg12 : memref<!tpu.dma_semaphore, #tpu.memory_space<semaphore_mem>>) src(%dma_wait3A_228 : memref<2048x128xf32, #tpu.memory_space<hbm>>) dst(%dma_wait3A_222 : memref<128x128xf32, #tpu.memory_space<vmem>>)
      %parallel_loop3A_229 = arith.constant 0 : i32
      %parallel_loop3A_230 = arith.constant 128 : i32
      %parallel_loop3A_231 = arith.constant 1 : i32
      scf.for %parallel_loop3A_441 = %parallel_loop3A_229 to %parallel_loop3A_230 step %parallel_loop3A_231  : i32 {
        %parallel_loop3A_442 = arith.constant 0 : i32
        %parallel_loop3A_443 = arith.index_cast %parallel_loop3A_442 : i32 to index
        %parallel_loop3A_444 = arith.index_cast %parallel_loop3A_441 : i32 to index
        %parallel_loop3A_445 = arith.constant 0 : index
        %parallel_loop3A_446 = tpu.vector_load %arg8[%parallel_loop3A_443, %parallel_loop3A_444, %parallel_loop3A_445] {strides = array<i32>} : memref<3x128x128xf32, #tpu.memory_space<vmem>>, vector<16xf32>,
        %parallel_loop3A_447 = arith.index_cast %parallel_loop3A_441 : i32 to index
        %parallel_loop3A_448 = arith.constant 0 : index
        %parallel_loop3A_449 = tpu.vector_load %arg7[%parallel_loop3A_447, %parallel_loop3A_448] {strides = array<i32>} : memref<128x128xf32, #tpu.memory_space<vmem>>, vector<16xf32>,
        %parallel_loop3A_450 = arith.subf %parallel_loop3A_446, %parallel_loop3A_449 : vector<16xf32>
        %parallel_loop3A_451 = arith.constant 0 : i32
        %parallel_loop3A_452 = arith.index_cast %parallel_loop3A_451 : i32 to index
        %parallel_loop3A_453 = arith.index_cast %parallel_loop3A_441 : i32 to index
        %parallel_loop3A_454 = arith.constant 0 : index
        %parallel_loop3A_455 = tpu.vector_load %arg9[%parallel_loop3A_452, %parallel_loop3A_453, %parallel_loop3A_454] {strides = array<i32>} : memref<3x128x128xf32, #tpu.memory_space<vmem>>, vector<16xf32>,
        tpu.vector_store %arg9[%parallel_loop3A_452, %parallel_loop3A_453, %parallel_loop3A_454], %parallel_loop3A_450 {strides = array<i32>} : memref<3x128x128xf32, #tpu.memory_space<vmem>>, vector<16xf32>,
        %parallel_loop3A_456 = arith.constant 0 : i32
        %parallel_loop3A_457 = arith.index_cast %parallel_loop3A_456 : i32 to index
        %parallel_loop3A_458 = arith.index_cast %parallel_loop3A_441 : i32 to index
        %parallel_loop3A_459 = arith.constant 16 : index
        %parallel_loop3A_460 = tpu.vector_load %arg8[%parallel_loop3A_457, %parallel_loop3A_458, %parallel_loop3A_459] {strides = array<i32>} : memref<3x128x128xf32, #tpu.memory_space<vmem>>, vector<16xf32>,
        %parallel_loop3A_461 = arith.index_cast %parallel_loop3A_441 : i32 to index
        %parallel_loop3A_462 = arith.constant 16 : index
        %parallel_loop3A_463 = tpu.vector_load %arg7[%parallel_loop3A_461, %parallel_loop3A_462] {strides = array<i32>} : memref<128x128xf32, #tpu.memory_space<vmem>>, vector<16xf32>,
        %parallel_loop3A_464 = arith.subf %parallel_loop3A_460, %parallel_loop3A_463 : vector<16xf32>
        %parallel_loop3A_465 = arith.constant 0 : i32
        %parallel_loop3A_466 = arith.index_cast %parallel_loop3A_465 : i32 to index
        %parallel_loop3A_467 = arith.index_cast %parallel_loop3A_441 : i32 to index
        %parallel_loop3A_468 = arith.constant 16 : index
        %parallel_loop3A_469 = tpu.vector_load %arg9[%parallel_loop3A_466, %parallel_loop3A_467, %parallel_loop3A_468] {strides = array<i32>} : memref<3x128x128xf32, #tpu.memory_space<vmem>>, vector<16xf32>,
        tpu.vector_store %arg9[%parallel_loop3A_466, %parallel_loop3A_467, %parallel_loop3A_468], %parallel_loop3A_464 {strides = array<i32>} : memref<3x128x128xf32, #tpu.memory_space<vmem>>, vector<16xf32>,
        %parallel_loop3A_470 = arith.constant 0 : i32
        %parallel_loop3A_471 = arith.index_cast %parallel_loop3A_470 : i32 to index
        %parallel_loop3A_472 = arith.index_cast %parallel_loop3A_441 : i32 to index
        %parallel_loop3A_473 = arith.constant 32 : index
        %parallel_loop3A_474 = tpu.vector_load %arg8[%parallel_loop3A_471, %parallel_loop3A_472, %parallel_loop3A_473] {strides = array<i32>} : memref<3x128x128xf32, #tpu.memory_space<vmem>>, vector<16xf32>,
        %parallel_loop3A_475 = arith.index_cast %parallel_loop3A_441 : i32 to index
        %parallel_loop3A_476 = arith.constant 32 : index
        %parallel_loop3A_477 = tpu.vector_load %arg7[%parallel_loop3A_475, %parallel_loop3A_476] {strides = array<i32>} : memref<128x128xf32, #tpu.memory_space<vmem>>, vector<16xf32>,
        %parallel_loop3A_478 = arith.subf %parallel_loop3A_474, %parallel_loop3A_477 : vector<16xf32>
        %parallel_loop3A_479 = arith.constant 0 : i32
        %parallel_loop3A_480 = arith.index_cast %parallel_loop3A_479 : i32 to index
        %parallel_loop3A_481 = arith.index_cast %parallel_loop3A_441 : i32 to index
        %parallel_loop3A_482 = arith.constant 32 : index
        %parallel_loop3A_483 = tpu.vector_load %arg9[%parallel_loop3A_480, %parallel_loop3A_481, %parallel_loop3A_482] {strides = array<i32>} : memref<3x128x128xf32, #tpu.memory_space<vmem>>, vector<16xf32>,
        tpu.vector_store %arg9[%parallel_loop3A_480, %parallel_loop3A_481, %parallel_loop3A_482], %parallel_loop3A_478 {strides = array<i32>} : memref<3x128x128xf32, #tpu.memory_space<vmem>>, vector<16xf32>,
        %parallel_loop3A_484 = arith.constant 0 : i32
        %parallel_loop3A_485 = arith.index_cast %parallel_loop3A_484 : i32 to index
        %parallel_loop3A_486 = arith.index_cast %parallel_loop3A_441 : i32 to index
        %parallel_loop3A_487 = arith.constant 48 : index
        %parallel_loop3A_488 = tpu.vector_load %arg8[%parallel_loop3A_485, %parallel_loop3A_486, %parallel_loop3A_487] {strides = array<i32>} : memref<3x128x128xf32, #tpu.memory_space<vmem>>, vector<16xf32>,
        %parallel_loop3A_489 = arith.index_cast %parallel_loop3A_441 : i32 to index
        %parallel_loop3A_490 = arith.constant 48 : index
        %parallel_loop3A_491 = tpu.vector_load %arg7[%parallel_loop3A_489, %parallel_loop3A_490] {strides = array<i32>} : memref<128x128xf32, #tpu.memory_space<vmem>>, vector<16xf32>,
        %parallel_loop3A_492 = arith.subf %parallel_loop3A_488, %parallel_loop3A_491 : vector<16xf32>
        %parallel_loop3A_493 = arith.constant 0 : i32
        %parallel_loop3A_494 = arith.index_cast %parallel_loop3A_493 : i32 to index
        %parallel_loop3A_495 = arith.index_cast %parallel_loop3A_441 : i32 to index
        %parallel_loop3A_496 = arith.constant 48 : index
        %parallel_loop3A_497 = tpu.vector_load %arg9[%parallel_loop3A_494, %parallel_loop3A_495, %parallel_loop3A_496] {strides = array<i32>} : memref<3x128x128xf32, #tpu.memory_space<vmem>>, vector<16xf32>,
        tpu.vector_store %arg9[%parallel_loop3A_494, %parallel_loop3A_495, %parallel_loop3A_496], %parallel_loop3A_492 {strides = array<i32>} : memref<3x128x128xf32, #tpu.memory_space<vmem>>, vector<16xf32>,
        %parallel_loop3A_498 = arith.constant 0 : i32
        %parallel_loop3A_499 = arith.index_cast %parallel_loop3A_498 : i32 to index
        %parallel_loop3A_500 = arith.index_cast %parallel_loop3A_441 : i32 to index
        %parallel_loop3A_501 = arith.constant 64 : index
        %parallel_loop3A_502 = tpu.vector_load %arg8[%parallel_loop3A_499, %parallel_loop3A_500, %parallel_loop3A_501] {strides = array<i32>} : memref<3x128x128xf32, #tpu.memory_space<vmem>>, vector<16xf32>,
        %parallel_loop3A_503 = arith.index_cast %parallel_loop3A_441 : i32 to index
        %parallel_loop3A_504 = arith.constant 64 : index
        %parallel_loop3A_505 = tpu.vector_load %arg7[%parallel_loop3A_503, %parallel_loop3A_504] {strides = array<i32>} : memref<128x128xf32, #tpu.memory_space<vmem>>, vector<16xf32>,
        %parallel_loop3A_506 = arith.subf %parallel_loop3A_502, %parallel_loop3A_505 : vector<16xf32>
        %parallel_loop3A_507 = arith.constant 0 : i32
        %parallel_loop3A_508 = arith.index_cast %parallel_loop3A_507 : i32 to index
        %parallel_loop3A_509 = arith.index_cast %parallel_loop3A_441 : i32 to index
        %parallel_loop3A_510 = arith.constant 64 : index
        %parallel_loop3A_511 = tpu.vector_load %arg9[%parallel_loop3A_508, %parallel_loop3A_509, %parallel_loop3A_510] {strides = array<i32>} : memref<3x128x128xf32, #tpu.memory_space<vmem>>, vector<16xf32>,
        tpu.vector_store %arg9[%parallel_loop3A_508, %parallel_loop3A_509, %parallel_loop3A_510], %parallel_loop3A_506 {strides = array<i32>} : memref<3x128x128xf32, #tpu.memory_space<vmem>>, vector<16xf32>,
        %parallel_loop3A_512 = arith.constant 0 : i32
        %parallel_loop3A_513 = arith.index_cast %parallel_loop3A_512 : i32 to index
        %parallel_loop3A_514 = arith.index_cast %parallel_loop3A_441 : i32 to index
        %parallel_loop3A_515 = arith.constant 80 : index
        %parallel_loop3A_516 = tpu.vector_load %arg8[%parallel_loop3A_513, %parallel_loop3A_514, %parallel_loop3A_515] {strides = array<i32>} : memref<3x128x128xf32, #tpu.memory_space<vmem>>, vector<16xf32>,
        %parallel_loop3A_517 = arith.index_cast %parallel_loop3A_441 : i32 to index
        %parallel_loop3A_518 = arith.constant 80 : index
        %parallel_loop3A_519 = tpu.vector_load %arg7[%parallel_loop3A_517, %parallel_loop3A_518] {strides = array<i32>} : memref<128x128xf32, #tpu.memory_space<vmem>>, vector<16xf32>,
        %parallel_loop3A_520 = arith.subf %parallel_loop3A_516, %parallel_loop3A_519 : vector<16xf32>
        %parallel_loop3A_521 = arith.constant 0 : i32
        %parallel_loop3A_522 = arith.index_cast %parallel_loop3A_521 : i32 to index
        %parallel_loop3A_523 = arith.index_cast %parallel_loop3A_441 : i32 to index
        %parallel_loop3A_524 = arith.constant 80 : index
        %parallel_loop3A_525 = tpu.vector_load %arg9[%parallel_loop3A_522, %parallel_loop3A_523, %parallel_loop3A_524] {strides = array<i32>} : memref<3x128x128xf32, #tpu.memory_space<vmem>>, vector<16xf32>,
        tpu.vector_store %arg9[%parallel_loop3A_522, %parallel_loop3A_523, %parallel_loop3A_524], %parallel_loop3A_520 {strides = array<i32>} : memref<3x128x128xf32, #tpu.memory_space<vmem>>, vector<16xf32>,
        %parallel_loop3A_526 = arith.constant 0 : i32
        %parallel_loop3A_527 = arith.index_cast %parallel_loop3A_526 : i32 to index
        %parallel_loop3A_528 = arith.index_cast %parallel_loop3A_441 : i32 to index
        %parallel_loop3A_529 = arith.constant 96 : index
        %parallel_loop3A_530 = tpu.vector_load %arg8[%parallel_loop3A_527, %parallel_loop3A_528, %parallel_loop3A_529] {strides = array<i32>} : memref<3x128x128xf32, #tpu.memory_space<vmem>>, vector<16xf32>,
        %parallel_loop3A_531 = arith.index_cast %parallel_loop3A_441 : i32 to index
        %parallel_loop3A_532 = arith.constant 96 : index
        %parallel_loop3A_533 = tpu.vector_load %arg7[%parallel_loop3A_531, %parallel_loop3A_532] {strides = array<i32>} : memref<128x128xf32, #tpu.memory_space<vmem>>, vector<16xf32>,
        %parallel_loop3A_534 = arith.subf %parallel_loop3A_530, %parallel_loop3A_533 : vector<16xf32>
        %parallel_loop3A_535 = arith.constant 0 : i32
        %parallel_loop3A_536 = arith.index_cast %parallel_loop3A_535 : i32 to index
        %parallel_loop3A_537 = arith.index_cast %parallel_loop3A_441 : i32 to index
        %parallel_loop3A_538 = arith.constant 96 : index
        %parallel_loop3A_539 = tpu.vector_load %arg9[%parallel_loop3A_536, %parallel_loop3A_537, %parallel_loop3A_538] {strides = array<i32>} : memref<3x128x128xf32, #tpu.memory_space<vmem>>, vector<16xf32>,
        tpu.vector_store %arg9[%parallel_loop3A_536, %parallel_loop3A_537, %parallel_loop3A_538], %parallel_loop3A_534 {strides = array<i32>} : memref<3x128x128xf32, #tpu.memory_space<vmem>>, vector<16xf32>,
        %parallel_loop3A_540 = arith.constant 0 : i32
        %parallel_loop3A_541 = arith.index_cast %parallel_loop3A_540 : i32 to index
        %parallel_loop3A_542 = arith.index_cast %parallel_loop3A_441 : i32 to index
        %parallel_loop3A_543 = arith.constant 112 : index
        %parallel_loop3A_544 = tpu.vector_load %arg8[%parallel_loop3A_541, %parallel_loop3A_542, %parallel_loop3A_543] {strides = array<i32>} : memref<3x128x128xf32, #tpu.memory_space<vmem>>, vector<16xf32>,
        %parallel_loop3A_545 = arith.index_cast %parallel_loop3A_441 : i32 to index
        %parallel_loop3A_546 = arith.constant 112 : index
        %parallel_loop3A_547 = tpu.vector_load %arg7[%parallel_loop3A_545, %parallel_loop3A_546] {strides = array<i32>} : memref<128x128xf32, #tpu.memory_space<vmem>>, vector<16xf32>,
        %parallel_loop3A_548 = arith.subf %parallel_loop3A_544, %parallel_loop3A_547 : vector<16xf32>
        %parallel_loop3A_549 = arith.constant 0 : i32
        %parallel_loop3A_550 = arith.index_cast %parallel_loop3A_549 : i32 to index
        %parallel_loop3A_551 = arith.index_cast %parallel_loop3A_441 : i32 to index
        %parallel_loop3A_552 = arith.constant 112 : index
        %parallel_loop3A_553 = tpu.vector_load %arg9[%parallel_loop3A_550, %parallel_loop3A_551, %parallel_loop3A_552] {strides = array<i32>} : memref<3x128x128xf32, #tpu.memory_space<vmem>>, vector<16xf32>,
        tpu.vector_store %arg9[%parallel_loop3A_550, %parallel_loop3A_551, %parallel_loop3A_552], %parallel_loop3A_548 {strides = array<i32>} : memref<3x128x128xf32, #tpu.memory_space<vmem>>, vector<16xf32>,
      } {sc.loop_unroll_factor = 1 : i64, sc.parallel_access}
      %run_scoped3A_232 = arith.constant 0 : i32
      "tpu.region"() ({
        %run_scoped3A_441 = tpu.sem_alloc : memref<!tpu.dma_semaphore, #tpu.memory_space<semaphore_mem>>
        %dma_start3A_442 = arith.constant 0 : i32
        %dma_start3A_443 = arith.constant 0 : i32
        %dma_start3A_444 = tpu.memref_slice %arg9[%run_scoped3A_232, %dma_start3A_442, %dma_start3A_443] : memref<3x128x128xf32, #tpu.memory_space<vmem>> -> memref<1x128x128xf32, #tpu.memory_space<vmem>>
        %dma_start3A_445 = tpu.memref_squeeze %dma_start3A_444 : memref<1x128x128xf32, #tpu.memory_space<vmem>> -> memref<128x128xf32, #tpu.memory_space<vmem>>
        %dma_start3A_446 = arith.constant 0 : i32
        %dma_start3A_447 = tpu.memref_slice %arg5[%add3A_182, %dma_start3A_446] : memref<32768x128xf32, #tpu.memory_space<hbm>> -> memref<128x128xf32, #tpu.memory_space<hbm>>
        %dma_start3A_448 = arith.constant 0 : i32
        %dma_start3A_449 = tpu.memref_slice %arg5[%add3A_182, %dma_start3A_448] : memref<32768x128xf32, #tpu.memory_space<hbm>> -> memref<128x128xf32, #tpu.memory_space<hbm>>
        %dma_start3A_450 = arith.constant 0 : i32
        %dma_start3A_451 = arith.constant 0 : i32
        %dma_start3A_452 = tpu.memref_slice %arg9[%run_scoped3A_232, %dma_start3A_450, %dma_start3A_451] : memref<3x128x128xf32, #tpu.memory_space<vmem>> -> memref<1x128x128xf32, #tpu.memory_space<vmem>>
        %dma_start3A_453 = tpu.memref_squeeze %dma_start3A_452 : memref<1x128x128xf32, #tpu.memory_space<vmem>> -> memref<128x128xf32, #tpu.memory_space<vmem>>
        tpu.enqueue_dma source(%dma_start3A_453 : memref<128x128xf32, #tpu.memory_space<vmem>>) target(%dma_start3A_449 : memref<128x128xf32, #tpu.memory_space<hbm>>) target_semaphore(%run_scoped3A_441 : memref<!tpu.dma_semaphore, #tpu.memory_space<semaphore_mem>>)
        %dma_wait3A_454 = arith.constant 0 : i32
        %dma_wait3A_455 = arith.constant 0 : i32
        %dma_wait3A_456 = tpu.memref_slice %arg9[%run_scoped3A_232, %dma_wait3A_454, %dma_wait3A_455] : memref<3x128x128xf32, #tpu.memory_space<vmem>> -> memref<1x128x128xf32, #tpu.memory_space<vmem>>
        %dma_wait3A_457 = tpu.memref_squeeze %dma_wait3A_456 : memref<1x128x128xf32, #tpu.memory_space<vmem>> -> memref<128x128xf32, #tpu.memory_space<vmem>>
        %dma_wait3A_458 = arith.constant 0 : i32
        %dma_wait3A_459 = tpu.memref_slice %arg5[%add3A_182, %dma_wait3A_458] : memref<32768x128xf32, #tpu.memory_space<hbm>> -> memref<128x128xf32, #tpu.memory_space<hbm>>
        %dma_wait3A_460 = arith.constant 0 : i32
        %dma_wait3A_461 = tpu.memref_slice %arg5[%add3A_182, %dma_wait3A_460] : memref<32768x128xf32, #tpu.memory_space<hbm>> -> memref<128x128xf32, #tpu.memory_space<hbm>>
        %dma_wait3A_462 = arith.constant 0 : i32
        %dma_wait3A_463 = arith.constant 0 : i32
        %dma_wait3A_464 = tpu.memref_slice %arg9[%run_scoped3A_232, %dma_wait3A_462, %dma_wait3A_463] : memref<3x128x128xf32, #tpu.memory_space<vmem>> -> memref<1x128x128xf32, #tpu.memory_space<vmem>>
        %dma_wait3A_465 = tpu.memref_squeeze %dma_wait3A_464 : memref<1x128x128xf32, #tpu.memory_space<vmem>> -> memref<128x128xf32, #tpu.memory_space<vmem>>
        tpu.wait_dma2 semaphore(%run_scoped3A_441 : memref<!tpu.dma_semaphore, #tpu.memory_space<semaphore_mem>>) src(%dma_wait3A_465 : memref<128x128xf32, #tpu.memory_space<vmem>>) dst(%dma_wait3A_461 : memref<128x128xf32, #tpu.memory_space<hbm>>)
        tpu.yield
      }) : () -> ()
      %add3A_233 = arith.constant 512 : i32
      %add3A_234 = arith.addi %mul3A_2, %add3A_233 : i32
      %dma_start3A_235 = arith.constant 4 : i32
      %dma_start3A_236 = arith.constant 0 : i32
      %dma_start3A_237 = arith.constant 0 : i32
      %dma_start3A_238 = tpu.memref_slice %arg7[%dma_start3A_236, %dma_start3A_237] : memref<128x128xf32, #tpu.memory_space<vmem>> -> memref<128x128xf32, #tpu.memory_space<vmem>>
      %dma_start3A_239 = arith.constant 0 : i32
      %dma_start3A_240 = tpu.memref_slice %arg6[%dma_start3A_235, %dma_start3A_239] : memref<8x128xi32, #tpu.memory_space<vmem>> -> memref<1x128xi32, #tpu.memory_space<vmem>>
      %dma_start3A_241 = tpu.memref_squeeze %dma_start3A_240 : memref<1x128xi32, #tpu.memory_space<vmem>> -> memref<128xi32, #tpu.memory_space<vmem>>
      %dma_start3A_242 = arith.constant 0 : i32
      %dma_start3A_243 = arith.constant 0 : i32
      %dma_start3A_244 = tpu.memref_slice %arg3[%dma_start3A_242, %dma_start3A_243] : memref<2048x128xf32, #tpu.memory_space<hbm>> -> memref<2048x128xf32, #tpu.memory_space<hbm>>
      tpu.enqueue_indirect_dma source(%dma_start3A_244 : memref<2048x128xf32, #tpu.memory_space<hbm>>) target(%dma_start3A_238 : memref<128x128xf32, #tpu.memory_space<vmem>>) offsets(%dma_start3A_241 : memref<128xi32, #tpu.memory_space<vmem>>) semaphore(%arg12 : memref<!tpu.dma_semaphore, #tpu.memory_space<semaphore_mem>>)
      %dma_start3A_245 = arith.constant 1 : i32
      %dma_start3A_246 = arith.constant 0 : i32
      %dma_start3A_247 = arith.constant 0 : i32
      %dma_start3A_248 = tpu.memref_slice %arg8[%dma_start3A_245, %dma_start3A_246, %dma_start3A_247] : memref<3x128x128xf32, #tpu.memory_space<vmem>> -> memref<1x128x128xf32, #tpu.memory_space<vmem>>
      %dma_start3A_249 = tpu.memref_squeeze %dma_start3A_248 : memref<1x128x128xf32, #tpu.memory_space<vmem>> -> memref<128x128xf32, #tpu.memory_space<vmem>>
      %dma_start3A_250 = arith.constant 0 : i32
      %dma_start3A_251 = tpu.memref_slice %arg2[%add3A_234, %dma_start3A_250] : memref<32768x128xf32, #tpu.memory_space<hbm>> -> memref<128x128xf32, #tpu.memory_space<hbm>>
      %dma_start3A_252 = arith.constant 0 : i32
      %dma_start3A_253 = arith.constant 0 : i32
      %dma_start3A_254 = tpu.memref_slice %arg8[%dma_start3A_245, %dma_start3A_252, %dma_start3A_253] : memref<3x128x128xf32, #tpu.memory_space<vmem>> -> memref<1x128x128xf32, #tpu.memory_space<vmem>>
      %dma_start3A_255 = tpu.memref_squeeze %dma_start3A_254 : memref<1x128x128xf32, #tpu.memory_space<vmem>> -> memref<128x128xf32, #tpu.memory_space<vmem>>
      %dma_start3A_256 = arith.constant 0 : i32
      %dma_start3A_257 = tpu.memref_slice %arg2[%add3A_234, %dma_start3A_256] : memref<32768x128xf32, #tpu.memory_space<hbm>> -> memref<128x128xf32, #tpu.memory_space<hbm>>
      tpu.enqueue_dma source(%dma_start3A_257 : memref<128x128xf32, #tpu.memory_space<hbm>>) target(%dma_start3A_255 : memref<128x128xf32, #tpu.memory_space<vmem>>) target_semaphore(%arg11 : memref<!tpu.dma_semaphore, #tpu.memory_space<semaphore_mem>>)
      %dma_wait3A_258 = arith.constant 1 : i32
      %dma_wait3A_259 = arith.constant 0 : i32
      %dma_wait3A_260 = arith.constant 0 : i32
      %dma_wait3A_261 = tpu.memref_slice %arg8[%dma_wait3A_258, %dma_wait3A_259, %dma_wait3A_260] : memref<3x128x128xf32, #tpu.memory_space<vmem>> -> memref<1x128x128xf32, #tpu.memory_space<vmem>>
      %dma_wait3A_262 = tpu.memref_squeeze %dma_wait3A_261 : memref<1x128x128xf32, #tpu.memory_space<vmem>> -> memref<128x128xf32, #tpu.memory_space<vmem>>
      %dma_wait3A_263 = arith.constant 0 : i32
      %dma_wait3A_264 = tpu.memref_slice %arg2[%add3A_234, %dma_wait3A_263] : memref<32768x128xf32, #tpu.memory_space<hbm>> -> memref<128x128xf32, #tpu.memory_space<hbm>>
      %dma_wait3A_265 = arith.constant 0 : i32
      %dma_wait3A_266 = arith.constant 0 : i32
      %dma_wait3A_267 = tpu.memref_slice %arg8[%dma_wait3A_258, %dma_wait3A_265, %dma_wait3A_266] : memref<3x128x128xf32, #tpu.memory_space<vmem>> -> memref<1x128x128xf32, #tpu.memory_space<vmem>>
      %dma_wait3A_268 = tpu.memref_squeeze %dma_wait3A_267 : memref<1x128x128xf32, #tpu.memory_space<vmem>> -> memref<128x128xf32, #tpu.memory_space<vmem>>
      %dma_wait3A_269 = arith.constant 0 : i32
      %dma_wait3A_270 = tpu.memref_slice %arg2[%add3A_234, %dma_wait3A_269] : memref<32768x128xf32, #tpu.memory_space<hbm>> -> memref<128x128xf32, #tpu.memory_space<hbm>>
      tpu.wait_dma2 semaphore(%arg11 : memref<!tpu.dma_semaphore, #tpu.memory_space<semaphore_mem>>) src(%dma_wait3A_270 : memref<128x128xf32, #tpu.memory_space<hbm>>) dst(%dma_wait3A_268 : memref<128x128xf32, #tpu.memory_space<vmem>>)
      %dma_wait3A_271 = arith.constant 4 : i32
      %dma_wait3A_272 = arith.constant 0 : i32
      %dma_wait3A_273 = arith.constant 0 : i32
      %dma_wait3A_274 = tpu.memref_slice %arg7[%dma_wait3A_272, %dma_wait3A_273] : memref<128x128xf32, #tpu.memory_space<vmem>> -> memref<128x128xf32, #tpu.memory_space<vmem>>
      %dma_wait3A_275 = arith.constant 0 : i32
      %dma_wait3A_276 = tpu.memref_slice %arg6[%dma_wait3A_271, %dma_wait3A_275] : memref<8x128xi32, #tpu.memory_space<vmem>> -> memref<1x128xi32, #tpu.memory_space<vmem>>
      %dma_wait3A_277 = tpu.memref_squeeze %dma_wait3A_276 : memref<1x128xi32, #tpu.memory_space<vmem>> -> memref<128xi32, #tpu.memory_space<vmem>>
      %dma_wait3A_278 = arith.constant 0 : i32
      %dma_wait3A_279 = arith.constant 0 : i32
      %dma_wait3A_280 = tpu.memref_slice %arg3[%dma_wait3A_278, %dma_wait3A_279] : memref<2048x128xf32, #tpu.memory_space<hbm>> -> memref<2048x128xf32, #tpu.memory_space<hbm>>
      tpu.wait_indirect_dma semaphore(%arg12 : memref<!tpu.dma_semaphore, #tpu.memory_space<semaphore_mem>>) src(%dma_wait3A_280 : memref<2048x128xf32, #tpu.memory_space<hbm>>) dst(%dma_wait3A_274 : memref<128x128xf32, #tpu.memory_space<vmem>>)
      %parallel_loop3A_281 = arith.constant 0 : i32
      %parallel_loop3A_282 = arith.constant 128 : i32
      %parallel_loop3A_283 = arith.constant 1 : i32
      scf.for %parallel_loop3A_441 = %parallel_loop3A_281 to %parallel_loop3A_282 step %parallel_loop3A_283  : i32 {
        %parallel_loop3A_442 = arith.constant 1 : i32
        %parallel_loop3A_443 = arith.index_cast %parallel_loop3A_442 : i32 to index
        %parallel_loop3A_444 = arith.index_cast %parallel_loop3A_441 : i32 to index
        %parallel_loop3A_445 = arith.constant 0 : index
        %parallel_loop3A_446 = tpu.vector_load %arg8[%parallel_loop3A_443, %parallel_loop3A_444, %parallel_loop3A_445] {strides = array<i32>} : memref<3x128x128xf32, #tpu.memory_space<vmem>>, vector<16xf32>,
        %parallel_loop3A_447 = arith.index_cast %parallel_loop3A_441 : i32 to index
        %parallel_loop3A_448 = arith.constant 0 : index
        %parallel_loop3A_449 = tpu.vector_load %arg7[%parallel_loop3A_447, %parallel_loop3A_448] {strides = array<i32>} : memref<128x128xf32, #tpu.memory_space<vmem>>, vector<16xf32>,
        %parallel_loop3A_450 = arith.subf %parallel_loop3A_446, %parallel_loop3A_449 : vector<16xf32>
        %parallel_loop3A_451 = arith.constant 0 : i32
        %parallel_loop3A_452 = arith.index_cast %parallel_loop3A_451 : i32 to index
        %parallel_loop3A_453 = arith.index_cast %parallel_loop3A_441 : i32 to index
        %parallel_loop3A_454 = arith.constant 0 : index
        %parallel_loop3A_455 = tpu.vector_load %arg9[%parallel_loop3A_452, %parallel_loop3A_453, %parallel_loop3A_454] {strides = array<i32>} : memref<3x128x128xf32, #tpu.memory_space<vmem>>, vector<16xf32>,
        tpu.vector_store %arg9[%parallel_loop3A_452, %parallel_loop3A_453, %parallel_loop3A_454], %parallel_loop3A_450 {strides = array<i32>} : memref<3x128x128xf32, #tpu.memory_space<vmem>>, vector<16xf32>,
        %parallel_loop3A_456 = arith.constant 1 : i32
        %parallel_loop3A_457 = arith.index_cast %parallel_loop3A_456 : i32 to index
        %parallel_loop3A_458 = arith.index_cast %parallel_loop3A_441 : i32 to index
        %parallel_loop3A_459 = arith.constant 16 : index
        %parallel_loop3A_460 = tpu.vector_load %arg8[%parallel_loop3A_457, %parallel_loop3A_458, %parallel_loop3A_459] {strides = array<i32>} : memref<3x128x128xf32, #tpu.memory_space<vmem>>, vector<16xf32>,
        %parallel_loop3A_461 = arith.index_cast %parallel_loop3A_441 : i32 to index
        %parallel_loop3A_462 = arith.constant 16 : index
        %parallel_loop3A_463 = tpu.vector_load %arg7[%parallel_loop3A_461, %parallel_loop3A_462] {strides = array<i32>} : memref<128x128xf32, #tpu.memory_space<vmem>>, vector<16xf32>,
        %parallel_loop3A_464 = arith.subf %parallel_loop3A_460, %parallel_loop3A_463 : vector<16xf32>
        %parallel_loop3A_465 = arith.constant 0 : i32
        %parallel_loop3A_466 = arith.index_cast %parallel_loop3A_465 : i32 to index
        %parallel_loop3A_467 = arith.index_cast %parallel_loop3A_441 : i32 to index
        %parallel_loop3A_468 = arith.constant 16 : index
        %parallel_loop3A_469 = tpu.vector_load %arg9[%parallel_loop3A_466, %parallel_loop3A_467, %parallel_loop3A_468] {strides = array<i32>} : memref<3x128x128xf32, #tpu.memory_space<vmem>>, vector<16xf32>,
        tpu.vector_store %arg9[%parallel_loop3A_466, %parallel_loop3A_467, %parallel_loop3A_468], %parallel_loop3A_464 {strides = array<i32>} : memref<3x128x128xf32, #tpu.memory_space<vmem>>, vector<16xf32>,
        %parallel_loop3A_470 = arith.constant 1 : i32
        %parallel_loop3A_471 = arith.index_cast %parallel_loop3A_470 : i32 to index
        %parallel_loop3A_472 = arith.index_cast %parallel_loop3A_441 : i32 to index
        %parallel_loop3A_473 = arith.constant 32 : index
        %parallel_loop3A_474 = tpu.vector_load %arg8[%parallel_loop3A_471, %parallel_loop3A_472, %parallel_loop3A_473] {strides = array<i32>} : memref<3x128x128xf32, #tpu.memory_space<vmem>>, vector<16xf32>,
        %parallel_loop3A_475 = arith.index_cast %parallel_loop3A_441 : i32 to index
        %parallel_loop3A_476 = arith.constant 32 : index
        %parallel_loop3A_477 = tpu.vector_load %arg7[%parallel_loop3A_475, %parallel_loop3A_476] {strides = array<i32>} : memref<128x128xf32, #tpu.memory_space<vmem>>, vector<16xf32>,
        %parallel_loop3A_478 = arith.subf %parallel_loop3A_474, %parallel_loop3A_477 : vector<16xf32>
        %parallel_loop3A_479 = arith.constant 0 : i32
        %parallel_loop3A_480 = arith.index_cast %parallel_loop3A_479 : i32 to index
        %parallel_loop3A_481 = arith.index_cast %parallel_loop3A_441 : i32 to index
        %parallel_loop3A_482 = arith.constant 32 : index
        %parallel_loop3A_483 = tpu.vector_load %arg9[%parallel_loop3A_480, %parallel_loop3A_481, %parallel_loop3A_482] {strides = array<i32>} : memref<3x128x128xf32, #tpu.memory_space<vmem>>, vector<16xf32>,
        tpu.vector_store %arg9[%parallel_loop3A_480, %parallel_loop3A_481, %parallel_loop3A_482], %parallel_loop3A_478 {strides = array<i32>} : memref<3x128x128xf32, #tpu.memory_space<vmem>>, vector<16xf32>,
        %parallel_loop3A_484 = arith.constant 1 : i32
        %parallel_loop3A_485 = arith.index_cast %parallel_loop3A_484 : i32 to index
        %parallel_loop3A_486 = arith.index_cast %parallel_loop3A_441 : i32 to index
        %parallel_loop3A_487 = arith.constant 48 : index
        %parallel_loop3A_488 = tpu.vector_load %arg8[%parallel_loop3A_485, %parallel_loop3A_486, %parallel_loop3A_487] {strides = array<i32>} : memref<3x128x128xf32, #tpu.memory_space<vmem>>, vector<16xf32>,
        %parallel_loop3A_489 = arith.index_cast %parallel_loop3A_441 : i32 to index
        %parallel_loop3A_490 = arith.constant 48 : index
        %parallel_loop3A_491 = tpu.vector_load %arg7[%parallel_loop3A_489, %parallel_loop3A_490] {strides = array<i32>} : memref<128x128xf32, #tpu.memory_space<vmem>>, vector<16xf32>,
        %parallel_loop3A_492 = arith.subf %parallel_loop3A_488, %parallel_loop3A_491 : vector<16xf32>
        %parallel_loop3A_493 = arith.constant 0 : i32
        %parallel_loop3A_494 = arith.index_cast %parallel_loop3A_493 : i32 to index
        %parallel_loop3A_495 = arith.index_cast %parallel_loop3A_441 : i32 to index
        %parallel_loop3A_496 = arith.constant 48 : index
        %parallel_loop3A_497 = tpu.vector_load %arg9[%parallel_loop3A_494, %parallel_loop3A_495, %parallel_loop3A_496] {strides = array<i32>} : memref<3x128x128xf32, #tpu.memory_space<vmem>>, vector<16xf32>,
        tpu.vector_store %arg9[%parallel_loop3A_494, %parallel_loop3A_495, %parallel_loop3A_496], %parallel_loop3A_492 {strides = array<i32>} : memref<3x128x128xf32, #tpu.memory_space<vmem>>, vector<16xf32>,
        %parallel_loop3A_498 = arith.constant 1 : i32
        %parallel_loop3A_499 = arith.index_cast %parallel_loop3A_498 : i32 to index
        %parallel_loop3A_500 = arith.index_cast %parallel_loop3A_441 : i32 to index
        %parallel_loop3A_501 = arith.constant 64 : index
        %parallel_loop3A_502 = tpu.vector_load %arg8[%parallel_loop3A_499, %parallel_loop3A_500, %parallel_loop3A_501] {strides = array<i32>} : memref<3x128x128xf32, #tpu.memory_space<vmem>>, vector<16xf32>,
        %parallel_loop3A_503 = arith.index_cast %parallel_loop3A_441 : i32 to index
        %parallel_loop3A_504 = arith.constant 64 : index
        %parallel_loop3A_505 = tpu.vector_load %arg7[%parallel_loop3A_503, %parallel_loop3A_504] {strides = array<i32>} : memref<128x128xf32, #tpu.memory_space<vmem>>, vector<16xf32>,
        %parallel_loop3A_506 = arith.subf %parallel_loop3A_502, %parallel_loop3A_505 : vector<16xf32>
        %parallel_loop3A_507 = arith.constant 0 : i32
        %parallel_loop3A_508 = arith.index_cast %parallel_loop3A_507 : i32 to index
        %parallel_loop3A_509 = arith.index_cast %parallel_loop3A_441 : i32 to index
        %parallel_loop3A_510 = arith.constant 64 : index
        %parallel_loop3A_511 = tpu.vector_load %arg9[%parallel_loop3A_508, %parallel_loop3A_509, %parallel_loop3A_510] {strides = array<i32>} : memref<3x128x128xf32, #tpu.memory_space<vmem>>, vector<16xf32>,
        tpu.vector_store %arg9[%parallel_loop3A_508, %parallel_loop3A_509, %parallel_loop3A_510], %parallel_loop3A_506 {strides = array<i32>} : memref<3x128x128xf32, #tpu.memory_space<vmem>>, vector<16xf32>,
        %parallel_loop3A_512 = arith.constant 1 : i32
        %parallel_loop3A_513 = arith.index_cast %parallel_loop3A_512 : i32 to index
        %parallel_loop3A_514 = arith.index_cast %parallel_loop3A_441 : i32 to index
        %parallel_loop3A_515 = arith.constant 80 : index
        %parallel_loop3A_516 = tpu.vector_load %arg8[%parallel_loop3A_513, %parallel_loop3A_514, %parallel_loop3A_515] {strides = array<i32>} : memref<3x128x128xf32, #tpu.memory_space<vmem>>, vector<16xf32>,
        %parallel_loop3A_517 = arith.index_cast %parallel_loop3A_441 : i32 to index
        %parallel_loop3A_518 = arith.constant 80 : index
        %parallel_loop3A_519 = tpu.vector_load %arg7[%parallel_loop3A_517, %parallel_loop3A_518] {strides = array<i32>} : memref<128x128xf32, #tpu.memory_space<vmem>>, vector<16xf32>,
        %parallel_loop3A_520 = arith.subf %parallel_loop3A_516, %parallel_loop3A_519 : vector<16xf32>
        %parallel_loop3A_521 = arith.constant 0 : i32
        %parallel_loop3A_522 = arith.index_cast %parallel_loop3A_521 : i32 to index
        %parallel_loop3A_523 = arith.index_cast %parallel_loop3A_441 : i32 to index
        %parallel_loop3A_524 = arith.constant 80 : index
        %parallel_loop3A_525 = tpu.vector_load %arg9[%parallel_loop3A_522, %parallel_loop3A_523, %parallel_loop3A_524] {strides = array<i32>} : memref<3x128x128xf32, #tpu.memory_space<vmem>>, vector<16xf32>,
        tpu.vector_store %arg9[%parallel_loop3A_522, %parallel_loop3A_523, %parallel_loop3A_524], %parallel_loop3A_520 {strides = array<i32>} : memref<3x128x128xf32, #tpu.memory_space<vmem>>, vector<16xf32>,
        %parallel_loop3A_526 = arith.constant 1 : i32
        %parallel_loop3A_527 = arith.index_cast %parallel_loop3A_526 : i32 to index
        %parallel_loop3A_528 = arith.index_cast %parallel_loop3A_441 : i32 to index
        %parallel_loop3A_529 = arith.constant 96 : index
        %parallel_loop3A_530 = tpu.vector_load %arg8[%parallel_loop3A_527, %parallel_loop3A_528, %parallel_loop3A_529] {strides = array<i32>} : memref<3x128x128xf32, #tpu.memory_space<vmem>>, vector<16xf32>,
        %parallel_loop3A_531 = arith.index_cast %parallel_loop3A_441 : i32 to index
        %parallel_loop3A_532 = arith.constant 96 : index
        %parallel_loop3A_533 = tpu.vector_load %arg7[%parallel_loop3A_531, %parallel_loop3A_532] {strides = array<i32>} : memref<128x128xf32, #tpu.memory_space<vmem>>, vector<16xf32>,
        %parallel_loop3A_534 = arith.subf %parallel_loop3A_530, %parallel_loop3A_533 : vector<16xf32>
        %parallel_loop3A_535 = arith.constant 0 : i32
        %parallel_loop3A_536 = arith.index_cast %parallel_loop3A_535 : i32 to index
        %parallel_loop3A_537 = arith.index_cast %parallel_loop3A_441 : i32 to index
        %parallel_loop3A_538 = arith.constant 96 : index
        %parallel_loop3A_539 = tpu.vector_load %arg9[%parallel_loop3A_536, %parallel_loop3A_537, %parallel_loop3A_538] {strides = array<i32>} : memref<3x128x128xf32, #tpu.memory_space<vmem>>, vector<16xf32>,
        tpu.vector_store %arg9[%parallel_loop3A_536, %parallel_loop3A_537, %parallel_loop3A_538], %parallel_loop3A_534 {strides = array<i32>} : memref<3x128x128xf32, #tpu.memory_space<vmem>>, vector<16xf32>,
        %parallel_loop3A_540 = arith.constant 1 : i32
        %parallel_loop3A_541 = arith.index_cast %parallel_loop3A_540 : i32 to index
        %parallel_loop3A_542 = arith.index_cast %parallel_loop3A_441 : i32 to index
        %parallel_loop3A_543 = arith.constant 112 : index
        %parallel_loop3A_544 = tpu.vector_load %arg8[%parallel_loop3A_541, %parallel_loop3A_542, %parallel_loop3A_543] {strides = array<i32>} : memref<3x128x128xf32, #tpu.memory_space<vmem>>, vector<16xf32>,
        %parallel_loop3A_545 = arith.index_cast %parallel_loop3A_441 : i32 to index
        %parallel_loop3A_546 = arith.constant 112 : index
        %parallel_loop3A_547 = tpu.vector_load %arg7[%parallel_loop3A_545, %parallel_loop3A_546] {strides = array<i32>} : memref<128x128xf32, #tpu.memory_space<vmem>>, vector<16xf32>,
        %parallel_loop3A_548 = arith.subf %parallel_loop3A_544, %parallel_loop3A_547 : vector<16xf32>
        %parallel_loop3A_549 = arith.constant 0 : i32
        %parallel_loop3A_550 = arith.index_cast %parallel_loop3A_549 : i32 to index
        %parallel_loop3A_551 = arith.index_cast %parallel_loop3A_441 : i32 to index
        %parallel_loop3A_552 = arith.constant 112 : index
        %parallel_loop3A_553 = tpu.vector_load %arg9[%parallel_loop3A_550, %parallel_loop3A_551, %parallel_loop3A_552] {strides = array<i32>} : memref<3x128x128xf32, #tpu.memory_space<vmem>>, vector<16xf32>,
        tpu.vector_store %arg9[%parallel_loop3A_550, %parallel_loop3A_551, %parallel_loop3A_552], %parallel_loop3A_548 {strides = array<i32>} : memref<3x128x128xf32, #tpu.memory_space<vmem>>, vector<16xf32>,
      } {sc.loop_unroll_factor = 1 : i64, sc.parallel_access}
      %run_scoped3A_284 = arith.constant 0 : i32
      "tpu.region"() ({
        %run_scoped3A_441 = tpu.sem_alloc : memref<!tpu.dma_semaphore, #tpu.memory_space<semaphore_mem>>
        %dma_start3A_442 = arith.constant 0 : i32
        %dma_start3A_443 = arith.constant 0 : i32
        %dma_start3A_444 = tpu.memref_slice %arg9[%run_scoped3A_284, %dma_start3A_442, %dma_start3A_443] : memref<3x128x128xf32, #tpu.memory_space<vmem>> -> memref<1x128x128xf32, #tpu.memory_space<vmem>>
        %dma_start3A_445 = tpu.memref_squeeze %dma_start3A_444 : memref<1x128x128xf32, #tpu.memory_space<vmem>> -> memref<128x128xf32, #tpu.memory_space<vmem>>
        %dma_start3A_446 = arith.constant 0 : i32
        %dma_start3A_447 = tpu.memref_slice %arg5[%add3A_234, %dma_start3A_446] : memref<32768x128xf32, #tpu.memory_space<hbm>> -> memref<128x128xf32, #tpu.memory_space<hbm>>
        %dma_start3A_448 = arith.constant 0 : i32
        %dma_start3A_449 = tpu.memref_slice %arg5[%add3A_234, %dma_start3A_448] : memref<32768x128xf32, #tpu.memory_space<hbm>> -> memref<128x128xf32, #tpu.memory_space<hbm>>
        %dma_start3A_450 = arith.constant 0 : i32
        %dma_start3A_451 = arith.constant 0 : i32
        %dma_start3A_452 = tpu.memref_slice %arg9[%run_scoped3A_284, %dma_start3A_450, %dma_start3A_451] : memref<3x128x128xf32, #tpu.memory_space<vmem>> -> memref<1x128x128xf32, #tpu.memory_space<vmem>>
        %dma_start3A_453 = tpu.memref_squeeze %dma_start3A_452 : memref<1x128x128xf32, #tpu.memory_space<vmem>> -> memref<128x128xf32, #tpu.memory_space<vmem>>
        tpu.enqueue_dma source(%dma_start3A_453 : memref<128x128xf32, #tpu.memory_space<vmem>>) target(%dma_start3A_449 : memref<128x128xf32, #tpu.memory_space<hbm>>) target_semaphore(%run_scoped3A_441 : memref<!tpu.dma_semaphore, #tpu.memory_space<semaphore_mem>>)
        %dma_wait3A_454 = arith.constant 0 : i32
        %dma_wait3A_455 = arith.constant 0 : i32
        %dma_wait3A_456 = tpu.memref_slice %arg9[%run_scoped3A_284, %dma_wait3A_454, %dma_wait3A_455] : memref<3x128x128xf32, #tpu.memory_space<vmem>> -> memref<1x128x128xf32, #tpu.memory_space<vmem>>
        %dma_wait3A_457 = tpu.memref_squeeze %dma_wait3A_456 : memref<1x128x128xf32, #tpu.memory_space<vmem>> -> memref<128x128xf32, #tpu.memory_space<vmem>>
        %dma_wait3A_458 = arith.constant 0 : i32
        %dma_wait3A_459 = tpu.memref_slice %arg5[%add3A_234, %dma_wait3A_458] : memref<32768x128xf32, #tpu.memory_space<hbm>> -> memref<128x128xf32, #tpu.memory_space<hbm>>
        %dma_wait3A_460 = arith.constant 0 : i32
        %dma_wait3A_461 = tpu.memref_slice %arg5[%add3A_234, %dma_wait3A_460] : memref<32768x128xf32, #tpu.memory_space<hbm>> -> memref<128x128xf32, #tpu.memory_space<hbm>>
        %dma_wait3A_462 = arith.constant 0 : i32
        %dma_wait3A_463 = arith.constant 0 : i32
        %dma_wait3A_464 = tpu.memref_slice %arg9[%run_scoped3A_284, %dma_wait3A_462, %dma_wait3A_463] : memref<3x128x128xf32, #tpu.memory_space<vmem>> -> memref<1x128x128xf32, #tpu.memory_space<vmem>>
        %dma_wait3A_465 = tpu.memref_squeeze %dma_wait3A_464 : memref<1x128x128xf32, #tpu.memory_space<vmem>> -> memref<128x128xf32, #tpu.memory_space<vmem>>
        tpu.wait_dma2 semaphore(%run_scoped3A_441 : memref<!tpu.dma_semaphore, #tpu.memory_space<semaphore_mem>>) src(%dma_wait3A_465 : memref<128x128xf32, #tpu.memory_space<vmem>>) dst(%dma_wait3A_461 : memref<128x128xf32, #tpu.memory_space<hbm>>)
        tpu.yield
      }) : () -> ()
      %add3A_285 = arith.constant 640 : i32
      %add3A_286 = arith.addi %mul3A_2, %add3A_285 : i32
      %dma_start3A_287 = arith.constant 5 : i32
      %dma_start3A_288 = arith.constant 0 : i32
      %dma_start3A_289 = arith.constant 0 : i32
      %dma_start3A_290 = tpu.memref_slice %arg7[%dma_start3A_288, %dma_start3A_289] : memref<128x128xf32, #tpu.memory_space<vmem>> -> memref<128x128xf32, #tpu.memory_space<vmem>>
      %dma_start3A_291 = arith.constant 0 : i32
      %dma_start3A_292 = tpu.memref_slice %arg6[%dma_start3A_287, %dma_start3A_291] : memref<8x128xi32, #tpu.memory_space<vmem>> -> memref<1x128xi32, #tpu.memory_space<vmem>>
      %dma_start3A_293 = tpu.memref_squeeze %dma_start3A_292 : memref<1x128xi32, #tpu.memory_space<vmem>> -> memref<128xi32, #tpu.memory_space<vmem>>
      %dma_start3A_294 = arith.constant 0 : i32
      %dma_start3A_295 = arith.constant 0 : i32
      %dma_start3A_296 = tpu.memref_slice %arg3[%dma_start3A_294, %dma_start3A_295] : memref<2048x128xf32, #tpu.memory_space<hbm>> -> memref<2048x128xf32, #tpu.memory_space<hbm>>
      tpu.enqueue_indirect_dma source(%dma_start3A_296 : memref<2048x128xf32, #tpu.memory_space<hbm>>) target(%dma_start3A_290 : memref<128x128xf32, #tpu.memory_space<vmem>>) offsets(%dma_start3A_293 : memref<128xi32, #tpu.memory_space<vmem>>) semaphore(%arg12 : memref<!tpu.dma_semaphore, #tpu.memory_space<semaphore_mem>>)
      %dma_start3A_297 = arith.constant 2 : i32
      %dma_start3A_298 = arith.constant 0 : i32
      %dma_start3A_299 = arith.constant 0 : i32
      %dma_start3A_300 = tpu.memref_slice %arg8[%dma_start3A_297, %dma_start3A_298, %dma_start3A_299] : memref<3x128x128xf32, #tpu.memory_space<vmem>> -> memref<1x128x128xf32, #tpu.memory_space<vmem>>
      %dma_start3A_301 = tpu.memref_squeeze %dma_start3A_300 : memref<1x128x128xf32, #tpu.memory_space<vmem>> -> memref<128x128xf32, #tpu.memory_space<vmem>>
      %dma_start3A_302 = arith.constant 0 : i32
      %dma_start3A_303 = tpu.memref_slice %arg2[%add3A_286, %dma_start3A_302] : memref<32768x128xf32, #tpu.memory_space<hbm>> -> memref<128x128xf32, #tpu.memory_space<hbm>>
      %dma_start3A_304 = arith.constant 0 : i32
      %dma_start3A_305 = arith.constant 0 : i32
      %dma_start3A_306 = tpu.memref_slice %arg8[%dma_start3A_297, %dma_start3A_304, %dma_start3A_305] : memref<3x128x128xf32, #tpu.memory_space<vmem>> -> memref<1x128x128xf32, #tpu.memory_space<vmem>>
      %dma_start3A_307 = tpu.memref_squeeze %dma_start3A_306 : memref<1x128x128xf32, #tpu.memory_space<vmem>> -> memref<128x128xf32, #tpu.memory_space<vmem>>
      %dma_start3A_308 = arith.constant 0 : i32
      %dma_start3A_309 = tpu.memref_slice %arg2[%add3A_286, %dma_start3A_308] : memref<32768x128xf32, #tpu.memory_space<hbm>> -> memref<128x128xf32, #tpu.memory_space<hbm>>
      tpu.enqueue_dma source(%dma_start3A_309 : memref<128x128xf32, #tpu.memory_space<hbm>>) target(%dma_start3A_307 : memref<128x128xf32, #tpu.memory_space<vmem>>) target_semaphore(%arg11 : memref<!tpu.dma_semaphore, #tpu.memory_space<semaphore_mem>>)
      %dma_wait3A_310 = arith.constant 2 : i32
      %dma_wait3A_311 = arith.constant 0 : i32
      %dma_wait3A_312 = arith.constant 0 : i32
      %dma_wait3A_313 = tpu.memref_slice %arg8[%dma_wait3A_310, %dma_wait3A_311, %dma_wait3A_312] : memref<3x128x128xf32, #tpu.memory_space<vmem>> -> memref<1x128x128xf32, #tpu.memory_space<vmem>>
      %dma_wait3A_314 = tpu.memref_squeeze %dma_wait3A_313 : memref<1x128x128xf32, #tpu.memory_space<vmem>> -> memref<128x128xf32, #tpu.memory_space<vmem>>
      %dma_wait3A_315 = arith.constant 0 : i32
      %dma_wait3A_316 = tpu.memref_slice %arg2[%add3A_286, %dma_wait3A_315] : memref<32768x128xf32, #tpu.memory_space<hbm>> -> memref<128x128xf32, #tpu.memory_space<hbm>>
      %dma_wait3A_317 = arith.constant 0 : i32
      %dma_wait3A_318 = arith.constant 0 : i32
      %dma_wait3A_319 = tpu.memref_slice %arg8[%dma_wait3A_310, %dma_wait3A_317, %dma_wait3A_318] : memref<3x128x128xf32, #tpu.memory_space<vmem>> -> memref<1x128x128xf32, #tpu.memory_space<vmem>>
      %dma_wait3A_320 = tpu.memref_squeeze %dma_wait3A_319 : memref<1x128x128xf32, #tpu.memory_space<vmem>> -> memref<128x128xf32, #tpu.memory_space<vmem>>
      %dma_wait3A_321 = arith.constant 0 : i32
      %dma_wait3A_322 = tpu.memref_slice %arg2[%add3A_286, %dma_wait3A_321] : memref<32768x128xf32, #tpu.memory_space<hbm>> -> memref<128x128xf32, #tpu.memory_space<hbm>>
      tpu.wait_dma2 semaphore(%arg11 : memref<!tpu.dma_semaphore, #tpu.memory_space<semaphore_mem>>) src(%dma_wait3A_322 : memref<128x128xf32, #tpu.memory_space<hbm>>) dst(%dma_wait3A_320 : memref<128x128xf32, #tpu.memory_space<vmem>>)
      %dma_wait3A_323 = arith.constant 5 : i32
      %dma_wait3A_324 = arith.constant 0 : i32
      %dma_wait3A_325 = arith.constant 0 : i32
      %dma_wait3A_326 = tpu.memref_slice %arg7[%dma_wait3A_324, %dma_wait3A_325] : memref<128x128xf32, #tpu.memory_space<vmem>> -> memref<128x128xf32, #tpu.memory_space<vmem>>
      %dma_wait3A_327 = arith.constant 0 : i32
      %dma_wait3A_328 = tpu.memref_slice %arg6[%dma_wait3A_323, %dma_wait3A_327] : memref<8x128xi32, #tpu.memory_space<vmem>> -> memref<1x128xi32, #tpu.memory_space<vmem>>
      %dma_wait3A_329 = tpu.memref_squeeze %dma_wait3A_328 : memref<1x128xi32, #tpu.memory_space<vmem>> -> memref<128xi32, #tpu.memory_space<vmem>>
      %dma_wait3A_330 = arith.constant 0 : i32
      %dma_wait3A_331 = arith.constant 0 : i32
      %dma_wait3A_332 = tpu.memref_slice %arg3[%dma_wait3A_330, %dma_wait3A_331] : memref<2048x128xf32, #tpu.memory_space<hbm>> -> memref<2048x128xf32, #tpu.memory_space<hbm>>
      tpu.wait_indirect_dma semaphore(%arg12 : memref<!tpu.dma_semaphore, #tpu.memory_space<semaphore_mem>>) src(%dma_wait3A_332 : memref<2048x128xf32, #tpu.memory_space<hbm>>) dst(%dma_wait3A_326 : memref<128x128xf32, #tpu.memory_space<vmem>>)
      %parallel_loop3A_333 = arith.constant 0 : i32
      %parallel_loop3A_334 = arith.constant 128 : i32
      %parallel_loop3A_335 = arith.constant 1 : i32
      scf.for %parallel_loop3A_441 = %parallel_loop3A_333 to %parallel_loop3A_334 step %parallel_loop3A_335  : i32 {
        %parallel_loop3A_442 = arith.constant 2 : i32
        %parallel_loop3A_443 = arith.index_cast %parallel_loop3A_442 : i32 to index
        %parallel_loop3A_444 = arith.index_cast %parallel_loop3A_441 : i32 to index
        %parallel_loop3A_445 = arith.constant 0 : index
        %parallel_loop3A_446 = tpu.vector_load %arg8[%parallel_loop3A_443, %parallel_loop3A_444, %parallel_loop3A_445] {strides = array<i32>} : memref<3x128x128xf32, #tpu.memory_space<vmem>>, vector<16xf32>,
        %parallel_loop3A_447 = arith.index_cast %parallel_loop3A_441 : i32 to index
        %parallel_loop3A_448 = arith.constant 0 : index
        %parallel_loop3A_449 = tpu.vector_load %arg7[%parallel_loop3A_447, %parallel_loop3A_448] {strides = array<i32>} : memref<128x128xf32, #tpu.memory_space<vmem>>, vector<16xf32>,
        %parallel_loop3A_450 = arith.subf %parallel_loop3A_446, %parallel_loop3A_449 : vector<16xf32>
        %parallel_loop3A_451 = arith.constant 0 : i32
        %parallel_loop3A_452 = arith.index_cast %parallel_loop3A_451 : i32 to index
        %parallel_loop3A_453 = arith.index_cast %parallel_loop3A_441 : i32 to index
        %parallel_loop3A_454 = arith.constant 0 : index
        %parallel_loop3A_455 = tpu.vector_load %arg9[%parallel_loop3A_452, %parallel_loop3A_453, %parallel_loop3A_454] {strides = array<i32>} : memref<3x128x128xf32, #tpu.memory_space<vmem>>, vector<16xf32>,
        tpu.vector_store %arg9[%parallel_loop3A_452, %parallel_loop3A_453, %parallel_loop3A_454], %parallel_loop3A_450 {strides = array<i32>} : memref<3x128x128xf32, #tpu.memory_space<vmem>>, vector<16xf32>,
        %parallel_loop3A_456 = arith.constant 2 : i32
        %parallel_loop3A_457 = arith.index_cast %parallel_loop3A_456 : i32 to index
        %parallel_loop3A_458 = arith.index_cast %parallel_loop3A_441 : i32 to index
        %parallel_loop3A_459 = arith.constant 16 : index
        %parallel_loop3A_460 = tpu.vector_load %arg8[%parallel_loop3A_457, %parallel_loop3A_458, %parallel_loop3A_459] {strides = array<i32>} : memref<3x128x128xf32, #tpu.memory_space<vmem>>, vector<16xf32>,
        %parallel_loop3A_461 = arith.index_cast %parallel_loop3A_441 : i32 to index
        %parallel_loop3A_462 = arith.constant 16 : index
        %parallel_loop3A_463 = tpu.vector_load %arg7[%parallel_loop3A_461, %parallel_loop3A_462] {strides = array<i32>} : memref<128x128xf32, #tpu.memory_space<vmem>>, vector<16xf32>,
        %parallel_loop3A_464 = arith.subf %parallel_loop3A_460, %parallel_loop3A_463 : vector<16xf32>
        %parallel_loop3A_465 = arith.constant 0 : i32
        %parallel_loop3A_466 = arith.index_cast %parallel_loop3A_465 : i32 to index
        %parallel_loop3A_467 = arith.index_cast %parallel_loop3A_441 : i32 to index
        %parallel_loop3A_468 = arith.constant 16 : index
        %parallel_loop3A_469 = tpu.vector_load %arg9[%parallel_loop3A_466, %parallel_loop3A_467, %parallel_loop3A_468] {strides = array<i32>} : memref<3x128x128xf32, #tpu.memory_space<vmem>>, vector<16xf32>,
        tpu.vector_store %arg9[%parallel_loop3A_466, %parallel_loop3A_467, %parallel_loop3A_468], %parallel_loop3A_464 {strides = array<i32>} : memref<3x128x128xf32, #tpu.memory_space<vmem>>, vector<16xf32>,
        %parallel_loop3A_470 = arith.constant 2 : i32
        %parallel_loop3A_471 = arith.index_cast %parallel_loop3A_470 : i32 to index
        %parallel_loop3A_472 = arith.index_cast %parallel_loop3A_441 : i32 to index
        %parallel_loop3A_473 = arith.constant 32 : index
        %parallel_loop3A_474 = tpu.vector_load %arg8[%parallel_loop3A_471, %parallel_loop3A_472, %parallel_loop3A_473] {strides = array<i32>} : memref<3x128x128xf32, #tpu.memory_space<vmem>>, vector<16xf32>,
        %parallel_loop3A_475 = arith.index_cast %parallel_loop3A_441 : i32 to index
        %parallel_loop3A_476 = arith.constant 32 : index
        %parallel_loop3A_477 = tpu.vector_load %arg7[%parallel_loop3A_475, %parallel_loop3A_476] {strides = array<i32>} : memref<128x128xf32, #tpu.memory_space<vmem>>, vector<16xf32>,
        %parallel_loop3A_478 = arith.subf %parallel_loop3A_474, %parallel_loop3A_477 : vector<16xf32>
        %parallel_loop3A_479 = arith.constant 0 : i32
        %parallel_loop3A_480 = arith.index_cast %parallel_loop3A_479 : i32 to index
        %parallel_loop3A_481 = arith.index_cast %parallel_loop3A_441 : i32 to index
        %parallel_loop3A_482 = arith.constant 32 : index
        %parallel_loop3A_483 = tpu.vector_load %arg9[%parallel_loop3A_480, %parallel_loop3A_481, %parallel_loop3A_482] {strides = array<i32>} : memref<3x128x128xf32, #tpu.memory_space<vmem>>, vector<16xf32>,
        tpu.vector_store %arg9[%parallel_loop3A_480, %parallel_loop3A_481, %parallel_loop3A_482], %parallel_loop3A_478 {strides = array<i32>} : memref<3x128x128xf32, #tpu.memory_space<vmem>>, vector<16xf32>,
        %parallel_loop3A_484 = arith.constant 2 : i32
        %parallel_loop3A_485 = arith.index_cast %parallel_loop3A_484 : i32 to index
        %parallel_loop3A_486 = arith.index_cast %parallel_loop3A_441 : i32 to index
        %parallel_loop3A_487 = arith.constant 48 : index
        %parallel_loop3A_488 = tpu.vector_load %arg8[%parallel_loop3A_485, %parallel_loop3A_486, %parallel_loop3A_487] {strides = array<i32>} : memref<3x128x128xf32, #tpu.memory_space<vmem>>, vector<16xf32>,
        %parallel_loop3A_489 = arith.index_cast %parallel_loop3A_441 : i32 to index
        %parallel_loop3A_490 = arith.constant 48 : index
        %parallel_loop3A_491 = tpu.vector_load %arg7[%parallel_loop3A_489, %parallel_loop3A_490] {strides = array<i32>} : memref<128x128xf32, #tpu.memory_space<vmem>>, vector<16xf32>,
        %parallel_loop3A_492 = arith.subf %parallel_loop3A_488, %parallel_loop3A_491 : vector<16xf32>
        %parallel_loop3A_493 = arith.constant 0 : i32
        %parallel_loop3A_494 = arith.index_cast %parallel_loop3A_493 : i32 to index
        %parallel_loop3A_495 = arith.index_cast %parallel_loop3A_441 : i32 to index
        %parallel_loop3A_496 = arith.constant 48 : index
        %parallel_loop3A_497 = tpu.vector_load %arg9[%parallel_loop3A_494, %parallel_loop3A_495, %parallel_loop3A_496] {strides = array<i32>} : memref<3x128x128xf32, #tpu.memory_space<vmem>>, vector<16xf32>,
        tpu.vector_store %arg9[%parallel_loop3A_494, %parallel_loop3A_495, %parallel_loop3A_496], %parallel_loop3A_492 {strides = array<i32>} : memref<3x128x128xf32, #tpu.memory_space<vmem>>, vector<16xf32>,
        %parallel_loop3A_498 = arith.constant 2 : i32
        %parallel_loop3A_499 = arith.index_cast %parallel_loop3A_498 : i32 to index
        %parallel_loop3A_500 = arith.index_cast %parallel_loop3A_441 : i32 to index
        %parallel_loop3A_501 = arith.constant 64 : index
        %parallel_loop3A_502 = tpu.vector_load %arg8[%parallel_loop3A_499, %parallel_loop3A_500, %parallel_loop3A_501] {strides = array<i32>} : memref<3x128x128xf32, #tpu.memory_space<vmem>>, vector<16xf32>,
        %parallel_loop3A_503 = arith.index_cast %parallel_loop3A_441 : i32 to index
        %parallel_loop3A_504 = arith.constant 64 : index
        %parallel_loop3A_505 = tpu.vector_load %arg7[%parallel_loop3A_503, %parallel_loop3A_504] {strides = array<i32>} : memref<128x128xf32, #tpu.memory_space<vmem>>, vector<16xf32>,
        %parallel_loop3A_506 = arith.subf %parallel_loop3A_502, %parallel_loop3A_505 : vector<16xf32>
        %parallel_loop3A_507 = arith.constant 0 : i32
        %parallel_loop3A_508 = arith.index_cast %parallel_loop3A_507 : i32 to index
        %parallel_loop3A_509 = arith.index_cast %parallel_loop3A_441 : i32 to index
        %parallel_loop3A_510 = arith.constant 64 : index
        %parallel_loop3A_511 = tpu.vector_load %arg9[%parallel_loop3A_508, %parallel_loop3A_509, %parallel_loop3A_510] {strides = array<i32>} : memref<3x128x128xf32, #tpu.memory_space<vmem>>, vector<16xf32>,
        tpu.vector_store %arg9[%parallel_loop3A_508, %parallel_loop3A_509, %parallel_loop3A_510], %parallel_loop3A_506 {strides = array<i32>} : memref<3x128x128xf32, #tpu.memory_space<vmem>>, vector<16xf32>,
        %parallel_loop3A_512 = arith.constant 2 : i32
        %parallel_loop3A_513 = arith.index_cast %parallel_loop3A_512 : i32 to index
        %parallel_loop3A_514 = arith.index_cast %parallel_loop3A_441 : i32 to index
        %parallel_loop3A_515 = arith.constant 80 : index
        %parallel_loop3A_516 = tpu.vector_load %arg8[%parallel_loop3A_513, %parallel_loop3A_514, %parallel_loop3A_515] {strides = array<i32>} : memref<3x128x128xf32, #tpu.memory_space<vmem>>, vector<16xf32>,
        %parallel_loop3A_517 = arith.index_cast %parallel_loop3A_441 : i32 to index
        %parallel_loop3A_518 = arith.constant 80 : index
        %parallel_loop3A_519 = tpu.vector_load %arg7[%parallel_loop3A_517, %parallel_loop3A_518] {strides = array<i32>} : memref<128x128xf32, #tpu.memory_space<vmem>>, vector<16xf32>,
        %parallel_loop3A_520 = arith.subf %parallel_loop3A_516, %parallel_loop3A_519 : vector<16xf32>
        %parallel_loop3A_521 = arith.constant 0 : i32
        %parallel_loop3A_522 = arith.index_cast %parallel_loop3A_521 : i32 to index
        %parallel_loop3A_523 = arith.index_cast %parallel_loop3A_441 : i32 to index
        %parallel_loop3A_524 = arith.constant 80 : index
        %parallel_loop3A_525 = tpu.vector_load %arg9[%parallel_loop3A_522, %parallel_loop3A_523, %parallel_loop3A_524] {strides = array<i32>} : memref<3x128x128xf32, #tpu.memory_space<vmem>>, vector<16xf32>,
        tpu.vector_store %arg9[%parallel_loop3A_522, %parallel_loop3A_523, %parallel_loop3A_524], %parallel_loop3A_520 {strides = array<i32>} : memref<3x128x128xf32, #tpu.memory_space<vmem>>, vector<16xf32>,
        %parallel_loop3A_526 = arith.constant 2 : i32
        %parallel_loop3A_527 = arith.index_cast %parallel_loop3A_526 : i32 to index
        %parallel_loop3A_528 = arith.index_cast %parallel_loop3A_441 : i32 to index
        %parallel_loop3A_529 = arith.constant 96 : index
        %parallel_loop3A_530 = tpu.vector_load %arg8[%parallel_loop3A_527, %parallel_loop3A_528, %parallel_loop3A_529] {strides = array<i32>} : memref<3x128x128xf32, #tpu.memory_space<vmem>>, vector<16xf32>,
        %parallel_loop3A_531 = arith.index_cast %parallel_loop3A_441 : i32 to index
        %parallel_loop3A_532 = arith.constant 96 : index
        %parallel_loop3A_533 = tpu.vector_load %arg7[%parallel_loop3A_531, %parallel_loop3A_532] {strides = array<i32>} : memref<128x128xf32, #tpu.memory_space<vmem>>, vector<16xf32>,
        %parallel_loop3A_534 = arith.subf %parallel_loop3A_530, %parallel_loop3A_533 : vector<16xf32>
        %parallel_loop3A_535 = arith.constant 0 : i32
        %parallel_loop3A_536 = arith.index_cast %parallel_loop3A_535 : i32 to index
        %parallel_loop3A_537 = arith.index_cast %parallel_loop3A_441 : i32 to index
        %parallel_loop3A_538 = arith.constant 96 : index
        %parallel_loop3A_539 = tpu.vector_load %arg9[%parallel_loop3A_536, %parallel_loop3A_537, %parallel_loop3A_538] {strides = array<i32>} : memref<3x128x128xf32, #tpu.memory_space<vmem>>, vector<16xf32>,
        tpu.vector_store %arg9[%parallel_loop3A_536, %parallel_loop3A_537, %parallel_loop3A_538], %parallel_loop3A_534 {strides = array<i32>} : memref<3x128x128xf32, #tpu.memory_space<vmem>>, vector<16xf32>,
        %parallel_loop3A_540 = arith.constant 2 : i32
        %parallel_loop3A_541 = arith.index_cast %parallel_loop3A_540 : i32 to index
        %parallel_loop3A_542 = arith.index_cast %parallel_loop3A_441 : i32 to index
        %parallel_loop3A_543 = arith.constant 112 : index
        %parallel_loop3A_544 = tpu.vector_load %arg8[%parallel_loop3A_541, %parallel_loop3A_542, %parallel_loop3A_543] {strides = array<i32>} : memref<3x128x128xf32, #tpu.memory_space<vmem>>, vector<16xf32>,
        %parallel_loop3A_545 = arith.index_cast %parallel_loop3A_441 : i32 to index
        %parallel_loop3A_546 = arith.constant 112 : index
        %parallel_loop3A_547 = tpu.vector_load %arg7[%parallel_loop3A_545, %parallel_loop3A_546] {strides = array<i32>} : memref<128x128xf32, #tpu.memory_space<vmem>>, vector<16xf32>,
        %parallel_loop3A_548 = arith.subf %parallel_loop3A_544, %parallel_loop3A_547 : vector<16xf32>
        %parallel_loop3A_549 = arith.constant 0 : i32
        %parallel_loop3A_550 = arith.index_cast %parallel_loop3A_549 : i32 to index
        %parallel_loop3A_551 = arith.index_cast %parallel_loop3A_441 : i32 to index
        %parallel_loop3A_552 = arith.constant 112 : index
        %parallel_loop3A_553 = tpu.vector_load %arg9[%parallel_loop3A_550, %parallel_loop3A_551, %parallel_loop3A_552] {strides = array<i32>} : memref<3x128x128xf32, #tpu.memory_space<vmem>>, vector<16xf32>,
        tpu.vector_store %arg9[%parallel_loop3A_550, %parallel_loop3A_551, %parallel_loop3A_552], %parallel_loop3A_548 {strides = array<i32>} : memref<3x128x128xf32, #tpu.memory_space<vmem>>, vector<16xf32>,
      } {sc.loop_unroll_factor = 1 : i64, sc.parallel_access}
      %run_scoped3A_336 = arith.constant 0 : i32
      "tpu.region"() ({
        %run_scoped3A_441 = tpu.sem_alloc : memref<!tpu.dma_semaphore, #tpu.memory_space<semaphore_mem>>
        %dma_start3A_442 = arith.constant 0 : i32
        %dma_start3A_443 = arith.constant 0 : i32
        %dma_start3A_444 = tpu.memref_slice %arg9[%run_scoped3A_336, %dma_start3A_442, %dma_start3A_443] : memref<3x128x128xf32, #tpu.memory_space<vmem>> -> memref<1x128x128xf32, #tpu.memory_space<vmem>>
        %dma_start3A_445 = tpu.memref_squeeze %dma_start3A_444 : memref<1x128x128xf32, #tpu.memory_space<vmem>> -> memref<128x128xf32, #tpu.memory_space<vmem>>
        %dma_start3A_446 = arith.constant 0 : i32
        %dma_start3A_447 = tpu.memref_slice %arg5[%add3A_286, %dma_start3A_446] : memref<32768x128xf32, #tpu.memory_space<hbm>> -> memref<128x128xf32, #tpu.memory_space<hbm>>
        %dma_start3A_448 = arith.constant 0 : i32
        %dma_start3A_449 = tpu.memref_slice %arg5[%add3A_286, %dma_start3A_448] : memref<32768x128xf32, #tpu.memory_space<hbm>> -> memref<128x128xf32, #tpu.memory_space<hbm>>
        %dma_start3A_450 = arith.constant 0 : i32
        %dma_start3A_451 = arith.constant 0 : i32
        %dma_start3A_452 = tpu.memref_slice %arg9[%run_scoped3A_336, %dma_start3A_450, %dma_start3A_451] : memref<3x128x128xf32, #tpu.memory_space<vmem>> -> memref<1x128x128xf32, #tpu.memory_space<vmem>>
        %dma_start3A_453 = tpu.memref_squeeze %dma_start3A_452 : memref<1x128x128xf32, #tpu.memory_space<vmem>> -> memref<128x128xf32, #tpu.memory_space<vmem>>
        tpu.enqueue_dma source(%dma_start3A_453 : memref<128x128xf32, #tpu.memory_space<vmem>>) target(%dma_start3A_449 : memref<128x128xf32, #tpu.memory_space<hbm>>) target_semaphore(%run_scoped3A_441 : memref<!tpu.dma_semaphore, #tpu.memory_space<semaphore_mem>>)
        %dma_wait3A_454 = arith.constant 0 : i32
        %dma_wait3A_455 = arith.constant 0 : i32
        %dma_wait3A_456 = tpu.memref_slice %arg9[%run_scoped3A_336, %dma_wait3A_454, %dma_wait3A_455] : memref<3x128x128xf32, #tpu.memory_space<vmem>> -> memref<1x128x128xf32, #tpu.memory_space<vmem>>
        %dma_wait3A_457 = tpu.memref_squeeze %dma_wait3A_456 : memref<1x128x128xf32, #tpu.memory_space<vmem>> -> memref<128x128xf32, #tpu.memory_space<vmem>>
        %dma_wait3A_458 = arith.constant 0 : i32
        %dma_wait3A_459 = tpu.memref_slice %arg5[%add3A_286, %dma_wait3A_458] : memref<32768x128xf32, #tpu.memory_space<hbm>> -> memref<128x128xf32, #tpu.memory_space<hbm>>
        %dma_wait3A_460 = arith.constant 0 : i32
        %dma_wait3A_461 = tpu.memref_slice %arg5[%add3A_286, %dma_wait3A_460] : memref<32768x128xf32, #tpu.memory_space<hbm>> -> memref<128x128xf32, #tpu.memory_space<hbm>>
        %dma_wait3A_462 = arith.constant 0 : i32
        %dma_wait3A_463 = arith.constant 0 : i32
        %dma_wait3A_464 = tpu.memref_slice %arg9[%run_scoped3A_336, %dma_wait3A_462, %dma_wait3A_463] : memref<3x128x128xf32, #tpu.memory_space<vmem>> -> memref<1x128x128xf32, #tpu.memory_space<vmem>>
        %dma_wait3A_465 = tpu.memref_squeeze %dma_wait3A_464 : memref<1x128x128xf32, #tpu.memory_space<vmem>> -> memref<128x128xf32, #tpu.memory_space<vmem>>
        tpu.wait_dma2 semaphore(%run_scoped3A_441 : memref<!tpu.dma_semaphore, #tpu.memory_space<semaphore_mem>>) src(%dma_wait3A_465 : memref<128x128xf32, #tpu.memory_space<vmem>>) dst(%dma_wait3A_461 : memref<128x128xf32, #tpu.memory_space<hbm>>)
        tpu.yield
      }) : () -> ()
      %add3A_337 = arith.constant 768 : i32
      %add3A_338 = arith.addi %mul3A_2, %add3A_337 : i32
      %dma_start3A_339 = arith.constant 6 : i32
      %dma_start3A_340 = arith.constant 0 : i32
      %dma_start3A_341 = arith.constant 0 : i32
      %dma_start3A_342 = tpu.memref_slice %arg7[%dma_start3A_340, %dma_start3A_341] : memref<128x128xf32, #tpu.memory_space<vmem>> -> memref<128x128xf32, #tpu.memory_space<vmem>>
      %dma_start3A_343 = arith.constant 0 : i32
      %dma_start3A_344 = tpu.memref_slice %arg6[%dma_start3A_339, %dma_start3A_343] : memref<8x128xi32, #tpu.memory_space<vmem>> -> memref<1x128xi32, #tpu.memory_space<vmem>>
      %dma_start3A_345 = tpu.memref_squeeze %dma_start3A_344 : memref<1x128xi32, #tpu.memory_space<vmem>> -> memref<128xi32, #tpu.memory_space<vmem>>
      %dma_start3A_346 = arith.constant 0 : i32
      %dma_start3A_347 = arith.constant 0 : i32
      %dma_start3A_348 = tpu.memref_slice %arg3[%dma_start3A_346, %dma_start3A_347] : memref<2048x128xf32, #tpu.memory_space<hbm>> -> memref<2048x128xf32, #tpu.memory_space<hbm>>
      tpu.enqueue_indirect_dma source(%dma_start3A_348 : memref<2048x128xf32, #tpu.memory_space<hbm>>) target(%dma_start3A_342 : memref<128x128xf32, #tpu.memory_space<vmem>>) offsets(%dma_start3A_345 : memref<128xi32, #tpu.memory_space<vmem>>) semaphore(%arg12 : memref<!tpu.dma_semaphore, #tpu.memory_space<semaphore_mem>>)
      %dma_start3A_349 = arith.constant 0 : i32
      %dma_start3A_350 = arith.constant 0 : i32
      %dma_start3A_351 = arith.constant 0 : i32
      %dma_start3A_352 = tpu.memref_slice %arg8[%dma_start3A_349, %dma_start3A_350, %dma_start3A_351] : memref<3x128x128xf32, #tpu.memory_space<vmem>> -> memref<1x128x128xf32, #tpu.memory_space<vmem>>
      %dma_start3A_353 = tpu.memref_squeeze %dma_start3A_352 : memref<1x128x128xf32, #tpu.memory_space<vmem>> -> memref<128x128xf32, #tpu.memory_space<vmem>>
      %dma_start3A_354 = arith.constant 0 : i32
      %dma_start3A_355 = tpu.memref_slice %arg2[%add3A_338, %dma_start3A_354] : memref<32768x128xf32, #tpu.memory_space<hbm>> -> memref<128x128xf32, #tpu.memory_space<hbm>>
      %dma_start3A_356 = arith.constant 0 : i32
      %dma_start3A_357 = arith.constant 0 : i32
      %dma_start3A_358 = tpu.memref_slice %arg8[%dma_start3A_349, %dma_start3A_356, %dma_start3A_357] : memref<3x128x128xf32, #tpu.memory_space<vmem>> -> memref<1x128x128xf32, #tpu.memory_space<vmem>>
      %dma_start3A_359 = tpu.memref_squeeze %dma_start3A_358 : memref<1x128x128xf32, #tpu.memory_space<vmem>> -> memref<128x128xf32, #tpu.memory_space<vmem>>
      %dma_start3A_360 = arith.constant 0 : i32
      %dma_start3A_361 = tpu.memref_slice %arg2[%add3A_338, %dma_start3A_360] : memref<32768x128xf32, #tpu.memory_space<hbm>> -> memref<128x128xf32, #tpu.memory_space<hbm>>
      tpu.enqueue_dma source(%dma_start3A_361 : memref<128x128xf32, #tpu.memory_space<hbm>>) target(%dma_start3A_359 : memref<128x128xf32, #tpu.memory_space<vmem>>) target_semaphore(%arg11 : memref<!tpu.dma_semaphore, #tpu.memory_space<semaphore_mem>>)
      %dma_wait3A_362 = arith.constant 0 : i32
      %dma_wait3A_363 = arith.constant 0 : i32
      %dma_wait3A_364 = arith.constant 0 : i32
      %dma_wait3A_365 = tpu.memref_slice %arg8[%dma_wait3A_362, %dma_wait3A_363, %dma_wait3A_364] : memref<3x128x128xf32, #tpu.memory_space<vmem>> -> memref<1x128x128xf32, #tpu.memory_space<vmem>>
      %dma_wait3A_366 = tpu.memref_squeeze %dma_wait3A_365 : memref<1x128x128xf32, #tpu.memory_space<vmem>> -> memref<128x128xf32, #tpu.memory_space<vmem>>
      %dma_wait3A_367 = arith.constant 0 : i32
      %dma_wait3A_368 = tpu.memref_slice %arg2[%add3A_338, %dma_wait3A_367] : memref<32768x128xf32, #tpu.memory_space<hbm>> -> memref<128x128xf32, #tpu.memory_space<hbm>>
      %dma_wait3A_369 = arith.constant 0 : i32
      %dma_wait3A_370 = arith.constant 0 : i32
      %dma_wait3A_371 = tpu.memref_slice %arg8[%dma_wait3A_362, %dma_wait3A_369, %dma_wait3A_370] : memref<3x128x128xf32, #tpu.memory_space<vmem>> -> memref<1x128x128xf32, #tpu.memory_space<vmem>>
      %dma_wait3A_372 = tpu.memref_squeeze %dma_wait3A_371 : memref<1x128x128xf32, #tpu.memory_space<vmem>> -> memref<128x128xf32, #tpu.memory_space<vmem>>
      %dma_wait3A_373 = arith.constant 0 : i32
      %dma_wait3A_374 = tpu.memref_slice %arg2[%add3A_338, %dma_wait3A_373] : memref<32768x128xf32, #tpu.memory_space<hbm>> -> memref<128x128xf32, #tpu.memory_space<hbm>>
      tpu.wait_dma2 semaphore(%arg11 : memref<!tpu.dma_semaphore, #tpu.memory_space<semaphore_mem>>) src(%dma_wait3A_374 : memref<128x128xf32, #tpu.memory_space<hbm>>) dst(%dma_wait3A_372 : memref<128x128xf32, #tpu.memory_space<vmem>>)
      %dma_wait3A_375 = arith.constant 6 : i32
      %dma_wait3A_376 = arith.constant 0 : i32
      %dma_wait3A_377 = arith.constant 0 : i32
      %dma_wait3A_378 = tpu.memref_slice %arg7[%dma_wait3A_376, %dma_wait3A_377] : memref<128x128xf32, #tpu.memory_space<vmem>> -> memref<128x128xf32, #tpu.memory_space<vmem>>
      %dma_wait3A_379 = arith.constant 0 : i32
      %dma_wait3A_380 = tpu.memref_slice %arg6[%dma_wait3A_375, %dma_wait3A_379] : memref<8x128xi32, #tpu.memory_space<vmem>> -> memref<1x128xi32, #tpu.memory_space<vmem>>
      %dma_wait3A_381 = tpu.memref_squeeze %dma_wait3A_380 : memref<1x128xi32, #tpu.memory_space<vmem>> -> memref<128xi32, #tpu.memory_space<vmem>>
      %dma_wait3A_382 = arith.constant 0 : i32
      %dma_wait3A_383 = arith.constant 0 : i32
      %dma_wait3A_384 = tpu.memref_slice %arg3[%dma_wait3A_382, %dma_wait3A_383] : memref<2048x128xf32, #tpu.memory_space<hbm>> -> memref<2048x128xf32, #tpu.memory_space<hbm>>
      tpu.wait_indirect_dma semaphore(%arg12 : memref<!tpu.dma_semaphore, #tpu.memory_space<semaphore_mem>>) src(%dma_wait3A_384 : memref<2048x128xf32, #tpu.memory_space<hbm>>) dst(%dma_wait3A_378 : memref<128x128xf32, #tpu.memory_space<vmem>>)
      %parallel_loop3A_385 = arith.constant 0 : i32
      %parallel_loop3A_386 = arith.constant 128 : i32
      %parallel_loop3A_387 = arith.constant 1 : i32
      scf.for %parallel_loop3A_441 = %parallel_loop3A_385 to %parallel_loop3A_386 step %parallel_loop3A_387  : i32 {
        %parallel_loop3A_442 = arith.constant 0 : i32
        %parallel_loop3A_443 = arith.index_cast %parallel_loop3A_442 : i32 to index
        %parallel_loop3A_444 = arith.index_cast %parallel_loop3A_441 : i32 to index
        %parallel_loop3A_445 = arith.constant 0 : index
        %parallel_loop3A_446 = tpu.vector_load %arg8[%parallel_loop3A_443, %parallel_loop3A_444, %parallel_loop3A_445] {strides = array<i32>} : memref<3x128x128xf32, #tpu.memory_space<vmem>>, vector<16xf32>,
        %parallel_loop3A_447 = arith.index_cast %parallel_loop3A_441 : i32 to index
        %parallel_loop3A_448 = arith.constant 0 : index
        %parallel_loop3A_449 = tpu.vector_load %arg7[%parallel_loop3A_447, %parallel_loop3A_448] {strides = array<i32>} : memref<128x128xf32, #tpu.memory_space<vmem>>, vector<16xf32>,
        %parallel_loop3A_450 = arith.subf %parallel_loop3A_446, %parallel_loop3A_449 : vector<16xf32>
        %parallel_loop3A_451 = arith.constant 0 : i32
        %parallel_loop3A_452 = arith.index_cast %parallel_loop3A_451 : i32 to index
        %parallel_loop3A_453 = arith.index_cast %parallel_loop3A_441 : i32 to index
        %parallel_loop3A_454 = arith.constant 0 : index
        %parallel_loop3A_455 = tpu.vector_load %arg9[%parallel_loop3A_452, %parallel_loop3A_453, %parallel_loop3A_454] {strides = array<i32>} : memref<3x128x128xf32, #tpu.memory_space<vmem>>, vector<16xf32>,
        tpu.vector_store %arg9[%parallel_loop3A_452, %parallel_loop3A_453, %parallel_loop3A_454], %parallel_loop3A_450 {strides = array<i32>} : memref<3x128x128xf32, #tpu.memory_space<vmem>>, vector<16xf32>,
        %parallel_loop3A_456 = arith.constant 0 : i32
        %parallel_loop3A_457 = arith.index_cast %parallel_loop3A_456 : i32 to index
        %parallel_loop3A_458 = arith.index_cast %parallel_loop3A_441 : i32 to index
        %parallel_loop3A_459 = arith.constant 16 : index
        %parallel_loop3A_460 = tpu.vector_load %arg8[%parallel_loop3A_457, %parallel_loop3A_458, %parallel_loop3A_459] {strides = array<i32>} : memref<3x128x128xf32, #tpu.memory_space<vmem>>, vector<16xf32>,
        %parallel_loop3A_461 = arith.index_cast %parallel_loop3A_441 : i32 to index
        %parallel_loop3A_462 = arith.constant 16 : index
        %parallel_loop3A_463 = tpu.vector_load %arg7[%parallel_loop3A_461, %parallel_loop3A_462] {strides = array<i32>} : memref<128x128xf32, #tpu.memory_space<vmem>>, vector<16xf32>,
        %parallel_loop3A_464 = arith.subf %parallel_loop3A_460, %parallel_loop3A_463 : vector<16xf32>
        %parallel_loop3A_465 = arith.constant 0 : i32
        %parallel_loop3A_466 = arith.index_cast %parallel_loop3A_465 : i32 to index
        %parallel_loop3A_467 = arith.index_cast %parallel_loop3A_441 : i32 to index
        %parallel_loop3A_468 = arith.constant 16 : index
        %parallel_loop3A_469 = tpu.vector_load %arg9[%parallel_loop3A_466, %parallel_loop3A_467, %parallel_loop3A_468] {strides = array<i32>} : memref<3x128x128xf32, #tpu.memory_space<vmem>>, vector<16xf32>,
        tpu.vector_store %arg9[%parallel_loop3A_466, %parallel_loop3A_467, %parallel_loop3A_468], %parallel_loop3A_464 {strides = array<i32>} : memref<3x128x128xf32, #tpu.memory_space<vmem>>, vector<16xf32>,
        %parallel_loop3A_470 = arith.constant 0 : i32
        %parallel_loop3A_471 = arith.index_cast %parallel_loop3A_470 : i32 to index
        %parallel_loop3A_472 = arith.index_cast %parallel_loop3A_441 : i32 to index
        %parallel_loop3A_473 = arith.constant 32 : index
        %parallel_loop3A_474 = tpu.vector_load %arg8[%parallel_loop3A_471, %parallel_loop3A_472, %parallel_loop3A_473] {strides = array<i32>} : memref<3x128x128xf32, #tpu.memory_space<vmem>>, vector<16xf32>,
        %parallel_loop3A_475 = arith.index_cast %parallel_loop3A_441 : i32 to index
        %parallel_loop3A_476 = arith.constant 32 : index
        %parallel_loop3A_477 = tpu.vector_load %arg7[%parallel_loop3A_475, %parallel_loop3A_476] {strides = array<i32>} : memref<128x128xf32, #tpu.memory_space<vmem>>, vector<16xf32>,
        %parallel_loop3A_478 = arith.subf %parallel_loop3A_474, %parallel_loop3A_477 : vector<16xf32>
        %parallel_loop3A_479 = arith.constant 0 : i32
        %parallel_loop3A_480 = arith.index_cast %parallel_loop3A_479 : i32 to index
        %parallel_loop3A_481 = arith.index_cast %parallel_loop3A_441 : i32 to index
        %parallel_loop3A_482 = arith.constant 32 : index
        %parallel_loop3A_483 = tpu.vector_load %arg9[%parallel_loop3A_480, %parallel_loop3A_481, %parallel_loop3A_482] {strides = array<i32>} : memref<3x128x128xf32, #tpu.memory_space<vmem>>, vector<16xf32>,
        tpu.vector_store %arg9[%parallel_loop3A_480, %parallel_loop3A_481, %parallel_loop3A_482], %parallel_loop3A_478 {strides = array<i32>} : memref<3x128x128xf32, #tpu.memory_space<vmem>>, vector<16xf32>,
        %parallel_loop3A_484 = arith.constant 0 : i32
        %parallel_loop3A_485 = arith.index_cast %parallel_loop3A_484 : i32 to index
        %parallel_loop3A_486 = arith.index_cast %parallel_loop3A_441 : i32 to index
        %parallel_loop3A_487 = arith.constant 48 : index
        %parallel_loop3A_488 = tpu.vector_load %arg8[%parallel_loop3A_485, %parallel_loop3A_486, %parallel_loop3A_487] {strides = array<i32>} : memref<3x128x128xf32, #tpu.memory_space<vmem>>, vector<16xf32>,
        %parallel_loop3A_489 = arith.index_cast %parallel_loop3A_441 : i32 to index
        %parallel_loop3A_490 = arith.constant 48 : index
        %parallel_loop3A_491 = tpu.vector_load %arg7[%parallel_loop3A_489, %parallel_loop3A_490] {strides = array<i32>} : memref<128x128xf32, #tpu.memory_space<vmem>>, vector<16xf32>,
        %parallel_loop3A_492 = arith.subf %parallel_loop3A_488, %parallel_loop3A_491 : vector<16xf32>
        %parallel_loop3A_493 = arith.constant 0 : i32
        %parallel_loop3A_494 = arith.index_cast %parallel_loop3A_493 : i32 to index
        %parallel_loop3A_495 = arith.index_cast %parallel_loop3A_441 : i32 to index
        %parallel_loop3A_496 = arith.constant 48 : index
        %parallel_loop3A_497 = tpu.vector_load %arg9[%parallel_loop3A_494, %parallel_loop3A_495, %parallel_loop3A_496] {strides = array<i32>} : memref<3x128x128xf32, #tpu.memory_space<vmem>>, vector<16xf32>,
        tpu.vector_store %arg9[%parallel_loop3A_494, %parallel_loop3A_495, %parallel_loop3A_496], %parallel_loop3A_492 {strides = array<i32>} : memref<3x128x128xf32, #tpu.memory_space<vmem>>, vector<16xf32>,
        %parallel_loop3A_498 = arith.constant 0 : i32
        %parallel_loop3A_499 = arith.index_cast %parallel_loop3A_498 : i32 to index
        %parallel_loop3A_500 = arith.index_cast %parallel_loop3A_441 : i32 to index
        %parallel_loop3A_501 = arith.constant 64 : index
        %parallel_loop3A_502 = tpu.vector_load %arg8[%parallel_loop3A_499, %parallel_loop3A_500, %parallel_loop3A_501] {strides = array<i32>} : memref<3x128x128xf32, #tpu.memory_space<vmem>>, vector<16xf32>,
        %parallel_loop3A_503 = arith.index_cast %parallel_loop3A_441 : i32 to index
        %parallel_loop3A_504 = arith.constant 64 : index
        %parallel_loop3A_505 = tpu.vector_load %arg7[%parallel_loop3A_503, %parallel_loop3A_504] {strides = array<i32>} : memref<128x128xf32, #tpu.memory_space<vmem>>, vector<16xf32>,
        %parallel_loop3A_506 = arith.subf %parallel_loop3A_502, %parallel_loop3A_505 : vector<16xf32>
        %parallel_loop3A_507 = arith.constant 0 : i32
        %parallel_loop3A_508 = arith.index_cast %parallel_loop3A_507 : i32 to index
        %parallel_loop3A_509 = arith.index_cast %parallel_loop3A_441 : i32 to index
        %parallel_loop3A_510 = arith.constant 64 : index
        %parallel_loop3A_511 = tpu.vector_load %arg9[%parallel_loop3A_508, %parallel_loop3A_509, %parallel_loop3A_510] {strides = array<i32>} : memref<3x128x128xf32, #tpu.memory_space<vmem>>, vector<16xf32>,
        tpu.vector_store %arg9[%parallel_loop3A_508, %parallel_loop3A_509, %parallel_loop3A_510], %parallel_loop3A_506 {strides = array<i32>} : memref<3x128x128xf32, #tpu.memory_space<vmem>>, vector<16xf32>,
        %parallel_loop3A_512 = arith.constant 0 : i32
        %parallel_loop3A_513 = arith.index_cast %parallel_loop3A_512 : i32 to index
        %parallel_loop3A_514 = arith.index_cast %parallel_loop3A_441 : i32 to index
        %parallel_loop3A_515 = arith.constant 80 : index
        %parallel_loop3A_516 = tpu.vector_load %arg8[%parallel_loop3A_513, %parallel_loop3A_514, %parallel_loop3A_515] {strides = array<i32>} : memref<3x128x128xf32, #tpu.memory_space<vmem>>, vector<16xf32>,
        %parallel_loop3A_517 = arith.index_cast %parallel_loop3A_441 : i32 to index
        %parallel_loop3A_518 = arith.constant 80 : index
        %parallel_loop3A_519 = tpu.vector_load %arg7[%parallel_loop3A_517, %parallel_loop3A_518] {strides = array<i32>} : memref<128x128xf32, #tpu.memory_space<vmem>>, vector<16xf32>,
        %parallel_loop3A_520 = arith.subf %parallel_loop3A_516, %parallel_loop3A_519 : vector<16xf32>
        %parallel_loop3A_521 = arith.constant 0 : i32
        %parallel_loop3A_522 = arith.index_cast %parallel_loop3A_521 : i32 to index
        %parallel_loop3A_523 = arith.index_cast %parallel_loop3A_441 : i32 to index
        %parallel_loop3A_524 = arith.constant 80 : index
        %parallel_loop3A_525 = tpu.vector_load %arg9[%parallel_loop3A_522, %parallel_loop3A_523, %parallel_loop3A_524] {strides = array<i32>} : memref<3x128x128xf32, #tpu.memory_space<vmem>>, vector<16xf32>,
        tpu.vector_store %arg9[%parallel_loop3A_522, %parallel_loop3A_523, %parallel_loop3A_524], %parallel_loop3A_520 {strides = array<i32>} : memref<3x128x128xf32, #tpu.memory_space<vmem>>, vector<16xf32>,
        %parallel_loop3A_526 = arith.constant 0 : i32
        %parallel_loop3A_527 = arith.index_cast %parallel_loop3A_526 : i32 to index
        %parallel_loop3A_528 = arith.index_cast %parallel_loop3A_441 : i32 to index
        %parallel_loop3A_529 = arith.constant 96 : index
        %parallel_loop3A_530 = tpu.vector_load %arg8[%parallel_loop3A_527, %parallel_loop3A_528, %parallel_loop3A_529] {strides = array<i32>} : memref<3x128x128xf32, #tpu.memory_space<vmem>>, vector<16xf32>,
        %parallel_loop3A_531 = arith.index_cast %parallel_loop3A_441 : i32 to index
        %parallel_loop3A_532 = arith.constant 96 : index
        %parallel_loop3A_533 = tpu.vector_load %arg7[%parallel_loop3A_531, %parallel_loop3A_532] {strides = array<i32>} : memref<128x128xf32, #tpu.memory_space<vmem>>, vector<16xf32>,
        %parallel_loop3A_534 = arith.subf %parallel_loop3A_530, %parallel_loop3A_533 : vector<16xf32>
        %parallel_loop3A_535 = arith.constant 0 : i32
        %parallel_loop3A_536 = arith.index_cast %parallel_loop3A_535 : i32 to index
        %parallel_loop3A_537 = arith.index_cast %parallel_loop3A_441 : i32 to index
        %parallel_loop3A_538 = arith.constant 96 : index
        %parallel_loop3A_539 = tpu.vector_load %arg9[%parallel_loop3A_536, %parallel_loop3A_537, %parallel_loop3A_538] {strides = array<i32>} : memref<3x128x128xf32, #tpu.memory_space<vmem>>, vector<16xf32>,
        tpu.vector_store %arg9[%parallel_loop3A_536, %parallel_loop3A_537, %parallel_loop3A_538], %parallel_loop3A_534 {strides = array<i32>} : memref<3x128x128xf32, #tpu.memory_space<vmem>>, vector<16xf32>,
        %parallel_loop3A_540 = arith.constant 0 : i32
        %parallel_loop3A_541 = arith.index_cast %parallel_loop3A_540 : i32 to index
        %parallel_loop3A_542 = arith.index_cast %parallel_loop3A_441 : i32 to index
        %parallel_loop3A_543 = arith.constant 112 : index
        %parallel_loop3A_544 = tpu.vector_load %arg8[%parallel_loop3A_541, %parallel_loop3A_542, %parallel_loop3A_543] {strides = array<i32>} : memref<3x128x128xf32, #tpu.memory_space<vmem>>, vector<16xf32>,
        %parallel_loop3A_545 = arith.index_cast %parallel_loop3A_441 : i32 to index
        %parallel_loop3A_546 = arith.constant 112 : index
        %parallel_loop3A_547 = tpu.vector_load %arg7[%parallel_loop3A_545, %parallel_loop3A_546] {strides = array<i32>} : memref<128x128xf32, #tpu.memory_space<vmem>>, vector<16xf32>,
        %parallel_loop3A_548 = arith.subf %parallel_loop3A_544, %parallel_loop3A_547 : vector<16xf32>
        %parallel_loop3A_549 = arith.constant 0 : i32
        %parallel_loop3A_550 = arith.index_cast %parallel_loop3A_549 : i32 to index
        %parallel_loop3A_551 = arith.index_cast %parallel_loop3A_441 : i32 to index
        %parallel_loop3A_552 = arith.constant 112 : index
        %parallel_loop3A_553 = tpu.vector_load %arg9[%parallel_loop3A_550, %parallel_loop3A_551, %parallel_loop3A_552] {strides = array<i32>} : memref<3x128x128xf32, #tpu.memory_space<vmem>>, vector<16xf32>,
        tpu.vector_store %arg9[%parallel_loop3A_550, %parallel_loop3A_551, %parallel_loop3A_552], %parallel_loop3A_548 {strides = array<i32>} : memref<3x128x128xf32, #tpu.memory_space<vmem>>, vector<16xf32>,
      } {sc.loop_unroll_factor = 1 : i64, sc.parallel_access}
      %run_scoped3A_388 = arith.constant 0 : i32
      "tpu.region"() ({
        %run_scoped3A_441 = tpu.sem_alloc : memref<!tpu.dma_semaphore, #tpu.memory_space<semaphore_mem>>
        %dma_start3A_442 = arith.constant 0 : i32
        %dma_start3A_443 = arith.constant 0 : i32
        %dma_start3A_444 = tpu.memref_slice %arg9[%run_scoped3A_388, %dma_start3A_442, %dma_start3A_443] : memref<3x128x128xf32, #tpu.memory_space<vmem>> -> memref<1x128x128xf32, #tpu.memory_space<vmem>>
        %dma_start3A_445 = tpu.memref_squeeze %dma_start3A_444 : memref<1x128x128xf32, #tpu.memory_space<vmem>> -> memref<128x128xf32, #tpu.memory_space<vmem>>
        %dma_start3A_446 = arith.constant 0 : i32
        %dma_start3A_447 = tpu.memref_slice %arg5[%add3A_338, %dma_start3A_446] : memref<32768x128xf32, #tpu.memory_space<hbm>> -> memref<128x128xf32, #tpu.memory_space<hbm>>
        %dma_start3A_448 = arith.constant 0 : i32
        %dma_start3A_449 = tpu.memref_slice %arg5[%add3A_338, %dma_start3A_448] : memref<32768x128xf32, #tpu.memory_space<hbm>> -> memref<128x128xf32, #tpu.memory_space<hbm>>
        %dma_start3A_450 = arith.constant 0 : i32
        %dma_start3A_451 = arith.constant 0 : i32
        %dma_start3A_452 = tpu.memref_slice %arg9[%run_scoped3A_388, %dma_start3A_450, %dma_start3A_451] : memref<3x128x128xf32, #tpu.memory_space<vmem>> -> memref<1x128x128xf32, #tpu.memory_space<vmem>>
        %dma_start3A_453 = tpu.memref_squeeze %dma_start3A_452 : memref<1x128x128xf32, #tpu.memory_space<vmem>> -> memref<128x128xf32, #tpu.memory_space<vmem>>
        tpu.enqueue_dma source(%dma_start3A_453 : memref<128x128xf32, #tpu.memory_space<vmem>>) target(%dma_start3A_449 : memref<128x128xf32, #tpu.memory_space<hbm>>) target_semaphore(%run_scoped3A_441 : memref<!tpu.dma_semaphore, #tpu.memory_space<semaphore_mem>>)
        %dma_wait3A_454 = arith.constant 0 : i32
        %dma_wait3A_455 = arith.constant 0 : i32
        %dma_wait3A_456 = tpu.memref_slice %arg9[%run_scoped3A_388, %dma_wait3A_454, %dma_wait3A_455] : memref<3x128x128xf32, #tpu.memory_space<vmem>> -> memref<1x128x128xf32, #tpu.memory_space<vmem>>
        %dma_wait3A_457 = tpu.memref_squeeze %dma_wait3A_456 : memref<1x128x128xf32, #tpu.memory_space<vmem>> -> memref<128x128xf32, #tpu.memory_space<vmem>>
        %dma_wait3A_458 = arith.constant 0 : i32
        %dma_wait3A_459 = tpu.memref_slice %arg5[%add3A_338, %dma_wait3A_458] : memref<32768x128xf32, #tpu.memory_space<hbm>> -> memref<128x128xf32, #tpu.memory_space<hbm>>
        %dma_wait3A_460 = arith.constant 0 : i32
        %dma_wait3A_461 = tpu.memref_slice %arg5[%add3A_338, %dma_wait3A_460] : memref<32768x128xf32, #tpu.memory_space<hbm>> -> memref<128x128xf32, #tpu.memory_space<hbm>>
        %dma_wait3A_462 = arith.constant 0 : i32
        %dma_wait3A_463 = arith.constant 0 : i32
        %dma_wait3A_464 = tpu.memref_slice %arg9[%run_scoped3A_388, %dma_wait3A_462, %dma_wait3A_463] : memref<3x128x128xf32, #tpu.memory_space<vmem>> -> memref<1x128x128xf32, #tpu.memory_space<vmem>>
        %dma_wait3A_465 = tpu.memref_squeeze %dma_wait3A_464 : memref<1x128x128xf32, #tpu.memory_space<vmem>> -> memref<128x128xf32, #tpu.memory_space<vmem>>
        tpu.wait_dma2 semaphore(%run_scoped3A_441 : memref<!tpu.dma_semaphore, #tpu.memory_space<semaphore_mem>>) src(%dma_wait3A_465 : memref<128x128xf32, #tpu.memory_space<vmem>>) dst(%dma_wait3A_461 : memref<128x128xf32, #tpu.memory_space<hbm>>)
        tpu.yield
      }) : () -> ()
      %add3A_389 = arith.constant 896 : i32
      %add3A_390 = arith.addi %mul3A_2, %add3A_389 : i32
      %dma_start3A_391 = arith.constant 7 : i32
      %dma_start3A_392 = arith.constant 0 : i32
      %dma_start3A_393 = arith.constant 0 : i32
      %dma_start3A_394 = tpu.memref_slice %arg7[%dma_start3A_392, %dma_start3A_393] : memref<128x128xf32, #tpu.memory_space<vmem>> -> memref<128x128xf32, #tpu.memory_space<vmem>>
      %dma_start3A_395 = arith.constant 0 : i32
      %dma_start3A_396 = tpu.memref_slice %arg6[%dma_start3A_391, %dma_start3A_395] : memref<8x128xi32, #tpu.memory_space<vmem>> -> memref<1x128xi32, #tpu.memory_space<vmem>>
      %dma_start3A_397 = tpu.memref_squeeze %dma_start3A_396 : memref<1x128xi32, #tpu.memory_space<vmem>> -> memref<128xi32, #tpu.memory_space<vmem>>
      %dma_start3A_398 = arith.constant 0 : i32
      %dma_start3A_399 = arith.constant 0 : i32
      %dma_start3A_400 = tpu.memref_slice %arg3[%dma_start3A_398, %dma_start3A_399] : memref<2048x128xf32, #tpu.memory_space<hbm>> -> memref<2048x128xf32, #tpu.memory_space<hbm>>
      tpu.enqueue_indirect_dma source(%dma_start3A_400 : memref<2048x128xf32, #tpu.memory_space<hbm>>) target(%dma_start3A_394 : memref<128x128xf32, #tpu.memory_space<vmem>>) offsets(%dma_start3A_397 : memref<128xi32, #tpu.memory_space<vmem>>) semaphore(%arg12 : memref<!tpu.dma_semaphore, #tpu.memory_space<semaphore_mem>>)
      %dma_start3A_401 = arith.constant 1 : i32
      %dma_start3A_402 = arith.constant 0 : i32
      %dma_start3A_403 = arith.constant 0 : i32
      %dma_start3A_404 = tpu.memref_slice %arg8[%dma_start3A_401, %dma_start3A_402, %dma_start3A_403] : memref<3x128x128xf32, #tpu.memory_space<vmem>> -> memref<1x128x128xf32, #tpu.memory_space<vmem>>
      %dma_start3A_405 = tpu.memref_squeeze %dma_start3A_404 : memref<1x128x128xf32, #tpu.memory_space<vmem>> -> memref<128x128xf32, #tpu.memory_space<vmem>>
      %dma_start3A_406 = arith.constant 0 : i32
      %dma_start3A_407 = tpu.memref_slice %arg2[%add3A_390, %dma_start3A_406] : memref<32768x128xf32, #tpu.memory_space<hbm>> -> memref<128x128xf32, #tpu.memory_space<hbm>>
      %dma_start3A_408 = arith.constant 0 : i32
      %dma_start3A_409 = arith.constant 0 : i32
      %dma_start3A_410 = tpu.memref_slice %arg8[%dma_start3A_401, %dma_start3A_408, %dma_start3A_409] : memref<3x128x128xf32, #tpu.memory_space<vmem>> -> memref<1x128x128xf32, #tpu.memory_space<vmem>>
      %dma_start3A_411 = tpu.memref_squeeze %dma_start3A_410 : memref<1x128x128xf32, #tpu.memory_space<vmem>> -> memref<128x128xf32, #tpu.memory_space<vmem>>
      %dma_start3A_412 = arith.constant 0 : i32
      %dma_start3A_413 = tpu.memref_slice %arg2[%add3A_390, %dma_start3A_412] : memref<32768x128xf32, #tpu.memory_space<hbm>> -> memref<128x128xf32, #tpu.memory_space<hbm>>
      tpu.enqueue_dma source(%dma_start3A_413 : memref<128x128xf32, #tpu.memory_space<hbm>>) target(%dma_start3A_411 : memref<128x128xf32, #tpu.memory_space<vmem>>) target_semaphore(%arg11 : memref<!tpu.dma_semaphore, #tpu.memory_space<semaphore_mem>>)
      %dma_wait3A_414 = arith.constant 1 : i32
      %dma_wait3A_415 = arith.constant 0 : i32
      %dma_wait3A_416 = arith.constant 0 : i32
      %dma_wait3A_417 = tpu.memref_slice %arg8[%dma_wait3A_414, %dma_wait3A_415, %dma_wait3A_416] : memref<3x128x128xf32, #tpu.memory_space<vmem>> -> memref<1x128x128xf32, #tpu.memory_space<vmem>>
      %dma_wait3A_418 = tpu.memref_squeeze %dma_wait3A_417 : memref<1x128x128xf32, #tpu.memory_space<vmem>> -> memref<128x128xf32, #tpu.memory_space<vmem>>
      %dma_wait3A_419 = arith.constant 0 : i32
      %dma_wait3A_420 = tpu.memref_slice %arg2[%add3A_390, %dma_wait3A_419] : memref<32768x128xf32, #tpu.memory_space<hbm>> -> memref<128x128xf32, #tpu.memory_space<hbm>>
      %dma_wait3A_421 = arith.constant 0 : i32
      %dma_wait3A_422 = arith.constant 0 : i32
      %dma_wait3A_423 = tpu.memref_slice %arg8[%dma_wait3A_414, %dma_wait3A_421, %dma_wait3A_422] : memref<3x128x128xf32, #tpu.memory_space<vmem>> -> memref<1x128x128xf32, #tpu.memory_space<vmem>>
      %dma_wait3A_424 = tpu.memref_squeeze %dma_wait3A_423 : memref<1x128x128xf32, #tpu.memory_space<vmem>> -> memref<128x128xf32, #tpu.memory_space<vmem>>
      %dma_wait3A_425 = arith.constant 0 : i32
      %dma_wait3A_426 = tpu.memref_slice %arg2[%add3A_390, %dma_wait3A_425] : memref<32768x128xf32, #tpu.memory_space<hbm>> -> memref<128x128xf32, #tpu.memory_space<hbm>>
      tpu.wait_dma2 semaphore(%arg11 : memref<!tpu.dma_semaphore, #tpu.memory_space<semaphore_mem>>) src(%dma_wait3A_426 : memref<128x128xf32, #tpu.memory_space<hbm>>) dst(%dma_wait3A_424 : memref<128x128xf32, #tpu.memory_space<vmem>>)
      %dma_wait3A_427 = arith.constant 7 : i32
      %dma_wait3A_428 = arith.constant 0 : i32
      %dma_wait3A_429 = arith.constant 0 : i32
      %dma_wait3A_430 = tpu.memref_slice %arg7[%dma_wait3A_428, %dma_wait3A_429] : memref<128x128xf32, #tpu.memory_space<vmem>> -> memref<128x128xf32, #tpu.memory_space<vmem>>
      %dma_wait3A_431 = arith.constant 0 : i32
      %dma_wait3A_432 = tpu.memref_slice %arg6[%dma_wait3A_427, %dma_wait3A_431] : memref<8x128xi32, #tpu.memory_space<vmem>> -> memref<1x128xi32, #tpu.memory_space<vmem>>
      %dma_wait3A_433 = tpu.memref_squeeze %dma_wait3A_432 : memref<1x128xi32, #tpu.memory_space<vmem>> -> memref<128xi32, #tpu.memory_space<vmem>>
      %dma_wait3A_434 = arith.constant 0 : i32
      %dma_wait3A_435 = arith.constant 0 : i32
      %dma_wait3A_436 = tpu.memref_slice %arg3[%dma_wait3A_434, %dma_wait3A_435] : memref<2048x128xf32, #tpu.memory_space<hbm>> -> memref<2048x128xf32, #tpu.memory_space<hbm>>
      tpu.wait_indirect_dma semaphore(%arg12 : memref<!tpu.dma_semaphore, #tpu.memory_space<semaphore_mem>>) src(%dma_wait3A_436 : memref<2048x128xf32, #tpu.memory_space<hbm>>) dst(%dma_wait3A_430 : memref<128x128xf32, #tpu.memory_space<vmem>>)
      %parallel_loop3A_437 = arith.constant 0 : i32
      %parallel_loop3A_438 = arith.constant 128 : i32
      %parallel_loop3A_439 = arith.constant 1 : i32
      scf.for %parallel_loop3A_441 = %parallel_loop3A_437 to %parallel_loop3A_438 step %parallel_loop3A_439  : i32 {
        %parallel_loop3A_442 = arith.constant 1 : i32
        %parallel_loop3A_443 = arith.index_cast %parallel_loop3A_442 : i32 to index
        %parallel_loop3A_444 = arith.index_cast %parallel_loop3A_441 : i32 to index
        %parallel_loop3A_445 = arith.constant 0 : index
        %parallel_loop3A_446 = tpu.vector_load %arg8[%parallel_loop3A_443, %parallel_loop3A_444, %parallel_loop3A_445] {strides = array<i32>} : memref<3x128x128xf32, #tpu.memory_space<vmem>>, vector<16xf32>,
        %parallel_loop3A_447 = arith.index_cast %parallel_loop3A_441 : i32 to index
        %parallel_loop3A_448 = arith.constant 0 : index
        %parallel_loop3A_449 = tpu.vector_load %arg7[%parallel_loop3A_447, %parallel_loop3A_448] {strides = array<i32>} : memref<128x128xf32, #tpu.memory_space<vmem>>, vector<16xf32>,
        %parallel_loop3A_450 = arith.subf %parallel_loop3A_446, %parallel_loop3A_449 : vector<16xf32>
        %parallel_loop3A_451 = arith.constant 0 : i32
        %parallel_loop3A_452 = arith.index_cast %parallel_loop3A_451 : i32 to index
        %parallel_loop3A_453 = arith.index_cast %parallel_loop3A_441 : i32 to index
        %parallel_loop3A_454 = arith.constant 0 : index
        %parallel_loop3A_455 = tpu.vector_load %arg9[%parallel_loop3A_452, %parallel_loop3A_453, %parallel_loop3A_454] {strides = array<i32>} : memref<3x128x128xf32, #tpu.memory_space<vmem>>, vector<16xf32>,
        tpu.vector_store %arg9[%parallel_loop3A_452, %parallel_loop3A_453, %parallel_loop3A_454], %parallel_loop3A_450 {strides = array<i32>} : memref<3x128x128xf32, #tpu.memory_space<vmem>>, vector<16xf32>,
        %parallel_loop3A_456 = arith.constant 1 : i32
        %parallel_loop3A_457 = arith.index_cast %parallel_loop3A_456 : i32 to index
        %parallel_loop3A_458 = arith.index_cast %parallel_loop3A_441 : i32 to index
        %parallel_loop3A_459 = arith.constant 16 : index
        %parallel_loop3A_460 = tpu.vector_load %arg8[%parallel_loop3A_457, %parallel_loop3A_458, %parallel_loop3A_459] {strides = array<i32>} : memref<3x128x128xf32, #tpu.memory_space<vmem>>, vector<16xf32>,
        %parallel_loop3A_461 = arith.index_cast %parallel_loop3A_441 : i32 to index
        %parallel_loop3A_462 = arith.constant 16 : index
        %parallel_loop3A_463 = tpu.vector_load %arg7[%parallel_loop3A_461, %parallel_loop3A_462] {strides = array<i32>} : memref<128x128xf32, #tpu.memory_space<vmem>>, vector<16xf32>,
        %parallel_loop3A_464 = arith.subf %parallel_loop3A_460, %parallel_loop3A_463 : vector<16xf32>
        %parallel_loop3A_465 = arith.constant 0 : i32
        %parallel_loop3A_466 = arith.index_cast %parallel_loop3A_465 : i32 to index
        %parallel_loop3A_467 = arith.index_cast %parallel_loop3A_441 : i32 to index
        %parallel_loop3A_468 = arith.constant 16 : index
        %parallel_loop3A_469 = tpu.vector_load %arg9[%parallel_loop3A_466, %parallel_loop3A_467, %parallel_loop3A_468] {strides = array<i32>} : memref<3x128x128xf32, #tpu.memory_space<vmem>>, vector<16xf32>,
        tpu.vector_store %arg9[%parallel_loop3A_466, %parallel_loop3A_467, %parallel_loop3A_468], %parallel_loop3A_464 {strides = array<i32>} : memref<3x128x128xf32, #tpu.memory_space<vmem>>, vector<16xf32>,
        %parallel_loop3A_470 = arith.constant 1 : i32
        %parallel_loop3A_471 = arith.index_cast %parallel_loop3A_470 : i32 to index
        %parallel_loop3A_472 = arith.index_cast %parallel_loop3A_441 : i32 to index
        %parallel_loop3A_473 = arith.constant 32 : index
        %parallel_loop3A_474 = tpu.vector_load %arg8[%parallel_loop3A_471, %parallel_loop3A_472, %parallel_loop3A_473] {strides = array<i32>} : memref<3x128x128xf32, #tpu.memory_space<vmem>>, vector<16xf32>,
        %parallel_loop3A_475 = arith.index_cast %parallel_loop3A_441 : i32 to index
        %parallel_loop3A_476 = arith.constant 32 : index
        %parallel_loop3A_477 = tpu.vector_load %arg7[%parallel_loop3A_475, %parallel_loop3A_476] {strides = array<i32>} : memref<128x128xf32, #tpu.memory_space<vmem>>, vector<16xf32>,
        %parallel_loop3A_478 = arith.subf %parallel_loop3A_474, %parallel_loop3A_477 : vector<16xf32>
        %parallel_loop3A_479 = arith.constant 0 : i32
        %parallel_loop3A_480 = arith.index_cast %parallel_loop3A_479 : i32 to index
        %parallel_loop3A_481 = arith.index_cast %parallel_loop3A_441 : i32 to index
        %parallel_loop3A_482 = arith.constant 32 : index
        %parallel_loop3A_483 = tpu.vector_load %arg9[%parallel_loop3A_480, %parallel_loop3A_481, %parallel_loop3A_482] {strides = array<i32>} : memref<3x128x128xf32, #tpu.memory_space<vmem>>, vector<16xf32>,
        tpu.vector_store %arg9[%parallel_loop3A_480, %parallel_loop3A_481, %parallel_loop3A_482], %parallel_loop3A_478 {strides = array<i32>} : memref<3x128x128xf32, #tpu.memory_space<vmem>>, vector<16xf32>,
        %parallel_loop3A_484 = arith.constant 1 : i32
        %parallel_loop3A_485 = arith.index_cast %parallel_loop3A_484 : i32 to index
        %parallel_loop3A_486 = arith.index_cast %parallel_loop3A_441 : i32 to index
        %parallel_loop3A_487 = arith.constant 48 : index
        %parallel_loop3A_488 = tpu.vector_load %arg8[%parallel_loop3A_485, %parallel_loop3A_486, %parallel_loop3A_487] {strides = array<i32>} : memref<3x128x128xf32, #tpu.memory_space<vmem>>, vector<16xf32>,
        %parallel_loop3A_489 = arith.index_cast %parallel_loop3A_441 : i32 to index
        %parallel_loop3A_490 = arith.constant 48 : index
        %parallel_loop3A_491 = tpu.vector_load %arg7[%parallel_loop3A_489, %parallel_loop3A_490] {strides = array<i32>} : memref<128x128xf32, #tpu.memory_space<vmem>>, vector<16xf32>,
        %parallel_loop3A_492 = arith.subf %parallel_loop3A_488, %parallel_loop3A_491 : vector<16xf32>
        %parallel_loop3A_493 = arith.constant 0 : i32
        %parallel_loop3A_494 = arith.index_cast %parallel_loop3A_493 : i32 to index
        %parallel_loop3A_495 = arith.index_cast %parallel_loop3A_441 : i32 to index
        %parallel_loop3A_496 = arith.constant 48 : index
        %parallel_loop3A_497 = tpu.vector_load %arg9[%parallel_loop3A_494, %parallel_loop3A_495, %parallel_loop3A_496] {strides = array<i32>} : memref<3x128x128xf32, #tpu.memory_space<vmem>>, vector<16xf32>,
        tpu.vector_store %arg9[%parallel_loop3A_494, %parallel_loop3A_495, %parallel_loop3A_496], %parallel_loop3A_492 {strides = array<i32>} : memref<3x128x128xf32, #tpu.memory_space<vmem>>, vector<16xf32>,
        %parallel_loop3A_498 = arith.constant 1 : i32
        %parallel_loop3A_499 = arith.index_cast %parallel_loop3A_498 : i32 to index
        %parallel_loop3A_500 = arith.index_cast %parallel_loop3A_441 : i32 to index
        %parallel_loop3A_501 = arith.constant 64 : index
        %parallel_loop3A_502 = tpu.vector_load %arg8[%parallel_loop3A_499, %parallel_loop3A_500, %parallel_loop3A_501] {strides = array<i32>} : memref<3x128x128xf32, #tpu.memory_space<vmem>>, vector<16xf32>,
        %parallel_loop3A_503 = arith.index_cast %parallel_loop3A_441 : i32 to index
        %parallel_loop3A_504 = arith.constant 64 : index
        %parallel_loop3A_505 = tpu.vector_load %arg7[%parallel_loop3A_503, %parallel_loop3A_504] {strides = array<i32>} : memref<128x128xf32, #tpu.memory_space<vmem>>, vector<16xf32>,
        %parallel_loop3A_506 = arith.subf %parallel_loop3A_502, %parallel_loop3A_505 : vector<16xf32>
        %parallel_loop3A_507 = arith.constant 0 : i32
        %parallel_loop3A_508 = arith.index_cast %parallel_loop3A_507 : i32 to index
        %parallel_loop3A_509 = arith.index_cast %parallel_loop3A_441 : i32 to index
        %parallel_loop3A_510 = arith.constant 64 : index
        %parallel_loop3A_511 = tpu.vector_load %arg9[%parallel_loop3A_508, %parallel_loop3A_509, %parallel_loop3A_510] {strides = array<i32>} : memref<3x128x128xf32, #tpu.memory_space<vmem>>, vector<16xf32>,
        tpu.vector_store %arg9[%parallel_loop3A_508, %parallel_loop3A_509, %parallel_loop3A_510], %parallel_loop3A_506 {strides = array<i32>} : memref<3x128x128xf32, #tpu.memory_space<vmem>>, vector<16xf32>,
        %parallel_loop3A_512 = arith.constant 1 : i32
        %parallel_loop3A_513 = arith.index_cast %parallel_loop3A_512 : i32 to index
        %parallel_loop3A_514 = arith.index_cast %parallel_loop3A_441 : i32 to index
        %parallel_loop3A_515 = arith.constant 80 : index
        %parallel_loop3A_516 = tpu.vector_load %arg8[%parallel_loop3A_513, %parallel_loop3A_514, %parallel_loop3A_515] {strides = array<i32>} : memref<3x128x128xf32, #tpu.memory_space<vmem>>, vector<16xf32>,
        %parallel_loop3A_517 = arith.index_cast %parallel_loop3A_441 : i32 to index
        %parallel_loop3A_518 = arith.constant 80 : index
        %parallel_loop3A_519 = tpu.vector_load %arg7[%parallel_loop3A_517, %parallel_loop3A_518] {strides = array<i32>} : memref<128x128xf32, #tpu.memory_space<vmem>>, vector<16xf32>,
        %parallel_loop3A_520 = arith.subf %parallel_loop3A_516, %parallel_loop3A_519 : vector<16xf32>
        %parallel_loop3A_521 = arith.constant 0 : i32
        %parallel_loop3A_522 = arith.index_cast %parallel_loop3A_521 : i32 to index
        %parallel_loop3A_523 = arith.index_cast %parallel_loop3A_441 : i32 to index
        %parallel_loop3A_524 = arith.constant 80 : index
        %parallel_loop3A_525 = tpu.vector_load %arg9[%parallel_loop3A_522, %parallel_loop3A_523, %parallel_loop3A_524] {strides = array<i32>} : memref<3x128x128xf32, #tpu.memory_space<vmem>>, vector<16xf32>,
        tpu.vector_store %arg9[%parallel_loop3A_522, %parallel_loop3A_523, %parallel_loop3A_524], %parallel_loop3A_520 {strides = array<i32>} : memref<3x128x128xf32, #tpu.memory_space<vmem>>, vector<16xf32>,
        %parallel_loop3A_526 = arith.constant 1 : i32
        %parallel_loop3A_527 = arith.index_cast %parallel_loop3A_526 : i32 to index
        %parallel_loop3A_528 = arith.index_cast %parallel_loop3A_441 : i32 to index
        %parallel_loop3A_529 = arith.constant 96 : index
        %parallel_loop3A_530 = tpu.vector_load %arg8[%parallel_loop3A_527, %parallel_loop3A_528, %parallel_loop3A_529] {strides = array<i32>} : memref<3x128x128xf32, #tpu.memory_space<vmem>>, vector<16xf32>,
        %parallel_loop3A_531 = arith.index_cast %parallel_loop3A_441 : i32 to index
        %parallel_loop3A_532 = arith.constant 96 : index
        %parallel_loop3A_533 = tpu.vector_load %arg7[%parallel_loop3A_531, %parallel_loop3A_532] {strides = array<i32>} : memref<128x128xf32, #tpu.memory_space<vmem>>, vector<16xf32>,
        %parallel_loop3A_534 = arith.subf %parallel_loop3A_530, %parallel_loop3A_533 : vector<16xf32>
        %parallel_loop3A_535 = arith.constant 0 : i32
        %parallel_loop3A_536 = arith.index_cast %parallel_loop3A_535 : i32 to index
        %parallel_loop3A_537 = arith.index_cast %parallel_loop3A_441 : i32 to index
        %parallel_loop3A_538 = arith.constant 96 : index
        %parallel_loop3A_539 = tpu.vector_load %arg9[%parallel_loop3A_536, %parallel_loop3A_537, %parallel_loop3A_538] {strides = array<i32>} : memref<3x128x128xf32, #tpu.memory_space<vmem>>, vector<16xf32>,
        tpu.vector_store %arg9[%parallel_loop3A_536, %parallel_loop3A_537, %parallel_loop3A_538], %parallel_loop3A_534 {strides = array<i32>} : memref<3x128x128xf32, #tpu.memory_space<vmem>>, vector<16xf32>,
        %parallel_loop3A_540 = arith.constant 1 : i32
        %parallel_loop3A_541 = arith.index_cast %parallel_loop3A_540 : i32 to index
        %parallel_loop3A_542 = arith.index_cast %parallel_loop3A_441 : i32 to index
        %parallel_loop3A_543 = arith.constant 112 : index
        %parallel_loop3A_544 = tpu.vector_load %arg8[%parallel_loop3A_541, %parallel_loop3A_542, %parallel_loop3A_543] {strides = array<i32>} : memref<3x128x128xf32, #tpu.memory_space<vmem>>, vector<16xf32>,
        %parallel_loop3A_545 = arith.index_cast %parallel_loop3A_441 : i32 to index
        %parallel_loop3A_546 = arith.constant 112 : index
        %parallel_loop3A_547 = tpu.vector_load %arg7[%parallel_loop3A_545, %parallel_loop3A_546] {strides = array<i32>} : memref<128x128xf32, #tpu.memory_space<vmem>>, vector<16xf32>,
        %parallel_loop3A_548 = arith.subf %parallel_loop3A_544, %parallel_loop3A_547 : vector<16xf32>
        %parallel_loop3A_549 = arith.constant 0 : i32
        %parallel_loop3A_550 = arith.index_cast %parallel_loop3A_549 : i32 to index
        %parallel_loop3A_551 = arith.index_cast %parallel_loop3A_441 : i32 to index
        %parallel_loop3A_552 = arith.constant 112 : index
        %parallel_loop3A_553 = tpu.vector_load %arg9[%parallel_loop3A_550, %parallel_loop3A_551, %parallel_loop3A_552] {strides = array<i32>} : memref<3x128x128xf32, #tpu.memory_space<vmem>>, vector<16xf32>,
        tpu.vector_store %arg9[%parallel_loop3A_550, %parallel_loop3A_551, %parallel_loop3A_552], %parallel_loop3A_548 {strides = array<i32>} : memref<3x128x128xf32, #tpu.memory_space<vmem>>, vector<16xf32>,
      } {sc.loop_unroll_factor = 1 : i64, sc.parallel_access}
      %run_scoped3A_440 = arith.constant 0 : i32
      "tpu.region"() ({
        %run_scoped3A_441 = tpu.sem_alloc : memref<!tpu.dma_semaphore, #tpu.memory_space<semaphore_mem>>
        %dma_start3A_442 = arith.constant 0 : i32
        %dma_start3A_443 = arith.constant 0 : i32
        %dma_start3A_444 = tpu.memref_slice %arg9[%run_scoped3A_440, %dma_start3A_442, %dma_start3A_443] : memref<3x128x128xf32, #tpu.memory_space<vmem>> -> memref<1x128x128xf32, #tpu.memory_space<vmem>>
        %dma_start3A_445 = tpu.memref_squeeze %dma_start3A_444 : memref<1x128x128xf32, #tpu.memory_space<vmem>> -> memref<128x128xf32, #tpu.memory_space<vmem>>
        %dma_start3A_446 = arith.constant 0 : i32
        %dma_start3A_447 = tpu.memref_slice %arg5[%add3A_390, %dma_start3A_446] : memref<32768x128xf32, #tpu.memory_space<hbm>> -> memref<128x128xf32, #tpu.memory_space<hbm>>
        %dma_start3A_448 = arith.constant 0 : i32
        %dma_start3A_449 = tpu.memref_slice %arg5[%add3A_390, %dma_start3A_448] : memref<32768x128xf32, #tpu.memory_space<hbm>> -> memref<128x128xf32, #tpu.memory_space<hbm>>
        %dma_start3A_450 = arith.constant 0 : i32
        %dma_start3A_451 = arith.constant 0 : i32
        %dma_start3A_452 = tpu.memref_slice %arg9[%run_scoped3A_440, %dma_start3A_450, %dma_start3A_451] : memref<3x128x128xf32, #tpu.memory_space<vmem>> -> memref<1x128x128xf32, #tpu.memory_space<vmem>>
        %dma_start3A_453 = tpu.memref_squeeze %dma_start3A_452 : memref<1x128x128xf32, #tpu.memory_space<vmem>> -> memref<128x128xf32, #tpu.memory_space<vmem>>
        tpu.enqueue_dma source(%dma_start3A_453 : memref<128x128xf32, #tpu.memory_space<vmem>>) target(%dma_start3A_449 : memref<128x128xf32, #tpu.memory_space<hbm>>) target_semaphore(%run_scoped3A_441 : memref<!tpu.dma_semaphore, #tpu.memory_space<semaphore_mem>>)
        %dma_wait3A_454 = arith.constant 0 : i32
        %dma_wait3A_455 = arith.constant 0 : i32
        %dma_wait3A_456 = tpu.memref_slice %arg9[%run_scoped3A_440, %dma_wait3A_454, %dma_wait3A_455] : memref<3x128x128xf32, #tpu.memory_space<vmem>> -> memref<1x128x128xf32, #tpu.memory_space<vmem>>
        %dma_wait3A_457 = tpu.memref_squeeze %dma_wait3A_456 : memref<1x128x128xf32, #tpu.memory_space<vmem>> -> memref<128x128xf32, #tpu.memory_space<vmem>>
        %dma_wait3A_458 = arith.constant 0 : i32
        %dma_wait3A_459 = tpu.memref_slice %arg5[%add3A_390, %dma_wait3A_458] : memref<32768x128xf32, #tpu.memory_space<hbm>> -> memref<128x128xf32, #tpu.memory_space<hbm>>
        %dma_wait3A_460 = arith.constant 0 : i32
        %dma_wait3A_461 = tpu.memref_slice %arg5[%add3A_390, %dma_wait3A_460] : memref<32768x128xf32, #tpu.memory_space<hbm>> -> memref<128x128xf32, #tpu.memory_space<hbm>>
        %dma_wait3A_462 = arith.constant 0 : i32
        %dma_wait3A_463 = arith.constant 0 : i32
        %dma_wait3A_464 = tpu.memref_slice %arg9[%run_scoped3A_440, %dma_wait3A_462, %dma_wait3A_463] : memref<3x128x128xf32, #tpu.memory_space<vmem>> -> memref<1x128x128xf32, #tpu.memory_space<vmem>>
        %dma_wait3A_465 = tpu.memref_squeeze %dma_wait3A_464 : memref<1x128x128xf32, #tpu.memory_space<vmem>> -> memref<128x128xf32, #tpu.memory_space<vmem>>
        tpu.wait_dma2 semaphore(%run_scoped3A_441 : memref<!tpu.dma_semaphore, #tpu.memory_space<semaphore_mem>>) src(%dma_wait3A_465 : memref<128x128xf32, #tpu.memory_space<vmem>>) dst(%dma_wait3A_461 : memref<128x128xf32, #tpu.memory_space<hbm>>)
        tpu.yield
      }) : () -> ()
    } else {
    }
    return
  }
}

</mosaic_0001>

<sc_bundles>
// kernel: _call.3.cloned.1.call-start
scs
__scs_entry_jumppad:
0x0: {  	(pc) =	sbr.rel $0x88, $3  }
0x1: {  	(tag) =	ssettag $0x0;
	lr =	simm.s32 $0x1  }
0x2: {  	[smem:$0x3F9E] =	sst lr;
	_ =	strace $0xD0000000  }
0x3: {  	_ = 	snop  }
0x4: {  	_ = 	snop  }
0x5: {  	_ = 	snop  }
0x6: {  	_ = 	snop  }
0x7: {  	_ = 	snop  }
__scs_overlays_trampoline_lowered:
0x8: {  	[smem:$0x3FAD] =	sst s0  }
0x9: {  	[smem:$0x3FAE] =	sst s1  }
0xa: {  	[smem:$0x3FAF] =	sst s2  }
0xb: {  	[smem:$0x3FB0] =	sst s3  }
0xc: {  	[smem:$0x3FB1] =	sst s4  }
0xd: {  	[smem:$0x3FB2] =	sst s5  }
0xe: {  	[smem:$0x3FB3] =	sst s6  }
0xf: {  	[smem:$0x3FB4] =	sst s7  }
0x10: {  	[smem:$0x3FB5] =	sst s8  }
0x11: {  	[smem:$0x3FB6] =	sst s9;
	s0 =	simm.s32 @!p0 $0x0  }
0x12: {  	s1 =	sld [smem:$0x3F9C];
	s0 =	simm.s32 @p0 $0x1  }
0x13: {  	[smem:$0x3FB7] =	sst s0;
	s0 =	simm.s32 @!p1 $0x0  }
0x14: {  	s2 =	sld [smem:$0x3F9B];
	s0 =	simm.s32 @p1 $0x1  }
0x15: {  	[smem:$0x3FB8] =	sst s0;
	s0 =	simm.s32 @!p2 $0x0  }
0x16: {  	s3 =	sld [smem:$0x3FDB];
	s0 =	simm.s32 @p2 $0x1  }
0x17: {  	s4 =	simm.s32 $0x1BF5;
	[smem:$0x3FBA] =	sst s0  }
0x18: {  	s0 =	sld [smem:$0x3F9D];
	_ =	swait.ge [sflag:s4], $0x0  }
0x19: {  	s7 =	sld [smem:$0x3F9E]  }
0x1a: {  	s8 =	sadd.s32 $0xFFFFE003, lr  }
0x1b: {  	s9 =	sadd.s32 $0xFFFFFEF7, lr;
	s5 =	simm.s32 $0xFFFFFFFF;
	p2 =	slt.u32 s8, $0xFFFFF086  }
0x1c: {  	p1 =	slt.u32 s9, $0xF7A;
	s5 =	simm.s32 @!p2 $0x0  }
0x1d: {  	s5 =	simm.s32 @p1 $0x1;
	p0 =	seq.s32 s7, s2  }
0x1e: {  	s7 =	smul.u32 @!p0 $0xF7A, s2;
	p2 =	seq.s32 @!p0 s5, $0x0  }
0x1f: {  	s9 =	smul.u32 $0xF7A, s1;
	s8 =	simm.s32 @!p0 $0x1BF5;
	p2 =	por !p2, p0  }
0x20: {  	[sflag:s8] =	ssyncset.s32 @!p0 $0xFFFFF086;
	s6 =	sadd.s32 @!p0 s3, s7;
	s7 =	simm.s32 @!p0 $0x108  }
0x21: {  	s3 =	sadd.s32 s3, s9;
	s6 =	sadd.s32 @!p0 $0x88, s6;
	s7 =	simm.s32 @p2 $0x1082  }
0x22: {  	[simem:s7], [sflag:s8] =	dma.local @!p0 [hbm:s6], $0xF7A  }
0x23: {  	s9 =	sor.u32 $0xD0000000, s2;
	s6 =	simm.s32 $0x108;
	_ =	swait.ge @!p0 [sflag:s8], $0x0  }
0x24: {  	s3 =	sadd.s32 $0x88, s3;
	s6 =	simm.s32 @!p1 $0x1082;
	[sflag:s4] =	ssyncset.s32 $0xFFFFF086  }
0x25: {  	[simem:s6], [sflag:s4] =	dma.local [hbm:s3], $0xF7A  }
0x26: {  	[smem:$0x3F9E] =	sst s1;
	(tag) =	ssettag s2;
	_ =	strace s9  }
0x27: {  	s1 =	sld [smem:$0x3FAE]  }
0x28: {  	s2 =	sld [smem:$0x3FAF]  }
0x29: {  	s4 =	sld [smem:$0x3FB1]  }
0x2a: {  	p0 =	seq.s32 s5, $0x0;
	s5 =	sld [smem:$0x3FB2]  }
0x2b: {  	s6 =	sld [smem:$0x3FB3]  }
0x2c: {  	s7 =	sld [smem:$0x3FB4]  }
0x2d: {  	s3 =	simm.s32 $0x108;
	s8 =	sld [smem:$0x3FB5]  }
0x2e: {  	s3 =	simm.s32 @!p0 $0x1082;
	s9 =	sld [smem:$0x3FB6]  }
0x2f: {  	lr =	sadd.s32 s0, s3;
	s0 =	sld [smem:$0x3FAD]  }
0x30: {  	s3 =	sld [smem:$0x3FB0]  }
0x31: {  	[smem:$0x3FB9] =	sst s10  }
0x32: {  	s10 =	sld [smem:$0x3FB7];
	_ =	sdelay $0x3  }
0x33: {  	p0 =	seq.s32 s10, $0x1;
	s10 =	sld [smem:$0x3FB9];
	_ =	sdelay $0x3  }
0x34: {  	[smem:$0x3FB9] =	sst s10  }
0x35: {  	s10 =	sld [smem:$0x3FB8];
	_ =	sdelay $0x3  }
0x36: {  	p1 =	seq.s32 s10, $0x1;
	s10 =	sld [smem:$0x3FB9];
	_ =	sdelay $0x3  }
0x37: {  	[smem:$0x3FB9] =	sst s10  }
0x38: {  	s10 =	sld [smem:$0x3FBA]  }
0x39: {  	_ = 	snop;
	(pc) =	sbr.ind lr, $3  }
0x3a: {  	_ = 	snop  }
0x3b: {  	_ = 	snop  }
0x3c: {  	p2 =	seq.s32 s10, $0x1;
	s10 =	sld [smem:$0x3FB9]  }
0x3d: {  	_ =	shalt  }
0x3e: {  	_ =	shalt  }
0x3f: {  	_ =	shalt  }
0x40: {  	_ =	shalt  }
0x41: {  	_ =	shalt  }
0x42: {  	_ =	shalt  }
0x43: {  	_ =	shalt  }
0x44: {  	_ =	shalt  }
0x45: {  	_ =	shalt  }
0x46: {  	_ =	shalt  }
0x47: {  	_ =	shalt  }
0x48: {  	_ =	shalt  }
0x49: {  	_ =	shalt  }
0x4a: {  	_ =	shalt  }
0x4b: {  	_ =	shalt  }
0x4c: {  	_ =	shalt  }
0x4d: {  	_ =	shalt  }
0x4e: {  	_ =	shalt  }
0x4f: {  	_ =	shalt  }
0x50: {  	_ =	shalt  }
0x51: {  	_ =	shalt  }
0x52: {  	_ =	shalt  }
0x53: {  	_ =	shalt  }
0x54: {  	_ =	shalt  }
0x55: {  	_ =	shalt  }
0x56: {  	_ =	shalt  }
0x57: {  	_ =	shalt  }
0x58: {  	_ =	shalt  }
0x59: {  	_ =	shalt  }
0x5a: {  	_ =	shalt  }
0x5b: {  	_ =	shalt  }
0x5c: {  	_ =	shalt  }
0x5d: {  	_ =	shalt  }
0x5e: {  	_ =	shalt  }
0x5f: {  	_ =	shalt  }
0x60: {  	_ =	shalt  }
0x61: {  	_ =	shalt  }
0x62: {  	_ =	shalt  }
0x63: {  	_ =	shalt  }
0x64: {  	_ =	shalt  }
0x65: {  	_ =	shalt  }
0x66: {  	_ =	shalt  }
0x67: {  	_ =	shalt  }
0x68: {  	_ =	shalt  }
0x69: {  	_ =	shalt  }
0x6a: {  	_ =	shalt  }
0x6b: {  	_ =	shalt  }
0x6c: {  	_ =	shalt  }
0x6d: {  	_ =	shalt  }
0x6e: {  	_ =	shalt  }
0x6f: {  	_ =	shalt  }
0x70: {  	_ =	shalt  }
0x71: {  	_ =	shalt  }
0x72: {  	_ =	shalt  }
0x73: {  	_ =	shalt  }
0x74: {  	_ =	shalt  }
0x75: {  	_ =	shalt  }
0x76: {  	_ =	shalt  }
0x77: {  	_ =	shalt  }
0x78: {  	_ =	shalt  }
0x79: {  	_ =	shalt  }
0x7a: {  	_ =	shalt  }
0x7b: {  	_ =	shalt  }
0x7c: {  	_ =	shalt  }
0x7d: {  	_ =	shalt  }
0x7e: {  	_ =	shalt  }
0x7f: {  	_ =	shalt  }
0x80: {  	_ =	shalt  }
0x81: {  	_ =	shalt  }
0x82: {  	_ =	shalt  }
0x83: {  	_ =	shalt  }
0x84: {  	_ =	shalt  }
0x85: {  	_ =	shalt  }
0x86: {  	_ =	shalt  }
0x87: {  	_ =	shalt  }
.Lfunc_end0:
.L_simem_size_0:
called_computation_lowered:
.L_overlay_start_0:
0x88: {  	s2 =	sld [smem:$0x3FD9]  }
0x89: {  	s3 =	sld [smem:$0x3FFE];
	_ =	sdelay $0x1  }
0x8a: {  	s1 =	srdreg.scid  }
0x8b: {  	s0 =	sand.u32 $0x1, s1  }
0x8c: {  	s18 =	sshll.u32 s0, $0xA;
	s2 =	sadd.s32 s3, s2  }
0x8d: {  	s2 =	sadd.s32 s2, s18  }
0x8e: {  	[smem:$0x3FC5] =	sst s2  }
0x8f: {  	_ = 	snop  }
0x90: {  	s2 =	sld [smem:$0x3FC9]  }
0x91: {  	s19 =	sld [smem:$0x3FC8]  }
0x92: {  	s4 =	sld [smem:$0x3FC7]  }
0x93: {  	s5 =	sld [smem:$0x3FD0];
	(tm) =	ssettm $0x1  }
0x94: {  	s6 =	sld [smem:$0x3FFB];
	_ =	sdelay $0x3  }
0x95: {  	_ =	strace s6  }
0x96: {  	s6 =	sld [smem:$0x3FFC];
	_ =	sdelay $0x3  }
0x97: {  	_ =	strace s6  }
0x98: {  	s6 =	sld [smem:$0x3FFD];
	_ =	sdelay $0x3  }
0x99: {  	_ =	strace s6  }
0x9a: {  	_ =	strace $0x8FFFFFFF  }
0x9b: {  	s20 =	sld [smem:$0x3FDB];
	_ =	sdelay $0x1  }
0x9c: {  	s7 =	simm.s32 $_scs_section_size  }
0x9d: {  	s8 =	simm.s32 $_size__tile_overlayer_lowered;
	s9 =	simm.s32 $_tile_overlayer_lowered  }
0x9e: {  	s23 =	simm.s32 $0x1BFF;
	s22 =	sshll.u32 s9, $0x1;
	s6 =	sadd.s32 s7, s20  }
0x9f: {  	s10 =	simm.s32 $0x0;
	s21 =	sshll.u32 s8, $0x1;
	s8 =	sadd.s32 s22, s6  }
0xa0: {  	[timem:s10], [sflag:s23] =	dma.local [hbm:s8], s21  }
0xa1: {  	_ =	swait.ge [sflag:s23], s21  }
0xa2: {  	s7 =	ssub.s32 $0x0, s21;
	[sflag:s23] =	ssyncset.done $0x0  }
0xa3: {  	[sflag:s23] =	ssyncadd.s32 s7;
	_ =	sdelay $0x1  }
0xa4: {  	s24 =	simm.s32 $0x1B8B  }
0xa5: {  	_ =	swait.ge [sflag:s24], $0x1  }
0xa6: {  	[sflag:s24] =	ssyncset.done $0x0  }
0xa7: {  	s25 =	simm.s32 $0x1B8E;
	[sflag:s24] =	ssyncadd.s32 $0xFFFFFFFF  }
0xa8: {  	s26 =	simm.s32 $execute0_lowered;
	[smem:$0x3FD2] =	sst s25  }
0xa9: {  	s7 =	sshll.u32 s26, $0x1;
	_ =	strace $0x80000046;
	[dreg:$0x1] =	wrdreg $0xFFFFFFFF  }
0xaa: {  	s28 =	simm.s32 $_size_execute0_lowered;
	s6 =	sadd.s32 s6, s7;
	[dreg:$0x0] =	wrdreg $0x0  }
0xab: {  	s7 =	sshll.u32 s28, $0x1;
	[dreg:$0x2] =	wrdreg s6  }
0xac: {  	[dreg:$0x3] =	wrdreg s7  }
0xad: {  	[dreg:$0x4] =	wrdreg $0xC0  }
0xae: {  	_ =	task [dreg:s10], $0x5FFFF  }
0xaf: {  	[dreg:$0x1] =	wrdreg $0xFFFFFFFF  }
0xb0: {  	[dreg:$0x0] =	wrdreg $0x60  }
0xb1: {  	[dreg:$0x2] =	wrdreg s2  }
0xb2: {  	[dreg:$0x3] =	wrdreg s19  }
0xb3: {  	[dreg:$0x4] =	wrdreg s4  }
0xb4: {  	[dreg:$0x5] =	wrdreg s5  }
0xb5: {  	[dreg:$0x6] =	wrdreg $0x9  }
0xb6: {  	_ =	task.clear_ibuf [dreg:s10], $0x7FFFF;
	_ =	strace $0x90000046  }
0xb7: {  	s29 =	simm.s32 $0x9;
	_ =	strace $0x80000048  }
0xb8: {  	_ =	swait.ge [sflag:s29], $0x1  }
0xb9: {  	[sflag:s29] =	ssyncadd.s32 $0xFFFFFFFF  }
0xba: {  	_ =	strace $0x90000048  }
0xbb: {  	_ =	sfence  }
0xbc: {  	s30 =	sld [smem:$0x0];
	_ =	sdelay $0x2  }
0xbd: {  	s31 =	sshll.u32 s1, $0xD;
	s1 =	sshrl.u32 s1, $0x2  }
0xbe: {  	s3 =	sand.u32 $0x4000, s31;
	s1 =	sadd.s32 s1, s30  }
0xbf: {  	s0 =	sor.u32 s3, s0;
	s1 =	sshll.u32 s1, $0x11  }
0xc0: {  	s0 =	sor.u32 s1, s0  }
0xc1: {  	s0 =	sadd.s32 $0x8F2B, s0  }
0xc2: {  	[sflag:s0] =	ssyncadd.remote.s32 $0x1  }
0xc3: {  	_ =	sfence.sel $0xFFFF  }
0xc4: {  	[dreg:$0x0] =	wrdreg $0xFFFFFFFF;
	(pc) =	sbr.abs _section_cstart, $3  }
0xc5: {  	[dreg:$0x1] =	wrdreg $0xFFFFFFFF  }
0xc6: {  	_ =	task.clear_ibuf [dreg:s10], $0x2FFFF;
	_ =	strace $0x9FFFFFFF  }
0xc7: {  	(tm) =	ssettm $0x7FFFFFFF  }
tec
execute0_lowered:
.L_overlay_start_1:
0x0: {  	(tag) =	ssettag $0x1  }
0x1: {  	s0 =	rddreg [dreg:$0x0]  }
0x2: {  	s2 =	rddreg [dreg:$0x1]  }
0x3: {  	s1 =	rddreg [dreg:$0x2]  }
0x4: {  	s4 =	rddreg [dreg:$0x3]  }
0x5: {  	s3 =	srdreg.scid;
	s6 =	stileid.u32;
	s29 =	simm.s32 $0x2  }
0x6: {  	s30 =	simm.s32 $0x10400;
	s28 =	simm.s32 $0x3;
	s31 =	simm.s32 $0x0  }
0x7: {  	s5 =	sand.u32 $0x1, s3;
	s6 =	sshll.u32 s6, $0x1;
	s3 =	simm.s32 $0x0  }
0x8: {  	s7 =	ssub.s32 $0x2, s5;
	s5 =	sor.u32 s5, s6;
	[smem:$0x7FF] =	sst s3  }
0x9: {  	s9 =	sshrl.u32 s7, $0x1;
	s8 =	sshll.u32 s5, $0xE;
	_ =	strace $0x80000047  }
0xa: {  	s5 =	sshll.u32 s5, $0x7;
	s6 =	ssub.s32 s7, s9;
	s15 =	sadd.s32 s0, s8  }
0xb: {  	s10 =	sor.u32 $0x800, s8;
	s9 =	sor.u32 $0x1000, s8;
	s18 =	sadd.s32 s1, s5  }
0xc: {  	s11 =	sadd.s32 s4, s8;
	s13 =	sor.u32 $0x1800, s8;
	s20 =	sor.u32 $0x2000, s8  }
0xd: {  	s22 =	sor.u32 $0x2800, s8;
	[dreg:$0x5] =	wrdreg s11;
	s12 =	sadd.s32 s4, s10  }
0xe: {  	s24 =	sor.u32 $0x3000, s8;
	s14 =	sadd.s32 s4, s9;
	[dreg:$0x6] =	wrdreg s12  }
0xf: {  	s26 =	sor.u32 $0x3800, s8;
	s19 =	sadd.s32 s0, s13;
	[dreg:$0x7] =	wrdreg s14  }
0x10: {  	s7 =	simm.s32 $0xC400;
	s1 =	sadd.s32 s4, s13;
	[dreg:$0x8] =	wrdreg s19  }
0x11: {  	s16 =	sadd.s32 s0, s10;
	s21 =	sadd.s32 s0, s20;
	[dreg:$0x9] =	wrdreg s1  }
0x12: {  	s17 =	sadd.s32 s0, s9;
	s5 =	sadd.s32 s4, s20;
	[dreg:$0xa] =	wrdreg s21  }
0x13: {  	s23 =	sadd.s32 s0, s22;
	s25 =	sadd.s32 s0, s24;
	[dreg:$0xb] =	wrdreg s5  }
0x14: {  	s0 =	sadd.s32 s0, s26;
	s8 =	smax.u32 s6, $0x1;
	[dreg:$0xc] =	wrdreg s23  }
.Ltmp0:
0x15: {  	s20 =	simm.s32 $0xC400;
	[dreg:$0xe] =	wrdreg s25;
	(pc) =	sbr.rel .LBB2_1-.Ltmp0, $4  }
0x16: {  	v0 =	vlaneseq.u32;
	s1 =	sadd.s32 s4, s22;
	s19 =	sadd.s32 s4, s24;
	[dreg:$0xf] =	wrdreg s0  }
0x17: {  	v1 =	vor.u32 $0x10, v0;
	s21 =	sadd.s32 s4, s26;
	s22 =	simm.s32 $0x4400;
	s23 =	simm.s32 $0x8400  }
0x18: {  	v2 =	vor.u32 $0x20, v0;
	v3 =	vor.u32 $0x30, v0;
	v4 =	vor.u32 $0x40, v0;
	s25 =	simm.s32 $0x5;
	s26 =	simm.s32 $0x400;
	[dreg:$0x10] =	wrdreg s8  }
0x19: {  	v5 =	vor.u32 $0x50, v0;
	v6 =	vor.u32 $0x60, v0;
	v7 =	vor.u32 $0x70, v0;
	s0 =	simm.s32 $0x80;
	[dreg:$0xd] =	wrdreg s1;
	s1 =	simm.s32 $0x4  }
.LBB2_35:
0x1a: {  	v14 =	vld [tilespmem:s5+$0x470]  }
0x1b: {  	v15 =	vld [tilespmem:s5+$0x8400]  }
0x1c: {  	v16 =	vld [tilespmem:s5+$0x400]  }
0x1d: {  	v17 =	vld [tilespmem:s5+$0x8410]  }
0x1e: {  	v18 =	vld [tilespmem:s5+$0x410]  }
0x1f: {  	v19 =	vld [tilespmem:s5+$0x8420]  }
0x20: {  	v53 =	vld [tilespmem:s5+$0x420]  }
0x21: {  	v20 =	vld [tilespmem:s5+$0x8430]  }
0x22: {  	v54 =	vld [tilespmem:s5+$0x430]  }
0x23: {  	v56 =	vld [tilespmem:s5+$0x8440]  }
0x24: {  	v57 =	vld [tilespmem:s5+$0x440];
	v8 =	vsub.f32 v8, v10  }
0x25: {  	v58 =	vld [tilespmem:s5+$0x8450];
	[tilespmem:s4+$0x10440] =	vst v12;
	v9 =	vsub.f32 v9, v11  }
0x26: {  	v60 =	vld [tilespmem:s5+$0x8460];
	[tilespmem:s4+$0x10450] =	vst v8;
	v13 =	vsub.f32 v13, v14  }
0x27: {  	v61 =	vld [tilespmem:s5+$0x460];
	[tilespmem:s4+$0x10460] =	vst v9;
	v15 =	vsub.f32 v15, v16  }
0x28: {  	v59 =	vld [tilespmem:s5+$0x450];
	v55 =	vsub.f32 v17, v18;
	[tilespmem:s5+$0x10470] =	vst v13  }
0x29: {  	v14 =	vsub.f32 v19, v53;
	[tilespmem:s5+$0x10400] =	vst v15  }
0x2a: {  	v8 =	vsub.f32 v20, v54;
	[tilespmem:s5+$0x10410] =	vst v55  }
0x2b: {  	v62 =	vsub.f32 v56, v57;
	[tilespmem:s5+$0x10420] =	vst v14  }
0x2c: {  	v63 =	vsub.f32 v60, v61;
	[tilespmem:s5+$0x10430] =	vst v8  }
0x2d: {  	v8 =	vsub.f32 v58, v59;
	[tilespmem:s5+$0x10440] =	vst v62  }
0x2e: {  	[tilespmem:s5+$0x10460] =	vst v63  }
0x2f: {  	s4 =	simm.s32 $0x5;
	[tilespmem:s5+$0x10450] =	vst v8  }
0x30: {  	[hbm4b:s21+s3] =	stream.linear.scatter [tilespmem:s30], [sflag:$0x5], $0x4000, $0x38;
	[tilespmem:$0x1C400] =	vst v63  }
.LBB2_36:
0x31: {  	s31 =	sadd.s32 $0x1, s31  }
0x32: {  	p0 =	sne.s32 s31, s8  }
.Ltmp1:
0x33: {  	_ = 	snop;
	(pc) =	sbr.rel @!p0 .LBB2_37-.Ltmp1, $4  }
0x34: {  	_ = 	snop  }
0x35: {  	_ =	swait.ge [sflag:s4], $0x4000  }
0x36: {  	[sflag:s4] =	ssyncset.done $0x0  }
0x37: {  	[sflag:s4] =	ssyncadd.s32 $0xFFFFC000  }
.LBB2_1:
0x38: {  	[tilespmem:s22], [sflag:$0x2] =	stream.linear.gather [hbm4b:s15+s3], $0x4000, $0x38;
	[tilespmem:$0x1C400] =	vst v63  }
0x39: {  	_ = 	snop  }
0x3a: {  	[tilespmem:s23], [sflag:$0x2] =	stream.linear.gather [hbm4b:s16+s3], $0x4000, $0x38;
	[tilespmem:$0x1C400] =	vst v63  }
0x3b: {  	_ = 	snop  }
0x3c: {  	[tilespmem:s7], [sflag:$0x2] =	stream.linear.gather [hbm4b:s17+s3], $0x4000, $0x38;
	[tilespmem:$0x1C400] =	vst v63  }
0x3d: {  	_ = 	snop  }
0x3e: {  	[tilespmem:s3], [sflag:$0x5] =	stream.linear.gather [hbm4b:s18+s3], $0x400, $0x38;
	[tilespmem:$0x1C400] =	vst v63  }
0x3f: {  	_ =	swait.ge [sflag:s25], $0x400  }
0x40: {  	[sflag:s25] =	ssyncset.done $0x0  }
0x41: {  	[sflag:s25] =	ssyncadd.s32 $0xFFFFFC00  }
0x42: {  	v8 =	vld [tilespmem:$0x0];
	_ =	sdelay $0x2  }
0x43: {  	v9 =	vld [tilespmem:$0x3F0];
	_ =	sdelay $0x1  }
0x44: {  	(v2sf) =	vpush v8, $0x0;
	_ =	sdelay $0x2  }
0x45: {  	(v2sf) =	vpush v9, $0xF;
	_ =	sdelay $0xb  }
0x46: {  	s5 =	spop (v2sf)  }
0x47: {  	p0 =	slt.s32 s5, $0x780  }
0x48: {  	s5 =	simm.s32 @!p0 $0x780  }
0x49: {  	s6 =	spop (v2sf);
	s4 =	sand.u32 $0xFFFFFFF8, s5  }
0x4a: {  	s6 =	ssub.s32 s6, s4  }
0x4b: {  	p0 =	sgt.s32 s6, $0x7F  }
.Ltmp2:
0x4c: {  	_ = 	snop;
	(pc) =	sbr.rel @p0 .LBB2_19-.Ltmp2, $1  }
0x4d: {  	_ =	sdelay $0x3  }
0x4e: {  	s5 =	sshll.u32 s5, $0x4  }
0x4f: {  	s5 =	sand.u32 $0xFFFFF80, s5  }
0x50: {  	s6 =	simm.s32 $0x0;
	s7 =	simm.s32 $0x1;
	s5 =	sadd.s32 s2, s5  }
0x51: {  	[tilespmem:s26], [sflag:$0x1] =	stream.linear.gather [hbm4b:s5+s6], $0x4000, $0x38;
	[tilespmem:$0x1C400] =	vst v63  }
0x52: {  	_ =	swait.ge [sflag:s7], $0x4000  }
0x53: {  	[sflag:s7] =	ssyncset.done $0x0  }
0x54: {  	[sflag:s7] =	ssyncadd.s32 $0xFFFFC000  }
0x55: {  	_ =	swait.ge [sflag:s29], $0x4000  }
0x56: {  	[sflag:s29] =	ssyncset.done $0x0  }
0x57: {  	s8 =	sand.u32 $0x70, s6;
	[sflag:s29] =	ssyncadd.s32 $0xFFFFC000  }
0x58: {  	v9 =	vld [tilespmem:s8+$0x0];
	_ =	sdelay $0x3  }
0x59: {  	v8 =	vmov s4  }
0x5a: {  	v10 =	vmov s6;
	v9 =	vsub.s32 v9, v8  }
0x5b: {  	v9 =	vperm.xlane v9, v10;
	_ =	sdelay $0x1  }
0x5c: {  	v12 =	vshll.u32 v9, $0x7  }
0x5d: {  	v9 =	vor.u32 v0, v12;
	_ =	sdelay $0x2  }
0x5e: {  	s10 =	simm.s32 $0x4440  }
0x5f: {  	s9 =	simm.s32 $0x1;
	v10 =	vld [tilespmem:s10+$0xFFFFFFC0]  }
0x60: {  	s11 =	sand.u32 $0x70, s9;
	v9 =	vld.idx.msk [tilespmem:v9+s26+$0x0], $0xffff  }
0x61: {  	v11 =	vld [tilespmem:s11+$0x0];
	_ =	sdelay $0x2  }
0x62: {  	v13 =	vor.u32 v1, v12  }
0x63: {  	v9 =	vsub.f32 v10, v9  }
0x64: {  	s24 =	simm.s32 $0x10440;
	v10 =	vsub.s32 v11, v8;
	v11 =	vmov s9  }
0x65: {  	[tilespmem:s24+$0xFFFFFFC0] =	vst v9;
	v9 =	vperm.xlane v10, v11  }
0x66: {  	v10 =	vld [tilespmem:s10+$0xFFFFFFD0]  }
0x67: {  	v11 =	vld.idx.msk [tilespmem:v13+s26+$0x0], $0xffff;
	v9 =	vshll.u32 v9, $0x7  }
0x68: {  	v13 =	vor.u32 v0, v9;
	_ =	sdelay $0x1  }
0x69: {  	v14 =	vor.u32 v2, v12  }
0x6a: {  	s5 =	simm.s32 $0x44C0  }
0x6b: {  	s12 =	simm.s32 $0x2;
	v15 =	vld [tilespmem:s5+$0xFFFFFFC0];
	v10 =	vsub.f32 v10, v11  }
0x6c: {  	s13 =	sand.u32 $0x70, s12;
	v11 =	vld.idx.msk [tilespmem:v13+s26+$0x0], $0xffff  }
0x6d: {  	v13 =	vld [tilespmem:s13+$0x0];
	[tilespmem:s24+$0xFFFFFFD0] =	vst v10  }
0x6e: {  	v10 =	vld.idx.msk [tilespmem:v14+s26+$0x0], $0xffff  }
0x6f: {  	v14 =	vld [tilespmem:s10+$0xFFFFFFE0];
	_ =	sdelay $0x1  }
0x70: {  	v16 =	vor.u32 v1, v9  }
0x71: {  	v11 =	vsub.f32 v15, v11  }
0x72: {  	s4 =	simm.s32 $0x104C0;
	v15 =	vor.u32 v3, v12  }
0x73: {  	v17 =	vmov s12;
	v13 =	vsub.s32 v13, v8;
	v10 =	vsub.f32 v14, v10;
	[tilespmem:s4+$0xFFFFFFC0] =	vst v11  }
0x74: {  	v11 =	vperm.xlane v13, v17;
	v13 =	vld [tilespmem:s5+$0xFFFFFFD0]  }
0x75: {  	v14 =	vld.idx.msk [tilespmem:v16+s26+$0x0], $0xffff;
	[tilespmem:s24+$0xFFFFFFE0] =	vst v10  }
0x76: {  	v10 =	vshll.u32 v11, $0x7;
	v11 =	vld [tilespmem:s10+$0xFFFFFFF0]  }
0x77: {  	v16 =	vor.u32 v0, v10;
	v15 =	vld.idx.msk [tilespmem:v15+s26+$0x0], $0xffff  }
0x78: {  	v17 =	vor.u32 v2, v9  }
0x79: {  	s6 =	simm.s32 $0x4540;
	s8 =	simm.s32 $0x3  }
0x7a: {  	v18 =	vld [tilespmem:s6+$0xFFFFFFC0];
	s7 =	sand.u32 $0x70, s8;
	v13 =	vsub.f32 v13, v14;
	v14 =	vor.u32 v4, v12  }
0x7b: {  	v19 =	vld [tilespmem:s7+$0x0]  }
0x7c: {  	v16 =	vld.idx.msk [tilespmem:v16+s26+$0x0], $0xffff;
	[tilespmem:s4+$0xFFFFFFD0] =	vst v13;
	v11 =	vsub.f32 v11, v15  }
0x7d: {  	v13 =	vld.idx.msk [tilespmem:v17+s26+$0x0], $0xffff  }
0x7e: {  	v15 =	vld [tilespmem:s5+$0xFFFFFFE0];
	[tilespmem:s24+$0xFFFFFFF0] =	vst v11  }
0x7f: {  	v11 =	vld.idx.msk [tilespmem:v14+s26+$0x0], $0xffff  }
0x80: {  	v14 =	vor.u32 v1, v10;
	v17 =	vld [tilespmem:s10+$0x0]  }
0x81: {  	v16 =	vsub.f32 v18, v16  }
0x82: {  	s7 =	simm.s32 $0x10540;
	v18 =	vor.u32 v3, v9  }
0x83: {  	v20 =	vmov s8;
	v19 =	vsub.s32 v19, v8;
	v13 =	vsub.f32 v15, v13;
	[tilespmem:s7+$0xFFFFFFC0] =	vst v16  }
0x84: {  	v15 =	vperm.xlane v19, v20;
	v19 =	vor.u32 v5, v12;
	v16 =	vld [tilespmem:s6+$0xFFFFFFD0]  }
0x85: {  	v14 =	vld.idx.msk [tilespmem:v14+s26+$0x0], $0xffff;
	[tilespmem:s4+$0xFFFFFFE0] =	vst v13;
	v13 =	vsub.f32 v17, v11  }
0x86: {  	v11 =	vshll.u32 v15, $0x7;
	v15 =	vld [tilespmem:s5+$0xFFFFFFF0]  }
0x87: {  	v17 =	vor.u32 v0, v11;
	v18 =	vld.idx.msk [tilespmem:v18+s26+$0x0], $0xffff;
	[tilespmem:s24+$0x0] =	vst v13  }
0x88: {  	v20 =	vor.u32 v2, v10;
	v13 =	vld [tilespmem:s10+$0x10]  }
0x89: {  	s12 =	simm.s32 $0x4;
	s8 =	simm.s32 $0x45C0;
	v19 =	vld.idx.msk [tilespmem:v19+s26+$0x0], $0xffff  }
0x8a: {  	v21 =	vld [tilespmem:s8+$0xFFFFFFC0];
	s9 =	sand.u32 $0x70, s12;
	v14 =	vsub.f32 v16, v14;
	v16 =	vor.u32 v4, v9  }
0x8b: {  	v22 =	vld [tilespmem:s9+$0x0]  }
0x8c: {  	v17 =	vld.idx.msk [tilespmem:v17+s26+$0x0], $0xffff;
	[tilespmem:s7+$0xFFFFFFD0] =	vst v14;
	v14 =	vsub.f32 v15, v18  }
0x8d: {  	v15 =	vor.u32 v6, v12;
	v18 =	vld.idx.msk [tilespmem:v20+s26+$0x0], $0xffff  }
0x8e: {  	v20 =	vld [tilespmem:s6+$0xFFFFFFE0];
	v13 =	vsub.f32 v13, v19;
	[tilespmem:s4+$0xFFFFFFF0] =	vst v14  }
0x8f: {  	v16 =	vld.idx.msk [tilespmem:v16+s26+$0x0], $0xffff  }
0x90: {  	v19 =	vor.u32 v1, v11;
	v23 =	vld [tilespmem:s5+$0x0];
	[tilespmem:s24+$0x10] =	vst v13  }
0x91: {  	v13 =	vsub.f32 v21, v17;
	v21 =	vld [tilespmem:s10+$0x20]  }
0x92: {  	s11 =	simm.s32 $0x4640;
	s9 =	simm.s32 $0x105C0;
	v17 =	vor.u32 v3, v10;
	v15 =	vld.idx.msk [tilespmem:v15+s26+$0x0], $0xffff  }
0x93: {  	v24 =	vmov s12;
	v22 =	vsub.s32 v22, v8;
	v14 =	vld [tilespmem:s11+$0xFFFFFFC0];
	[tilespmem:s9+$0xFFFFFFC0] =	vst v13;
	v13 =	vsub.f32 v20, v18  }
0x94: {  	v18 =	vperm.xlane v22, v24;
	v22 =	vor.u32 v5, v9;
	v20 =	vld [tilespmem:s8+$0xFFFFFFD0]  }
0x95: {  	v19 =	vld.idx.msk [tilespmem:v19+s26+$0x0], $0xffff;
	[tilespmem:s7+$0xFFFFFFE0] =	vst v13;
	v13 =	vsub.f32 v23, v16;
	v16 =	vor.u32 v7, v12  }
0x96: {  	v12 =	vshll.u32 v18, $0x7;
	v18 =	vld [tilespmem:s6+$0xFFFFFFF0]  }
0x97: {  	v17 =	vld.idx.msk [tilespmem:v17+s26+$0x0], $0xffff;
	[tilespmem:s4+$0x0] =	vst v13;
	v13 =	vsub.f32 v21, v15  }
0x98: {  	v23 =	vor.u32 v0, v12;
	v15 =	vld [tilespmem:s5+$0x10]  }
0x99: {  	v63 =	vor.u32 v2, v11;
	v22 =	vld.idx.msk [tilespmem:v22+s26+$0x0], $0xffff;
	[tilespmem:s24+$0x20] =	vst v13  }
0x9a: {  	s12 =	simm.s32 $0x5;
	v13 =	vld.idx.msk [tilespmem:v16+s26+$0x0], $0xffff  }
0x9b: {  	s14 =	sand.u32 $0x70, s12;
	v25 =	vor.u32 v4, v10;
	v16 =	vsub.f32 v20, v19;
	v26 =	vld [tilespmem:s10+$0x30]  }
0x9c: {  	v21 =	vld [tilespmem:s14+$0x0]  }
0x9d: {  	v20 =	vld.idx.msk [tilespmem:v23+s26+$0x0], $0xffff;
	[tilespmem:s9+$0xFFFFFFD0] =	vst v16;
	v16 =	vsub.f32 v18, v17;
	v18 =	vor.u32 v6, v9  }
0x9e: {  	v17 =	vld.idx.msk [tilespmem:v63+s26+$0x0], $0xffff  }
0x9f: {  	v19 =	vld [tilespmem:s8+$0xFFFFFFE0];
	v23 =	vsub.f32 v15, v22;
	[tilespmem:s7+$0xFFFFFFF0] =	vst v16  }
0xa0: {  	v15 =	vld.idx.msk [tilespmem:v25+s26+$0x0], $0xffff;
	v13 =	vsub.f32 v26, v13  }
0xa1: {  	s13 =	simm.s32 $0x6;
	s10 =	simm.s32 $0x4640;
	v22 =	vor.u32 v1, v12;
	v16 =	vld [tilespmem:s6+$0x0];
	[tilespmem:s4+$0x10] =	vst v23  }
.LBB2_3:
0xa2: {  	p0 =	sne.s32 s13, $0x7F;
	v20 =	vsub.f32 v14, v20;
	v18 =	vld.idx.msk [tilespmem:v18+s26+$0x0], $0xffff;
	[tilespmem:s24+$0x30] =	vst v13;
	s24 =	smov.u32 s4;
	s4 =	smov.u32 s7  }
0xa3: {  	s11 =	sadd.s32 $0x80, s11;
	v13 =	vor.u32 v3, v11;
	s7 =	smov.u32 s9;
	s9 =	sadd.s32 $0x80, s9;
	v23 =	vld [tilespmem:s5+$0x20]  }
0xa4: {  	v21 =	vsub.s32 v21, v8;
	v24 =	vmov s12;
	s12 =	smov.u32 s13;
	v14 =	vld [tilespmem:s11+$0xFFFFFFC0];
	[tilespmem:s9+$0xFFFFFFC0] =	vst v20;
	v17 =	vsub.f32 v19, v17  }
0xa5: {  	v19 =	vperm.xlane v21, v24;
	v21 =	vor.u32 v5, v10;
	v20 =	vld [tilespmem:s10+$0xFFFFFFD0]  }
0xa6: {  	v22 =	vld.idx.msk [tilespmem:v22+s26+$0x0], $0xffff;
	[tilespmem:s7+$0xFFFFFFE0] =	vst v17;
	v15 =	vsub.f32 v16, v15;
	v16 =	vor.u32 v7, v9;
	v9 =	vmov v10  }
0xa7: {  	v10 =	vmov v11;
	v11 =	vmov v12;
	v12 =	vshll.u32 v19, $0x7;
	v17 =	vld [tilespmem:s8+$0xFFFFFFF0]  }
0xa8: {  	v19 =	vor.u32 v0, v12;
	v13 =	vld.idx.msk [tilespmem:v13+s26+$0x0], $0xffff;
	[tilespmem:s4+$0x0] =	vst v15;
	v15 =	vsub.f32 v23, v18  }
0xa9: {  	v23 =	vld [tilespmem:s6+$0x10]  }
0xaa: {  	v24 =	vor.u32 v2, v11;
	v25 =	vld.idx.msk [tilespmem:v21+s26+$0x0], $0xffff;
	[tilespmem:s24+$0x20] =	vst v15  }
0xab: {  	v16 =	vld.idx.msk [tilespmem:v16+s26+$0x0], $0xffff  }
0xac: {  	v15 =	vsub.f32 v20, v22;
	v22 =	vor.u32 v4, v10;
	v26 =	vld [tilespmem:s5+$0x30];
	s5 =	smov.u32 s6;
	s6 =	smov.u32 s8;
	s8 =	smov.u32 s10  }
0xad: {  	s14 =	sand.u32 $0x70, s13;
	s10 =	smov.u32 s11;
	v20 =	vld.idx.msk [tilespmem:v19+s26+$0x0], $0xffff  }
.Ltmp3:
0xae: {  	v18 =	vor.u32 v6, v9;
	v13 =	vsub.f32 v17, v13;
	v21 =	vld [tilespmem:s14+$0x0];
	[tilespmem:s9+$0xFFFFFFD0] =	vst v15;
	(pc) =	sbr.rel @p0 .LBB2_3-.Ltmp3, $4  }
0xaf: {  	v17 =	vld.idx.msk [tilespmem:v24+s26+$0x0], $0xffff  }
0xb0: {  	v23 =	vsub.f32 v23, v25;
	v19 =	vld [tilespmem:s8+$0xFFFFFFE0];
	[tilespmem:s7+$0xFFFFFFF0] =	vst v13  }
0xb1: {  	v15 =	vld.idx.msk [tilespmem:v22+s26+$0x0], $0xffff;
	v13 =	vsub.f32 v26, v16  }
0xb2: {  	s13 =	sadd.s32 $0x1, s13;
	v22 =	vor.u32 v1, v12;
	v16 =	vld [tilespmem:s6+$0x0];
	[tilespmem:s4+$0x10] =	vst v23  }
0xb3: {  	v21 =	vsub.s32 v21, v8;
	v23 =	vmov s12  }
0xb4: {  	v21 =	vperm.xlane v21, v23;
	_ =	sdelay $0x1  }
0xb5: {  	v21 =	vshll.u32 v21, $0x7  }
0xb6: {  	v23 =	vor.u32 v0, v21;
	_ =	sdelay $0x2  }
0xb7: {  	s13 =	sadd.s32 $0x80, s11  }
0xb8: {  	v24 =	vld [tilespmem:s13+$0xFFFFFFC0]  }
0xb9: {  	v23 =	vld.idx.msk [tilespmem:v23+s26+$0x0], $0xffff;
	_ =	sdelay $0x2  }
0xba: {  	v14 =	vsub.f32 v14, v20  }
0xbb: {  	s12 =	sadd.s32 $0x80, s9;
	v20 =	vor.u32 v1, v21  }
0xbc: {  	[tilespmem:s12+$0xFFFFFFC0] =	vst v14;
	v14 =	vsub.f32 v24, v23  }
0xbd: {  	s14 =	sadd.s32 $0x80, s12;
	v22 =	vld.idx.msk [tilespmem:v22+s26+$0x0], $0xffff  }
0xbe: {  	v23 =	vld [tilespmem:s10+$0xFFFFFFD0];
	[tilespmem:s14+$0xFFFFFFC0] =	vst v14  }
0xbf: {  	v14 =	vld [tilespmem:s13+$0xFFFFFFD0]  }
0xc0: {  	v20 =	vld.idx.msk [tilespmem:v20+s26+$0x0], $0xffff  }
0xc1: {  	v54 =	vor.u32 v2, v12;
	_ =	sdelay $0x1  }
0xc2: {  	v22 =	vsub.f32 v23, v22;
	v23 =	vor.u32 v2, v21;
	_ =	sdelay $0x1  }
0xc3: {  	[tilespmem:s12+$0xFFFFFFD0] =	vst v22;
	v14 =	vsub.f32 v14, v20  }
0xc4: {  	v20 =	vld.idx.msk [tilespmem:v54+s26+$0x0], $0xffff  }
0xc5: {  	v22 =	vld [tilespmem:s10+$0xFFFFFFE0];
	[tilespmem:s14+$0xFFFFFFD0] =	vst v14  }
0xc6: {  	v14 =	vld.idx.msk [tilespmem:v23+s26+$0x0], $0xffff  }
0xc7: {  	v23 =	vor.u32 v3, v11;
	v55 =	vld [tilespmem:s13+$0xFFFFFFE0]  }
0xc8: {  	v17 =	vsub.f32 v19, v17  }
0xc9: {  	v19 =	vor.u32 v3, v12  }
0xca: {  	[tilespmem:s9+$0xFFFFFFE0] =	vst v17;
	v17 =	vsub.f32 v22, v20  }
0xcb: {  	v20 =	vld [tilespmem:s8+$0xFFFFFFF0];
	v22 =	vor.u32 v3, v21  }
0xcc: {  	[tilespmem:s12+$0xFFFFFFE0] =	vst v17;
	v23 =	vld.idx.msk [tilespmem:v23+s26+$0x0], $0xffff;
	v14 =	vsub.f32 v55, v14  }
0xcd: {  	v17 =	vld [tilespmem:s10+$0xFFFFFFF0]  }
0xce: {  	v19 =	vld.idx.msk [tilespmem:v19+s26+$0x0], $0xffff;
	[tilespmem:s14+$0xFFFFFFE0] =	vst v14  }
0xcf: {  	v14 =	vor.u32 v4, v11;
	v56 =	vld [tilespmem:s13+$0xFFFFFFF0]  }
0xd0: {  	v22 =	vld.idx.msk [tilespmem:v22+s26+$0x0], $0xffff  }
0xd1: {  	v20 =	vsub.f32 v20, v23  }
0xd2: {  	v23 =	vor.u32 v4, v12  }
0xd3: {  	v18 =	vld.idx.msk [tilespmem:v18+s26+$0x0], $0xffff;
	v17 =	vsub.f32 v17, v19;
	v19 =	vor.u32 v4, v21;
	[tilespmem:s9+$0xFFFFFFF0] =	vst v20  }
0xd4: {  	v14 =	vld.idx.msk [tilespmem:v14+s26+$0x0], $0xffff  }
0xd5: {  	[tilespmem:s12+$0xFFFFFFF0] =	vst v17;
	v20 =	vld [tilespmem:s8+$0x0];
	v17 =	vsub.f32 v56, v22  }
0xd6: {  	v57 =	vld [tilespmem:s10+$0x0]  }
0xd7: {  	v22 =	vld.idx.msk [tilespmem:v23+s26+$0x0], $0xffff;
	v23 =	vor.u32 v5, v10;
	[tilespmem:s14+$0xFFFFFFF0] =	vst v17  }
0xd8: {  	v15 =	vsub.f32 v16, v15;
	v16 =	vld.idx.msk [tilespmem:v19+s26+$0x0], $0xffff  }
0xd9: {  	v17 =	vor.u32 v5, v11;
	v19 =	vld [tilespmem:s13+$0x0]  }
0xda: {  	v25 =	vld [tilespmem:s5+$0x20];
	[tilespmem:s7+$0x0] =	vst v15;
	v14 =	vsub.f32 v20, v14  }
0xdb: {  	v15 =	vld [tilespmem:s6+$0x10];
	v20 =	vor.u32 v5, v12  }
0xdc: {  	v23 =	vld.idx.msk [tilespmem:v23+s26+$0x0], $0xffff;
	[tilespmem:s9+$0x0] =	vst v14;
	v14 =	vsub.f32 v57, v22  }
0xdd: {  	v58 =	vor.u32 v5, v21;
	v22 =	vld [tilespmem:s8+$0x10]  }
0xde: {  	v17 =	vld.idx.msk [tilespmem:v17+s26+$0x0], $0xffff;
	[tilespmem:s12+$0x0] =	vst v14;
	v14 =	vsub.f32 v19, v16  }
0xdf: {  	v16 =	vor.u32 v6, v10;
	v19 =	vld [tilespmem:s10+$0x10]  }
0xe0: {  	v18 =	vsub.f32 v25, v18;
	v20 =	vld.idx.msk [tilespmem:v20+s26+$0x0], $0xffff;
	[tilespmem:s14+$0x0] =	vst v14  }
0xe1: {  	v14 =	vsub.f32 v15, v23;
	v15 =	vor.u32 v6, v11;
	v23 =	vld [tilespmem:s13+$0x10]  }
0xe2: {  	[tilespmem:s4+$0x20] =	vst v18;
	v18 =	vld.idx.msk [tilespmem:v58+s26+$0x0], $0xffff  }
0xe3: {  	v59 =	vld [tilespmem:s5+$0x30];
	[tilespmem:s7+$0x10] =	vst v14;
	v14 =	vsub.f32 v22, v17;
	v17 =	vor.u32 v6, v12  }
0xe4: {  	v16 =	vld.idx.msk [tilespmem:v16+s26+$0x0], $0xffff  }
0xe5: {  	v22 =	vld [tilespmem:s6+$0x20];
	[tilespmem:s9+$0x10] =	vst v14;
	v14 =	vsub.f32 v19, v20;
	v19 =	vor.u32 v6, v21  }
0xe6: {  	v15 =	vld.idx.msk [tilespmem:v15+s26+$0x0], $0xffff  }
0xe7: {  	v9 =	vor.u32 v7, v9;
	v20 =	vld [tilespmem:s8+$0x20];
	[tilespmem:s12+$0x10] =	vst v14;
	v14 =	vsub.f32 v23, v18  }
0xe8: {  	v10 =	vor.u32 v7, v10;
	v17 =	vld.idx.msk [tilespmem:v17+s26+$0x0], $0xffff  }
0xe9: {  	v18 =	vld [tilespmem:s10+$0x20];
	[tilespmem:s14+$0x10] =	vst v14  }
0xea: {  	v11 =	vor.u32 v7, v11;
	v14 =	vsub.f32 v22, v16;
	v16 =	vld.idx.msk [tilespmem:v19+s26+$0x0], $0xffff  }
0xeb: {  	v19 =	vld [tilespmem:s13+$0x20]  }
0xec: {  	v9 =	vld.idx.msk [tilespmem:v9+s26+$0x0], $0xffff;
	v12 =	vor.u32 v7, v12;
	[tilespmem:s7+$0x20] =	vst v14;
	v14 =	vsub.f32 v20, v15  }
0xed: {  	v10 =	vld.idx.msk [tilespmem:v10+s26+$0x0], $0xffff  }
0xee: {  	v15 =	vld [tilespmem:s6+$0x30];
	[tilespmem:s9+$0x20] =	vst v14;
	v14 =	vsub.f32 v18, v17;
	v17 =	vor.u32 v7, v21  }
0xef: {  	v11 =	vld.idx.msk [tilespmem:v11+s26+$0x0], $0xffff  }
0xf0: {  	v18 =	vld [tilespmem:s8+$0x30];
	[tilespmem:s12+$0x20] =	vst v14;
	v14 =	vsub.f32 v19, v16  }
0xf1: {  	v12 =	vld.idx.msk [tilespmem:v12+s26+$0x0], $0xffff  }
0xf2: {  	v16 =	vld [tilespmem:s10+$0x30];
	[tilespmem:s14+$0x20] =	vst v14  }
0xf3: {  	v14 =	vld.idx.msk [tilespmem:v17+s26+$0x0], $0xffff  }
0xf4: {  	v17 =	vld [tilespmem:s13+$0x30]  }
0xf5: {  	v9 =	vsub.f32 v59, v9  }
0xf6: {  	[tilespmem:s24+$0x30] =	vst v13;
	v10 =	vsub.f32 v15, v10  }
0xf7: {  	[tilespmem:s4+$0x30] =	vst v9;
	v9 =	vsub.f32 v18, v11  }
0xf8: {  	[tilespmem:s7+$0x30] =	vst v10;
	v10 =	vsub.f32 v16, v12  }
0xf9: {  	[tilespmem:s9+$0x30] =	vst v9;
	v9 =	vsub.f32 v17, v14  }
0xfa: {  	[tilespmem:s12+$0x30] =	vst v10  }
0xfb: {  	[tilespmem:s14+$0x30] =	vst v9  }
0xfc: {  	s12 =	simm.s32 $0x0;
	s13 =	rddreg [dreg:$0x5]  }
0xfd: {  	[hbm4b:s13+s12] =	stream.linear.scatter [tilespmem:s30], [sflag:$0x4], $0x4000, $0x38;
	[tilespmem:$0x1C400] =	vst v63  }
0xfe: {  	s14 =	rddreg [dreg:$0x8]  }
0xff: {  	[tilespmem:s22], [sflag:$0x2] =	stream.linear.gather [hbm4b:s14+s12], $0x4000, $0x38;
	[tilespmem:$0x1C400] =	vst v63  }
0x100: {  	_ =	swait.ge [sflag:s29], $0x4000  }
0x101: {  	[sflag:s29] =	ssyncset.done $0x0  }
0x102: {  	s24 =	sand.u32 $0x70, s12;
	[sflag:s29] =	ssyncadd.s32 $0xFFFFC000  }
0x103: {  	v9 =	vld [tilespmem:s24+$0x80];
	_ =	sdelay $0x4  }
0x104: {  	v10 =	vmov s12;
	v9 =	vsub.s32 v9, v8  }
0x105: {  	v9 =	vperm.xlane v9, v10;
	_ =	sdelay $0x1  }
0x106: {  	v12 =	vshll.u32 v9, $0x7  }
0x107: {  	v9 =	vor.u32 v0, v12;
	_ =	sdelay $0x2  }
0x108: {  	s24 =	simm.s32 $0x0  }
0x109: {  	s6 =	simm.s32 $0x1;
	v10 =	vld [tilespmem:s24+$0x8400]  }
0x10a: {  	s7 =	sand.u32 $0x70, s6;
	v9 =	vld.idx.msk [tilespmem:v9+s26+$0x0], $0xffff  }
0x10b: {  	v11 =	vld [tilespmem:s7+$0x80];
	_ =	sdelay $0x2  }
0x10c: {  	v13 =	vor.u32 v1, v12  }
0x10d: {  	v9 =	vsub.f32 v10, v9  }
0x10e: {  	v10 =	vsub.s32 v11, v8;
	v11 =	vmov s6  }
0x10f: {  	[tilespmem:s24+$0x14400] =	vst v9;
	v9 =	vperm.xlane v10, v11  }
0x110: {  	v10 =	vld [tilespmem:s24+$0x8410]  }
0x111: {  	v11 =	vld.idx.msk [tilespmem:v13+s26+$0x0], $0xffff;
	v9 =	vshll.u32 v9, $0x7  }
0x112: {  	v13 =	vor.u32 v0, v9;
	_ =	sdelay $0x1  }
0x113: {  	s4 =	simm.s32 $0x80;
	v14 =	vor.u32 v2, v12  }
0x114: {  	v16 =	vld [tilespmem:s4+$0x8400]  }
0x115: {  	s8 =	simm.s32 $0x2;
	v15 =	vld [tilespmem:s24+$0x8420];
	v10 =	vsub.f32 v10, v11  }
0x116: {  	s9 =	sand.u32 $0x70, s8;
	v11 =	vld.idx.msk [tilespmem:v13+s26+$0x0], $0xffff  }
0x117: {  	v13 =	vld [tilespmem:s9+$0x80];
	[tilespmem:s24+$0x14410] =	vst v10  }
0x118: {  	v10 =	vld.idx.msk [tilespmem:v14+s26+$0x0], $0xffff;
	_ =	sdelay $0x1  }
0x119: {  	v14 =	vor.u32 v1, v9  }
0x11a: {  	v17 =	vor.u32 v3, v12  }
0x11b: {  	v11 =	vsub.f32 v16, v11  }
0x11c: {  	v13 =	vsub.s32 v13, v8;
	v16 =	vmov s8;
	v10 =	vsub.f32 v15, v10;
	v15 =	vld [tilespmem:s24+$0x8430]  }
0x11d: {  	[tilespmem:s4+$0x14400] =	vst v11;
	v11 =	vperm.xlane v13, v16;
	v13 =	vld [tilespmem:s4+$0x8410]  }
0x11e: {  	v14 =	vld.idx.msk [tilespmem:v14+s26+$0x0], $0xffff;
	[tilespmem:s24+$0x14420] =	vst v10  }
0x11f: {  	v10 =	vshll.u32 v11, $0x7;
	v11 =	vld.idx.msk [tilespmem:v17+s26+$0x0], $0xffff  }
0x120: {  	v16 =	vor.u32 v0, v10  }
0x121: {  	s5 =	simm.s32 $0x100;
	v19 =	vld [tilespmem:s4+$0x8420];
	v17 =	vor.u32 v2, v9  }
0x122: {  	s10 =	simm.s32 $0x3;
	v21 =	vld [tilespmem:s5+$0x8400];
	v20 =	vor.u32 v4, v12  }
0x123: {  	s11 =	sand.u32 $0x70, s10;
	v18 =	vld [tilespmem:s24+$0x8440];
	v13 =	vsub.f32 v13, v14  }
0x124: {  	v11 =	vsub.f32 v15, v11;
	v15 =	vld [tilespmem:s11+$0x80]  }
0x125: {  	v14 =	vld.idx.msk [tilespmem:v16+s26+$0x0], $0xffff;
	[tilespmem:s4+$0x14410] =	vst v13  }
0x126: {  	v13 =	vld.idx.msk [tilespmem:v17+s26+$0x0], $0xffff;
	[tilespmem:s24+$0x14430] =	vst v11  }
0x127: {  	v11 =	vld.idx.msk [tilespmem:v20+s26+$0x0], $0xffff;
	_ =	sdelay $0x1  }
0x128: {  	s12 =	simm.s32 $0x4;
	v16 =	vor.u32 v1, v10  }
0x129: {  	s13 =	sand.u32 $0x70, s12;
	v17 =	vor.u32 v3, v9;
	v14 =	vsub.f32 v21, v14  }
0x12a: {  	v22 =	vmov s10;
	v61 =	vld [tilespmem:s13+$0x80];
	v15 =	vsub.s32 v15, v8;
	v13 =	vsub.f32 v19, v13  }
0x12b: {  	v62 =	vld [tilespmem:s4+$0x8450];
	v15 =	vperm.xlane v15, v22;
	[tilespmem:s5+$0x14400] =	vst v14;
	v11 =	vsub.f32 v18, v11  }
0x12c: {  	v20 =	vor.u32 v5, v12;
	v14 =	vld [tilespmem:s5+$0x8410];
	[tilespmem:s4+$0x14420] =	vst v13  }
0x12d: {  	v16 =	vld.idx.msk [tilespmem:v16+s26+$0x0], $0xffff;
	[tilespmem:s24+$0x14440] =	vst v11;
	v11 =	vshll.u32 v15, $0x7  }
0x12e: {  	v13 =	vld.idx.msk [tilespmem:v17+s26+$0x0], $0xffff;
	v17 =	vor.u32 v0, v11  }
0x12f: {  	v21 =	vld [tilespmem:s24+$0x8450]  }
0x130: {  	v19 =	vld [tilespmem:s4+$0x8430]  }
0x131: {  	s6 =	simm.s32 $0x180;
	v18 =	vor.u32 v2, v10;
	v15 =	vld.idx.msk [tilespmem:v20+s26+$0x0], $0xffff  }
0x132: {  	v60 =	vld [tilespmem:s6+$0x8400]  }
0x133: {  	v23 =	vor.u32 v4, v9;
	v14 =	vsub.f32 v14, v16;
	v17 =	vld.idx.msk [tilespmem:v17+s26+$0x0], $0xffff  }
0x134: {  	v22 =	vld [tilespmem:s5+$0x8420];
	v16 =	vor.u32 v6, v12  }
0x135: {  	v20 =	vld [tilespmem:s4+$0x8440];
	v13 =	vsub.f32 v19, v13;
	[tilespmem:s5+$0x14410] =	vst v14  }
0x136: {  	v14 =	vsub.f32 v21, v15;
	v15 =	vld.idx.msk [tilespmem:v18+s26+$0x0], $0xffff  }
0x137: {  	[tilespmem:s4+$0x14430] =	vst v13;
	v18 =	vld [tilespmem:s24+$0x8460]  }
0x138: {  	v13 =	vld.idx.msk [tilespmem:v23+s26+$0x0], $0xffff;
	[tilespmem:s24+$0x14450] =	vst v14;
	v17 =	vsub.f32 v60, v17  }
0x139: {  	v26 =	vor.u32 v7, v12;
	v14 =	vld.idx.msk [tilespmem:v16+s26+$0x0], $0xffff;
	v16 =	vor.u32 v1, v11  }
0x13a: {  	v63 =	vld [tilespmem:s6+$0x8410];
	v12 =	vsub.s32 v61, v8;
	v19 =	vor.u32 v3, v10;
	[tilespmem:s6+$0x14400] =	vst v17;
	v17 =	vmov s12  }
0x13b: {  	s8 =	simm.s32 $0x5;
	v21 =	vor.u32 v5, v9;
	v23 =	vld [tilespmem:s24+$0x8470];
	v12 =	vperm.xlane v12, v17  }
0x13c: {  	s14 =	sand.u32 $0x70, s8;
	v15 =	vsub.f32 v22, v15;
	v22 =	vld [tilespmem:s5+$0x8430]  }
0x13d: {  	v13 =	vsub.f32 v20, v13;
	v20 =	vld [tilespmem:s14+$0x80];
	v12 =	vshll.u32 v12, $0x7  }
0x13e: {  	v16 =	vld.idx.msk [tilespmem:v16+s26+$0x0], $0xffff;
	[tilespmem:s5+$0x14420] =	vst v15;
	v14 =	vsub.f32 v18, v14;
	v18 =	vor.u32 v0, v12  }
0x13f: {  	v17 =	vld.idx.msk [tilespmem:v19+s26+$0x0], $0xffff;
	[tilespmem:s4+$0x14440] =	vst v13  }
0x140: {  	v13 =	vld.idx.msk [tilespmem:v21+s26+$0x0], $0xffff;
	[tilespmem:s24+$0x14460] =	vst v14  }
0x141: {  	v27 =	vor.u32 v2, v11;
	v26 =	vld.idx.msk [tilespmem:v26+s26+$0x0], $0xffff  }
0x142: {  	v28 =	vor.u32 v4, v10;
	v15 =	vld [tilespmem:s6+$0x8420]  }
0x143: {  	s7 =	simm.s32 $0x200;
	v16 =	vsub.f32 v63, v16;
	v21 =	vld.idx.msk [tilespmem:v18+s26+$0x0], $0xffff;
	v18 =	vor.u32 v6, v9  }
0x144: {  	v19 =	vld [tilespmem:s7+$0x8400];
	v22 =	vsub.f32 v22, v17  }
0x145: {  	v14 =	vld [tilespmem:s5+$0x8440];
	[tilespmem:s6+$0x14410] =	vst v16;
	v24 =	vsub.f32 v62, v13  }
0x146: {  	v17 =	vld.idx.msk [tilespmem:v27+s26+$0x0], $0xffff;
	[tilespmem:s5+$0x14430] =	vst v22;
	v13 =	vsub.f32 v23, v26  }
0x147: {  	s10 =	simm.s32 $0xC00;
	s9 =	simm.s32 $0xA00;
	v16 =	vld.idx.msk [tilespmem:v28+s26+$0x0], $0xffff;
	[tilespmem:s4+$0x14450] =	vst v24  }
.LBB2_5:
0x148: {  	p0 =	sne.s32 s10, $0xFE00;
	v18 =	vld.idx.msk [tilespmem:v18+s26+$0x0], $0xffff;
	[tilespmem:s24+$0x14470] =	vst v13;
	s24 =	smov.u32 s4;
	s4 =	smov.u32 s5  }
0x149: {  	v13 =	vor.u32 v1, v12;
	s5 =	smov.u32 s6;
	s6 =	smov.u32 s7;
	v22 =	vld [tilespmem:s24+$0x8460]  }
0x14a: {  	v23 =	vor.u32 v3, v11;
	v24 =	vld [tilespmem:s24+$0x8470]  }
0x14b: {  	v19 =	vsub.f32 v19, v21;
	v21 =	vor.u32 v5, v10;
	v25 =	vld [tilespmem:s4+$0x8450]  }
0x14c: {  	v26 =	vor.u32 v7, v9;
	v9 =	vmovc v10;
	v10 =	vmovc v11;
	v11 =	vmov v12;
	v15 =	vsub.f32 v15, v17;
	v17 =	vld [tilespmem:s5+$0x8430]  }
0x14d: {  	v12 =	vsub.s32 v20, v8;
	v20 =	vmov s8;
	v14 =	vsub.f32 v14, v16;
	[tilespmem:s6+$0x14400] =	vst v19;
	v27 =	vld [tilespmem:s6+$0x8410]  }
0x14e: {  	v12 =	vperm.xlane v12, v20;
	v13 =	vld.idx.msk [tilespmem:v13+s26+$0x0], $0xffff;
	[tilespmem:s5+$0x14420] =	vst v15;
	v15 =	vsub.f32 v22, v18  }
0x14f: {  	v16 =	vld.idx.msk [tilespmem:v23+s26+$0x0], $0xffff;
	[tilespmem:s4+$0x14440] =	vst v14  }
0x150: {  	v12 =	vshll.u32 v12, $0x7;
	v22 =	vld.idx.msk [tilespmem:v21+s26+$0x0], $0xffff;
	[tilespmem:s24+$0x14460] =	vst v15  }
0x151: {  	v21 =	vor.u32 v0, v12;
	v23 =	vld.idx.msk [tilespmem:v26+s26+$0x0], $0xffff  }
0x152: {  	v26 =	vor.u32 v2, v11;
	v14 =	vld [tilespmem:s5+$0x8440]  }
0x153: {  	s7 =	sshra.s32 s9, $0x2;
	s9 =	smov.u32 s10;
	s8 =	sadd.s32 $0x1, s8;
	v28 =	vor.u32 v4, v10;
	v15 =	vld [tilespmem:s6+$0x8420]  }
.Ltmp4:
0x154: {  	s11 =	sand.u32 $0x70, s8;
	v18 =	vor.u32 v6, v9;
	v13 =	vsub.f32 v27, v13;
	v19 =	vld [tilespmem:s7+$0x8400];
	(pc) =	sbr.rel @p0 .LBB2_5-.Ltmp4, $4  }
0x155: {  	v16 =	vsub.f32 v17, v16;
	v20 =	vld [tilespmem:s11+$0x80]  }
0x156: {  	v22 =	vsub.f32 v25, v22;
	v21 =	vld.idx.msk [tilespmem:v21+s26+$0x0], $0xffff;
	[tilespmem:s6+$0x14410] =	vst v13  }
0x157: {  	v13 =	vsub.f32 v24, v23;
	v17 =	vld.idx.msk [tilespmem:v26+s26+$0x0], $0xffff;
	[tilespmem:s5+$0x14430] =	vst v16  }
0x158: {  	s10 =	sadd.s32 $0x200, s10;
	v16 =	vld.idx.msk [tilespmem:v28+s26+$0x0], $0xffff;
	[tilespmem:s4+$0x14450] =	vst v22  }
0x159: {  	_ = 	snop  }
0x15a: {  	v22 =	vmov s8;
	v20 =	vsub.s32 v20, v8  }
0x15b: {  	v20 =	vperm.xlane v20, v22;
	_ =	sdelay $0x1  }
0x15c: {  	v20 =	vshll.u32 v20, $0x7  }
0x15d: {  	v22 =	vor.u32 v0, v20;
	_ =	sdelay $0x2  }
0x15e: {  	s11 =	sshra.s32 s9, $0x2  }
0x15f: {  	v23 =	vld [tilespmem:s11+$0x8400]  }
0x160: {  	v24 =	vor.u32 v1, v12;
	v22 =	vld.idx.msk [tilespmem:v22+s26+$0x0], $0xffff;
	_ =	sdelay $0x1  }
0x161: {  	v19 =	vsub.f32 v19, v21  }
0x162: {  	v21 =	vor.u32 v1, v20  }
0x163: {  	[tilespmem:s7+$0x14400] =	vst v19;
	v19 =	vld [tilespmem:s7+$0x8410]  }
0x164: {  	v22 =	vsub.f32 v23, v22;
	v23 =	vld.idx.msk [tilespmem:v24+s26+$0x0], $0xffff;
	_ =	sdelay $0x1  }
0x165: {  	[tilespmem:s11+$0x14400] =	vst v22;
	v22 =	vld [tilespmem:s11+$0x8410]  }
0x166: {  	v48 =	vor.u32 v2, v12;
	v21 =	vld.idx.msk [tilespmem:v21+s26+$0x0], $0xffff;
	_ =	sdelay $0x1  }
0x167: {  	v19 =	vsub.f32 v19, v23  }
0x168: {  	v23 =	vor.u32 v2, v20  }
0x169: {  	v25 =	vld [tilespmem:s7+$0x8420];
	[tilespmem:s7+$0x14410] =	vst v19  }
0x16a: {  	v19 =	vsub.f32 v22, v21;
	v21 =	vor.u32 v3, v11;
	v22 =	vld.idx.msk [tilespmem:v48+s26+$0x0], $0xffff;
	_ =	sdelay $0x1  }
0x16b: {  	v49 =	vld [tilespmem:s11+$0x8420];
	v15 =	vsub.f32 v15, v17;
	[tilespmem:s11+$0x14410] =	vst v19  }
0x16c: {  	v17 =	vld.idx.msk [tilespmem:v23+s26+$0x0], $0xffff;
	v23 =	vor.u32 v3, v12  }
0x16d: {  	v50 =	vld [tilespmem:s7+$0x8430];
	[tilespmem:s6+$0x14420] =	vst v15  }
0x16e: {  	v15 =	vld.idx.msk [tilespmem:v21+s26+$0x0], $0xffff;
	v21 =	vsub.f32 v25, v22  }
0x16f: {  	v19 =	vld [tilespmem:s6+$0x8430];
	v22 =	vor.u32 v3, v20  }
0x170: {  	v18 =	vld.idx.msk [tilespmem:v18+s26+$0x0], $0xffff;
	[tilespmem:s7+$0x14420] =	vst v21  }
0x171: {  	v17 =	vsub.f32 v49, v17;
	v23 =	vld.idx.msk [tilespmem:v23+s26+$0x0], $0xffff  }
0x172: {  	v27 =	vld [tilespmem:s5+$0x8450];
	v21 =	vor.u32 v4, v11  }
0x173: {  	v51 =	vld [tilespmem:s11+$0x8430];
	[tilespmem:s11+$0x14420] =	vst v17  }
0x174: {  	v26 =	vor.u32 v4, v12;
	v15 =	vsub.f32 v19, v15;
	v19 =	vld.idx.msk [tilespmem:v22+s26+$0x0], $0xffff  }
0x175: {  	v53 =	vld [tilespmem:s4+$0x8460];
	v14 =	vsub.f32 v14, v16  }
0x176: {  	v22 =	vld [tilespmem:s6+$0x8440];
	[tilespmem:s6+$0x14430] =	vst v15;
	v16 =	vsub.f32 v50, v23  }
0x177: {  	[tilespmem:s5+$0x14440] =	vst v14;
	v15 =	vld.idx.msk [tilespmem:v21+s26+$0x0], $0xffff;
	v21 =	vor.u32 v4, v20  }
0x178: {  	v14 =	vld [tilespmem:s7+$0x8440];
	v17 =	vor.u32 v5, v10;
	[tilespmem:s7+$0x14430] =	vst v16  }
0x179: {  	v16 =	vsub.f32 v51, v19;
	v23 =	vld.idx.msk [tilespmem:v26+s26+$0x0], $0xffff  }
0x17a: {  	v54 =	vld [tilespmem:s7+$0x8450];
	v19 =	vor.u32 v5, v11  }
0x17b: {  	v52 =	vld [tilespmem:s11+$0x8440];
	[tilespmem:s11+$0x14430] =	vst v16  }
0x17c: {  	v15 =	vsub.f32 v22, v15;
	v22 =	vor.u32 v5, v12;
	v16 =	vld.idx.msk [tilespmem:v21+s26+$0x0], $0xffff  }
0x17d: {  	v17 =	vld.idx.msk [tilespmem:v17+s26+$0x0], $0xffff  }
0x17e: {  	v21 =	vld [tilespmem:s6+$0x8450];
	[tilespmem:s6+$0x14440] =	vst v15;
	v14 =	vsub.f32 v14, v23  }
0x17f: {  	v15 =	vld.idx.msk [tilespmem:v19+s26+$0x0], $0xffff;
	v19 =	vor.u32 v5, v20  }
0x180: {  	v9 =	vor.u32 v7, v9;
	v57 =	vld [tilespmem:s6+$0x8460];
	v18 =	vsub.f32 v53, v18;
	[tilespmem:s7+$0x14440] =	vst v14  }
0x181: {  	v23 =	vor.u32 v6, v10;
	v16 =	vsub.f32 v52, v16;
	v22 =	vld.idx.msk [tilespmem:v22+s26+$0x0], $0xffff  }
0x182: {  	v56 =	vld [tilespmem:s11+$0x8450];
	[tilespmem:s4+$0x14460] =	vst v18  }
0x183: {  	v55 =	vor.u32 v6, v11;
	v18 =	vld [tilespmem:s11+$0x8460];
	v17 =	vsub.f32 v27, v17;
	[tilespmem:s11+$0x14440] =	vst v16  }
0x184: {  	v15 =	vsub.f32 v21, v15;
	v16 =	vld.idx.msk [tilespmem:v19+s26+$0x0], $0xffff;
	v19 =	vor.u32 v6, v12  }
0x185: {  	v9 =	vld.idx.msk [tilespmem:v9+s26+$0x0], $0xffff;
	[tilespmem:s5+$0x14450] =	vst v17  }
0x186: {  	v17 =	vld.idx.msk [tilespmem:v23+s26+$0x0], $0xffff;
	[tilespmem:s6+$0x14450] =	vst v15;
	v15 =	vsub.f32 v54, v22  }
0x187: {  	v21 =	vld [tilespmem:s5+$0x8460];
	v22 =	vor.u32 v6, v20  }
0x188: {  	v24 =	vld.idx.msk [tilespmem:v55+s26+$0x0], $0xffff;
	[tilespmem:s7+$0x14450] =	vst v15  }
0x189: {  	v15 =	vsub.f32 v56, v16;
	v16 =	vld.idx.msk [tilespmem:v19+s26+$0x0], $0xffff  }
0x18a: {  	v10 =	vor.u32 v7, v10;
	v19 =	vld [tilespmem:s7+$0x8460]  }
0x18b: {  	v14 =	vld [tilespmem:s4+$0x8470];
	[tilespmem:s11+$0x14450] =	vst v15  }
0x18c: {  	v11 =	vor.u32 v7, v11;
	v15 =	vsub.f32 v21, v17;
	v17 =	vld.idx.msk [tilespmem:v22+s26+$0x0], $0xffff  }
0x18d: {  	v23 =	vld [tilespmem:s5+$0x8470];
	v12 =	vor.u32 v7, v12  }
0x18e: {  	v21 =	vld [tilespmem:s6+$0x8470];
	[tilespmem:s5+$0x14460] =	vst v15;
	v15 =	vsub.f32 v57, v24  }
0x18f: {  	v10 =	vld.idx.msk [tilespmem:v10+s26+$0x0], $0xffff;
	v16 =	vsub.f32 v19, v16;
	v19 =	vor.u32 v7, v20  }
0x190: {  	[tilespmem:s6+$0x14460] =	vst v15;
	v15 =	vld [tilespmem:s7+$0x8470]  }
0x191: {  	v11 =	vld.idx.msk [tilespmem:v11+s26+$0x0], $0xffff;
	[tilespmem:s7+$0x14460] =	vst v16;
	v16 =	vsub.f32 v18, v17  }
0x192: {  	v12 =	vld.idx.msk [tilespmem:v12+s26+$0x0], $0xffff  }
0x193: {  	v17 =	vld [tilespmem:s11+$0x8470];
	[tilespmem:s11+$0x14460] =	vst v16  }
0x194: {  	v16 =	vld.idx.msk [tilespmem:v19+s26+$0x0], $0xffff  }
0x195: {  	v9 =	vsub.f32 v14, v9  }
0x196: {  	[tilespmem:s24+$0x14470] =	vst v13;
	v10 =	vsub.f32 v23, v10  }
0x197: {  	[tilespmem:s4+$0x14470] =	vst v9;
	v9 =	vsub.f32 v21, v11  }
0x198: {  	[tilespmem:s5+$0x14470] =	vst v10;
	v10 =	vsub.f32 v15, v12  }
0x199: {  	[tilespmem:s6+$0x14470] =	vst v9;
	v9 =	vsub.f32 v17, v16  }
0x19a: {  	[tilespmem:s7+$0x14470] =	vst v10  }
0x19b: {  	[tilespmem:s11+$0x14470] =	vst v9  }
0x19c: {  	s12 =	simm.s32 $0x0;
	s13 =	simm.s32 $0x14400;
	s5 =	rddreg [dreg:$0x6]  }
0x19d: {  	[hbm4b:s5+s12] =	stream.linear.scatter [tilespmem:s13], [sflag:$0x4], $0x4000, $0x38;
	[tilespmem:$0x1C400] =	vst v63  }
0x19e: {  	s14 =	rddreg [dreg:$0xa]  }
0x19f: {  	[tilespmem:s23], [sflag:$0x2] =	stream.linear.gather [hbm4b:s14+s12], $0x4000, $0x38;
	[tilespmem:$0x1C400] =	vst v63  }
0x1a0: {  	_ =	swait.ge [sflag:s29], $0x4000  }
0x1a1: {  	[sflag:s29] =	ssyncset.done $0x0  }
0x1a2: {  	s24 =	sand.u32 $0x70, s12;
	[sflag:s29] =	ssyncadd.s32 $0xFFFFC000  }
0x1a3: {  	v9 =	vld [tilespmem:s24+$0x100];
	_ =	sdelay $0x4  }
0x1a4: {  	v10 =	vmov s12;
	v9 =	vsub.s32 v9, v8  }
0x1a5: {  	v9 =	vperm.xlane v9, v10;
	_ =	sdelay $0x1  }
0x1a6: {  	v12 =	vshll.u32 v9, $0x7  }
0x1a7: {  	v9 =	vor.u32 v0, v12;
	_ =	sdelay $0x2  }
0x1a8: {  	s24 =	simm.s32 $0x0  }
0x1a9: {  	s6 =	simm.s32 $0x1;
	v10 =	vld [tilespmem:s24+$0xC400]  }
0x1aa: {  	s7 =	sand.u32 $0x70, s6;
	v9 =	vld.idx.msk [tilespmem:v9+s26+$0x0], $0xffff  }
0x1ab: {  	v11 =	vld [tilespmem:s7+$0x100];
	_ =	sdelay $0x2  }
0x1ac: {  	v13 =	vor.u32 v1, v12  }
0x1ad: {  	v9 =	vsub.f32 v10, v9  }
0x1ae: {  	v10 =	vsub.s32 v11, v8;
	v11 =	vmov s6  }
0x1af: {  	[tilespmem:s24+$0x18400] =	vst v9;
	v9 =	vperm.xlane v10, v11  }
0x1b0: {  	v10 =	vld [tilespmem:s24+$0xC410]  }
0x1b1: {  	v11 =	vld.idx.msk [tilespmem:v13+s26+$0x0], $0xffff;
	v9 =	vshll.u32 v9, $0x7  }
0x1b2: {  	v13 =	vor.u32 v0, v9;
	_ =	sdelay $0x1  }
0x1b3: {  	s4 =	simm.s32 $0x80;
	v14 =	vor.u32 v2, v12  }
0x1b4: {  	v16 =	vld [tilespmem:s4+$0xC400]  }
0x1b5: {  	s8 =	simm.s32 $0x2;
	v15 =	vld [tilespmem:s24+$0xC420];
	v10 =	vsub.f32 v10, v11  }
0x1b6: {  	s9 =	sand.u32 $0x70, s8;
	v11 =	vld.idx.msk [tilespmem:v13+s26+$0x0], $0xffff  }
0x1b7: {  	v13 =	vld [tilespmem:s9+$0x100];
	[tilespmem:s24+$0x18410] =	vst v10  }
0x1b8: {  	v10 =	vld.idx.msk [tilespmem:v14+s26+$0x0], $0xffff;
	_ =	sdelay $0x1  }
0x1b9: {  	v14 =	vor.u32 v1, v9  }
0x1ba: {  	v17 =	vor.u32 v3, v12  }
0x1bb: {  	v11 =	vsub.f32 v16, v11  }
0x1bc: {  	v13 =	vsub.s32 v13, v8;
	v16 =	vmov s8;
	v10 =	vsub.f32 v15, v10;
	v15 =	vld [tilespmem:s24+$0xC430]  }
0x1bd: {  	[tilespmem:s4+$0x18400] =	vst v11;
	v11 =	vperm.xlane v13, v16;
	v13 =	vld [tilespmem:s4+$0xC410]  }
0x1be: {  	v14 =	vld.idx.msk [tilespmem:v14+s26+$0x0], $0xffff;
	[tilespmem:s24+$0x18420] =	vst v10  }
0x1bf: {  	v10 =	vshll.u32 v11, $0x7;
	v11 =	vld.idx.msk [tilespmem:v17+s26+$0x0], $0xffff  }
0x1c0: {  	v16 =	vor.u32 v0, v10  }
0x1c1: {  	s5 =	simm.s32 $0x100;
	v19 =	vld [tilespmem:s4+$0xC420];
	v17 =	vor.u32 v2, v9  }
0x1c2: {  	s10 =	simm.s32 $0x3;
	v21 =	vld [tilespmem:s5+$0xC400];
	v20 =	vor.u32 v4, v12  }
0x1c3: {  	s11 =	sand.u32 $0x70, s10;
	v18 =	vld [tilespmem:s24+$0xC440];
	v13 =	vsub.f32 v13, v14  }
0x1c4: {  	v11 =	vsub.f32 v15, v11;
	v15 =	vld [tilespmem:s11+$0x100]  }
0x1c5: {  	v14 =	vld.idx.msk [tilespmem:v16+s26+$0x0], $0xffff;
	[tilespmem:s4+$0x18410] =	vst v13  }
0x1c6: {  	v13 =	vld.idx.msk [tilespmem:v17+s26+$0x0], $0xffff;
	[tilespmem:s24+$0x18430] =	vst v11  }
0x1c7: {  	v11 =	vld.idx.msk [tilespmem:v20+s26+$0x0], $0xffff;
	_ =	sdelay $0x1  }
0x1c8: {  	s12 =	simm.s32 $0x4;
	v16 =	vor.u32 v1, v10  }
0x1c9: {  	s13 =	sand.u32 $0x70, s12;
	v17 =	vor.u32 v3, v9;
	v14 =	vsub.f32 v21, v14  }
0x1ca: {  	v22 =	vmov s10;
	v59 =	vld [tilespmem:s13+$0x100];
	v15 =	vsub.s32 v15, v8;
	v13 =	vsub.f32 v19, v13  }
0x1cb: {  	v60 =	vld [tilespmem:s4+$0xC450];
	v15 =	vperm.xlane v15, v22;
	[tilespmem:s5+$0x18400] =	vst v14;
	v11 =	vsub.f32 v18, v11  }
0x1cc: {  	v20 =	vor.u32 v5, v12;
	v14 =	vld [tilespmem:s5+$0xC410];
	[tilespmem:s4+$0x18420] =	vst v13  }
0x1cd: {  	v16 =	vld.idx.msk [tilespmem:v16+s26+$0x0], $0xffff;
	[tilespmem:s24+$0x18440] =	vst v11;
	v11 =	vshll.u32 v15, $0x7  }
0x1ce: {  	v13 =	vld.idx.msk [tilespmem:v17+s26+$0x0], $0xffff;
	v17 =	vor.u32 v0, v11  }
0x1cf: {  	v21 =	vld [tilespmem:s24+$0xC450]  }
0x1d0: {  	v19 =	vld [tilespmem:s4+$0xC430]  }
0x1d1: {  	s6 =	simm.s32 $0x180;
	v18 =	vor.u32 v2, v10;
	v15 =	vld.idx.msk [tilespmem:v20+s26+$0x0], $0xffff  }
0x1d2: {  	v58 =	vld [tilespmem:s6+$0xC400]  }
0x1d3: {  	v23 =	vor.u32 v4, v9;
	v14 =	vsub.f32 v14, v16;
	v17 =	vld.idx.msk [tilespmem:v17+s26+$0x0], $0xffff  }
0x1d4: {  	v22 =	vld [tilespmem:s5+$0xC420];
	v16 =	vor.u32 v6, v12  }
0x1d5: {  	v20 =	vld [tilespmem:s4+$0xC440];
	v13 =	vsub.f32 v19, v13;
	[tilespmem:s5+$0x18410] =	vst v14  }
0x1d6: {  	v14 =	vsub.f32 v21, v15;
	v15 =	vld.idx.msk [tilespmem:v18+s26+$0x0], $0xffff  }
0x1d7: {  	[tilespmem:s4+$0x18430] =	vst v13;
	v18 =	vld [tilespmem:s24+$0xC460]  }
0x1d8: {  	v13 =	vld.idx.msk [tilespmem:v23+s26+$0x0], $0xffff;
	[tilespmem:s24+$0x18450] =	vst v14;
	v17 =	vsub.f32 v58, v17  }
0x1d9: {  	v61 =	vor.u32 v7, v12;
	v14 =	vld.idx.msk [tilespmem:v16+s26+$0x0], $0xffff;
	v16 =	vor.u32 v1, v11  }
0x1da: {  	v62 =	vld [tilespmem:s6+$0xC410];
	v12 =	vsub.s32 v59, v8;
	v19 =	vor.u32 v3, v10;
	[tilespmem:s6+$0x18400] =	vst v17;
	v17 =	vmov s12  }
0x1db: {  	s8 =	simm.s32 $0x5;
	v21 =	vor.u32 v5, v9;
	v23 =	vld [tilespmem:s24+$0xC470];
	v12 =	vperm.xlane v12, v17  }
0x1dc: {  	s14 =	sand.u32 $0x70, s8;
	v15 =	vsub.f32 v22, v15;
	v22 =	vld [tilespmem:s5+$0xC430]  }
0x1dd: {  	v13 =	vsub.f32 v20, v13;
	v20 =	vld [tilespmem:s14+$0x100];
	v12 =	vshll.u32 v12, $0x7  }
0x1de: {  	v16 =	vld.idx.msk [tilespmem:v16+s26+$0x0], $0xffff;
	[tilespmem:s5+$0x18420] =	vst v15;
	v14 =	vsub.f32 v18, v14;
	v18 =	vor.u32 v0, v12  }
0x1df: {  	v17 =	vld.idx.msk [tilespmem:v19+s26+$0x0], $0xffff;
	[tilespmem:s4+$0x18440] =	vst v13  }
0x1e0: {  	v13 =	vld.idx.msk [tilespmem:v21+s26+$0x0], $0xffff;
	[tilespmem:s24+$0x18460] =	vst v14  }
0x1e1: {  	v63 =	vor.u32 v2, v11;
	v26 =	vld.idx.msk [tilespmem:v61+s26+$0x0], $0xffff  }
0x1e2: {  	v28 =	vor.u32 v4, v10;
	v15 =	vld [tilespmem:s6+$0xC420]  }
0x1e3: {  	s7 =	simm.s32 $0x200;
	v16 =	vsub.f32 v62, v16;
	v21 =	vld.idx.msk [tilespmem:v18+s26+$0x0], $0xffff;
	v18 =	vor.u32 v6, v9  }
0x1e4: {  	v19 =	vld [tilespmem:s7+$0xC400];
	v22 =	vsub.f32 v22, v17  }
0x1e5: {  	v14 =	vld [tilespmem:s5+$0xC440];
	[tilespmem:s6+$0x18410] =	vst v16;
	v24 =	vsub.f32 v60, v13  }
0x1e6: {  	v17 =	vld.idx.msk [tilespmem:v63+s26+$0x0], $0xffff;
	[tilespmem:s5+$0x18430] =	vst v22;
	v13 =	vsub.f32 v23, v26  }
0x1e7: {  	s10 =	simm.s32 $0xC00;
	s9 =	simm.s32 $0xA00;
	v16 =	vld.idx.msk [tilespmem:v28+s26+$0x0], $0xffff;
	[tilespmem:s4+$0x18450] =	vst v24  }
.LBB2_7:
0x1e8: {  	p0 =	sne.s32 s10, $0xFE00;
	v18 =	vld.idx.msk [tilespmem:v18+s26+$0x0], $0xffff;
	[tilespmem:s24+$0x18470] =	vst v13;
	s24 =	smov.u32 s4;
	s4 =	smov.u32 s5  }
0x1e9: {  	v13 =	vor.u32 v1, v12;
	s5 =	smov.u32 s6;
	s6 =	smov.u32 s7;
	v22 =	vld [tilespmem:s24+$0xC460]  }
0x1ea: {  	v23 =	vor.u32 v3, v11;
	v24 =	vld [tilespmem:s24+$0xC470]  }
0x1eb: {  	v19 =	vsub.f32 v19, v21;
	v21 =	vor.u32 v5, v10;
	v25 =	vld [tilespmem:s4+$0xC450]  }
0x1ec: {  	v26 =	vor.u32 v7, v9;
	v9 =	vmovc v10;
	v10 =	vmovc v11;
	v11 =	vmov v12;
	v15 =	vsub.f32 v15, v17;
	v17 =	vld [tilespmem:s5+$0xC430]  }
0x1ed: {  	v12 =	vsub.s32 v20, v8;
	v20 =	vmov s8;
	v14 =	vsub.f32 v14, v16;
	[tilespmem:s6+$0x18400] =	vst v19;
	v27 =	vld [tilespmem:s6+$0xC410]  }
0x1ee: {  	v12 =	vperm.xlane v12, v20;
	v13 =	vld.idx.msk [tilespmem:v13+s26+$0x0], $0xffff;
	[tilespmem:s5+$0x18420] =	vst v15;
	v15 =	vsub.f32 v22, v18  }
0x1ef: {  	v16 =	vld.idx.msk [tilespmem:v23+s26+$0x0], $0xffff;
	[tilespmem:s4+$0x18440] =	vst v14  }
0x1f0: {  	v12 =	vshll.u32 v12, $0x7;
	v22 =	vld.idx.msk [tilespmem:v21+s26+$0x0], $0xffff;
	[tilespmem:s24+$0x18460] =	vst v15  }
0x1f1: {  	v21 =	vor.u32 v0, v12;
	v23 =	vld.idx.msk [tilespmem:v26+s26+$0x0], $0xffff  }
0x1f2: {  	v26 =	vor.u32 v2, v11;
	v14 =	vld [tilespmem:s5+$0xC440]  }
0x1f3: {  	s7 =	sshra.s32 s9, $0x2;
	s9 =	smov.u32 s10;
	s8 =	sadd.s32 $0x1, s8;
	v28 =	vor.u32 v4, v10;
	v15 =	vld [tilespmem:s6+$0xC420]  }
.Ltmp5:
0x1f4: {  	s11 =	sand.u32 $0x70, s8;
	v18 =	vor.u32 v6, v9;
	v13 =	vsub.f32 v27, v13;
	v19 =	vld [tilespmem:s7+$0xC400];
	(pc) =	sbr.rel @p0 .LBB2_7-.Ltmp5, $4  }
0x1f5: {  	v16 =	vsub.f32 v17, v16;
	v20 =	vld [tilespmem:s11+$0x100]  }
0x1f6: {  	v22 =	vsub.f32 v25, v22;
	v21 =	vld.idx.msk [tilespmem:v21+s26+$0x0], $0xffff;
	[tilespmem:s6+$0x18410] =	vst v13  }
0x1f7: {  	v13 =	vsub.f32 v24, v23;
	v17 =	vld.idx.msk [tilespmem:v26+s26+$0x0], $0xffff;
	[tilespmem:s5+$0x18430] =	vst v16  }
0x1f8: {  	s10 =	sadd.s32 $0x200, s10;
	v16 =	vld.idx.msk [tilespmem:v28+s26+$0x0], $0xffff;
	[tilespmem:s4+$0x18450] =	vst v22  }
0x1f9: {  	_ = 	snop  }
0x1fa: {  	v22 =	vmov s8;
	v20 =	vsub.s32 v20, v8  }
0x1fb: {  	v20 =	vperm.xlane v20, v22;
	_ =	sdelay $0x1  }
0x1fc: {  	v20 =	vshll.u32 v20, $0x7  }
0x1fd: {  	v22 =	vor.u32 v0, v20;
	_ =	sdelay $0x2  }
0x1fe: {  	s11 =	sshra.s32 s9, $0x2  }
0x1ff: {  	v23 =	vld [tilespmem:s11+$0xC400]  }
0x200: {  	v24 =	vor.u32 v1, v12;
	v22 =	vld.idx.msk [tilespmem:v22+s26+$0x0], $0xffff;
	_ =	sdelay $0x1  }
0x201: {  	v19 =	vsub.f32 v19, v21  }
0x202: {  	v21 =	vor.u32 v1, v20  }
0x203: {  	[tilespmem:s7+$0x18400] =	vst v19;
	v19 =	vld [tilespmem:s7+$0xC410]  }
0x204: {  	v22 =	vsub.f32 v23, v22;
	v23 =	vld.idx.msk [tilespmem:v24+s26+$0x0], $0xffff;
	_ =	sdelay $0x1  }
0x205: {  	[tilespmem:s11+$0x18400] =	vst v22;
	v22 =	vld [tilespmem:s11+$0xC410]  }
0x206: {  	v51 =	vor.u32 v2, v12;
	v21 =	vld.idx.msk [tilespmem:v21+s26+$0x0], $0xffff;
	_ =	sdelay $0x1  }
0x207: {  	v19 =	vsub.f32 v19, v23  }
0x208: {  	v23 =	vor.u32 v2, v20  }
0x209: {  	v25 =	vld [tilespmem:s7+$0xC420];
	[tilespmem:s7+$0x18410] =	vst v19  }
0x20a: {  	v19 =	vsub.f32 v22, v21;
	v21 =	vor.u32 v3, v11;
	v22 =	vld.idx.msk [tilespmem:v51+s26+$0x0], $0xffff;
	_ =	sdelay $0x1  }
0x20b: {  	v52 =	vld [tilespmem:s11+$0xC420];
	v15 =	vsub.f32 v15, v17;
	[tilespmem:s11+$0x18410] =	vst v19  }
0x20c: {  	v17 =	vld.idx.msk [tilespmem:v23+s26+$0x0], $0xffff;
	v23 =	vor.u32 v3, v12  }
0x20d: {  	v53 =	vld [tilespmem:s7+$0xC430];
	[tilespmem:s6+$0x18420] =	vst v15  }
0x20e: {  	v15 =	vld.idx.msk [tilespmem:v21+s26+$0x0], $0xffff;
	v21 =	vsub.f32 v25, v22  }
0x20f: {  	v19 =	vld [tilespmem:s6+$0xC430];
	v22 =	vor.u32 v3, v20  }
0x210: {  	v18 =	vld.idx.msk [tilespmem:v18+s26+$0x0], $0xffff;
	[tilespmem:s7+$0x18420] =	vst v21  }
0x211: {  	v17 =	vsub.f32 v52, v17;
	v23 =	vld.idx.msk [tilespmem:v23+s26+$0x0], $0xffff  }
0x212: {  	v27 =	vld [tilespmem:s5+$0xC450];
	v21 =	vor.u32 v4, v11  }
0x213: {  	v54 =	vld [tilespmem:s11+$0xC430];
	[tilespmem:s11+$0x18420] =	vst v17  }
0x214: {  	v26 =	vor.u32 v4, v12;
	v15 =	vsub.f32 v19, v15;
	v19 =	vld.idx.msk [tilespmem:v22+s26+$0x0], $0xffff  }
0x215: {  	v56 =	vld [tilespmem:s4+$0xC460];
	v14 =	vsub.f32 v14, v16  }
0x216: {  	v22 =	vld [tilespmem:s6+$0xC440];
	[tilespmem:s6+$0x18430] =	vst v15;
	v16 =	vsub.f32 v53, v23  }
0x217: {  	[tilespmem:s5+$0x18440] =	vst v14;
	v15 =	vld.idx.msk [tilespmem:v21+s26+$0x0], $0xffff;
	v21 =	vor.u32 v4, v20  }
0x218: {  	v14 =	vld [tilespmem:s7+$0xC440];
	v17 =	vor.u32 v5, v10;
	[tilespmem:s7+$0x18430] =	vst v16  }
0x219: {  	v16 =	vsub.f32 v54, v19;
	v23 =	vld.idx.msk [tilespmem:v26+s26+$0x0], $0xffff  }
0x21a: {  	v57 =	vld [tilespmem:s7+$0xC450];
	v19 =	vor.u32 v5, v11  }
0x21b: {  	v55 =	vld [tilespmem:s11+$0xC440];
	[tilespmem:s11+$0x18430] =	vst v16  }
0x21c: {  	v15 =	vsub.f32 v22, v15;
	v22 =	vor.u32 v5, v12;
	v16 =	vld.idx.msk [tilespmem:v21+s26+$0x0], $0xffff  }
0x21d: {  	v9 =	vor.u32 v7, v9;
	v18 =	vsub.f32 v56, v18;
	v17 =	vld.idx.msk [tilespmem:v17+s26+$0x0], $0xffff  }
0x21e: {  	v21 =	vld [tilespmem:s6+$0xC450];
	[tilespmem:s6+$0x18440] =	vst v15;
	v14 =	vsub.f32 v14, v23  }
0x21f: {  	[tilespmem:s4+$0x18460] =	vst v18;
	v15 =	vld.idx.msk [tilespmem:v19+s26+$0x0], $0xffff;
	v19 =	vor.u32 v5, v20  }
0x220: {  	v18 =	vld [tilespmem:s11+$0xC460];
	v23 =	vor.u32 v6, v10;
	[tilespmem:s7+$0x18440] =	vst v14  }
0x221: {  	v14 =	vsub.f32 v55, v16;
	v22 =	vld.idx.msk [tilespmem:v22+s26+$0x0], $0xffff  }
0x222: {  	v58 =	vor.u32 v6, v11;
	v9 =	vld.idx.msk [tilespmem:v9+s26+$0x0], $0xffff;
	v17 =	vsub.f32 v27, v17  }
0x223: {  	[tilespmem:s11+$0x18440] =	vst v14;
	v14 =	vld [tilespmem:s11+$0xC450]  }
0x224: {  	[tilespmem:s5+$0x18450] =	vst v17;
	v15 =	vsub.f32 v21, v15;
	v21 =	vor.u32 v6, v12;
	v17 =	vld.idx.msk [tilespmem:v19+s26+$0x0], $0xffff  }
0x225: {  	v19 =	vld.idx.msk [tilespmem:v23+s26+$0x0], $0xffff  }
0x226: {  	v23 =	vld [tilespmem:s5+$0xC460];
	[tilespmem:s6+$0x18450] =	vst v15;
	v22 =	vsub.f32 v57, v22  }
0x227: {  	v59 =	vor.u32 v6, v20;
	v24 =	vld.idx.msk [tilespmem:v58+s26+$0x0], $0xffff  }
0x228: {  	[tilespmem:s7+$0x18450] =	vst v22;
	v22 =	vld [tilespmem:s6+$0xC460]  }
0x229: {  	v14 =	vsub.f32 v14, v17;
	v17 =	vld.idx.msk [tilespmem:v21+s26+$0x0], $0xffff  }
0x22a: {  	v10 =	vor.u32 v7, v10;
	v21 =	vld [tilespmem:s7+$0xC460]  }
0x22b: {  	v16 =	vld [tilespmem:s4+$0xC470];
	[tilespmem:s11+$0x18450] =	vst v14  }
0x22c: {  	v11 =	vor.u32 v7, v11;
	v14 =	vsub.f32 v23, v19;
	v19 =	vld.idx.msk [tilespmem:v59+s26+$0x0], $0xffff  }
0x22d: {  	v12 =	vor.u32 v7, v12;
	v15 =	vld [tilespmem:s5+$0xC470]  }
0x22e: {  	[tilespmem:s5+$0x18460] =	vst v14;
	v14 =	vsub.f32 v22, v24;
	v22 =	vld [tilespmem:s6+$0xC470]  }
0x22f: {  	v20 =	vor.u32 v7, v20;
	v10 =	vld.idx.msk [tilespmem:v10+s26+$0x0], $0xffff;
	v17 =	vsub.f32 v21, v17  }
0x230: {  	[tilespmem:s6+$0x18460] =	vst v14;
	v14 =	vld [tilespmem:s7+$0xC470]  }
0x231: {  	v11 =	vld.idx.msk [tilespmem:v11+s26+$0x0], $0xffff;
	[tilespmem:s7+$0x18460] =	vst v17;
	v17 =	vsub.f32 v18, v19  }
0x232: {  	v12 =	vld.idx.msk [tilespmem:v12+s26+$0x0], $0xffff  }
0x233: {  	v18 =	vld [tilespmem:s11+$0xC470];
	[tilespmem:s11+$0x18460] =	vst v17  }
0x234: {  	v17 =	vld.idx.msk [tilespmem:v20+s26+$0x0], $0xffff  }
0x235: {  	v9 =	vsub.f32 v16, v9  }
0x236: {  	[tilespmem:s24+$0x18470] =	vst v13;
	v10 =	vsub.f32 v15, v10  }
0x237: {  	[tilespmem:s4+$0x18470] =	vst v9;
	v9 =	vsub.f32 v22, v11  }
0x238: {  	[tilespmem:s5+$0x18470] =	vst v10;
	v10 =	vsub.f32 v14, v12  }
0x239: {  	[tilespmem:s6+$0x18470] =	vst v9;
	v9 =	vsub.f32 v18, v17  }
0x23a: {  	[tilespmem:s7+$0x18470] =	vst v10  }
0x23b: {  	[tilespmem:s11+$0x18470] =	vst v9  }
0x23c: {  	s12 =	simm.s32 $0x0;
	s13 =	simm.s32 $0x18400;
	s5 =	rddreg [dreg:$0x7]  }
0x23d: {  	[hbm4b:s5+s12] =	stream.linear.scatter [tilespmem:s13], [sflag:$0x4], $0x4000, $0x38;
	[tilespmem:$0x1C400] =	vst v63  }
0x23e: {  	s14 =	rddreg [dreg:$0xc]  }
0x23f: {  	[tilespmem:s20], [sflag:$0x2] =	stream.linear.gather [hbm4b:s14+s12], $0x4000, $0x38;
	[tilespmem:$0x1C400] =	vst v63  }
0x240: {  	_ =	swait.ge [sflag:s29], $0x4000  }
0x241: {  	[sflag:s29] =	ssyncset.done $0x0  }
0x242: {  	[sflag:s29] =	ssyncadd.s32 $0xFFFFC000  }
0x243: {  	_ =	swait.ge [sflag:s1], $0x4000  }
0x244: {  	[sflag:s1] =	ssyncset.done $0x0  }
0x245: {  	s24 =	sand.u32 $0x70, s12;
	[sflag:s1] =	ssyncadd.s32 $0xFFFFC000  }
0x246: {  	v9 =	vld [tilespmem:s24+$0x180];
	_ =	sdelay $0x4  }
0x247: {  	v10 =	vmov s12;
	v9 =	vsub.s32 v9, v8  }
0x248: {  	v9 =	vperm.xlane v9, v10;
	_ =	sdelay $0x1  }
0x249: {  	v12 =	vshll.u32 v9, $0x7  }
0x24a: {  	v9 =	vor.u32 v0, v12;
	_ =	sdelay $0x2  }
0x24b: {  	s10 =	simm.s32 $0x4440  }
0x24c: {  	s6 =	simm.s32 $0x1;
	v10 =	vld [tilespmem:s10+$0xFFFFFFC0]  }
0x24d: {  	s7 =	sand.u32 $0x70, s6;
	v9 =	vld.idx.msk [tilespmem:v9+s26+$0x0], $0xffff  }
0x24e: {  	v11 =	vld [tilespmem:s7+$0x180];
	_ =	sdelay $0x2  }
0x24f: {  	v13 =	vor.u32 v1, v12  }
0x250: {  	v9 =	vsub.f32 v10, v9  }
0x251: {  	s24 =	simm.s32 $0x10440;
	v10 =	vsub.s32 v11, v8;
	v11 =	vmov s6  }
0x252: {  	[tilespmem:s24+$0xFFFFFFC0] =	vst v9;
	v9 =	vperm.xlane v10, v11  }
0x253: {  	v10 =	vld [tilespmem:s10+$0xFFFFFFD0]  }
0x254: {  	v11 =	vld.idx.msk [tilespmem:v13+s26+$0x0], $0xffff;
	v9 =	vshll.u32 v9, $0x7  }
0x255: {  	v13 =	vor.u32 v0, v9;
	_ =	sdelay $0x1  }
0x256: {  	v14 =	vor.u32 v2, v12  }
0x257: {  	s5 =	simm.s32 $0x44C0  }
0x258: {  	s8 =	simm.s32 $0x2;
	v15 =	vld [tilespmem:s5+$0xFFFFFFC0];
	v10 =	vsub.f32 v10, v11  }
0x259: {  	s9 =	sand.u32 $0x70, s8;
	v11 =	vld.idx.msk [tilespmem:v13+s26+$0x0], $0xffff  }
0x25a: {  	v13 =	vld [tilespmem:s9+$0x180];
	[tilespmem:s24+$0xFFFFFFD0] =	vst v10  }
0x25b: {  	v10 =	vld.idx.msk [tilespmem:v14+s26+$0x0], $0xffff  }
0x25c: {  	v14 =	vld [tilespmem:s10+$0xFFFFFFE0];
	_ =	sdelay $0x1  }
0x25d: {  	v16 =	vor.u32 v1, v9  }
0x25e: {  	v11 =	vsub.f32 v15, v11  }
0x25f: {  	s4 =	simm.s32 $0x104C0;
	v15 =	vor.u32 v3, v12  }
0x260: {  	v17 =	vmov s8;
	v13 =	vsub.s32 v13, v8;
	v10 =	vsub.f32 v14, v10;
	[tilespmem:s4+$0xFFFFFFC0] =	vst v11  }
0x261: {  	v11 =	vperm.xlane v13, v17;
	v13 =	vld [tilespmem:s5+$0xFFFFFFD0]  }
0x262: {  	v14 =	vld.idx.msk [tilespmem:v16+s26+$0x0], $0xffff;
	[tilespmem:s24+$0xFFFFFFE0] =	vst v10  }
0x263: {  	v10 =	vshll.u32 v11, $0x7;
	v11 =	vld [tilespmem:s10+$0xFFFFFFF0]  }
0x264: {  	v16 =	vor.u32 v0, v10;
	v15 =	vld.idx.msk [tilespmem:v15+s26+$0x0], $0xffff  }
0x265: {  	s11 =	simm.s32 $0x3;
	v17 =	vor.u32 v2, v9  }
0x266: {  	s12 =	sand.u32 $0x70, s11  }
0x267: {  	v19 =	vld [tilespmem:s12+$0x180];
	s6 =	simm.s32 $0x4540;
	v13 =	vsub.f32 v13, v14;
	v14 =	vor.u32 v4, v12  }
0x268: {  	v18 =	vld [tilespmem:s6+$0xFFFFFFC0]  }
0x269: {  	v16 =	vld.idx.msk [tilespmem:v16+s26+$0x0], $0xffff;
	[tilespmem:s4+$0xFFFFFFD0] =	vst v13;
	v11 =	vsub.f32 v11, v15  }
0x26a: {  	v13 =	vld.idx.msk [tilespmem:v17+s26+$0x0], $0xffff  }
0x26b: {  	v15 =	vld [tilespmem:s5+$0xFFFFFFE0];
	[tilespmem:s24+$0xFFFFFFF0] =	vst v11  }
0x26c: {  	v11 =	vld.idx.msk [tilespmem:v14+s26+$0x0], $0xffff  }
0x26d: {  	v14 =	vor.u32 v1, v10;
	v17 =	vld [tilespmem:s10+$0x0]  }
0x26e: {  	v16 =	vsub.f32 v18, v16  }
0x26f: {  	s7 =	simm.s32 $0x10540;
	v18 =	vor.u32 v3, v9  }
0x270: {  	v20 =	vmov s11;
	v19 =	vsub.s32 v19, v8;
	v13 =	vsub.f32 v15, v13;
	[tilespmem:s7+$0xFFFFFFC0] =	vst v16  }
0x271: {  	v15 =	vperm.xlane v19, v20;
	v19 =	vor.u32 v5, v12;
	v16 =	vld [tilespmem:s6+$0xFFFFFFD0]  }
0x272: {  	v14 =	vld.idx.msk [tilespmem:v14+s26+$0x0], $0xffff;
	[tilespmem:s4+$0xFFFFFFE0] =	vst v13;
	v13 =	vsub.f32 v17, v11  }
0x273: {  	v11 =	vshll.u32 v15, $0x7;
	v15 =	vld [tilespmem:s5+$0xFFFFFFF0]  }
0x274: {  	v17 =	vor.u32 v0, v11;
	v18 =	vld.idx.msk [tilespmem:v18+s26+$0x0], $0xffff;
	[tilespmem:s24+$0x0] =	vst v13  }
0x275: {  	v20 =	vor.u32 v2, v10;
	v13 =	vld [tilespmem:s10+$0x10]  }
0x276: {  	s8 =	simm.s32 $0x45C0;
	s12 =	simm.s32 $0x4;
	v19 =	vld.idx.msk [tilespmem:v19+s26+$0x0], $0xffff  }
0x277: {  	v21 =	vld [tilespmem:s8+$0xFFFFFFC0];
	s13 =	sand.u32 $0x70, s12;
	v14 =	vsub.f32 v16, v14;
	v16 =	vor.u32 v4, v9  }
0x278: {  	v22 =	vld [tilespmem:s13+$0x180]  }
0x279: {  	v17 =	vld.idx.msk [tilespmem:v17+s26+$0x0], $0xffff;
	[tilespmem:s7+$0xFFFFFFD0] =	vst v14;
	v14 =	vsub.f32 v15, v18  }
0x27a: {  	v15 =	vor.u32 v6, v12;
	v18 =	vld.idx.msk [tilespmem:v20+s26+$0x0], $0xffff  }
0x27b: {  	v20 =	vld [tilespmem:s6+$0xFFFFFFE0];
	v13 =	vsub.f32 v13, v19;
	[tilespmem:s4+$0xFFFFFFF0] =	vst v14  }
0x27c: {  	v16 =	vld.idx.msk [tilespmem:v16+s26+$0x0], $0xffff  }
0x27d: {  	v19 =	vor.u32 v1, v11;
	v23 =	vld [tilespmem:s5+$0x0];
	[tilespmem:s24+$0x10] =	vst v13  }
0x27e: {  	v13 =	vsub.f32 v21, v17;
	v21 =	vld [tilespmem:s10+$0x20]  }
0x27f: {  	s11 =	simm.s32 $0x4640;
	s9 =	simm.s32 $0x105C0;
	v17 =	vor.u32 v3, v10;
	v15 =	vld.idx.msk [tilespmem:v15+s26+$0x0], $0xffff  }
0x280: {  	v60 =	vmov s12;
	v22 =	vsub.s32 v22, v8;
	v14 =	vld [tilespmem:s11+$0xFFFFFFC0];
	[tilespmem:s9+$0xFFFFFFC0] =	vst v13;
	v13 =	vsub.f32 v20, v18  }
0x281: {  	v18 =	vperm.xlane v22, v60;
	v22 =	vor.u32 v5, v9;
	v20 =	vld [tilespmem:s8+$0xFFFFFFD0]  }
0x282: {  	v19 =	vld.idx.msk [tilespmem:v19+s26+$0x0], $0xffff;
	[tilespmem:s7+$0xFFFFFFE0] =	vst v13;
	v13 =	vsub.f32 v23, v16;
	v16 =	vor.u32 v7, v12  }
0x283: {  	v12 =	vshll.u32 v18, $0x7;
	v18 =	vld [tilespmem:s6+$0xFFFFFFF0]  }
0x284: {  	v17 =	vld.idx.msk [tilespmem:v17+s26+$0x0], $0xffff;
	[tilespmem:s4+$0x0] =	vst v13;
	v13 =	vsub.f32 v21, v15  }
0x285: {  	v23 =	vor.u32 v0, v12;
	v15 =	vld [tilespmem:s5+$0x10]  }
0x286: {  	v61 =	vor.u32 v2, v11;
	v22 =	vld.idx.msk [tilespmem:v22+s26+$0x0], $0xffff;
	[tilespmem:s24+$0x20] =	vst v13  }
0x287: {  	s12 =	simm.s32 $0x5;
	v13 =	vld.idx.msk [tilespmem:v16+s26+$0x0], $0xffff  }
0x288: {  	s14 =	sand.u32 $0x70, s12;
	v62 =	vor.u32 v4, v10;
	v16 =	vsub.f32 v20, v19;
	v63 =	vld [tilespmem:s10+$0x30]  }
0x289: {  	v21 =	vld [tilespmem:s14+$0x180]  }
0x28a: {  	v20 =	vld.idx.msk [tilespmem:v23+s26+$0x0], $0xffff;
	[tilespmem:s9+$0xFFFFFFD0] =	vst v16;
	v16 =	vsub.f32 v18, v17;
	v18 =	vor.u32 v6, v9  }
0x28b: {  	v17 =	vld.idx.msk [tilespmem:v61+s26+$0x0], $0xffff  }
0x28c: {  	v19 =	vld [tilespmem:s8+$0xFFFFFFE0];
	v23 =	vsub.f32 v15, v22;
	[tilespmem:s7+$0xFFFFFFF0] =	vst v16  }
0x28d: {  	v15 =	vld.idx.msk [tilespmem:v62+s26+$0x0], $0xffff;
	v13 =	vsub.f32 v63, v13  }
0x28e: {  	s13 =	simm.s32 $0x6;
	s10 =	simm.s32 $0x4640;
	v22 =	vor.u32 v1, v12;
	v16 =	vld [tilespmem:s6+$0x0];
	[tilespmem:s4+$0x10] =	vst v23  }
.LBB2_9:
0x28f: {  	p0 =	sne.s32 s13, $0x7F;
	v20 =	vsub.f32 v14, v20;
	v18 =	vld.idx.msk [tilespmem:v18+s26+$0x0], $0xffff;
	[tilespmem:s24+$0x30] =	vst v13;
	s24 =	smov.u32 s4;
	s4 =	smov.u32 s7  }
0x290: {  	s11 =	sadd.s32 $0x80, s11;
	v13 =	vor.u32 v3, v11;
	s7 =	smov.u32 s9;
	s9 =	sadd.s32 $0x80, s9;
	v23 =	vld [tilespmem:s5+$0x20]  }
0x291: {  	v21 =	vsub.s32 v21, v8;
	v24 =	vmov s12;
	s12 =	smov.u32 s13;
	v14 =	vld [tilespmem:s11+$0xFFFFFFC0];
	[tilespmem:s9+$0xFFFFFFC0] =	vst v20;
	v17 =	vsub.f32 v19, v17  }
0x292: {  	v19 =	vperm.xlane v21, v24;
	v21 =	vor.u32 v5, v10;
	v20 =	vld [tilespmem:s10+$0xFFFFFFD0]  }
0x293: {  	v22 =	vld.idx.msk [tilespmem:v22+s26+$0x0], $0xffff;
	[tilespmem:s7+$0xFFFFFFE0] =	vst v17;
	v15 =	vsub.f32 v16, v15;
	v16 =	vor.u32 v7, v9;
	v9 =	vmov v10  }
0x294: {  	v10 =	vmov v11;
	v11 =	vmov v12;
	v12 =	vshll.u32 v19, $0x7;
	v17 =	vld [tilespmem:s8+$0xFFFFFFF0]  }
0x295: {  	v19 =	vor.u32 v0, v12;
	v13 =	vld.idx.msk [tilespmem:v13+s26+$0x0], $0xffff;
	[tilespmem:s4+$0x0] =	vst v15;
	v15 =	vsub.f32 v23, v18  }
0x296: {  	v23 =	vld [tilespmem:s6+$0x10]  }
0x297: {  	v24 =	vor.u32 v2, v11;
	v25 =	vld.idx.msk [tilespmem:v21+s26+$0x0], $0xffff;
	[tilespmem:s24+$0x20] =	vst v15  }
0x298: {  	v16 =	vld.idx.msk [tilespmem:v16+s26+$0x0], $0xffff  }
0x299: {  	v15 =	vsub.f32 v20, v22;
	v22 =	vor.u32 v4, v10;
	v26 =	vld [tilespmem:s5+$0x30];
	s5 =	smov.u32 s6;
	s6 =	smov.u32 s8;
	s8 =	smov.u32 s10  }
0x29a: {  	s14 =	sand.u32 $0x70, s13;
	s10 =	smov.u32 s11;
	v20 =	vld.idx.msk [tilespmem:v19+s26+$0x0], $0xffff  }
.Ltmp6:
0x29b: {  	v18 =	vor.u32 v6, v9;
	v13 =	vsub.f32 v17, v13;
	v21 =	vld [tilespmem:s14+$0x180];
	[tilespmem:s9+$0xFFFFFFD0] =	vst v15;
	(pc) =	sbr.rel @p0 .LBB2_9-.Ltmp6, $4  }
0x29c: {  	v17 =	vld.idx.msk [tilespmem:v24+s26+$0x0], $0xffff  }
0x29d: {  	v23 =	vsub.f32 v23, v25;
	v19 =	vld [tilespmem:s8+$0xFFFFFFE0];
	[tilespmem:s7+$0xFFFFFFF0] =	vst v13  }
0x29e: {  	v15 =	vld.idx.msk [tilespmem:v22+s26+$0x0], $0xffff;
	v13 =	vsub.f32 v26, v16  }
0x29f: {  	s13 =	sadd.s32 $0x1, s13;
	v22 =	vor.u32 v1, v12;
	v16 =	vld [tilespmem:s6+$0x0];
	[tilespmem:s4+$0x10] =	vst v23  }
0x2a0: {  	v21 =	vsub.s32 v21, v8;
	v23 =	vmov s12  }
0x2a1: {  	v21 =	vperm.xlane v21, v23;
	_ =	sdelay $0x1  }
0x2a2: {  	v21 =	vshll.u32 v21, $0x7  }
0x2a3: {  	v23 =	vor.u32 v0, v21;
	_ =	sdelay $0x2  }
0x2a4: {  	s13 =	sadd.s32 $0x80, s11  }
0x2a5: {  	v24 =	vld [tilespmem:s13+$0xFFFFFFC0]  }
0x2a6: {  	v23 =	vld.idx.msk [tilespmem:v23+s26+$0x0], $0xffff;
	_ =	sdelay $0x2  }
0x2a7: {  	v14 =	vsub.f32 v14, v20  }
0x2a8: {  	s12 =	sadd.s32 $0x80, s9;
	v20 =	vor.u32 v1, v21  }
0x2a9: {  	[tilespmem:s12+$0xFFFFFFC0] =	vst v14;
	v14 =	vsub.f32 v24, v23  }
0x2aa: {  	s14 =	sadd.s32 $0x80, s12;
	v22 =	vld.idx.msk [tilespmem:v22+s26+$0x0], $0xffff  }
0x2ab: {  	v23 =	vld [tilespmem:s10+$0xFFFFFFD0];
	[tilespmem:s14+$0xFFFFFFC0] =	vst v14  }
0x2ac: {  	v14 =	vld [tilespmem:s13+$0xFFFFFFD0]  }
0x2ad: {  	v20 =	vld.idx.msk [tilespmem:v20+s26+$0x0], $0xffff  }
0x2ae: {  	v54 =	vor.u32 v2, v12;
	_ =	sdelay $0x1  }
0x2af: {  	v22 =	vsub.f32 v23, v22;
	v23 =	vor.u32 v2, v21;
	_ =	sdelay $0x1  }
0x2b0: {  	[tilespmem:s12+$0xFFFFFFD0] =	vst v22;
	v14 =	vsub.f32 v14, v20  }
0x2b1: {  	v20 =	vld.idx.msk [tilespmem:v54+s26+$0x0], $0xffff  }
0x2b2: {  	v22 =	vld [tilespmem:s10+$0xFFFFFFE0];
	[tilespmem:s14+$0xFFFFFFD0] =	vst v14  }
0x2b3: {  	v14 =	vld.idx.msk [tilespmem:v23+s26+$0x0], $0xffff  }
0x2b4: {  	v23 =	vor.u32 v3, v11;
	v55 =	vld [tilespmem:s13+$0xFFFFFFE0]  }
0x2b5: {  	v17 =	vsub.f32 v19, v17  }
0x2b6: {  	v19 =	vor.u32 v3, v12  }
0x2b7: {  	[tilespmem:s9+$0xFFFFFFE0] =	vst v17;
	v17 =	vsub.f32 v22, v20  }
0x2b8: {  	v20 =	vld [tilespmem:s8+$0xFFFFFFF0];
	v22 =	vor.u32 v3, v21  }
0x2b9: {  	[tilespmem:s12+$0xFFFFFFE0] =	vst v17;
	v23 =	vld.idx.msk [tilespmem:v23+s26+$0x0], $0xffff;
	v14 =	vsub.f32 v55, v14  }
0x2ba: {  	v17 =	vld [tilespmem:s10+$0xFFFFFFF0]  }
0x2bb: {  	v19 =	vld.idx.msk [tilespmem:v19+s26+$0x0], $0xffff;
	[tilespmem:s14+$0xFFFFFFE0] =	vst v14  }
0x2bc: {  	v14 =	vor.u32 v4, v11;
	v56 =	vld [tilespmem:s13+$0xFFFFFFF0]  }
0x2bd: {  	v22 =	vld.idx.msk [tilespmem:v22+s26+$0x0], $0xffff  }
0x2be: {  	v20 =	vsub.f32 v20, v23  }
0x2bf: {  	v23 =	vor.u32 v4, v12  }
0x2c0: {  	v18 =	vld.idx.msk [tilespmem:v18+s26+$0x0], $0xffff;
	v17 =	vsub.f32 v17, v19;
	v19 =	vor.u32 v4, v21;
	[tilespmem:s9+$0xFFFFFFF0] =	vst v20  }
0x2c1: {  	v14 =	vld.idx.msk [tilespmem:v14+s26+$0x0], $0xffff  }
0x2c2: {  	[tilespmem:s12+$0xFFFFFFF0] =	vst v17;
	v20 =	vld [tilespmem:s8+$0x0];
	v17 =	vsub.f32 v56, v22  }
0x2c3: {  	v57 =	vld [tilespmem:s10+$0x0]  }
0x2c4: {  	v22 =	vld.idx.msk [tilespmem:v23+s26+$0x0], $0xffff;
	v23 =	vor.u32 v5, v10;
	[tilespmem:s14+$0xFFFFFFF0] =	vst v17  }
0x2c5: {  	v15 =	vsub.f32 v16, v15;
	v16 =	vld.idx.msk [tilespmem:v19+s26+$0x0], $0xffff  }
0x2c6: {  	v17 =	vor.u32 v5, v11;
	v19 =	vld [tilespmem:s13+$0x0]  }
0x2c7: {  	v25 =	vld [tilespmem:s5+$0x20];
	[tilespmem:s7+$0x0] =	vst v15;
	v14 =	vsub.f32 v20, v14  }
0x2c8: {  	v15 =	vld [tilespmem:s6+$0x10];
	v20 =	vor.u32 v5, v12  }
0x2c9: {  	v23 =	vld.idx.msk [tilespmem:v23+s26+$0x0], $0xffff;
	[tilespmem:s9+$0x0] =	vst v14;
	v14 =	vsub.f32 v57, v22  }
0x2ca: {  	v58 =	vor.u32 v5, v21;
	v22 =	vld [tilespmem:s8+$0x10]  }
0x2cb: {  	v17 =	vld.idx.msk [tilespmem:v17+s26+$0x0], $0xffff;
	[tilespmem:s12+$0x0] =	vst v14;
	v14 =	vsub.f32 v19, v16  }
0x2cc: {  	v16 =	vor.u32 v6, v10;
	v19 =	vld [tilespmem:s10+$0x10]  }
0x2cd: {  	v18 =	vsub.f32 v25, v18;
	v20 =	vld.idx.msk [tilespmem:v20+s26+$0x0], $0xffff;
	[tilespmem:s14+$0x0] =	vst v14  }
0x2ce: {  	v14 =	vsub.f32 v15, v23;
	v15 =	vor.u32 v6, v11;
	v23 =	vld [tilespmem:s13+$0x10]  }
0x2cf: {  	[tilespmem:s4+$0x20] =	vst v18;
	v18 =	vld.idx.msk [tilespmem:v58+s26+$0x0], $0xffff  }
0x2d0: {  	v59 =	vld [tilespmem:s5+$0x30];
	[tilespmem:s7+$0x10] =	vst v14;
	v14 =	vsub.f32 v22, v17;
	v17 =	vor.u32 v6, v12  }
0x2d1: {  	v16 =	vld.idx.msk [tilespmem:v16+s26+$0x0], $0xffff  }
0x2d2: {  	v22 =	vld [tilespmem:s6+$0x20];
	[tilespmem:s9+$0x10] =	vst v14;
	v14 =	vsub.f32 v19, v20;
	v19 =	vor.u32 v6, v21  }
0x2d3: {  	v15 =	vld.idx.msk [tilespmem:v15+s26+$0x0], $0xffff  }
0x2d4: {  	v9 =	vor.u32 v7, v9;
	v20 =	vld [tilespmem:s8+$0x20];
	[tilespmem:s12+$0x10] =	vst v14;
	v14 =	vsub.f32 v23, v18  }
0x2d5: {  	v10 =	vor.u32 v7, v10;
	v17 =	vld.idx.msk [tilespmem:v17+s26+$0x0], $0xffff  }
0x2d6: {  	v18 =	vld [tilespmem:s10+$0x20];
	[tilespmem:s14+$0x10] =	vst v14  }
0x2d7: {  	v11 =	vor.u32 v7, v11;
	v14 =	vsub.f32 v22, v16;
	v16 =	vld.idx.msk [tilespmem:v19+s26+$0x0], $0xffff  }
0x2d8: {  	v19 =	vld [tilespmem:s13+$0x20]  }
0x2d9: {  	v9 =	vld.idx.msk [tilespmem:v9+s26+$0x0], $0xffff;
	v12 =	vor.u32 v7, v12;
	[tilespmem:s7+$0x20] =	vst v14;
	v14 =	vsub.f32 v20, v15  }
0x2da: {  	v10 =	vld.idx.msk [tilespmem:v10+s26+$0x0], $0xffff  }
0x2db: {  	v15 =	vld [tilespmem:s6+$0x30];
	[tilespmem:s9+$0x20] =	vst v14;
	v14 =	vsub.f32 v18, v17;
	v17 =	vor.u32 v7, v21  }
0x2dc: {  	v11 =	vld.idx.msk [tilespmem:v11+s26+$0x0], $0xffff  }
0x2dd: {  	v18 =	vld [tilespmem:s8+$0x30];
	[tilespmem:s12+$0x20] =	vst v14;
	v14 =	vsub.f32 v19, v16  }
0x2de: {  	v12 =	vld.idx.msk [tilespmem:v12+s26+$0x0], $0xffff  }
0x2df: {  	v16 =	vld [tilespmem:s10+$0x30];
	[tilespmem:s14+$0x20] =	vst v14  }
0x2e0: {  	v14 =	vld.idx.msk [tilespmem:v17+s26+$0x0], $0xffff  }
0x2e1: {  	v17 =	vld [tilespmem:s13+$0x30]  }
0x2e2: {  	v9 =	vsub.f32 v59, v9  }
0x2e3: {  	[tilespmem:s24+$0x30] =	vst v13;
	v10 =	vsub.f32 v15, v10  }
0x2e4: {  	[tilespmem:s4+$0x30] =	vst v9;
	v9 =	vsub.f32 v18, v11  }
0x2e5: {  	[tilespmem:s7+$0x30] =	vst v10;
	v10 =	vsub.f32 v16, v12  }
0x2e6: {  	[tilespmem:s9+$0x30] =	vst v9;
	v9 =	vsub.f32 v17, v14  }
0x2e7: {  	[tilespmem:s12+$0x30] =	vst v10  }
0x2e8: {  	[tilespmem:s14+$0x30] =	vst v9  }
0x2e9: {  	s12 =	simm.s32 $0x0;
	s13 =	rddreg [dreg:$0x9]  }
0x2ea: {  	[hbm4b:s13+s12] =	stream.linear.scatter [tilespmem:s30], [sflag:$0x4], $0x4000, $0x38;
	[tilespmem:$0x1C400] =	vst v63  }
0x2eb: {  	s14 =	rddreg [dreg:$0xe]  }
0x2ec: {  	[tilespmem:s22], [sflag:$0x2] =	stream.linear.gather [hbm4b:s14+s12], $0x4000, $0x38;
	[tilespmem:$0x1C400] =	vst v63  }
0x2ed: {  	_ =	swait.ge [sflag:s29], $0x4000  }
0x2ee: {  	[sflag:s29] =	ssyncset.done $0x0  }
0x2ef: {  	[sflag:s29] =	ssyncadd.s32 $0xFFFFC000  }
0x2f0: {  	_ =	swait.ge [sflag:s1], $0x4000  }
0x2f1: {  	[sflag:s1] =	ssyncset.done $0x0  }
0x2f2: {  	s24 =	sand.u32 $0x70, s12;
	[sflag:s1] =	ssyncadd.s32 $0xFFFFC000  }
0x2f3: {  	v9 =	vld [tilespmem:s24+$0x200];
	_ =	sdelay $0x4  }
0x2f4: {  	v10 =	vmov s12;
	v9 =	vsub.s32 v9, v8  }
0x2f5: {  	v9 =	vperm.xlane v9, v10;
	_ =	sdelay $0x1  }
0x2f6: {  	v12 =	vshll.u32 v9, $0x7  }
0x2f7: {  	v9 =	vor.u32 v0, v12;
	_ =	sdelay $0x2  }
0x2f8: {  	s24 =	simm.s32 $0x0  }
0x2f9: {  	s6 =	simm.s32 $0x1;
	v10 =	vld [tilespmem:s24+$0x8400]  }
0x2fa: {  	s7 =	sand.u32 $0x70, s6;
	v9 =	vld.idx.msk [tilespmem:v9+s26+$0x0], $0xffff  }
0x2fb: {  	v11 =	vld [tilespmem:s7+$0x200];
	_ =	sdelay $0x2  }
0x2fc: {  	v13 =	vor.u32 v1, v12  }
0x2fd: {  	v9 =	vsub.f32 v10, v9  }
0x2fe: {  	v10 =	vsub.s32 v11, v8;
	v11 =	vmov s6  }
0x2ff: {  	[tilespmem:s24+$0x14400] =	vst v9;
	v9 =	vperm.xlane v10, v11  }
0x300: {  	v10 =	vld [tilespmem:s24+$0x8410]  }
0x301: {  	v11 =	vld.idx.msk [tilespmem:v13+s26+$0x0], $0xffff;
	v9 =	vshll.u32 v9, $0x7  }
0x302: {  	v13 =	vor.u32 v0, v9;
	_ =	sdelay $0x1  }
0x303: {  	s4 =	simm.s32 $0x80;
	v14 =	vor.u32 v2, v12  }
0x304: {  	v16 =	vld [tilespmem:s4+$0x8400]  }
0x305: {  	s8 =	simm.s32 $0x2;
	v15 =	vld [tilespmem:s24+$0x8420];
	v10 =	vsub.f32 v10, v11  }
0x306: {  	s9 =	sand.u32 $0x70, s8;
	v11 =	vld.idx.msk [tilespmem:v13+s26+$0x0], $0xffff  }
0x307: {  	v13 =	vld [tilespmem:s9+$0x200];
	[tilespmem:s24+$0x14410] =	vst v10  }
0x308: {  	v10 =	vld.idx.msk [tilespmem:v14+s26+$0x0], $0xffff;
	_ =	sdelay $0x1  }
0x309: {  	v14 =	vor.u32 v1, v9  }
0x30a: {  	v17 =	vor.u32 v3, v12  }
0x30b: {  	v11 =	vsub.f32 v16, v11  }
0x30c: {  	v13 =	vsub.s32 v13, v8;
	v16 =	vmov s8;
	v10 =	vsub.f32 v15, v10;
	v15 =	vld [tilespmem:s24+$0x8430]  }
0x30d: {  	[tilespmem:s4+$0x14400] =	vst v11;
	v11 =	vperm.xlane v13, v16;
	v13 =	vld [tilespmem:s4+$0x8410]  }
0x30e: {  	v14 =	vld.idx.msk [tilespmem:v14+s26+$0x0], $0xffff;
	[tilespmem:s24+$0x14420] =	vst v10  }
0x30f: {  	v10 =	vshll.u32 v11, $0x7;
	v11 =	vld.idx.msk [tilespmem:v17+s26+$0x0], $0xffff  }
0x310: {  	v16 =	vor.u32 v0, v10  }
0x311: {  	s5 =	simm.s32 $0x100;
	v19 =	vld [tilespmem:s4+$0x8420];
	v17 =	vor.u32 v2, v9  }
0x312: {  	s10 =	simm.s32 $0x3;
	v21 =	vld [tilespmem:s5+$0x8400];
	v20 =	vor.u32 v4, v12  }
0x313: {  	s11 =	sand.u32 $0x70, s10;
	v18 =	vld [tilespmem:s24+$0x8440];
	v13 =	vsub.f32 v13, v14  }
0x314: {  	v11 =	vsub.f32 v15, v11;
	v15 =	vld [tilespmem:s11+$0x200]  }
0x315: {  	v14 =	vld.idx.msk [tilespmem:v16+s26+$0x0], $0xffff;
	[tilespmem:s4+$0x14410] =	vst v13  }
0x316: {  	v13 =	vld.idx.msk [tilespmem:v17+s26+$0x0], $0xffff;
	[tilespmem:s24+$0x14430] =	vst v11  }
0x317: {  	v11 =	vld.idx.msk [tilespmem:v20+s26+$0x0], $0xffff;
	_ =	sdelay $0x1  }
0x318: {  	s12 =	simm.s32 $0x4;
	v16 =	vor.u32 v1, v10  }
0x319: {  	s13 =	sand.u32 $0x70, s12;
	v17 =	vor.u32 v3, v9;
	v14 =	vsub.f32 v21, v14  }
0x31a: {  	v22 =	vmov s10;
	v61 =	vld [tilespmem:s13+$0x200];
	v15 =	vsub.s32 v15, v8;
	v13 =	vsub.f32 v19, v13  }
0x31b: {  	v62 =	vld [tilespmem:s4+$0x8450];
	v15 =	vperm.xlane v15, v22;
	[tilespmem:s5+$0x14400] =	vst v14;
	v11 =	vsub.f32 v18, v11  }
0x31c: {  	v20 =	vor.u32 v5, v12;
	v14 =	vld [tilespmem:s5+$0x8410];
	[tilespmem:s4+$0x14420] =	vst v13  }
0x31d: {  	v16 =	vld.idx.msk [tilespmem:v16+s26+$0x0], $0xffff;
	[tilespmem:s24+$0x14440] =	vst v11;
	v11 =	vshll.u32 v15, $0x7  }
0x31e: {  	v13 =	vld.idx.msk [tilespmem:v17+s26+$0x0], $0xffff;
	v17 =	vor.u32 v0, v11  }
0x31f: {  	v21 =	vld [tilespmem:s24+$0x8450]  }
0x320: {  	v19 =	vld [tilespmem:s4+$0x8430]  }
0x321: {  	s6 =	simm.s32 $0x180;
	v18 =	vor.u32 v2, v10;
	v15 =	vld.idx.msk [tilespmem:v20+s26+$0x0], $0xffff  }
0x322: {  	v60 =	vld [tilespmem:s6+$0x8400]  }
0x323: {  	v23 =	vor.u32 v4, v9;
	v14 =	vsub.f32 v14, v16;
	v17 =	vld.idx.msk [tilespmem:v17+s26+$0x0], $0xffff  }
0x324: {  	v22 =	vld [tilespmem:s5+$0x8420];
	v16 =	vor.u32 v6, v12  }
0x325: {  	v20 =	vld [tilespmem:s4+$0x8440];
	v13 =	vsub.f32 v19, v13;
	[tilespmem:s5+$0x14410] =	vst v14  }
0x326: {  	v14 =	vsub.f32 v21, v15;
	v15 =	vld.idx.msk [tilespmem:v18+s26+$0x0], $0xffff  }
0x327: {  	[tilespmem:s4+$0x14430] =	vst v13;
	v18 =	vld [tilespmem:s24+$0x8460]  }
0x328: {  	v13 =	vld.idx.msk [tilespmem:v23+s26+$0x0], $0xffff;
	[tilespmem:s24+$0x14450] =	vst v14;
	v17 =	vsub.f32 v60, v17  }
0x329: {  	v26 =	vor.u32 v7, v12;
	v14 =	vld.idx.msk [tilespmem:v16+s26+$0x0], $0xffff;
	v16 =	vor.u32 v1, v11  }
0x32a: {  	v63 =	vld [tilespmem:s6+$0x8410];
	v12 =	vsub.s32 v61, v8;
	v19 =	vor.u32 v3, v10;
	[tilespmem:s6+$0x14400] =	vst v17;
	v17 =	vmov s12  }
0x32b: {  	s8 =	simm.s32 $0x5;
	v21 =	vor.u32 v5, v9;
	v23 =	vld [tilespmem:s24+$0x8470];
	v12 =	vperm.xlane v12, v17  }
0x32c: {  	s14 =	sand.u32 $0x70, s8;
	v15 =	vsub.f32 v22, v15;
	v22 =	vld [tilespmem:s5+$0x8430]  }
0x32d: {  	v13 =	vsub.f32 v20, v13;
	v20 =	vld [tilespmem:s14+$0x200];
	v12 =	vshll.u32 v12, $0x7  }
0x32e: {  	v16 =	vld.idx.msk [tilespmem:v16+s26+$0x0], $0xffff;
	[tilespmem:s5+$0x14420] =	vst v15;
	v14 =	vsub.f32 v18, v14;
	v18 =	vor.u32 v0, v12  }
0x32f: {  	v17 =	vld.idx.msk [tilespmem:v19+s26+$0x0], $0xffff;
	[tilespmem:s4+$0x14440] =	vst v13  }
0x330: {  	v13 =	vld.idx.msk [tilespmem:v21+s26+$0x0], $0xffff;
	[tilespmem:s24+$0x14460] =	vst v14  }
0x331: {  	v27 =	vor.u32 v2, v11;
	v26 =	vld.idx.msk [tilespmem:v26+s26+$0x0], $0xffff  }
0x332: {  	v28 =	vor.u32 v4, v10;
	v15 =	vld [tilespmem:s6+$0x8420]  }
0x333: {  	s7 =	simm.s32 $0x200;
	v16 =	vsub.f32 v63, v16;
	v21 =	vld.idx.msk [tilespmem:v18+s26+$0x0], $0xffff;
	v18 =	vor.u32 v6, v9  }
0x334: {  	v19 =	vld [tilespmem:s7+$0x8400];
	v22 =	vsub.f32 v22, v17  }
0x335: {  	v14 =	vld [tilespmem:s5+$0x8440];
	[tilespmem:s6+$0x14410] =	vst v16;
	v24 =	vsub.f32 v62, v13  }
0x336: {  	v17 =	vld.idx.msk [tilespmem:v27+s26+$0x0], $0xffff;
	[tilespmem:s5+$0x14430] =	vst v22;
	v13 =	vsub.f32 v23, v26  }
0x337: {  	s10 =	simm.s32 $0xC00;
	s9 =	simm.s32 $0xA00;
	v16 =	vld.idx.msk [tilespmem:v28+s26+$0x0], $0xffff;
	[tilespmem:s4+$0x14450] =	vst v24  }
.LBB2_11:
0x338: {  	p0 =	sne.s32 s10, $0xFE00;
	v18 =	vld.idx.msk [tilespmem:v18+s26+$0x0], $0xffff;
	[tilespmem:s24+$0x14470] =	vst v13;
	s24 =	smov.u32 s4;
	s4 =	smov.u32 s5  }
0x339: {  	v13 =	vor.u32 v1, v12;
	s5 =	smov.u32 s6;
	s6 =	smov.u32 s7;
	v22 =	vld [tilespmem:s24+$0x8460]  }
0x33a: {  	v23 =	vor.u32 v3, v11;
	v24 =	vld [tilespmem:s24+$0x8470]  }
0x33b: {  	v19 =	vsub.f32 v19, v21;
	v21 =	vor.u32 v5, v10;
	v25 =	vld [tilespmem:s4+$0x8450]  }
0x33c: {  	v26 =	vor.u32 v7, v9;
	v9 =	vmovc v10;
	v10 =	vmovc v11;
	v11 =	vmov v12;
	v15 =	vsub.f32 v15, v17;
	v17 =	vld [tilespmem:s5+$0x8430]  }
0x33d: {  	v12 =	vsub.s32 v20, v8;
	v20 =	vmov s8;
	v14 =	vsub.f32 v14, v16;
	[tilespmem:s6+$0x14400] =	vst v19;
	v27 =	vld [tilespmem:s6+$0x8410]  }
0x33e: {  	v12 =	vperm.xlane v12, v20;
	v13 =	vld.idx.msk [tilespmem:v13+s26+$0x0], $0xffff;
	[tilespmem:s5+$0x14420] =	vst v15;
	v15 =	vsub.f32 v22, v18  }
0x33f: {  	v16 =	vld.idx.msk [tilespmem:v23+s26+$0x0], $0xffff;
	[tilespmem:s4+$0x14440] =	vst v14  }
0x340: {  	v12 =	vshll.u32 v12, $0x7;
	v22 =	vld.idx.msk [tilespmem:v21+s26+$0x0], $0xffff;
	[tilespmem:s24+$0x14460] =	vst v15  }
0x341: {  	v21 =	vor.u32 v0, v12;
	v23 =	vld.idx.msk [tilespmem:v26+s26+$0x0], $0xffff  }
0x342: {  	v26 =	vor.u32 v2, v11;
	v14 =	vld [tilespmem:s5+$0x8440]  }
0x343: {  	s7 =	sshra.s32 s9, $0x2;
	s9 =	smov.u32 s10;
	s8 =	sadd.s32 $0x1, s8;
	v28 =	vor.u32 v4, v10;
	v15 =	vld [tilespmem:s6+$0x8420]  }
.Ltmp7:
0x344: {  	s11 =	sand.u32 $0x70, s8;
	v18 =	vor.u32 v6, v9;
	v13 =	vsub.f32 v27, v13;
	v19 =	vld [tilespmem:s7+$0x8400];
	(pc) =	sbr.rel @p0 .LBB2_11-.Ltmp7, $4  }
0x345: {  	v16 =	vsub.f32 v17, v16;
	v20 =	vld [tilespmem:s11+$0x200]  }
0x346: {  	v22 =	vsub.f32 v25, v22;
	v21 =	vld.idx.msk [tilespmem:v21+s26+$0x0], $0xffff;
	[tilespmem:s6+$0x14410] =	vst v13  }
0x347: {  	v13 =	vsub.f32 v24, v23;
	v17 =	vld.idx.msk [tilespmem:v26+s26+$0x0], $0xffff;
	[tilespmem:s5+$0x14430] =	vst v16  }
0x348: {  	s10 =	sadd.s32 $0x200, s10;
	v16 =	vld.idx.msk [tilespmem:v28+s26+$0x0], $0xffff;
	[tilespmem:s4+$0x14450] =	vst v22  }
0x349: {  	_ = 	snop  }
0x34a: {  	v22 =	vmov s8;
	v20 =	vsub.s32 v20, v8  }
0x34b: {  	v20 =	vperm.xlane v20, v22;
	_ =	sdelay $0x1  }
0x34c: {  	v20 =	vshll.u32 v20, $0x7  }
0x34d: {  	v22 =	vor.u32 v0, v20;
	_ =	sdelay $0x2  }
0x34e: {  	s11 =	sshra.s32 s9, $0x2  }
0x34f: {  	v23 =	vld [tilespmem:s11+$0x8400]  }
0x350: {  	v24 =	vor.u32 v1, v12;
	v22 =	vld.idx.msk [tilespmem:v22+s26+$0x0], $0xffff;
	_ =	sdelay $0x1  }
0x351: {  	v19 =	vsub.f32 v19, v21  }
0x352: {  	v21 =	vor.u32 v1, v20  }
0x353: {  	[tilespmem:s7+$0x14400] =	vst v19;
	v19 =	vld [tilespmem:s7+$0x8410]  }
0x354: {  	v22 =	vsub.f32 v23, v22;
	v23 =	vld.idx.msk [tilespmem:v24+s26+$0x0], $0xffff;
	_ =	sdelay $0x1  }
0x355: {  	[tilespmem:s11+$0x14400] =	vst v22;
	v22 =	vld [tilespmem:s11+$0x8410]  }
0x356: {  	v48 =	vor.u32 v2, v12;
	v21 =	vld.idx.msk [tilespmem:v21+s26+$0x0], $0xffff;
	_ =	sdelay $0x1  }
0x357: {  	v19 =	vsub.f32 v19, v23  }
0x358: {  	v23 =	vor.u32 v2, v20  }
0x359: {  	v25 =	vld [tilespmem:s7+$0x8420];
	[tilespmem:s7+$0x14410] =	vst v19  }
0x35a: {  	v19 =	vsub.f32 v22, v21;
	v21 =	vor.u32 v3, v11;
	v22 =	vld.idx.msk [tilespmem:v48+s26+$0x0], $0xffff;
	_ =	sdelay $0x1  }
0x35b: {  	v49 =	vld [tilespmem:s11+$0x8420];
	v15 =	vsub.f32 v15, v17;
	[tilespmem:s11+$0x14410] =	vst v19  }
0x35c: {  	v17 =	vld.idx.msk [tilespmem:v23+s26+$0x0], $0xffff;
	v23 =	vor.u32 v3, v12  }
0x35d: {  	v50 =	vld [tilespmem:s7+$0x8430];
	[tilespmem:s6+$0x14420] =	vst v15  }
0x35e: {  	v15 =	vld.idx.msk [tilespmem:v21+s26+$0x0], $0xffff;
	v21 =	vsub.f32 v25, v22  }
0x35f: {  	v19 =	vld [tilespmem:s6+$0x8430];
	v22 =	vor.u32 v3, v20  }
0x360: {  	v18 =	vld.idx.msk [tilespmem:v18+s26+$0x0], $0xffff;
	[tilespmem:s7+$0x14420] =	vst v21  }
0x361: {  	v17 =	vsub.f32 v49, v17;
	v23 =	vld.idx.msk [tilespmem:v23+s26+$0x0], $0xffff  }
0x362: {  	v27 =	vld [tilespmem:s5+$0x8450];
	v21 =	vor.u32 v4, v11  }
0x363: {  	v51 =	vld [tilespmem:s11+$0x8430];
	[tilespmem:s11+$0x14420] =	vst v17  }
0x364: {  	v26 =	vor.u32 v4, v12;
	v15 =	vsub.f32 v19, v15;
	v19 =	vld.idx.msk [tilespmem:v22+s26+$0x0], $0xffff  }
0x365: {  	v53 =	vld [tilespmem:s4+$0x8460];
	v14 =	vsub.f32 v14, v16  }
0x366: {  	v22 =	vld [tilespmem:s6+$0x8440];
	[tilespmem:s6+$0x14430] =	vst v15;
	v16 =	vsub.f32 v50, v23  }
0x367: {  	[tilespmem:s5+$0x14440] =	vst v14;
	v15 =	vld.idx.msk [tilespmem:v21+s26+$0x0], $0xffff;
	v21 =	vor.u32 v4, v20  }
0x368: {  	v14 =	vld [tilespmem:s7+$0x8440];
	v17 =	vor.u32 v5, v10;
	[tilespmem:s7+$0x14430] =	vst v16  }
0x369: {  	v16 =	vsub.f32 v51, v19;
	v23 =	vld.idx.msk [tilespmem:v26+s26+$0x0], $0xffff  }
0x36a: {  	v54 =	vld [tilespmem:s7+$0x8450];
	v19 =	vor.u32 v5, v11  }
0x36b: {  	v52 =	vld [tilespmem:s11+$0x8440];
	[tilespmem:s11+$0x14430] =	vst v16  }
0x36c: {  	v15 =	vsub.f32 v22, v15;
	v22 =	vor.u32 v5, v12;
	v16 =	vld.idx.msk [tilespmem:v21+s26+$0x0], $0xffff  }
0x36d: {  	v17 =	vld.idx.msk [tilespmem:v17+s26+$0x0], $0xffff  }
0x36e: {  	v21 =	vld [tilespmem:s6+$0x8450];
	[tilespmem:s6+$0x14440] =	vst v15;
	v14 =	vsub.f32 v14, v23  }
0x36f: {  	v15 =	vld.idx.msk [tilespmem:v19+s26+$0x0], $0xffff;
	v19 =	vor.u32 v5, v20  }
0x370: {  	v9 =	vor.u32 v7, v9;
	v57 =	vld [tilespmem:s6+$0x8460];
	v18 =	vsub.f32 v53, v18;
	[tilespmem:s7+$0x14440] =	vst v14  }
0x371: {  	v23 =	vor.u32 v6, v10;
	v16 =	vsub.f32 v52, v16;
	v22 =	vld.idx.msk [tilespmem:v22+s26+$0x0], $0xffff  }
0x372: {  	v56 =	vld [tilespmem:s11+$0x8450];
	[tilespmem:s4+$0x14460] =	vst v18  }
0x373: {  	v55 =	vor.u32 v6, v11;
	v18 =	vld [tilespmem:s11+$0x8460];
	v17 =	vsub.f32 v27, v17;
	[tilespmem:s11+$0x14440] =	vst v16  }
0x374: {  	v15 =	vsub.f32 v21, v15;
	v16 =	vld.idx.msk [tilespmem:v19+s26+$0x0], $0xffff;
	v19 =	vor.u32 v6, v12  }
0x375: {  	v9 =	vld.idx.msk [tilespmem:v9+s26+$0x0], $0xffff;
	[tilespmem:s5+$0x14450] =	vst v17  }
0x376: {  	v17 =	vld.idx.msk [tilespmem:v23+s26+$0x0], $0xffff;
	[tilespmem:s6+$0x14450] =	vst v15;
	v15 =	vsub.f32 v54, v22  }
0x377: {  	v21 =	vld [tilespmem:s5+$0x8460];
	v22 =	vor.u32 v6, v20  }
0x378: {  	v24 =	vld.idx.msk [tilespmem:v55+s26+$0x0], $0xffff;
	[tilespmem:s7+$0x14450] =	vst v15  }
0x379: {  	v15 =	vsub.f32 v56, v16;
	v16 =	vld.idx.msk [tilespmem:v19+s26+$0x0], $0xffff  }
0x37a: {  	v10 =	vor.u32 v7, v10;
	v19 =	vld [tilespmem:s7+$0x8460]  }
0x37b: {  	v14 =	vld [tilespmem:s4+$0x8470];
	[tilespmem:s11+$0x14450] =	vst v15  }
0x37c: {  	v11 =	vor.u32 v7, v11;
	v15 =	vsub.f32 v21, v17;
	v17 =	vld.idx.msk [tilespmem:v22+s26+$0x0], $0xffff  }
0x37d: {  	v23 =	vld [tilespmem:s5+$0x8470];
	v12 =	vor.u32 v7, v12  }
0x37e: {  	v21 =	vld [tilespmem:s6+$0x8470];
	[tilespmem:s5+$0x14460] =	vst v15;
	v15 =	vsub.f32 v57, v24  }
0x37f: {  	v10 =	vld.idx.msk [tilespmem:v10+s26+$0x0], $0xffff;
	v16 =	vsub.f32 v19, v16;
	v19 =	vor.u32 v7, v20  }
0x380: {  	[tilespmem:s6+$0x14460] =	vst v15;
	v15 =	vld [tilespmem:s7+$0x8470]  }
0x381: {  	v11 =	vld.idx.msk [tilespmem:v11+s26+$0x0], $0xffff;
	[tilespmem:s7+$0x14460] =	vst v16;
	v16 =	vsub.f32 v18, v17  }
0x382: {  	v12 =	vld.idx.msk [tilespmem:v12+s26+$0x0], $0xffff  }
0x383: {  	v17 =	vld [tilespmem:s11+$0x8470];
	[tilespmem:s11+$0x14460] =	vst v16  }
0x384: {  	v16 =	vld.idx.msk [tilespmem:v19+s26+$0x0], $0xffff  }
0x385: {  	v9 =	vsub.f32 v14, v9  }
0x386: {  	[tilespmem:s24+$0x14470] =	vst v13;
	v10 =	vsub.f32 v23, v10  }
0x387: {  	[tilespmem:s4+$0x14470] =	vst v9;
	v9 =	vsub.f32 v21, v11  }
0x388: {  	[tilespmem:s5+$0x14470] =	vst v10;
	v10 =	vsub.f32 v15, v12  }
0x389: {  	[tilespmem:s6+$0x14470] =	vst v9;
	v9 =	vsub.f32 v17, v16  }
0x38a: {  	[tilespmem:s7+$0x14470] =	vst v10  }
0x38b: {  	[tilespmem:s11+$0x14470] =	vst v9  }
0x38c: {  	s12 =	simm.s32 $0x0;
	s13 =	simm.s32 $0x14400;
	s5 =	rddreg [dreg:$0xb]  }
0x38d: {  	[hbm4b:s5+s12] =	stream.linear.scatter [tilespmem:s13], [sflag:$0x4], $0x4000, $0x38;
	[tilespmem:$0x1C400] =	vst v63  }
0x38e: {  	s14 =	rddreg [dreg:$0xf]  }
0x38f: {  	[tilespmem:s23], [sflag:$0x2] =	stream.linear.gather [hbm4b:s14+s12], $0x4000, $0x38;
	[tilespmem:$0x1C400] =	vst v63  }
0x390: {  	_ =	swait.ge [sflag:s29], $0x4000  }
0x391: {  	[sflag:s29] =	ssyncset.done $0x0  }
0x392: {  	[sflag:s29] =	ssyncadd.s32 $0xFFFFC000  }
0x393: {  	_ =	swait.ge [sflag:s1], $0x4000  }
0x394: {  	[sflag:s1] =	ssyncset.done $0x0  }
0x395: {  	s24 =	sand.u32 $0x70, s12;
	[sflag:s1] =	ssyncadd.s32 $0xFFFFC000  }
0x396: {  	v9 =	vld [tilespmem:s24+$0x280];
	_ =	sdelay $0x4  }
0x397: {  	v10 =	vmov s12;
	v9 =	vsub.s32 v9, v8  }
0x398: {  	v9 =	vperm.xlane v9, v10;
	_ =	sdelay $0x1  }
0x399: {  	v12 =	vshll.u32 v9, $0x7  }
0x39a: {  	v9 =	vor.u32 v0, v12;
	_ =	sdelay $0x2  }
0x39b: {  	s24 =	simm.s32 $0x0  }
0x39c: {  	s6 =	simm.s32 $0x1;
	v10 =	vld [tilespmem:s24+$0xC400]  }
0x39d: {  	s7 =	sand.u32 $0x70, s6;
	v9 =	vld.idx.msk [tilespmem:v9+s26+$0x0], $0xffff  }
0x39e: {  	v11 =	vld [tilespmem:s7+$0x280];
	_ =	sdelay $0x2  }
0x39f: {  	v13 =	vor.u32 v1, v12  }
0x3a0: {  	v9 =	vsub.f32 v10, v9  }
0x3a1: {  	v10 =	vsub.s32 v11, v8;
	v11 =	vmov s6  }
0x3a2: {  	[tilespmem:s24+$0x18400] =	vst v9;
	v9 =	vperm.xlane v10, v11  }
0x3a3: {  	v10 =	vld [tilespmem:s24+$0xC410]  }
0x3a4: {  	v11 =	vld.idx.msk [tilespmem:v13+s26+$0x0], $0xffff;
	v9 =	vshll.u32 v9, $0x7  }
0x3a5: {  	v13 =	vor.u32 v0, v9;
	_ =	sdelay $0x1  }
0x3a6: {  	s4 =	simm.s32 $0x80;
	v14 =	vor.u32 v2, v12  }
0x3a7: {  	v16 =	vld [tilespmem:s4+$0xC400]  }
0x3a8: {  	s8 =	simm.s32 $0x2;
	v15 =	vld [tilespmem:s24+$0xC420];
	v10 =	vsub.f32 v10, v11  }
0x3a9: {  	s9 =	sand.u32 $0x70, s8;
	v11 =	vld.idx.msk [tilespmem:v13+s26+$0x0], $0xffff  }
0x3aa: {  	v13 =	vld [tilespmem:s9+$0x280];
	[tilespmem:s24+$0x18410] =	vst v10  }
0x3ab: {  	v10 =	vld.idx.msk [tilespmem:v14+s26+$0x0], $0xffff;
	_ =	sdelay $0x1  }
0x3ac: {  	v14 =	vor.u32 v1, v9  }
0x3ad: {  	v17 =	vor.u32 v3, v12  }
0x3ae: {  	v11 =	vsub.f32 v16, v11  }
0x3af: {  	v13 =	vsub.s32 v13, v8;
	v16 =	vmov s8;
	v10 =	vsub.f32 v15, v10;
	v15 =	vld [tilespmem:s24+$0xC430]  }
0x3b0: {  	[tilespmem:s4+$0x18400] =	vst v11;
	v11 =	vperm.xlane v13, v16;
	v13 =	vld [tilespmem:s4+$0xC410]  }
0x3b1: {  	v14 =	vld.idx.msk [tilespmem:v14+s26+$0x0], $0xffff;
	[tilespmem:s24+$0x18420] =	vst v10  }
0x3b2: {  	v10 =	vshll.u32 v11, $0x7;
	v11 =	vld.idx.msk [tilespmem:v17+s26+$0x0], $0xffff  }
0x3b3: {  	v16 =	vor.u32 v0, v10  }
0x3b4: {  	s5 =	simm.s32 $0x100;
	v19 =	vld [tilespmem:s4+$0xC420];
	v17 =	vor.u32 v2, v9  }
0x3b5: {  	s10 =	simm.s32 $0x3;
	v21 =	vld [tilespmem:s5+$0xC400];
	v20 =	vor.u32 v4, v12  }
0x3b6: {  	s11 =	sand.u32 $0x70, s10;
	v18 =	vld [tilespmem:s24+$0xC440];
	v13 =	vsub.f32 v13, v14  }
0x3b7: {  	v11 =	vsub.f32 v15, v11;
	v15 =	vld [tilespmem:s11+$0x280]  }
0x3b8: {  	v14 =	vld.idx.msk [tilespmem:v16+s26+$0x0], $0xffff;
	[tilespmem:s4+$0x18410] =	vst v13  }
0x3b9: {  	v13 =	vld.idx.msk [tilespmem:v17+s26+$0x0], $0xffff;
	[tilespmem:s24+$0x18430] =	vst v11  }
0x3ba: {  	v11 =	vld.idx.msk [tilespmem:v20+s26+$0x0], $0xffff;
	_ =	sdelay $0x1  }
0x3bb: {  	s12 =	simm.s32 $0x4;
	v16 =	vor.u32 v1, v10  }
0x3bc: {  	s13 =	sand.u32 $0x70, s12;
	v17 =	vor.u32 v3, v9;
	v14 =	vsub.f32 v21, v14  }
0x3bd: {  	v22 =	vmov s10;
	v59 =	vld [tilespmem:s13+$0x280];
	v15 =	vsub.s32 v15, v8;
	v13 =	vsub.f32 v19, v13  }
0x3be: {  	v60 =	vld [tilespmem:s4+$0xC450];
	v15 =	vperm.xlane v15, v22;
	[tilespmem:s5+$0x18400] =	vst v14;
	v11 =	vsub.f32 v18, v11  }
0x3bf: {  	v20 =	vor.u32 v5, v12;
	v14 =	vld [tilespmem:s5+$0xC410];
	[tilespmem:s4+$0x18420] =	vst v13  }
0x3c0: {  	v16 =	vld.idx.msk [tilespmem:v16+s26+$0x0], $0xffff;
	[tilespmem:s24+$0x18440] =	vst v11;
	v11 =	vshll.u32 v15, $0x7  }
0x3c1: {  	v13 =	vld.idx.msk [tilespmem:v17+s26+$0x0], $0xffff;
	v17 =	vor.u32 v0, v11  }
0x3c2: {  	v21 =	vld [tilespmem:s24+$0xC450]  }
0x3c3: {  	v19 =	vld [tilespmem:s4+$0xC430]  }
0x3c4: {  	s6 =	simm.s32 $0x180;
	v18 =	vor.u32 v2, v10;
	v15 =	vld.idx.msk [tilespmem:v20+s26+$0x0], $0xffff  }
0x3c5: {  	v58 =	vld [tilespmem:s6+$0xC400]  }
0x3c6: {  	v23 =	vor.u32 v4, v9;
	v14 =	vsub.f32 v14, v16;
	v17 =	vld.idx.msk [tilespmem:v17+s26+$0x0], $0xffff  }
0x3c7: {  	v22 =	vld [tilespmem:s5+$0xC420];
	v16 =	vor.u32 v6, v12  }
0x3c8: {  	v20 =	vld [tilespmem:s4+$0xC440];
	v13 =	vsub.f32 v19, v13;
	[tilespmem:s5+$0x18410] =	vst v14  }
0x3c9: {  	v14 =	vsub.f32 v21, v15;
	v15 =	vld.idx.msk [tilespmem:v18+s26+$0x0], $0xffff  }
0x3ca: {  	[tilespmem:s4+$0x18430] =	vst v13;
	v18 =	vld [tilespmem:s24+$0xC460]  }
0x3cb: {  	v13 =	vld.idx.msk [tilespmem:v23+s26+$0x0], $0xffff;
	[tilespmem:s24+$0x18450] =	vst v14;
	v17 =	vsub.f32 v58, v17  }
0x3cc: {  	v61 =	vor.u32 v7, v12;
	v14 =	vld.idx.msk [tilespmem:v16+s26+$0x0], $0xffff;
	v16 =	vor.u32 v1, v11  }
0x3cd: {  	v62 =	vld [tilespmem:s6+$0xC410];
	v12 =	vsub.s32 v59, v8;
	v19 =	vor.u32 v3, v10;
	[tilespmem:s6+$0x18400] =	vst v17;
	v17 =	vmov s12  }
0x3ce: {  	s8 =	simm.s32 $0x5;
	v21 =	vor.u32 v5, v9;
	v23 =	vld [tilespmem:s24+$0xC470];
	v12 =	vperm.xlane v12, v17  }
0x3cf: {  	s14 =	sand.u32 $0x70, s8;
	v15 =	vsub.f32 v22, v15;
	v22 =	vld [tilespmem:s5+$0xC430]  }
0x3d0: {  	v13 =	vsub.f32 v20, v13;
	v20 =	vld [tilespmem:s14+$0x280];
	v12 =	vshll.u32 v12, $0x7  }
0x3d1: {  	v16 =	vld.idx.msk [tilespmem:v16+s26+$0x0], $0xffff;
	[tilespmem:s5+$0x18420] =	vst v15;
	v14 =	vsub.f32 v18, v14;
	v18 =	vor.u32 v0, v12  }
0x3d2: {  	v17 =	vld.idx.msk [tilespmem:v19+s26+$0x0], $0xffff;
	[tilespmem:s4+$0x18440] =	vst v13  }
0x3d3: {  	v13 =	vld.idx.msk [tilespmem:v21+s26+$0x0], $0xffff;
	[tilespmem:s24+$0x18460] =	vst v14  }
0x3d4: {  	v63 =	vor.u32 v2, v11;
	v26 =	vld.idx.msk [tilespmem:v61+s26+$0x0], $0xffff  }
0x3d5: {  	v28 =	vor.u32 v4, v10;
	v15 =	vld [tilespmem:s6+$0xC420]  }
0x3d6: {  	s7 =	simm.s32 $0x200;
	v16 =	vsub.f32 v62, v16;
	v21 =	vld.idx.msk [tilespmem:v18+s26+$0x0], $0xffff;
	v18 =	vor.u32 v6, v9  }
0x3d7: {  	v19 =	vld [tilespmem:s7+$0xC400];
	v22 =	vsub.f32 v22, v17  }
0x3d8: {  	v14 =	vld [tilespmem:s5+$0xC440];
	[tilespmem:s6+$0x18410] =	vst v16;
	v24 =	vsub.f32 v60, v13  }
0x3d9: {  	v17 =	vld.idx.msk [tilespmem:v63+s26+$0x0], $0xffff;
	[tilespmem:s5+$0x18430] =	vst v22;
	v13 =	vsub.f32 v23, v26  }
0x3da: {  	s10 =	simm.s32 $0xC00;
	s9 =	simm.s32 $0xA00;
	v16 =	vld.idx.msk [tilespmem:v28+s26+$0x0], $0xffff;
	[tilespmem:s4+$0x18450] =	vst v24  }
.LBB2_13:
0x3db: {  	p0 =	sne.s32 s10, $0xFE00;
	v18 =	vld.idx.msk [tilespmem:v18+s26+$0x0], $0xffff;
	[tilespmem:s24+$0x18470] =	vst v13;
	s24 =	smov.u32 s4;
	s4 =	smov.u32 s5  }
0x3dc: {  	v13 =	vor.u32 v1, v12;
	s5 =	smov.u32 s6;
	s6 =	smov.u32 s7;
	v22 =	vld [tilespmem:s24+$0xC460]  }
0x3dd: {  	v23 =	vor.u32 v3, v11;
	v24 =	vld [tilespmem:s24+$0xC470]  }
0x3de: {  	v19 =	vsub.f32 v19, v21;
	v21 =	vor.u32 v5, v10;
	v25 =	vld [tilespmem:s4+$0xC450]  }
0x3df: {  	v26 =	vor.u32 v7, v9;
	v9 =	vmovc v10;
	v10 =	vmovc v11;
	v11 =	vmov v12;
	v15 =	vsub.f32 v15, v17;
	v17 =	vld [tilespmem:s5+$0xC430]  }
0x3e0: {  	v12 =	vsub.s32 v20, v8;
	v20 =	vmov s8;
	v14 =	vsub.f32 v14, v16;
	[tilespmem:s6+$0x18400] =	vst v19;
	v27 =	vld [tilespmem:s6+$0xC410]  }
0x3e1: {  	v12 =	vperm.xlane v12, v20;
	v13 =	vld.idx.msk [tilespmem:v13+s26+$0x0], $0xffff;
	[tilespmem:s5+$0x18420] =	vst v15;
	v15 =	vsub.f32 v22, v18  }
0x3e2: {  	v16 =	vld.idx.msk [tilespmem:v23+s26+$0x0], $0xffff;
	[tilespmem:s4+$0x18440] =	vst v14  }
0x3e3: {  	v12 =	vshll.u32 v12, $0x7;
	v22 =	vld.idx.msk [tilespmem:v21+s26+$0x0], $0xffff;
	[tilespmem:s24+$0x18460] =	vst v15  }
0x3e4: {  	v21 =	vor.u32 v0, v12;
	v23 =	vld.idx.msk [tilespmem:v26+s26+$0x0], $0xffff  }
0x3e5: {  	v26 =	vor.u32 v2, v11;
	v14 =	vld [tilespmem:s5+$0xC440]  }
0x3e6: {  	s7 =	sshra.s32 s9, $0x2;
	s9 =	smov.u32 s10;
	s8 =	sadd.s32 $0x1, s8;
	v28 =	vor.u32 v4, v10;
	v15 =	vld [tilespmem:s6+$0xC420]  }
.Ltmp8:
0x3e7: {  	s11 =	sand.u32 $0x70, s8;
	v18 =	vor.u32 v6, v9;
	v13 =	vsub.f32 v27, v13;
	v19 =	vld [tilespmem:s7+$0xC400];
	(pc) =	sbr.rel @p0 .LBB2_13-.Ltmp8, $4  }
0x3e8: {  	v16 =	vsub.f32 v17, v16;
	v20 =	vld [tilespmem:s11+$0x280]  }
0x3e9: {  	v22 =	vsub.f32 v25, v22;
	v21 =	vld.idx.msk [tilespmem:v21+s26+$0x0], $0xffff;
	[tilespmem:s6+$0x18410] =	vst v13  }
0x3ea: {  	v13 =	vsub.f32 v24, v23;
	v17 =	vld.idx.msk [tilespmem:v26+s26+$0x0], $0xffff;
	[tilespmem:s5+$0x18430] =	vst v16  }
0x3eb: {  	s10 =	sadd.s32 $0x200, s10;
	v16 =	vld.idx.msk [tilespmem:v28+s26+$0x0], $0xffff;
	[tilespmem:s4+$0x18450] =	vst v22  }
0x3ec: {  	_ = 	snop  }
0x3ed: {  	v22 =	vmov s8;
	v20 =	vsub.s32 v20, v8  }
0x3ee: {  	v20 =	vperm.xlane v20, v22;
	_ =	sdelay $0x1  }
0x3ef: {  	v20 =	vshll.u32 v20, $0x7  }
0x3f0: {  	v22 =	vor.u32 v0, v20;
	_ =	sdelay $0x2  }
0x3f1: {  	s12 =	sshra.s32 s9, $0x2  }
0x3f2: {  	v23 =	vld [tilespmem:s12+$0xC400]  }
0x3f3: {  	v24 =	vor.u32 v1, v12;
	v22 =	vld.idx.msk [tilespmem:v22+s26+$0x0], $0xffff;
	_ =	sdelay $0x1  }
0x3f4: {  	v19 =	vsub.f32 v19, v21  }
0x3f5: {  	v21 =	vor.u32 v1, v20  }
0x3f6: {  	[tilespmem:s7+$0x18400] =	vst v19;
	v19 =	vld [tilespmem:s7+$0xC410]  }
0x3f7: {  	v22 =	vsub.f32 v23, v22;
	v23 =	vld.idx.msk [tilespmem:v24+s26+$0x0], $0xffff;
	_ =	sdelay $0x1  }
0x3f8: {  	[tilespmem:s12+$0x18400] =	vst v22;
	v22 =	vld [tilespmem:s12+$0xC410]  }
0x3f9: {  	v51 =	vor.u32 v2, v12;
	v21 =	vld.idx.msk [tilespmem:v21+s26+$0x0], $0xffff;
	_ =	sdelay $0x1  }
0x3fa: {  	v19 =	vsub.f32 v19, v23  }
0x3fb: {  	v23 =	vor.u32 v2, v20  }
0x3fc: {  	v25 =	vld [tilespmem:s7+$0xC420];
	[tilespmem:s7+$0x18410] =	vst v19  }
0x3fd: {  	v19 =	vsub.f32 v22, v21;
	v21 =	vor.u32 v3, v11;
	v22 =	vld.idx.msk [tilespmem:v51+s26+$0x0], $0xffff;
	_ =	sdelay $0x1  }
0x3fe: {  	v52 =	vld [tilespmem:s12+$0xC420];
	v15 =	vsub.f32 v15, v17;
	[tilespmem:s12+$0x18410] =	vst v19  }
0x3ff: {  	v17 =	vld.idx.msk [tilespmem:v23+s26+$0x0], $0xffff;
	v23 =	vor.u32 v3, v12  }
0x400: {  	v53 =	vld [tilespmem:s7+$0xC430];
	[tilespmem:s6+$0x18420] =	vst v15  }
0x401: {  	v15 =	vld.idx.msk [tilespmem:v21+s26+$0x0], $0xffff;
	v21 =	vsub.f32 v25, v22  }
0x402: {  	v19 =	vld [tilespmem:s6+$0xC430];
	v22 =	vor.u32 v3, v20  }
0x403: {  	v18 =	vld.idx.msk [tilespmem:v18+s26+$0x0], $0xffff;
	[tilespmem:s7+$0x18420] =	vst v21  }
0x404: {  	v17 =	vsub.f32 v52, v17;
	v23 =	vld.idx.msk [tilespmem:v23+s26+$0x0], $0xffff  }
0x405: {  	v27 =	vld [tilespmem:s5+$0xC450];
	v21 =	vor.u32 v4, v11  }
0x406: {  	v54 =	vld [tilespmem:s12+$0xC430];
	[tilespmem:s12+$0x18420] =	vst v17  }
0x407: {  	v26 =	vor.u32 v4, v12;
	v15 =	vsub.f32 v19, v15;
	v19 =	vld.idx.msk [tilespmem:v22+s26+$0x0], $0xffff  }
0x408: {  	v56 =	vld [tilespmem:s4+$0xC460];
	v14 =	vsub.f32 v14, v16  }
0x409: {  	v22 =	vld [tilespmem:s6+$0xC440];
	[tilespmem:s6+$0x18430] =	vst v15;
	v16 =	vsub.f32 v53, v23  }
0x40a: {  	[tilespmem:s5+$0x18440] =	vst v14;
	v15 =	vld.idx.msk [tilespmem:v21+s26+$0x0], $0xffff;
	v21 =	vor.u32 v4, v20  }
0x40b: {  	v14 =	vld [tilespmem:s7+$0xC440];
	v17 =	vor.u32 v5, v10;
	[tilespmem:s7+$0x18430] =	vst v16  }
0x40c: {  	v16 =	vsub.f32 v54, v19;
	v23 =	vld.idx.msk [tilespmem:v26+s26+$0x0], $0xffff  }
0x40d: {  	v57 =	vld [tilespmem:s7+$0xC450];
	v19 =	vor.u32 v5, v11  }
0x40e: {  	v55 =	vld [tilespmem:s12+$0xC440];
	[tilespmem:s12+$0x18430] =	vst v16  }
0x40f: {  	v15 =	vsub.f32 v22, v15;
	v22 =	vor.u32 v5, v12;
	v16 =	vld.idx.msk [tilespmem:v21+s26+$0x0], $0xffff  }
0x410: {  	v9 =	vor.u32 v7, v9;
	v18 =	vsub.f32 v56, v18;
	v17 =	vld.idx.msk [tilespmem:v17+s26+$0x0], $0xffff  }
0x411: {  	v21 =	vld [tilespmem:s6+$0xC450];
	[tilespmem:s6+$0x18440] =	vst v15;
	v14 =	vsub.f32 v14, v23  }
0x412: {  	[tilespmem:s4+$0x18460] =	vst v18;
	v15 =	vld.idx.msk [tilespmem:v19+s26+$0x0], $0xffff;
	v19 =	vor.u32 v5, v20  }
0x413: {  	v18 =	vld [tilespmem:s12+$0xC460];
	v23 =	vor.u32 v6, v10;
	[tilespmem:s7+$0x18440] =	vst v14  }
0x414: {  	v14 =	vsub.f32 v55, v16;
	v22 =	vld.idx.msk [tilespmem:v22+s26+$0x0], $0xffff  }
0x415: {  	v58 =	vor.u32 v6, v11;
	v9 =	vld.idx.msk [tilespmem:v9+s26+$0x0], $0xffff;
	v17 =	vsub.f32 v27, v17  }
0x416: {  	[tilespmem:s12+$0x18440] =	vst v14;
	v14 =	vld [tilespmem:s12+$0xC450]  }
0x417: {  	[tilespmem:s5+$0x18450] =	vst v17;
	v15 =	vsub.f32 v21, v15;
	v21 =	vor.u32 v6, v12;
	v17 =	vld.idx.msk [tilespmem:v19+s26+$0x0], $0xffff  }
0x418: {  	v19 =	vld.idx.msk [tilespmem:v23+s26+$0x0], $0xffff  }
0x419: {  	v23 =	vld [tilespmem:s5+$0xC460];
	[tilespmem:s6+$0x18450] =	vst v15;
	v22 =	vsub.f32 v57, v22  }
0x41a: {  	v59 =	vor.u32 v6, v20;
	v24 =	vld.idx.msk [tilespmem:v58+s26+$0x0], $0xffff  }
0x41b: {  	[tilespmem:s7+$0x18450] =	vst v22;
	v22 =	vld [tilespmem:s6+$0xC460]  }
0x41c: {  	v14 =	vsub.f32 v14, v17;
	v17 =	vld.idx.msk [tilespmem:v21+s26+$0x0], $0xffff  }
0x41d: {  	v10 =	vor.u32 v7, v10;
	v21 =	vld [tilespmem:s7+$0xC460]  }
0x41e: {  	v16 =	vld [tilespmem:s4+$0xC470];
	[tilespmem:s12+$0x18450] =	vst v14  }
0x41f: {  	v11 =	vor.u32 v7, v11;
	v14 =	vsub.f32 v23, v19;
	v19 =	vld.idx.msk [tilespmem:v59+s26+$0x0], $0xffff  }
0x420: {  	v12 =	vor.u32 v7, v12;
	v15 =	vld [tilespmem:s5+$0xC470]  }
0x421: {  	[tilespmem:s5+$0x18460] =	vst v14;
	v14 =	vsub.f32 v22, v24;
	v22 =	vld [tilespmem:s6+$0xC470]  }
0x422: {  	v20 =	vor.u32 v7, v20;
	v10 =	vld.idx.msk [tilespmem:v10+s26+$0x0], $0xffff;
	v17 =	vsub.f32 v21, v17  }
0x423: {  	[tilespmem:s6+$0x18460] =	vst v14;
	v14 =	vld [tilespmem:s7+$0xC470]  }
0x424: {  	v11 =	vld.idx.msk [tilespmem:v11+s26+$0x0], $0xffff;
	[tilespmem:s7+$0x18460] =	vst v17;
	v17 =	vsub.f32 v18, v19  }
0x425: {  	v12 =	vld.idx.msk [tilespmem:v12+s26+$0x0], $0xffff  }
0x426: {  	v18 =	vld [tilespmem:s12+$0xC470];
	[tilespmem:s12+$0x18460] =	vst v17  }
0x427: {  	v17 =	vld.idx.msk [tilespmem:v20+s26+$0x0], $0xffff  }
0x428: {  	v9 =	vsub.f32 v16, v9  }
0x429: {  	[tilespmem:s24+$0x18470] =	vst v13;
	v10 =	vsub.f32 v15, v10  }
0x42a: {  	[tilespmem:s4+$0x18470] =	vst v9;
	v9 =	vsub.f32 v22, v11  }
0x42b: {  	[tilespmem:s5+$0x18470] =	vst v10;
	v10 =	vsub.f32 v14, v12  }
0x42c: {  	[tilespmem:s6+$0x18470] =	vst v9;
	v9 =	vsub.f32 v18, v17  }
0x42d: {  	[tilespmem:s7+$0x18470] =	vst v10  }
0x42e: {  	[tilespmem:s12+$0x18470] =	vst v9  }
0x42f: {  	s13 =	simm.s32 $0x0;
	s14 =	simm.s32 $0x18400;
	s5 =	rddreg [dreg:$0xd]  }
0x430: {  	[hbm4b:s5+s13] =	stream.linear.scatter [tilespmem:s14], [sflag:$0x4], $0x4000, $0x38;
	[tilespmem:$0x1C400] =	vst v63  }
0x431: {  	_ =	swait.ge [sflag:s29], $0x4000  }
0x432: {  	[sflag:s29] =	ssyncset.done $0x0  }
0x433: {  	[sflag:s29] =	ssyncadd.s32 $0xFFFFC000  }
0x434: {  	_ =	swait.ge [sflag:s1], $0x4000  }
0x435: {  	[sflag:s1] =	ssyncset.done $0x0  }
0x436: {  	s24 =	sand.u32 $0x70, s13;
	[sflag:s1] =	ssyncadd.s32 $0xFFFFC000  }
0x437: {  	v9 =	vld [tilespmem:s24+$0x300];
	_ =	sdelay $0x4  }
0x438: {  	v10 =	vmov s13;
	v9 =	vsub.s32 v9, v8  }
0x439: {  	v9 =	vperm.xlane v9, v10;
	_ =	sdelay $0x1  }
0x43a: {  	v12 =	vshll.u32 v9, $0x7  }
0x43b: {  	v9 =	vor.u32 v0, v12;
	_ =	sdelay $0x2  }
0x43c: {  	s10 =	simm.s32 $0x4440  }
0x43d: {  	s6 =	simm.s32 $0x1;
	v10 =	vld [tilespmem:s10+$0xFFFFFFC0]  }
0x43e: {  	s7 =	sand.u32 $0x70, s6;
	v9 =	vld.idx.msk [tilespmem:v9+s26+$0x0], $0xffff  }
0x43f: {  	v11 =	vld [tilespmem:s7+$0x300];
	_ =	sdelay $0x2  }
0x440: {  	v13 =	vor.u32 v1, v12  }
0x441: {  	v9 =	vsub.f32 v10, v9  }
0x442: {  	s24 =	simm.s32 $0x10440;
	v10 =	vsub.s32 v11, v8;
	v11 =	vmov s6  }
0x443: {  	[tilespmem:s24+$0xFFFFFFC0] =	vst v9;
	v9 =	vperm.xlane v10, v11  }
0x444: {  	v10 =	vld [tilespmem:s10+$0xFFFFFFD0]  }
0x445: {  	v11 =	vld.idx.msk [tilespmem:v13+s26+$0x0], $0xffff;
	v9 =	vshll.u32 v9, $0x7  }
0x446: {  	v13 =	vor.u32 v0, v9;
	_ =	sdelay $0x1  }
0x447: {  	v14 =	vor.u32 v2, v12  }
0x448: {  	s5 =	simm.s32 $0x44C0  }
0x449: {  	s8 =	simm.s32 $0x2;
	v15 =	vld [tilespmem:s5+$0xFFFFFFC0];
	v10 =	vsub.f32 v10, v11  }
0x44a: {  	s9 =	sand.u32 $0x70, s8;
	v11 =	vld.idx.msk [tilespmem:v13+s26+$0x0], $0xffff  }
0x44b: {  	v13 =	vld [tilespmem:s9+$0x300];
	[tilespmem:s24+$0xFFFFFFD0] =	vst v10  }
0x44c: {  	v10 =	vld.idx.msk [tilespmem:v14+s26+$0x0], $0xffff  }
0x44d: {  	v14 =	vld [tilespmem:s10+$0xFFFFFFE0];
	_ =	sdelay $0x1  }
0x44e: {  	v16 =	vor.u32 v1, v9  }
0x44f: {  	v11 =	vsub.f32 v15, v11  }
0x450: {  	s4 =	simm.s32 $0x104C0;
	v15 =	vor.u32 v3, v12  }
0x451: {  	v17 =	vmov s8;
	v13 =	vsub.s32 v13, v8;
	v10 =	vsub.f32 v14, v10;
	[tilespmem:s4+$0xFFFFFFC0] =	vst v11  }
0x452: {  	v11 =	vperm.xlane v13, v17;
	v13 =	vld [tilespmem:s5+$0xFFFFFFD0]  }
0x453: {  	v14 =	vld.idx.msk [tilespmem:v16+s26+$0x0], $0xffff;
	[tilespmem:s24+$0xFFFFFFE0] =	vst v10  }
0x454: {  	v10 =	vshll.u32 v11, $0x7;
	v11 =	vld [tilespmem:s10+$0xFFFFFFF0]  }
0x455: {  	v16 =	vor.u32 v0, v10;
	v15 =	vld.idx.msk [tilespmem:v15+s26+$0x0], $0xffff  }
0x456: {  	s11 =	simm.s32 $0x3;
	v17 =	vor.u32 v2, v9  }
0x457: {  	s12 =	sand.u32 $0x70, s11  }
0x458: {  	v19 =	vld [tilespmem:s12+$0x300];
	s6 =	simm.s32 $0x4540;
	v13 =	vsub.f32 v13, v14;
	v14 =	vor.u32 v4, v12  }
0x459: {  	v18 =	vld [tilespmem:s6+$0xFFFFFFC0]  }
0x45a: {  	v16 =	vld.idx.msk [tilespmem:v16+s26+$0x0], $0xffff;
	[tilespmem:s4+$0xFFFFFFD0] =	vst v13;
	v11 =	vsub.f32 v11, v15  }
0x45b: {  	v13 =	vld.idx.msk [tilespmem:v17+s26+$0x0], $0xffff  }
0x45c: {  	v15 =	vld [tilespmem:s5+$0xFFFFFFE0];
	[tilespmem:s24+$0xFFFFFFF0] =	vst v11  }
0x45d: {  	v11 =	vld.idx.msk [tilespmem:v14+s26+$0x0], $0xffff  }
0x45e: {  	v14 =	vor.u32 v1, v10;
	v17 =	vld [tilespmem:s10+$0x0]  }
0x45f: {  	v16 =	vsub.f32 v18, v16  }
0x460: {  	s7 =	simm.s32 $0x10540;
	v18 =	vor.u32 v3, v9  }
0x461: {  	v20 =	vmov s11;
	v19 =	vsub.s32 v19, v8;
	v13 =	vsub.f32 v15, v13;
	[tilespmem:s7+$0xFFFFFFC0] =	vst v16  }
0x462: {  	v15 =	vperm.xlane v19, v20;
	v19 =	vor.u32 v5, v12;
	v16 =	vld [tilespmem:s6+$0xFFFFFFD0]  }
0x463: {  	v14 =	vld.idx.msk [tilespmem:v14+s26+$0x0], $0xffff;
	[tilespmem:s4+$0xFFFFFFE0] =	vst v13;
	v13 =	vsub.f32 v17, v11  }
0x464: {  	v11 =	vshll.u32 v15, $0x7;
	v15 =	vld [tilespmem:s5+$0xFFFFFFF0]  }
0x465: {  	v17 =	vor.u32 v0, v11;
	v18 =	vld.idx.msk [tilespmem:v18+s26+$0x0], $0xffff;
	[tilespmem:s24+$0x0] =	vst v13  }
0x466: {  	v20 =	vor.u32 v2, v10;
	v13 =	vld [tilespmem:s10+$0x10]  }
0x467: {  	s8 =	simm.s32 $0x45C0;
	s12 =	simm.s32 $0x4;
	v19 =	vld.idx.msk [tilespmem:v19+s26+$0x0], $0xffff  }
0x468: {  	v21 =	vld [tilespmem:s8+$0xFFFFFFC0];
	s13 =	sand.u32 $0x70, s12;
	v14 =	vsub.f32 v16, v14;
	v16 =	vor.u32 v4, v9  }
0x469: {  	v22 =	vld [tilespmem:s13+$0x300]  }
0x46a: {  	v17 =	vld.idx.msk [tilespmem:v17+s26+$0x0], $0xffff;
	[tilespmem:s7+$0xFFFFFFD0] =	vst v14;
	v14 =	vsub.f32 v15, v18  }
0x46b: {  	v15 =	vor.u32 v6, v12;
	v18 =	vld.idx.msk [tilespmem:v20+s26+$0x0], $0xffff  }
0x46c: {  	v20 =	vld [tilespmem:s6+$0xFFFFFFE0];
	v13 =	vsub.f32 v13, v19;
	[tilespmem:s4+$0xFFFFFFF0] =	vst v14  }
0x46d: {  	v16 =	vld.idx.msk [tilespmem:v16+s26+$0x0], $0xffff  }
0x46e: {  	v19 =	vor.u32 v1, v11;
	v23 =	vld [tilespmem:s5+$0x0];
	[tilespmem:s24+$0x10] =	vst v13  }
0x46f: {  	v13 =	vsub.f32 v21, v17;
	v21 =	vld [tilespmem:s10+$0x20]  }
0x470: {  	s11 =	simm.s32 $0x4640;
	s9 =	simm.s32 $0x105C0;
	v17 =	vor.u32 v3, v10;
	v15 =	vld.idx.msk [tilespmem:v15+s26+$0x0], $0xffff  }
0x471: {  	v60 =	vmov s12;
	v22 =	vsub.s32 v22, v8;
	v14 =	vld [tilespmem:s11+$0xFFFFFFC0];
	[tilespmem:s9+$0xFFFFFFC0] =	vst v13;
	v13 =	vsub.f32 v20, v18  }
0x472: {  	v18 =	vperm.xlane v22, v60;
	v22 =	vor.u32 v5, v9;
	v20 =	vld [tilespmem:s8+$0xFFFFFFD0]  }
0x473: {  	v19 =	vld.idx.msk [tilespmem:v19+s26+$0x0], $0xffff;
	[tilespmem:s7+$0xFFFFFFE0] =	vst v13;
	v13 =	vsub.f32 v23, v16;
	v16 =	vor.u32 v7, v12  }
0x474: {  	v12 =	vshll.u32 v18, $0x7;
	v18 =	vld [tilespmem:s6+$0xFFFFFFF0]  }
0x475: {  	v17 =	vld.idx.msk [tilespmem:v17+s26+$0x0], $0xffff;
	[tilespmem:s4+$0x0] =	vst v13;
	v13 =	vsub.f32 v21, v15  }
0x476: {  	v23 =	vor.u32 v0, v12;
	v15 =	vld [tilespmem:s5+$0x10]  }
0x477: {  	v61 =	vor.u32 v2, v11;
	v22 =	vld.idx.msk [tilespmem:v22+s26+$0x0], $0xffff;
	[tilespmem:s24+$0x20] =	vst v13  }
0x478: {  	s12 =	simm.s32 $0x5;
	v13 =	vld.idx.msk [tilespmem:v16+s26+$0x0], $0xffff  }
0x479: {  	s14 =	sand.u32 $0x70, s12;
	v62 =	vor.u32 v4, v10;
	v16 =	vsub.f32 v20, v19;
	v63 =	vld [tilespmem:s10+$0x30]  }
0x47a: {  	v21 =	vld [tilespmem:s14+$0x300]  }
0x47b: {  	v20 =	vld.idx.msk [tilespmem:v23+s26+$0x0], $0xffff;
	[tilespmem:s9+$0xFFFFFFD0] =	vst v16;
	v16 =	vsub.f32 v18, v17;
	v18 =	vor.u32 v6, v9  }
0x47c: {  	v17 =	vld.idx.msk [tilespmem:v61+s26+$0x0], $0xffff  }
0x47d: {  	v19 =	vld [tilespmem:s8+$0xFFFFFFE0];
	v23 =	vsub.f32 v15, v22;
	[tilespmem:s7+$0xFFFFFFF0] =	vst v16  }
0x47e: {  	v15 =	vld.idx.msk [tilespmem:v62+s26+$0x0], $0xffff;
	v13 =	vsub.f32 v63, v13  }
0x47f: {  	s13 =	simm.s32 $0x6;
	s10 =	simm.s32 $0x4640;
	v22 =	vor.u32 v1, v12;
	v16 =	vld [tilespmem:s6+$0x0];
	[tilespmem:s4+$0x10] =	vst v23  }
.LBB2_15:
0x480: {  	p0 =	sne.s32 s13, $0x7F;
	v20 =	vsub.f32 v14, v20;
	v18 =	vld.idx.msk [tilespmem:v18+s26+$0x0], $0xffff;
	[tilespmem:s24+$0x30] =	vst v13;
	s24 =	smov.u32 s4;
	s4 =	smov.u32 s7  }
0x481: {  	s11 =	sadd.s32 $0x80, s11;
	v13 =	vor.u32 v3, v11;
	s7 =	smov.u32 s9;
	s9 =	sadd.s32 $0x80, s9;
	v23 =	vld [tilespmem:s5+$0x20]  }
0x482: {  	v21 =	vsub.s32 v21, v8;
	v24 =	vmov s12;
	s12 =	smov.u32 s13;
	v14 =	vld [tilespmem:s11+$0xFFFFFFC0];
	[tilespmem:s9+$0xFFFFFFC0] =	vst v20;
	v17 =	vsub.f32 v19, v17  }
0x483: {  	v19 =	vperm.xlane v21, v24;
	v21 =	vor.u32 v5, v10;
	v20 =	vld [tilespmem:s10+$0xFFFFFFD0]  }
0x484: {  	v22 =	vld.idx.msk [tilespmem:v22+s26+$0x0], $0xffff;
	[tilespmem:s7+$0xFFFFFFE0] =	vst v17;
	v15 =	vsub.f32 v16, v15;
	v16 =	vor.u32 v7, v9;
	v9 =	vmov v10  }
0x485: {  	v10 =	vmov v11;
	v11 =	vmov v12;
	v12 =	vshll.u32 v19, $0x7;
	v17 =	vld [tilespmem:s8+$0xFFFFFFF0]  }
0x486: {  	v19 =	vor.u32 v0, v12;
	v13 =	vld.idx.msk [tilespmem:v13+s26+$0x0], $0xffff;
	[tilespmem:s4+$0x0] =	vst v15;
	v15 =	vsub.f32 v23, v18  }
0x487: {  	v23 =	vld [tilespmem:s6+$0x10]  }
0x488: {  	v24 =	vor.u32 v2, v11;
	v25 =	vld.idx.msk [tilespmem:v21+s26+$0x0], $0xffff;
	[tilespmem:s24+$0x20] =	vst v15  }
0x489: {  	v16 =	vld.idx.msk [tilespmem:v16+s26+$0x0], $0xffff  }
0x48a: {  	v15 =	vsub.f32 v20, v22;
	v22 =	vor.u32 v4, v10;
	v26 =	vld [tilespmem:s5+$0x30];
	s5 =	smov.u32 s6;
	s6 =	smov.u32 s8;
	s8 =	smov.u32 s10  }
0x48b: {  	s14 =	sand.u32 $0x70, s13;
	s10 =	smov.u32 s11;
	v20 =	vld.idx.msk [tilespmem:v19+s26+$0x0], $0xffff  }
.Ltmp9:
0x48c: {  	v18 =	vor.u32 v6, v9;
	v13 =	vsub.f32 v17, v13;
	v21 =	vld [tilespmem:s14+$0x300];
	[tilespmem:s9+$0xFFFFFFD0] =	vst v15;
	(pc) =	sbr.rel @p0 .LBB2_15-.Ltmp9, $4  }
0x48d: {  	v17 =	vld.idx.msk [tilespmem:v24+s26+$0x0], $0xffff  }
0x48e: {  	v23 =	vsub.f32 v23, v25;
	v19 =	vld [tilespmem:s8+$0xFFFFFFE0];
	[tilespmem:s7+$0xFFFFFFF0] =	vst v13  }
0x48f: {  	v15 =	vld.idx.msk [tilespmem:v22+s26+$0x0], $0xffff;
	v13 =	vsub.f32 v26, v16  }
0x490: {  	s13 =	sadd.s32 $0x1, s13;
	v22 =	vor.u32 v1, v12;
	v16 =	vld [tilespmem:s6+$0x0];
	[tilespmem:s4+$0x10] =	vst v23  }
0x491: {  	v21 =	vsub.s32 v21, v8;
	v23 =	vmov s12  }
0x492: {  	v21 =	vperm.xlane v21, v23;
	_ =	sdelay $0x1  }
0x493: {  	v21 =	vshll.u32 v21, $0x7  }
0x494: {  	v23 =	vor.u32 v0, v21;
	_ =	sdelay $0x2  }
0x495: {  	s13 =	sadd.s32 $0x80, s11  }
0x496: {  	v24 =	vld [tilespmem:s13+$0xFFFFFFC0]  }
0x497: {  	v23 =	vld.idx.msk [tilespmem:v23+s26+$0x0], $0xffff;
	_ =	sdelay $0x2  }
0x498: {  	v14 =	vsub.f32 v14, v20  }
0x499: {  	s12 =	sadd.s32 $0x80, s9;
	v20 =	vor.u32 v1, v21  }
0x49a: {  	[tilespmem:s12+$0xFFFFFFC0] =	vst v14;
	v14 =	vsub.f32 v24, v23  }
0x49b: {  	s14 =	sadd.s32 $0x80, s12;
	v22 =	vld.idx.msk [tilespmem:v22+s26+$0x0], $0xffff  }
0x49c: {  	v23 =	vld [tilespmem:s10+$0xFFFFFFD0];
	[tilespmem:s14+$0xFFFFFFC0] =	vst v14  }
0x49d: {  	v14 =	vld [tilespmem:s13+$0xFFFFFFD0]  }
0x49e: {  	v20 =	vld.idx.msk [tilespmem:v20+s26+$0x0], $0xffff  }
0x49f: {  	v54 =	vor.u32 v2, v12;
	_ =	sdelay $0x1  }
0x4a0: {  	v22 =	vsub.f32 v23, v22;
	v23 =	vor.u32 v2, v21;
	_ =	sdelay $0x1  }
0x4a1: {  	[tilespmem:s12+$0xFFFFFFD0] =	vst v22;
	v14 =	vsub.f32 v14, v20  }
0x4a2: {  	v20 =	vld.idx.msk [tilespmem:v54+s26+$0x0], $0xffff  }
0x4a3: {  	v22 =	vld [tilespmem:s10+$0xFFFFFFE0];
	[tilespmem:s14+$0xFFFFFFD0] =	vst v14  }
0x4a4: {  	v14 =	vld.idx.msk [tilespmem:v23+s26+$0x0], $0xffff  }
0x4a5: {  	v23 =	vor.u32 v3, v11;
	v55 =	vld [tilespmem:s13+$0xFFFFFFE0]  }
0x4a6: {  	v17 =	vsub.f32 v19, v17  }
0x4a7: {  	v19 =	vor.u32 v3, v12  }
0x4a8: {  	[tilespmem:s9+$0xFFFFFFE0] =	vst v17;
	v17 =	vsub.f32 v22, v20  }
0x4a9: {  	v20 =	vld [tilespmem:s8+$0xFFFFFFF0];
	v22 =	vor.u32 v3, v21  }
0x4aa: {  	[tilespmem:s12+$0xFFFFFFE0] =	vst v17;
	v23 =	vld.idx.msk [tilespmem:v23+s26+$0x0], $0xffff;
	v14 =	vsub.f32 v55, v14  }
0x4ab: {  	v17 =	vld [tilespmem:s10+$0xFFFFFFF0]  }
0x4ac: {  	v19 =	vld.idx.msk [tilespmem:v19+s26+$0x0], $0xffff;
	[tilespmem:s14+$0xFFFFFFE0] =	vst v14  }
0x4ad: {  	v14 =	vor.u32 v4, v11;
	v56 =	vld [tilespmem:s13+$0xFFFFFFF0]  }
0x4ae: {  	v22 =	vld.idx.msk [tilespmem:v22+s26+$0x0], $0xffff  }
0x4af: {  	v20 =	vsub.f32 v20, v23  }
0x4b0: {  	v23 =	vor.u32 v4, v12  }
0x4b1: {  	v18 =	vld.idx.msk [tilespmem:v18+s26+$0x0], $0xffff;
	v17 =	vsub.f32 v17, v19;
	v19 =	vor.u32 v4, v21;
	[tilespmem:s9+$0xFFFFFFF0] =	vst v20  }
0x4b2: {  	v14 =	vld.idx.msk [tilespmem:v14+s26+$0x0], $0xffff  }
0x4b3: {  	[tilespmem:s12+$0xFFFFFFF0] =	vst v17;
	v20 =	vld [tilespmem:s8+$0x0];
	v17 =	vsub.f32 v56, v22  }
0x4b4: {  	v57 =	vld [tilespmem:s10+$0x0]  }
0x4b5: {  	v22 =	vld.idx.msk [tilespmem:v23+s26+$0x0], $0xffff;
	v23 =	vor.u32 v5, v10;
	[tilespmem:s14+$0xFFFFFFF0] =	vst v17  }
0x4b6: {  	v15 =	vsub.f32 v16, v15;
	v16 =	vld.idx.msk [tilespmem:v19+s26+$0x0], $0xffff  }
0x4b7: {  	v17 =	vor.u32 v5, v11;
	v19 =	vld [tilespmem:s13+$0x0]  }
0x4b8: {  	v25 =	vld [tilespmem:s5+$0x20];
	[tilespmem:s7+$0x0] =	vst v15;
	v14 =	vsub.f32 v20, v14  }
0x4b9: {  	v15 =	vld [tilespmem:s6+$0x10];
	v20 =	vor.u32 v5, v12  }
0x4ba: {  	v23 =	vld.idx.msk [tilespmem:v23+s26+$0x0], $0xffff;
	[tilespmem:s9+$0x0] =	vst v14;
	v14 =	vsub.f32 v57, v22  }
0x4bb: {  	v58 =	vor.u32 v5, v21;
	v22 =	vld [tilespmem:s8+$0x10]  }
0x4bc: {  	v17 =	vld.idx.msk [tilespmem:v17+s26+$0x0], $0xffff;
	[tilespmem:s12+$0x0] =	vst v14;
	v14 =	vsub.f32 v19, v16  }
0x4bd: {  	v16 =	vor.u32 v6, v10;
	v19 =	vld [tilespmem:s10+$0x10]  }
0x4be: {  	v18 =	vsub.f32 v25, v18;
	v20 =	vld.idx.msk [tilespmem:v20+s26+$0x0], $0xffff;
	[tilespmem:s14+$0x0] =	vst v14  }
0x4bf: {  	v14 =	vsub.f32 v15, v23;
	v15 =	vor.u32 v6, v11;
	v23 =	vld [tilespmem:s13+$0x10]  }
0x4c0: {  	[tilespmem:s4+$0x20] =	vst v18;
	v18 =	vld.idx.msk [tilespmem:v58+s26+$0x0], $0xffff  }
0x4c1: {  	v59 =	vld [tilespmem:s5+$0x30];
	[tilespmem:s7+$0x10] =	vst v14;
	v14 =	vsub.f32 v22, v17;
	v17 =	vor.u32 v6, v12  }
0x4c2: {  	v16 =	vld.idx.msk [tilespmem:v16+s26+$0x0], $0xffff  }
0x4c3: {  	v22 =	vld [tilespmem:s6+$0x20];
	[tilespmem:s9+$0x10] =	vst v14;
	v14 =	vsub.f32 v19, v20;
	v19 =	vor.u32 v6, v21  }
0x4c4: {  	v15 =	vld.idx.msk [tilespmem:v15+s26+$0x0], $0xffff  }
0x4c5: {  	v9 =	vor.u32 v7, v9;
	v20 =	vld [tilespmem:s8+$0x20];
	[tilespmem:s12+$0x10] =	vst v14;
	v14 =	vsub.f32 v23, v18  }
0x4c6: {  	v10 =	vor.u32 v7, v10;
	v17 =	vld.idx.msk [tilespmem:v17+s26+$0x0], $0xffff  }
0x4c7: {  	v18 =	vld [tilespmem:s10+$0x20];
	[tilespmem:s14+$0x10] =	vst v14  }
0x4c8: {  	v11 =	vor.u32 v7, v11;
	v14 =	vsub.f32 v22, v16;
	v16 =	vld.idx.msk [tilespmem:v19+s26+$0x0], $0xffff  }
0x4c9: {  	v19 =	vld [tilespmem:s13+$0x20]  }
0x4ca: {  	v9 =	vld.idx.msk [tilespmem:v9+s26+$0x0], $0xffff;
	v12 =	vor.u32 v7, v12;
	[tilespmem:s7+$0x20] =	vst v14;
	v14 =	vsub.f32 v20, v15  }
0x4cb: {  	v10 =	vld.idx.msk [tilespmem:v10+s26+$0x0], $0xffff  }
0x4cc: {  	v15 =	vld [tilespmem:s6+$0x30];
	[tilespmem:s9+$0x20] =	vst v14;
	v14 =	vsub.f32 v18, v17;
	v17 =	vor.u32 v7, v21  }
0x4cd: {  	v11 =	vld.idx.msk [tilespmem:v11+s26+$0x0], $0xffff  }
0x4ce: {  	v18 =	vld [tilespmem:s8+$0x30];
	[tilespmem:s12+$0x20] =	vst v14;
	v14 =	vsub.f32 v19, v16  }
0x4cf: {  	v12 =	vld.idx.msk [tilespmem:v12+s26+$0x0], $0xffff  }
0x4d0: {  	v16 =	vld [tilespmem:s10+$0x30];
	[tilespmem:s14+$0x20] =	vst v14  }
0x4d1: {  	v14 =	vld.idx.msk [tilespmem:v17+s26+$0x0], $0xffff  }
0x4d2: {  	v17 =	vld [tilespmem:s13+$0x30]  }
0x4d3: {  	v9 =	vsub.f32 v59, v9  }
0x4d4: {  	[tilespmem:s24+$0x30] =	vst v13;
	v10 =	vsub.f32 v15, v10  }
0x4d5: {  	[tilespmem:s4+$0x30] =	vst v9;
	v9 =	vsub.f32 v18, v11  }
0x4d6: {  	[tilespmem:s7+$0x30] =	vst v10;
	v10 =	vsub.f32 v16, v12  }
0x4d7: {  	[tilespmem:s9+$0x30] =	vst v9;
	v9 =	vsub.f32 v17, v14  }
0x4d8: {  	[tilespmem:s12+$0x30] =	vst v10  }
0x4d9: {  	[tilespmem:s14+$0x30] =	vst v9;
	s14 =	simm.s32 $0x0  }
0x4da: {  	[hbm4b:s19+s14] =	stream.linear.scatter [tilespmem:s30], [sflag:$0x4], $0x4000, $0x38;
	[tilespmem:$0x1C400] =	vst v63  }
0x4db: {  	_ =	swait.ge [sflag:s29], $0x4000  }
0x4dc: {  	[sflag:s29] =	ssyncset.done $0x0  }
0x4dd: {  	[sflag:s29] =	ssyncadd.s32 $0xFFFFC000  }
0x4de: {  	_ =	swait.ge [sflag:s1], $0x4000  }
0x4df: {  	[sflag:s1] =	ssyncset.done $0x0  }
0x4e0: {  	s24 =	sand.u32 $0x70, s14;
	[sflag:s1] =	ssyncadd.s32 $0xFFFFC000  }
0x4e1: {  	v9 =	vld [tilespmem:s24+$0x380];
	_ =	sdelay $0x4  }
0x4e2: {  	v10 =	vmov s14;
	v9 =	vsub.s32 v9, v8  }
0x4e3: {  	v9 =	vperm.xlane v9, v10;
	_ =	sdelay $0x1  }
0x4e4: {  	v12 =	vshll.u32 v9, $0x7  }
0x4e5: {  	v9 =	vor.u32 v0, v12;
	_ =	sdelay $0x2  }
0x4e6: {  	s24 =	simm.s32 $0x0  }
0x4e7: {  	s6 =	simm.s32 $0x1;
	v10 =	vld [tilespmem:s24+$0x8400]  }
0x4e8: {  	s7 =	sand.u32 $0x70, s6;
	v9 =	vld.idx.msk [tilespmem:v9+s26+$0x0], $0xffff  }
0x4e9: {  	v11 =	vld [tilespmem:s7+$0x380];
	_ =	sdelay $0x2  }
0x4ea: {  	v13 =	vor.u32 v1, v12  }
0x4eb: {  	v9 =	vsub.f32 v10, v9  }
0x4ec: {  	v10 =	vsub.s32 v11, v8;
	v11 =	vmov s6  }
0x4ed: {  	[tilespmem:s24+$0x14400] =	vst v9;
	v9 =	vperm.xlane v10, v11  }
0x4ee: {  	v10 =	vld [tilespmem:s24+$0x8410]  }
0x4ef: {  	v11 =	vld.idx.msk [tilespmem:v13+s26+$0x0], $0xffff;
	v9 =	vshll.u32 v9, $0x7  }
0x4f0: {  	v13 =	vor.u32 v0, v9;
	_ =	sdelay $0x1  }
0x4f1: {  	s4 =	simm.s32 $0x80;
	v14 =	vor.u32 v2, v12  }
0x4f2: {  	v16 =	vld [tilespmem:s4+$0x8400]  }
0x4f3: {  	s8 =	simm.s32 $0x2;
	v15 =	vld [tilespmem:s24+$0x8420];
	v10 =	vsub.f32 v10, v11  }
0x4f4: {  	s9 =	sand.u32 $0x70, s8;
	v11 =	vld.idx.msk [tilespmem:v13+s26+$0x0], $0xffff  }
0x4f5: {  	v13 =	vld [tilespmem:s9+$0x380];
	[tilespmem:s24+$0x14410] =	vst v10  }
0x4f6: {  	v10 =	vld.idx.msk [tilespmem:v14+s26+$0x0], $0xffff;
	_ =	sdelay $0x1  }
0x4f7: {  	v14 =	vor.u32 v1, v9  }
0x4f8: {  	v17 =	vor.u32 v3, v12  }
0x4f9: {  	v11 =	vsub.f32 v16, v11  }
0x4fa: {  	v13 =	vsub.s32 v13, v8;
	v16 =	vmov s8;
	v10 =	vsub.f32 v15, v10;
	v15 =	vld [tilespmem:s24+$0x8430]  }
0x4fb: {  	[tilespmem:s4+$0x14400] =	vst v11;
	v11 =	vperm.xlane v13, v16;
	v13 =	vld [tilespmem:s4+$0x8410]  }
0x4fc: {  	v14 =	vld.idx.msk [tilespmem:v14+s26+$0x0], $0xffff;
	[tilespmem:s24+$0x14420] =	vst v10  }
0x4fd: {  	v10 =	vshll.u32 v11, $0x7;
	v11 =	vld.idx.msk [tilespmem:v17+s26+$0x0], $0xffff  }
0x4fe: {  	v16 =	vor.u32 v0, v10  }
0x4ff: {  	s5 =	simm.s32 $0x100;
	v19 =	vld [tilespmem:s4+$0x8420];
	v17 =	vor.u32 v2, v9  }
0x500: {  	s10 =	simm.s32 $0x3;
	v21 =	vld [tilespmem:s5+$0x8400];
	v20 =	vor.u32 v4, v12  }
0x501: {  	s11 =	sand.u32 $0x70, s10;
	v18 =	vld [tilespmem:s24+$0x8440];
	v13 =	vsub.f32 v13, v14  }
0x502: {  	v11 =	vsub.f32 v15, v11;
	v15 =	vld [tilespmem:s11+$0x380]  }
0x503: {  	v14 =	vld.idx.msk [tilespmem:v16+s26+$0x0], $0xffff;
	[tilespmem:s4+$0x14410] =	vst v13  }
0x504: {  	v13 =	vld.idx.msk [tilespmem:v17+s26+$0x0], $0xffff;
	[tilespmem:s24+$0x14430] =	vst v11  }
0x505: {  	v11 =	vld.idx.msk [tilespmem:v20+s26+$0x0], $0xffff;
	_ =	sdelay $0x1  }
0x506: {  	s12 =	simm.s32 $0x4;
	v16 =	vor.u32 v1, v10  }
0x507: {  	s13 =	sand.u32 $0x70, s12;
	v17 =	vor.u32 v3, v9;
	v14 =	vsub.f32 v21, v14  }
0x508: {  	v22 =	vmov s10;
	v61 =	vld [tilespmem:s13+$0x380];
	v15 =	vsub.s32 v15, v8;
	v13 =	vsub.f32 v19, v13  }
0x509: {  	v62 =	vld [tilespmem:s4+$0x8450];
	v15 =	vperm.xlane v15, v22;
	[tilespmem:s5+$0x14400] =	vst v14;
	v11 =	vsub.f32 v18, v11  }
0x50a: {  	v20 =	vor.u32 v5, v12;
	v14 =	vld [tilespmem:s5+$0x8410];
	[tilespmem:s4+$0x14420] =	vst v13  }
0x50b: {  	v16 =	vld.idx.msk [tilespmem:v16+s26+$0x0], $0xffff;
	[tilespmem:s24+$0x14440] =	vst v11;
	v11 =	vshll.u32 v15, $0x7  }
0x50c: {  	v13 =	vld.idx.msk [tilespmem:v17+s26+$0x0], $0xffff;
	v17 =	vor.u32 v0, v11  }
0x50d: {  	v21 =	vld [tilespmem:s24+$0x8450]  }
0x50e: {  	v19 =	vld [tilespmem:s4+$0x8430]  }
0x50f: {  	s6 =	simm.s32 $0x180;
	v18 =	vor.u32 v2, v10;
	v15 =	vld.idx.msk [tilespmem:v20+s26+$0x0], $0xffff  }
0x510: {  	v60 =	vld [tilespmem:s6+$0x8400]  }
0x511: {  	v23 =	vor.u32 v4, v9;
	v14 =	vsub.f32 v14, v16;
	v17 =	vld.idx.msk [tilespmem:v17+s26+$0x0], $0xffff  }
0x512: {  	v22 =	vld [tilespmem:s5+$0x8420];
	v16 =	vor.u32 v6, v12  }
0x513: {  	v20 =	vld [tilespmem:s4+$0x8440];
	v13 =	vsub.f32 v19, v13;
	[tilespmem:s5+$0x14410] =	vst v14  }
0x514: {  	v14 =	vsub.f32 v21, v15;
	v15 =	vld.idx.msk [tilespmem:v18+s26+$0x0], $0xffff  }
0x515: {  	[tilespmem:s4+$0x14430] =	vst v13;
	v18 =	vld [tilespmem:s24+$0x8460]  }
0x516: {  	v13 =	vld.idx.msk [tilespmem:v23+s26+$0x0], $0xffff;
	[tilespmem:s24+$0x14450] =	vst v14;
	v17 =	vsub.f32 v60, v17  }
0x517: {  	v26 =	vor.u32 v7, v12;
	v14 =	vld.idx.msk [tilespmem:v16+s26+$0x0], $0xffff;
	v16 =	vor.u32 v1, v11  }
0x518: {  	v63 =	vld [tilespmem:s6+$0x8410];
	v12 =	vsub.s32 v61, v8;
	v19 =	vor.u32 v3, v10;
	[tilespmem:s6+$0x14400] =	vst v17;
	v17 =	vmov s12  }
0x519: {  	s8 =	simm.s32 $0x5;
	v21 =	vor.u32 v5, v9;
	v23 =	vld [tilespmem:s24+$0x8470];
	v12 =	vperm.xlane v12, v17  }
0x51a: {  	s14 =	sand.u32 $0x70, s8;
	v15 =	vsub.f32 v22, v15;
	v22 =	vld [tilespmem:s5+$0x8430]  }
0x51b: {  	v13 =	vsub.f32 v20, v13;
	v20 =	vld [tilespmem:s14+$0x380];
	v12 =	vshll.u32 v12, $0x7  }
0x51c: {  	v16 =	vld.idx.msk [tilespmem:v16+s26+$0x0], $0xffff;
	[tilespmem:s5+$0x14420] =	vst v15;
	v14 =	vsub.f32 v18, v14;
	v18 =	vor.u32 v0, v12  }
0x51d: {  	v17 =	vld.idx.msk [tilespmem:v19+s26+$0x0], $0xffff;
	[tilespmem:s4+$0x14440] =	vst v13  }
0x51e: {  	v13 =	vld.idx.msk [tilespmem:v21+s26+$0x0], $0xffff;
	[tilespmem:s24+$0x14460] =	vst v14  }
0x51f: {  	v27 =	vor.u32 v2, v11;
	v26 =	vld.idx.msk [tilespmem:v26+s26+$0x0], $0xffff  }
0x520: {  	v28 =	vor.u32 v4, v10;
	v15 =	vld [tilespmem:s6+$0x8420]  }
0x521: {  	s7 =	simm.s32 $0x200;
	v16 =	vsub.f32 v63, v16;
	v21 =	vld.idx.msk [tilespmem:v18+s26+$0x0], $0xffff;
	v18 =	vor.u32 v6, v9  }
0x522: {  	v19 =	vld [tilespmem:s7+$0x8400];
	v22 =	vsub.f32 v22, v17  }
0x523: {  	v14 =	vld [tilespmem:s5+$0x8440];
	[tilespmem:s6+$0x14410] =	vst v16;
	v24 =	vsub.f32 v62, v13  }
0x524: {  	v17 =	vld.idx.msk [tilespmem:v27+s26+$0x0], $0xffff;
	[tilespmem:s5+$0x14430] =	vst v22;
	v13 =	vsub.f32 v23, v26  }
0x525: {  	s10 =	simm.s32 $0xC00;
	s9 =	simm.s32 $0xA00;
	v16 =	vld.idx.msk [tilespmem:v28+s26+$0x0], $0xffff;
	[tilespmem:s4+$0x14450] =	vst v24  }
.LBB2_17:
0x526: {  	p0 =	sne.s32 s10, $0xFE00;
	v18 =	vld.idx.msk [tilespmem:v18+s26+$0x0], $0xffff;
	[tilespmem:s24+$0x14470] =	vst v13;
	s24 =	smov.u32 s4;
	s4 =	smov.u32 s5  }
0x527: {  	v13 =	vor.u32 v1, v12;
	s5 =	smov.u32 s6;
	s6 =	smov.u32 s7;
	v22 =	vld [tilespmem:s24+$0x8460]  }
0x528: {  	v23 =	vor.u32 v3, v11;
	v24 =	vld [tilespmem:s24+$0x8470]  }
0x529: {  	v19 =	vsub.f32 v19, v21;
	v21 =	vor.u32 v5, v10;
	v25 =	vld [tilespmem:s4+$0x8450]  }
0x52a: {  	v26 =	vor.u32 v7, v9;
	v9 =	vmovc v10;
	v10 =	vmovc v11;
	v11 =	vmov v12;
	v15 =	vsub.f32 v15, v17;
	v17 =	vld [tilespmem:s5+$0x8430]  }
0x52b: {  	v12 =	vsub.s32 v20, v8;
	v20 =	vmov s8;
	v14 =	vsub.f32 v14, v16;
	[tilespmem:s6+$0x14400] =	vst v19;
	v27 =	vld [tilespmem:s6+$0x8410]  }
0x52c: {  	v12 =	vperm.xlane v12, v20;
	v13 =	vld.idx.msk [tilespmem:v13+s26+$0x0], $0xffff;
	[tilespmem:s5+$0x14420] =	vst v15;
	v15 =	vsub.f32 v22, v18  }
0x52d: {  	v16 =	vld.idx.msk [tilespmem:v23+s26+$0x0], $0xffff;
	[tilespmem:s4+$0x14440] =	vst v14  }
0x52e: {  	v12 =	vshll.u32 v12, $0x7;
	v22 =	vld.idx.msk [tilespmem:v21+s26+$0x0], $0xffff;
	[tilespmem:s24+$0x14460] =	vst v15  }
0x52f: {  	v21 =	vor.u32 v0, v12;
	v23 =	vld.idx.msk [tilespmem:v26+s26+$0x0], $0xffff  }
0x530: {  	v26 =	vor.u32 v2, v11;
	v14 =	vld [tilespmem:s5+$0x8440]  }
0x531: {  	s7 =	sshra.s32 s9, $0x2;
	s9 =	smov.u32 s10;
	s8 =	sadd.s32 $0x1, s8;
	v28 =	vor.u32 v4, v10;
	v15 =	vld [tilespmem:s6+$0x8420]  }
.Ltmp10:
0x532: {  	s11 =	sand.u32 $0x70, s8;
	v18 =	vor.u32 v6, v9;
	v13 =	vsub.f32 v27, v13;
	v19 =	vld [tilespmem:s7+$0x8400];
	(pc) =	sbr.rel @p0 .LBB2_17-.Ltmp10, $4  }
0x533: {  	v16 =	vsub.f32 v17, v16;
	v20 =	vld [tilespmem:s11+$0x380]  }
0x534: {  	v22 =	vsub.f32 v25, v22;
	v21 =	vld.idx.msk [tilespmem:v21+s26+$0x0], $0xffff;
	[tilespmem:s6+$0x14410] =	vst v13  }
0x535: {  	v13 =	vsub.f32 v24, v23;
	v17 =	vld.idx.msk [tilespmem:v26+s26+$0x0], $0xffff;
	[tilespmem:s5+$0x14430] =	vst v16  }
0x536: {  	s10 =	sadd.s32 $0x200, s10;
	v16 =	vld.idx.msk [tilespmem:v28+s26+$0x0], $0xffff;
	[tilespmem:s4+$0x14450] =	vst v22  }
0x537: {  	_ = 	snop  }
0x538: {  	v38 =	vmov s8;
	v8 =	vsub.s32 v20, v8  }
0x539: {  	v8 =	vperm.xlane v8, v38;
	_ =	sdelay $0x1  }
0x53a: {  	v8 =	vshll.u32 v8, $0x7  }
0x53b: {  	v39 =	vor.u32 v0, v8;
	_ =	sdelay $0x2  }
0x53c: {  	s14 =	sshra.s32 s9, $0x2  }
0x53d: {  	v22 =	vld [tilespmem:s14+$0x8400]  }
0x53e: {  	v20 =	vld.idx.msk [tilespmem:v39+s26+$0x0], $0xffff;
	_ =	sdelay $0x1  }
0x53f: {  	v23 =	vor.u32 v1, v12  }
0x540: {  	v40 =	vor.u32 v1, v8  }
0x541: {  	v19 =	vsub.f32 v19, v21  }
0x542: {  	v41 =	vld [tilespmem:s7+$0x8410];
	v20 =	vsub.f32 v22, v20  }
0x543: {  	v43 =	vld [tilespmem:s14+$0x8410];
	[tilespmem:s7+$0x14400] =	vst v19  }
0x544: {  	v42 =	vld.idx.msk [tilespmem:v23+s26+$0x0], $0xffff;
	[tilespmem:s14+$0x14400] =	vst v20  }
0x545: {  	v21 =	vld.idx.msk [tilespmem:v40+s26+$0x0], $0xffff;
	_ =	sdelay $0x1  }
0x546: {  	v44 =	vor.u32 v2, v12  }
0x547: {  	v45 =	vor.u32 v2, v8  }
0x548: {  	v19 =	vsub.f32 v41, v42  }
0x549: {  	v24 =	vld [tilespmem:s7+$0x8420];
	v46 =	vsub.f32 v43, v21  }
0x54a: {  	v49 =	vld [tilespmem:s14+$0x8420];
	[tilespmem:s7+$0x14410] =	vst v19  }
0x54b: {  	v48 =	vld.idx.msk [tilespmem:v44+s26+$0x0], $0xffff;
	[tilespmem:s14+$0x14410] =	vst v46  }
0x54c: {  	v47 =	vor.u32 v3, v11;
	v50 =	vld.idx.msk [tilespmem:v45+s26+$0x0], $0xffff  }
0x54d: {  	v51 =	vld [tilespmem:s6+$0x8430]  }
0x54e: {  	v52 =	vor.u32 v3, v12;
	v55 =	vld [tilespmem:s7+$0x8430];
	v15 =	vsub.f32 v15, v17  }
0x54f: {  	v18 =	vld.idx.msk [tilespmem:v18+s26+$0x0], $0xffff;
	v54 =	vor.u32 v3, v8  }
0x550: {  	v60 =	vld [tilespmem:s6+$0x8440];
	[tilespmem:s6+$0x14420] =	vst v15;
	v53 =	vsub.f32 v24, v48  }
0x551: {  	v15 =	vld.idx.msk [tilespmem:v47+s26+$0x0], $0xffff;
	v17 =	vsub.f32 v49, v50  }
0x552: {  	v57 =	vld [tilespmem:s14+$0x8430];
	[tilespmem:s7+$0x14420] =	vst v53  }
0x553: {  	v22 =	vld.idx.msk [tilespmem:v52+s26+$0x0], $0xffff;
	[tilespmem:s14+$0x14420] =	vst v17  }
0x554: {  	v56 =	vor.u32 v4, v11;
	v59 =	vld.idx.msk [tilespmem:v54+s26+$0x0], $0xffff  }
0x555: {  	v26 =	vld [tilespmem:s5+$0x8450]  }
0x556: {  	v25 =	vor.u32 v4, v12;
	v34 =	vld [tilespmem:s4+$0x8460];
	v15 =	vsub.f32 v51, v15  }
0x557: {  	v63 =	vld [tilespmem:s7+$0x8440];
	v62 =	vor.u32 v4, v8  }
0x558: {  	v32 =	vld [tilespmem:s6+$0x8450];
	[tilespmem:s6+$0x14430] =	vst v15;
	v61 =	vsub.f32 v55, v22  }
0x559: {  	v9 =	vor.u32 v7, v9;
	v15 =	vld.idx.msk [tilespmem:v56+s26+$0x0], $0xffff;
	v28 =	vsub.f32 v57, v59  }
0x55a: {  	v31 =	vld [tilespmem:s14+$0x8440];
	[tilespmem:s7+$0x14430] =	vst v61  }
0x55b: {  	v18 =	vsub.f32 v34, v18;
	v30 =	vld.idx.msk [tilespmem:v25+s26+$0x0], $0xffff;
	[tilespmem:s14+$0x14430] =	vst v28  }
0x55c: {  	v29 =	vor.u32 v5, v11;
	v14 =	vsub.f32 v14, v16;
	v16 =	vld.idx.msk [tilespmem:v62+s26+$0x0], $0xffff  }
0x55d: {  	v58 =	vor.u32 v5, v10;
	v37 =	vld [tilespmem:s7+$0x8450];
	[tilespmem:s4+$0x14460] =	vst v18  }
0x55e: {  	v33 =	vor.u32 v5, v12;
	v9 =	vld.idx.msk [tilespmem:v9+s26+$0x0], $0xffff;
	v15 =	vsub.f32 v60, v15  }
0x55f: {  	v35 =	vor.u32 v5, v8;
	[tilespmem:s5+$0x14440] =	vst v14;
	v39 =	vld [tilespmem:s4+$0x8470]  }
0x560: {  	v41 =	vld [tilespmem:s14+$0x8450];
	[tilespmem:s6+$0x14440] =	vst v15;
	v14 =	vsub.f32 v63, v30  }
0x561: {  	v15 =	vld.idx.msk [tilespmem:v29+s26+$0x0], $0xffff;
	v38 =	vsub.f32 v31, v16  }
0x562: {  	v17 =	vld.idx.msk [tilespmem:v58+s26+$0x0], $0xffff;
	[tilespmem:s7+$0x14440] =	vst v14  }
0x563: {  	v21 =	vld.idx.msk [tilespmem:v33+s26+$0x0], $0xffff;
	[tilespmem:s14+$0x14440] =	vst v38  }
0x564: {  	v40 =	vor.u32 v6, v11;
	v42 =	vld.idx.msk [tilespmem:v35+s26+$0x0], $0xffff  }
0x565: {  	v36 =	vor.u32 v6, v10;
	v51 =	vld [tilespmem:s7+$0x8460]  }
0x566: {  	v44 =	vor.u32 v6, v12;
	v48 =	vld [tilespmem:s6+$0x8460];
	v15 =	vsub.f32 v32, v15  }
0x567: {  	v47 =	vor.u32 v6, v8;
	v45 =	vld [tilespmem:s5+$0x8460];
	v17 =	vsub.f32 v26, v17  }
0x568: {  	v55 =	vld [tilespmem:s14+$0x8460];
	[tilespmem:s6+$0x14450] =	vst v15;
	v21 =	vsub.f32 v37, v21  }
0x569: {  	v23 =	vld.idx.msk [tilespmem:v40+s26+$0x0], $0xffff;
	[tilespmem:s5+$0x14450] =	vst v17;
	v14 =	vsub.f32 v41, v42  }
0x56a: {  	v43 =	vld.idx.msk [tilespmem:v36+s26+$0x0], $0xffff;
	[tilespmem:s7+$0x14450] =	vst v21  }
0x56b: {  	v50 =	vld.idx.msk [tilespmem:v44+s26+$0x0], $0xffff;
	[tilespmem:s14+$0x14450] =	vst v14  }
0x56c: {  	v54 =	vor.u32 v7, v11;
	v53 =	vld.idx.msk [tilespmem:v47+s26+$0x0], $0xffff  }
0x56d: {  	v46 =	vld [tilespmem:s5+$0x8470];
	v49 =	vor.u32 v7, v10  }
0x56e: {  	v56 =	vor.u32 v7, v12;
	v61 =	vld [tilespmem:s14+$0x8470];
	v57 =	vsub.f32 v48, v23  }
0x56f: {  	v8 =	vor.u32 v7, v8;
	v58 =	vld [tilespmem:s6+$0x8470];
	v52 =	vsub.f32 v45, v43  }
0x570: {  	v59 =	vld [tilespmem:s7+$0x8470];
	[tilespmem:s6+$0x14460] =	vst v57;
	v17 =	vsub.f32 v51, v50  }
0x571: {  	v11 =	vld.idx.msk [tilespmem:v54+s26+$0x0], $0xffff;
	[tilespmem:s5+$0x14460] =	vst v52;
	v60 =	vsub.f32 v55, v53  }
0x572: {  	v10 =	vld.idx.msk [tilespmem:v49+s26+$0x0], $0xffff;
	[tilespmem:s7+$0x14460] =	vst v17  }
0x573: {  	v12 =	vld.idx.msk [tilespmem:v56+s26+$0x0], $0xffff;
	[tilespmem:s14+$0x14460] =	vst v60  }
0x574: {  	v8 =	vld.idx.msk [tilespmem:v8+s26+$0x0], $0xffff  }
0x575: {  	v9 =	vsub.f32 v39, v9  }
0x576: {  	[tilespmem:s24+$0x14470] =	vst v13;
	v62 =	vsub.f32 v58, v11  }
0x577: {  	[tilespmem:s4+$0x14470] =	vst v9;
	v10 =	vsub.f32 v46, v10  }
0x578: {  	[tilespmem:s6+$0x14470] =	vst v62;
	v63 =	vsub.f32 v59, v12  }
0x579: {  	[tilespmem:s5+$0x14470] =	vst v10;
	v8 =	vsub.f32 v61, v8  }
0x57a: {  	[tilespmem:s7+$0x14470] =	vst v63  }
0x57b: {  	s24 =	simm.s32 $0x14400;
	s4 =	simm.s32 $0x4;
	[tilespmem:s14+$0x14470] =	vst v8  }
0x57c: {  	[hbm4b:s21+s3] =	stream.linear.scatter [tilespmem:s24], [sflag:$0x4], $0x4000, $0x38;
	[tilespmem:$0x1C400] =	vst v63  }
0x57d: {  	_ =	swait.ge [sflag:s4], $0x4000  }
.Ltmp11:
0x57e: {  	[sflag:s4] =	ssyncset.done $0x0;
	(pc) =	sbr.rel .LBB2_36-.Ltmp11, $4  }
0x57f: {  	[sflag:s4] =	ssyncadd.s32 $0xFFFFC000  }
0x580: {  	_ =	swait.ge [sflag:s4], $0x4000  }
0x581: {  	[sflag:s4] =	ssyncset.done $0x0  }
0x582: {  	s7 =	simm.s32 $0xC400;
	s8 =	rddreg [dreg:$0x10];
	[sflag:s4] =	ssyncadd.s32 $0xFFFFC000  }
.LBB2_19:
0x583: {  	s4 =	simm.s32 $0x0  }
0x584: {  	[tilespmem:s26], [sflag:$0x3] =	stream.indirect.gather [hbm4b:s2+s0], $0x80, s4, s0, $0xb8;
	[tilespmem:$0x1C400] =	vst v63  }
0x585: {  	_ =	swait.ge [sflag:s29], $0x4000  }
0x586: {  	[sflag:s29] =	ssyncset.done $0x0  }
0x587: {  	[sflag:s29] =	ssyncadd.s32 $0xFFFFC000  }
0x588: {  	_ =	swait.ge [sflag:s28], $0x4000  }
0x589: {  	[sflag:s28] =	ssyncset.done $0x0  }
0x58a: {  	s4 =	simm.s32 $0x0;
	[sflag:s28] =	ssyncadd.s32 $0xFFFFC000  }
0x58b: {  	v8 =	vld [tilespmem:s4+$0x4470]  }
0x58c: {  	v9 =	vld [tilespmem:s4+$0x470]  }
0x58d: {  	v10 =	vld [tilespmem:s4+$0x4400]  }
0x58e: {  	v11 =	vld [tilespmem:s4+$0x400]  }
0x58f: {  	v12 =	vld [tilespmem:s4+$0x4410]  }
0x590: {  	v13 =	vld [tilespmem:s4+$0x410]  }
0x591: {  	v14 =	vld [tilespmem:s4+$0x4420]  }
0x592: {  	v15 =	vld [tilespmem:s4+$0x4430]  }
0x593: {  	v8 =	vsub.f32 v8, v9;
	v9 =	vld [tilespmem:s4+$0x420]  }
0x594: {  	v10 =	vsub.f32 v10, v11;
	v11 =	vld [tilespmem:s4+$0x430]  }
0x595: {  	v16 =	vld [tilespmem:s4+$0x440]  }
0x596: {  	[tilespmem:s4+$0x10470] =	vst v8;
	v8 =	vsub.f32 v12, v13;
	v12 =	vld [tilespmem:s4+$0x4440]  }
0x597: {  	[tilespmem:s4+$0x10400] =	vst v10;
	v10 =	vld [tilespmem:s4+$0x450]  }
0x598: {  	[tilespmem:s4+$0x10410] =	vst v8;
	v8 =	vld [tilespmem:s4+$0x4450];
	v9 =	vsub.f32 v14, v9  }
0x599: {  	v14 =	vsub.f32 v15, v11;
	v11 =	vld [tilespmem:s4+$0x460]  }
0x59a: {  	s5 =	simm.s32 $0x80;
	[tilespmem:s4+$0x10420] =	vst v9;
	v9 =	vld [tilespmem:s4+$0x4460]  }
0x59b: {  	s6 =	simm.s32 $0x400;
	v13 =	vld [tilespmem:s5+$0x4470];
	[tilespmem:s4+$0x10430] =	vst v14;
	v12 =	vsub.f32 v12, v16  }
.LBB2_20:
0x59c: {  	p0 =	sne.s32 s6, $0xFE00;
	v14 =	vld [tilespmem:s5+$0x470]  }
0x59d: {  	v15 =	vld [tilespmem:s5+$0x4400];
	[tilespmem:s4+$0x10440] =	vst v12;
	v8 =	vsub.f32 v8, v10  }
0x59e: {  	v10 =	vld [tilespmem:s5+$0x400]  }
0x59f: {  	v12 =	vld [tilespmem:s5+$0x4410];
	[tilespmem:s4+$0x10450] =	vst v8;
	v8 =	vsub.f32 v9, v11  }
0x5a0: {  	v9 =	vld [tilespmem:s5+$0x410]  }
0x5a1: {  	v11 =	vld [tilespmem:s5+$0x4420];
	v13 =	vsub.f32 v13, v14;
	[tilespmem:s4+$0x10460] =	vst v8;
	s4 =	smov.u32 s5  }
0x5a2: {  	v8 =	vld [tilespmem:s4+$0x420]  }
0x5a3: {  	v10 =	vsub.f32 v15, v10;
	v14 =	vld [tilespmem:s4+$0x4430];
	[tilespmem:s4+$0x10470] =	vst v13  }
0x5a4: {  	v13 =	vld [tilespmem:s4+$0x430]  }
0x5a5: {  	[tilespmem:s4+$0x10400] =	vst v10;
	v9 =	vsub.f32 v12, v9;
	v12 =	vld [tilespmem:s4+$0x4440]  }
0x5a6: {  	v15 =	vld [tilespmem:s4+$0x440]  }
.Ltmp12:
0x5a7: {  	[tilespmem:s4+$0x10410] =	vst v9;
	v9 =	vsub.f32 v11, v8;
	v8 =	vld [tilespmem:s4+$0x4450];
	(pc) =	sbr.rel @p0 .LBB2_20-.Ltmp12, $4  }
0x5a8: {  	v10 =	vld [tilespmem:s4+$0x450]  }
0x5a9: {  	[tilespmem:s4+$0x10420] =	vst v9;
	v14 =	vsub.f32 v14, v13;
	v9 =	vld [tilespmem:s4+$0x4460]  }
0x5aa: {  	s5 =	sshra.s32 s6, $0x2;
	v11 =	vld [tilespmem:s4+$0x460]  }
0x5ab: {  	s6 =	sadd.s32 $0x200, s6;
	v13 =	vld [tilespmem:s5+$0x4470];
	[tilespmem:s4+$0x10430] =	vst v14;
	v12 =	vsub.f32 v12, v15  }
0x5ac: {  	v14 =	vld [tilespmem:s5+$0x470]  }
0x5ad: {  	v15 =	vld [tilespmem:s5+$0x4400]  }
0x5ae: {  	v16 =	vld [tilespmem:s5+$0x400]  }
0x5af: {  	v17 =	vld [tilespmem:s5+$0x4410]  }
0x5b0: {  	v18 =	vld [tilespmem:s5+$0x410]  }
0x5b1: {  	v19 =	vld [tilespmem:s5+$0x4420]  }
0x5b2: {  	v20 =	vld [tilespmem:s5+$0x4430]  }
0x5b3: {  	v13 =	vsub.f32 v13, v14;
	v14 =	vld [tilespmem:s5+$0x420]  }
0x5b4: {  	v60 =	vld [tilespmem:s5+$0x4440]  }
0x5b5: {  	v61 =	vld [tilespmem:s5+$0x440];
	v15 =	vsub.f32 v15, v16  }
0x5b6: {  	v62 =	vld [tilespmem:s5+$0x450];
	[tilespmem:s5+$0x10470] =	vst v13  }
0x5b7: {  	v13 =	vld [tilespmem:s5+$0x430];
	[tilespmem:s5+$0x10400] =	vst v15;
	v15 =	vsub.f32 v17, v18  }
0x5b8: {  	v8 =	vsub.f32 v8, v10;
	v10 =	vld [tilespmem:s5+$0x460];
	v14 =	vsub.f32 v19, v14  }
0x5b9: {  	[tilespmem:s5+$0x10410] =	vst v15;
	v15 =	vld [tilespmem:s5+$0x4450]  }
0x5ba: {  	[tilespmem:s5+$0x10420] =	vst v14;
	v14 =	vld [tilespmem:s5+$0x4460]  }
0x5bb: {  	[tilespmem:s4+$0x10440] =	vst v12;
	v9 =	vsub.f32 v9, v11  }
0x5bc: {  	[tilespmem:s4+$0x10450] =	vst v8;
	v8 =	vsub.f32 v20, v13  }
0x5bd: {  	[tilespmem:s4+$0x10460] =	vst v9;
	v9 =	vsub.f32 v60, v61  }
0x5be: {  	[tilespmem:s5+$0x10430] =	vst v8;
	v8 =	vsub.f32 v15, v62  }
0x5bf: {  	[tilespmem:s5+$0x10440] =	vst v9;
	v9 =	vsub.f32 v14, v10  }
0x5c0: {  	[tilespmem:s5+$0x10450] =	vst v8  }
0x5c1: {  	[tilespmem:s5+$0x10460] =	vst v9  }
0x5c2: {  	s24 =	simm.s32 $0x0;
	s5 =	rddreg [dreg:$0x5]  }
0x5c3: {  	[hbm4b:s5+s24] =	stream.linear.scatter [tilespmem:s30], [sflag:$0x5], $0x4000, $0x38;
	[tilespmem:$0x1C400] =	vst v63  }
0x5c4: {  	_ =	swait.ge [sflag:s25], $0x4000  }
0x5c5: {  	[sflag:s25] =	ssyncset.done $0x0  }
0x5c6: {  	[sflag:s25] =	ssyncadd.s32 $0xFFFFC000  }
0x5c7: {  	[tilespmem:s26], [sflag:$0x3] =	stream.indirect.gather [hbm4b:s2+s0], $0x80, s0, s0, $0xb8;
	[tilespmem:$0x1C400] =	vst v63  }
0x5c8: {  	_ =	swait.ge [sflag:s29], $0x4000  }
0x5c9: {  	[sflag:s29] =	ssyncset.done $0x0  }
0x5ca: {  	[sflag:s29] =	ssyncadd.s32 $0xFFFFC000  }
0x5cb: {  	_ =	swait.ge [sflag:s28], $0x4000  }
0x5cc: {  	[sflag:s28] =	ssyncset.done $0x0  }
0x5cd: {  	s4 =	simm.s32 $0x0;
	[sflag:s28] =	ssyncadd.s32 $0xFFFFC000  }
0x5ce: {  	v8 =	vld [tilespmem:s4+$0x8470]  }
0x5cf: {  	v9 =	vld [tilespmem:s4+$0x470]  }
0x5d0: {  	v10 =	vld [tilespmem:s4+$0x8400]  }
0x5d1: {  	v11 =	vld [tilespmem:s4+$0x400]  }
0x5d2: {  	v12 =	vld [tilespmem:s4+$0x8410]  }
0x5d3: {  	v13 =	vld [tilespmem:s4+$0x410]  }
0x5d4: {  	v14 =	vld [tilespmem:s4+$0x8420]  }
0x5d5: {  	v15 =	vld [tilespmem:s4+$0x8430]  }
0x5d6: {  	v8 =	vsub.f32 v8, v9;
	v9 =	vld [tilespmem:s4+$0x420]  }
0x5d7: {  	v10 =	vsub.f32 v10, v11;
	v11 =	vld [tilespmem:s4+$0x430]  }
0x5d8: {  	v63 =	vld [tilespmem:s4+$0x440]  }
0x5d9: {  	[tilespmem:s4+$0x10470] =	vst v8;
	v8 =	vsub.f32 v12, v13;
	v12 =	vld [tilespmem:s4+$0x8440]  }
0x5da: {  	[tilespmem:s4+$0x10400] =	vst v10;
	v10 =	vld [tilespmem:s4+$0x450]  }
0x5db: {  	[tilespmem:s4+$0x10410] =	vst v8;
	v8 =	vld [tilespmem:s4+$0x8450];
	v9 =	vsub.f32 v14, v9  }
0x5dc: {  	v14 =	vsub.f32 v15, v11;
	v11 =	vld [tilespmem:s4+$0x460]  }
0x5dd: {  	s5 =	simm.s32 $0x80;
	[tilespmem:s4+$0x10420] =	vst v9;
	v9 =	vld [tilespmem:s4+$0x8460]  }
0x5de: {  	s6 =	simm.s32 $0x400;
	v13 =	vld [tilespmem:s5+$0x8470];
	[tilespmem:s4+$0x10430] =	vst v14;
	v12 =	vsub.f32 v12, v63  }
.LBB2_22:
0x5df: {  	p0 =	sne.s32 s6, $0xFE00;
	v14 =	vld [tilespmem:s5+$0x470]  }
0x5e0: {  	v15 =	vld [tilespmem:s5+$0x8400];
	[tilespmem:s4+$0x10440] =	vst v12;
	v8 =	vsub.f32 v8, v10  }
0x5e1: {  	v10 =	vld [tilespmem:s5+$0x400]  }
0x5e2: {  	v12 =	vld [tilespmem:s5+$0x8410];
	[tilespmem:s4+$0x10450] =	vst v8;
	v8 =	vsub.f32 v9, v11  }
0x5e3: {  	v9 =	vld [tilespmem:s5+$0x410]  }
0x5e4: {  	v11 =	vld [tilespmem:s5+$0x8420];
	v13 =	vsub.f32 v13, v14;
	[tilespmem:s4+$0x10460] =	vst v8;
	s4 =	smov.u32 s5  }
0x5e5: {  	v8 =	vld [tilespmem:s4+$0x420]  }
0x5e6: {  	v10 =	vsub.f32 v15, v10;
	v14 =	vld [tilespmem:s4+$0x8430];
	[tilespmem:s4+$0x10470] =	vst v13  }
0x5e7: {  	v13 =	vld [tilespmem:s4+$0x430]  }
0x5e8: {  	[tilespmem:s4+$0x10400] =	vst v10;
	v9 =	vsub.f32 v12, v9;
	v12 =	vld [tilespmem:s4+$0x8440]  }
0x5e9: {  	v15 =	vld [tilespmem:s4+$0x440]  }
.Ltmp13:
0x5ea: {  	[tilespmem:s4+$0x10410] =	vst v9;
	v9 =	vsub.f32 v11, v8;
	v8 =	vld [tilespmem:s4+$0x8450];
	(pc) =	sbr.rel @p0 .LBB2_22-.Ltmp13, $4  }
0x5eb: {  	v10 =	vld [tilespmem:s4+$0x450]  }
0x5ec: {  	[tilespmem:s4+$0x10420] =	vst v9;
	v14 =	vsub.f32 v14, v13;
	v9 =	vld [tilespmem:s4+$0x8460]  }
0x5ed: {  	s5 =	sshra.s32 s6, $0x2;
	v11 =	vld [tilespmem:s4+$0x460]  }
0x5ee: {  	s6 =	sadd.s32 $0x200, s6;
	v13 =	vld [tilespmem:s5+$0x8470];
	[tilespmem:s4+$0x10430] =	vst v14;
	v12 =	vsub.f32 v12, v15  }
0x5ef: {  	v14 =	vld [tilespmem:s5+$0x470]  }
0x5f0: {  	v15 =	vld [tilespmem:s5+$0x8400]  }
0x5f1: {  	v16 =	vld [tilespmem:s5+$0x400]  }
0x5f2: {  	v17 =	vld [tilespmem:s5+$0x8410]  }
0x5f3: {  	v18 =	vld [tilespmem:s5+$0x410]  }
0x5f4: {  	v19 =	vld [tilespmem:s5+$0x8420]  }
0x5f5: {  	v20 =	vld [tilespmem:s5+$0x8430]  }
0x5f6: {  	v13 =	vsub.f32 v13, v14;
	v14 =	vld [tilespmem:s5+$0x420]  }
0x5f7: {  	v60 =	vld [tilespmem:s5+$0x8440]  }
0x5f8: {  	v61 =	vld [tilespmem:s5+$0x440];
	v15 =	vsub.f32 v15, v16  }
0x5f9: {  	v62 =	vld [tilespmem:s5+$0x450];
	[tilespmem:s5+$0x10470] =	vst v13  }
0x5fa: {  	v13 =	vld [tilespmem:s5+$0x430];
	[tilespmem:s5+$0x10400] =	vst v15;
	v15 =	vsub.f32 v17, v18  }
0x5fb: {  	v8 =	vsub.f32 v8, v10;
	v10 =	vld [tilespmem:s5+$0x460];
	v14 =	vsub.f32 v19, v14  }
0x5fc: {  	[tilespmem:s5+$0x10410] =	vst v15;
	v15 =	vld [tilespmem:s5+$0x8450]  }
0x5fd: {  	[tilespmem:s5+$0x10420] =	vst v14;
	v14 =	vld [tilespmem:s5+$0x8460]  }
0x5fe: {  	[tilespmem:s4+$0x10440] =	vst v12;
	v9 =	vsub.f32 v9, v11  }
0x5ff: {  	[tilespmem:s4+$0x10450] =	vst v8;
	v8 =	vsub.f32 v20, v13  }
0x600: {  	[tilespmem:s4+$0x10460] =	vst v9;
	v9 =	vsub.f32 v60, v61  }
0x601: {  	[tilespmem:s5+$0x10430] =	vst v8;
	v8 =	vsub.f32 v15, v62  }
0x602: {  	[tilespmem:s5+$0x10440] =	vst v9;
	v9 =	vsub.f32 v14, v10  }
0x603: {  	[tilespmem:s5+$0x10450] =	vst v8  }
0x604: {  	[tilespmem:s5+$0x10460] =	vst v9  }
0x605: {  	s14 =	simm.s32 $0x0;
	s5 =	rddreg [dreg:$0x6]  }
0x606: {  	[hbm4b:s5+s14] =	stream.linear.scatter [tilespmem:s30], [sflag:$0x5], $0x4000, $0x38;
	[tilespmem:$0x1C400] =	vst v63  }
0x607: {  	_ =	swait.ge [sflag:s25], $0x4000  }
0x608: {  	[sflag:s25] =	ssyncset.done $0x0  }
0x609: {  	s24 =	simm.s32 $0x100;
	[sflag:s25] =	ssyncadd.s32 $0xFFFFC000  }
0x60a: {  	[tilespmem:s26], [sflag:$0x3] =	stream.indirect.gather [hbm4b:s2+s0], $0x80, s24, s0, $0xb8;
	[tilespmem:$0x1C400] =	vst v63  }
0x60b: {  	_ =	swait.ge [sflag:s29], $0x4000  }
0x60c: {  	[sflag:s29] =	ssyncset.done $0x0  }
0x60d: {  	[sflag:s29] =	ssyncadd.s32 $0xFFFFC000  }
0x60e: {  	_ =	swait.ge [sflag:s28], $0x4000  }
0x60f: {  	[sflag:s28] =	ssyncset.done $0x0  }
0x610: {  	s4 =	simm.s32 $0x0;
	[sflag:s28] =	ssyncadd.s32 $0xFFFFC000  }
0x611: {  	v8 =	vld [tilespmem:s4+$0xC470]  }
0x612: {  	v9 =	vld [tilespmem:s4+$0x470]  }
0x613: {  	v10 =	vld [tilespmem:s4+$0xC400]  }
0x614: {  	v11 =	vld [tilespmem:s4+$0x400]  }
0x615: {  	v12 =	vld [tilespmem:s4+$0xC410]  }
0x616: {  	v13 =	vld [tilespmem:s4+$0x410]  }
0x617: {  	v14 =	vld [tilespmem:s4+$0xC420]  }
0x618: {  	v15 =	vld [tilespmem:s4+$0xC430]  }
0x619: {  	v8 =	vsub.f32 v8, v9;
	v9 =	vld [tilespmem:s4+$0x420]  }
0x61a: {  	v10 =	vsub.f32 v10, v11;
	v11 =	vld [tilespmem:s4+$0x430]  }
0x61b: {  	v63 =	vld [tilespmem:s4+$0x440]  }
0x61c: {  	[tilespmem:s4+$0x10470] =	vst v8;
	v8 =	vsub.f32 v12, v13;
	v12 =	vld [tilespmem:s4+$0xC440]  }
0x61d: {  	[tilespmem:s4+$0x10400] =	vst v10;
	v10 =	vld [tilespmem:s4+$0x450]  }
0x61e: {  	[tilespmem:s4+$0x10410] =	vst v8;
	v8 =	vld [tilespmem:s4+$0xC450];
	v9 =	vsub.f32 v14, v9  }
0x61f: {  	v14 =	vsub.f32 v15, v11;
	v11 =	vld [tilespmem:s4+$0x460]  }
0x620: {  	s5 =	simm.s32 $0x80;
	[tilespmem:s4+$0x10420] =	vst v9;
	v9 =	vld [tilespmem:s4+$0xC460]  }
0x621: {  	s6 =	simm.s32 $0x400;
	v13 =	vld [tilespmem:s5+$0xC470];
	[tilespmem:s4+$0x10430] =	vst v14;
	v12 =	vsub.f32 v12, v63  }
.LBB2_24:
0x622: {  	p0 =	sne.s32 s6, $0xFE00;
	v14 =	vld [tilespmem:s5+$0x470]  }
0x623: {  	v15 =	vld [tilespmem:s5+$0xC400];
	[tilespmem:s4+$0x10440] =	vst v12;
	v8 =	vsub.f32 v8, v10  }
0x624: {  	v10 =	vld [tilespmem:s5+$0x400]  }
0x625: {  	v12 =	vld [tilespmem:s5+$0xC410];
	[tilespmem:s4+$0x10450] =	vst v8;
	v8 =	vsub.f32 v9, v11  }
0x626: {  	v9 =	vld [tilespmem:s5+$0x410]  }
0x627: {  	v11 =	vld [tilespmem:s5+$0xC420];
	v13 =	vsub.f32 v13, v14;
	[tilespmem:s4+$0x10460] =	vst v8;
	s4 =	smov.u32 s5  }
0x628: {  	v8 =	vld [tilespmem:s4+$0x420]  }
0x629: {  	v10 =	vsub.f32 v15, v10;
	v14 =	vld [tilespmem:s4+$0xC430];
	[tilespmem:s4+$0x10470] =	vst v13  }
0x62a: {  	v13 =	vld [tilespmem:s4+$0x430]  }
0x62b: {  	[tilespmem:s4+$0x10400] =	vst v10;
	v9 =	vsub.f32 v12, v9;
	v12 =	vld [tilespmem:s4+$0xC440]  }
0x62c: {  	v15 =	vld [tilespmem:s4+$0x440]  }
.Ltmp14:
0x62d: {  	[tilespmem:s4+$0x10410] =	vst v9;
	v9 =	vsub.f32 v11, v8;
	v8 =	vld [tilespmem:s4+$0xC450];
	(pc) =	sbr.rel @p0 .LBB2_24-.Ltmp14, $4  }
0x62e: {  	v10 =	vld [tilespmem:s4+$0x450]  }
0x62f: {  	[tilespmem:s4+$0x10420] =	vst v9;
	v14 =	vsub.f32 v14, v13;
	v9 =	vld [tilespmem:s4+$0xC460]  }
0x630: {  	s5 =	sshra.s32 s6, $0x2;
	v11 =	vld [tilespmem:s4+$0x460]  }
0x631: {  	s6 =	sadd.s32 $0x200, s6;
	v13 =	vld [tilespmem:s5+$0xC470];
	[tilespmem:s4+$0x10430] =	vst v14;
	v12 =	vsub.f32 v12, v15  }
0x632: {  	v14 =	vld [tilespmem:s5+$0x470]  }
0x633: {  	v15 =	vld [tilespmem:s5+$0xC400]  }
0x634: {  	v16 =	vld [tilespmem:s5+$0x400]  }
0x635: {  	v17 =	vld [tilespmem:s5+$0xC410]  }
0x636: {  	v18 =	vld [tilespmem:s5+$0x410]  }
0x637: {  	v19 =	vld [tilespmem:s5+$0xC420]  }
0x638: {  	v20 =	vld [tilespmem:s5+$0xC430]  }
0x639: {  	v13 =	vsub.f32 v13, v14;
	v14 =	vld [tilespmem:s5+$0x420]  }
0x63a: {  	v60 =	vld [tilespmem:s5+$0xC440]  }
0x63b: {  	v61 =	vld [tilespmem:s5+$0x440];
	v15 =	vsub.f32 v15, v16  }
0x63c: {  	v62 =	vld [tilespmem:s5+$0x450];
	[tilespmem:s5+$0x10470] =	vst v13  }
0x63d: {  	v13 =	vld [tilespmem:s5+$0x430];
	[tilespmem:s5+$0x10400] =	vst v15;
	v15 =	vsub.f32 v17, v18  }
0x63e: {  	v8 =	vsub.f32 v8, v10;
	v10 =	vld [tilespmem:s5+$0x460];
	v14 =	vsub.f32 v19, v14  }
0x63f: {  	[tilespmem:s5+$0x10410] =	vst v15;
	v15 =	vld [tilespmem:s5+$0xC450]  }
0x640: {  	[tilespmem:s5+$0x10420] =	vst v14;
	v14 =	vld [tilespmem:s5+$0xC460]  }
0x641: {  	[tilespmem:s4+$0x10440] =	vst v12;
	v9 =	vsub.f32 v9, v11  }
0x642: {  	[tilespmem:s4+$0x10450] =	vst v8;
	v8 =	vsub.f32 v20, v13  }
0x643: {  	[tilespmem:s4+$0x10460] =	vst v9;
	v9 =	vsub.f32 v60, v61  }
0x644: {  	[tilespmem:s5+$0x10430] =	vst v8;
	v8 =	vsub.f32 v15, v62  }
0x645: {  	[tilespmem:s5+$0x10440] =	vst v9;
	v9 =	vsub.f32 v14, v10  }
0x646: {  	[tilespmem:s5+$0x10450] =	vst v8  }
0x647: {  	[tilespmem:s5+$0x10460] =	vst v9  }
0x648: {  	s13 =	simm.s32 $0x0;
	s5 =	rddreg [dreg:$0x7]  }
0x649: {  	[hbm4b:s5+s13] =	stream.linear.scatter [tilespmem:s30], [sflag:$0x5], $0x4000, $0x38;
	[tilespmem:$0x1C400] =	vst v63  }
0x64a: {  	_ =	swait.ge [sflag:s25], $0x4000  }
0x64b: {  	[sflag:s25] =	ssyncset.done $0x0  }
0x64c: {  	s14 =	simm.s32 $0x180;
	[sflag:s25] =	ssyncadd.s32 $0xFFFFC000  }
0x64d: {  	[tilespmem:s26], [sflag:$0x3] =	stream.indirect.gather [hbm4b:s2+s0], $0x80, s14, s0, $0xb8;
	[tilespmem:$0x1C400] =	vst v63  }
0x64e: {  	s24 =	rddreg [dreg:$0x8]  }
0x64f: {  	[tilespmem:s22], [sflag:$0x2] =	stream.linear.gather [hbm4b:s24+s13], $0x4000, $0x38;
	[tilespmem:$0x1C400] =	vst v63  }
0x650: {  	_ =	swait.ge [sflag:s29], $0x4000  }
0x651: {  	[sflag:s29] =	ssyncset.done $0x0  }
0x652: {  	[sflag:s29] =	ssyncadd.s32 $0xFFFFC000  }
0x653: {  	_ =	swait.ge [sflag:s28], $0x4000  }
0x654: {  	[sflag:s28] =	ssyncset.done $0x0  }
0x655: {  	s4 =	simm.s32 $0x0;
	[sflag:s28] =	ssyncadd.s32 $0xFFFFC000  }
0x656: {  	v8 =	vld [tilespmem:s4+$0x4470]  }
0x657: {  	v9 =	vld [tilespmem:s4+$0x470]  }
0x658: {  	v10 =	vld [tilespmem:s4+$0x4400]  }
0x659: {  	v11 =	vld [tilespmem:s4+$0x400]  }
0x65a: {  	v12 =	vld [tilespmem:s4+$0x4410]  }
0x65b: {  	v13 =	vld [tilespmem:s4+$0x410]  }
0x65c: {  	v14 =	vld [tilespmem:s4+$0x4420]  }
0x65d: {  	v15 =	vld [tilespmem:s4+$0x4430]  }
0x65e: {  	v8 =	vsub.f32 v8, v9;
	v9 =	vld [tilespmem:s4+$0x420]  }
0x65f: {  	v10 =	vsub.f32 v10, v11;
	v11 =	vld [tilespmem:s4+$0x430]  }
0x660: {  	v63 =	vld [tilespmem:s4+$0x440]  }
0x661: {  	[tilespmem:s4+$0x10470] =	vst v8;
	v8 =	vsub.f32 v12, v13;
	v12 =	vld [tilespmem:s4+$0x4440]  }
0x662: {  	[tilespmem:s4+$0x10400] =	vst v10;
	v10 =	vld [tilespmem:s4+$0x450]  }
0x663: {  	[tilespmem:s4+$0x10410] =	vst v8;
	v8 =	vld [tilespmem:s4+$0x4450];
	v9 =	vsub.f32 v14, v9  }
0x664: {  	v14 =	vsub.f32 v15, v11;
	v11 =	vld [tilespmem:s4+$0x460]  }
0x665: {  	s5 =	simm.s32 $0x80;
	[tilespmem:s4+$0x10420] =	vst v9;
	v9 =	vld [tilespmem:s4+$0x4460]  }
0x666: {  	s6 =	simm.s32 $0x400;
	v13 =	vld [tilespmem:s5+$0x4470];
	[tilespmem:s4+$0x10430] =	vst v14;
	v12 =	vsub.f32 v12, v63  }
.LBB2_26:
0x667: {  	p0 =	sne.s32 s6, $0xFE00;
	v14 =	vld [tilespmem:s5+$0x470]  }
0x668: {  	v15 =	vld [tilespmem:s5+$0x4400];
	[tilespmem:s4+$0x10440] =	vst v12;
	v8 =	vsub.f32 v8, v10  }
0x669: {  	v10 =	vld [tilespmem:s5+$0x400]  }
0x66a: {  	v12 =	vld [tilespmem:s5+$0x4410];
	[tilespmem:s4+$0x10450] =	vst v8;
	v8 =	vsub.f32 v9, v11  }
0x66b: {  	v9 =	vld [tilespmem:s5+$0x410]  }
0x66c: {  	v11 =	vld [tilespmem:s5+$0x4420];
	v13 =	vsub.f32 v13, v14;
	[tilespmem:s4+$0x10460] =	vst v8;
	s4 =	smov.u32 s5  }
0x66d: {  	v8 =	vld [tilespmem:s4+$0x420]  }
0x66e: {  	v10 =	vsub.f32 v15, v10;
	v14 =	vld [tilespmem:s4+$0x4430];
	[tilespmem:s4+$0x10470] =	vst v13  }
0x66f: {  	v13 =	vld [tilespmem:s4+$0x430]  }
0x670: {  	[tilespmem:s4+$0x10400] =	vst v10;
	v9 =	vsub.f32 v12, v9;
	v12 =	vld [tilespmem:s4+$0x4440]  }
0x671: {  	v15 =	vld [tilespmem:s4+$0x440]  }
.Ltmp15:
0x672: {  	[tilespmem:s4+$0x10410] =	vst v9;
	v9 =	vsub.f32 v11, v8;
	v8 =	vld [tilespmem:s4+$0x4450];
	(pc) =	sbr.rel @p0 .LBB2_26-.Ltmp15, $4  }
0x673: {  	v10 =	vld [tilespmem:s4+$0x450]  }
0x674: {  	[tilespmem:s4+$0x10420] =	vst v9;
	v14 =	vsub.f32 v14, v13;
	v9 =	vld [tilespmem:s4+$0x4460]  }
0x675: {  	s5 =	sshra.s32 s6, $0x2;
	v11 =	vld [tilespmem:s4+$0x460]  }
0x676: {  	s6 =	sadd.s32 $0x200, s6;
	v13 =	vld [tilespmem:s5+$0x4470];
	[tilespmem:s4+$0x10430] =	vst v14;
	v12 =	vsub.f32 v12, v15  }
0x677: {  	v14 =	vld [tilespmem:s5+$0x470]  }
0x678: {  	v15 =	vld [tilespmem:s5+$0x4400]  }
0x679: {  	v16 =	vld [tilespmem:s5+$0x400]  }
0x67a: {  	v17 =	vld [tilespmem:s5+$0x4410]  }
0x67b: {  	v18 =	vld [tilespmem:s5+$0x410]  }
0x67c: {  	v19 =	vld [tilespmem:s5+$0x4420]  }
0x67d: {  	v20 =	vld [tilespmem:s5+$0x4430]  }
0x67e: {  	v13 =	vsub.f32 v13, v14;
	v14 =	vld [tilespmem:s5+$0x420]  }
0x67f: {  	v60 =	vld [tilespmem:s5+$0x4440]  }
0x680: {  	v61 =	vld [tilespmem:s5+$0x440];
	v15 =	vsub.f32 v15, v16  }
0x681: {  	v62 =	vld [tilespmem:s5+$0x450];
	[tilespmem:s5+$0x10470] =	vst v13  }
0x682: {  	v13 =	vld [tilespmem:s5+$0x430];
	[tilespmem:s5+$0x10400] =	vst v15;
	v15 =	vsub.f32 v17, v18  }
0x683: {  	v8 =	vsub.f32 v8, v10;
	v10 =	vld [tilespmem:s5+$0x460];
	v14 =	vsub.f32 v19, v14  }
0x684: {  	[tilespmem:s5+$0x10410] =	vst v15;
	v15 =	vld [tilespmem:s5+$0x4450]  }
0x685: {  	[tilespmem:s5+$0x10420] =	vst v14;
	v14 =	vld [tilespmem:s5+$0x4460]  }
0x686: {  	[tilespmem:s4+$0x10440] =	vst v12;
	v9 =	vsub.f32 v9, v11  }
0x687: {  	[tilespmem:s4+$0x10450] =	vst v8;
	v8 =	vsub.f32 v20, v13  }
0x688: {  	[tilespmem:s4+$0x10460] =	vst v9;
	v9 =	vsub.f32 v60, v61  }
0x689: {  	[tilespmem:s5+$0x10430] =	vst v8;
	v8 =	vsub.f32 v15, v62  }
0x68a: {  	[tilespmem:s5+$0x10440] =	vst v9;
	v9 =	vsub.f32 v14, v10  }
0x68b: {  	[tilespmem:s5+$0x10450] =	vst v8  }
0x68c: {  	[tilespmem:s5+$0x10460] =	vst v9  }
0x68d: {  	s13 =	simm.s32 $0x0;
	s5 =	rddreg [dreg:$0x9]  }
0x68e: {  	[hbm4b:s5+s13] =	stream.linear.scatter [tilespmem:s30], [sflag:$0x5], $0x4000, $0x38;
	[tilespmem:$0x1C400] =	vst v63  }
0x68f: {  	_ =	swait.ge [sflag:s25], $0x4000  }
0x690: {  	[sflag:s25] =	ssyncset.done $0x0  }
0x691: {  	s14 =	simm.s32 $0x200;
	[sflag:s25] =	ssyncadd.s32 $0xFFFFC000  }
0x692: {  	[tilespmem:s26], [sflag:$0x3] =	stream.indirect.gather [hbm4b:s2+s0], $0x80, s14, s0, $0xb8;
	[tilespmem:$0x1C400] =	vst v63  }
0x693: {  	s24 =	rddreg [dreg:$0xa]  }
0x694: {  	[tilespmem:s23], [sflag:$0x2] =	stream.linear.gather [hbm4b:s24+s13], $0x4000, $0x38;
	[tilespmem:$0x1C400] =	vst v63  }
0x695: {  	_ =	swait.ge [sflag:s29], $0x4000  }
0x696: {  	[sflag:s29] =	ssyncset.done $0x0  }
0x697: {  	[sflag:s29] =	ssyncadd.s32 $0xFFFFC000  }
0x698: {  	_ =	swait.ge [sflag:s28], $0x4000  }
0x699: {  	[sflag:s28] =	ssyncset.done $0x0  }
0x69a: {  	s4 =	simm.s32 $0x0;
	[sflag:s28] =	ssyncadd.s32 $0xFFFFC000  }
0x69b: {  	v8 =	vld [tilespmem:s4+$0x8470]  }
0x69c: {  	v9 =	vld [tilespmem:s4+$0x470]  }
0x69d: {  	v10 =	vld [tilespmem:s4+$0x8400]  }
0x69e: {  	v11 =	vld [tilespmem:s4+$0x400]  }
0x69f: {  	v12 =	vld [tilespmem:s4+$0x8410]  }
0x6a0: {  	v13 =	vld [tilespmem:s4+$0x410]  }
0x6a1: {  	v14 =	vld [tilespmem:s4+$0x8420]  }
0x6a2: {  	v15 =	vld [tilespmem:s4+$0x8430]  }
0x6a3: {  	v8 =	vsub.f32 v8, v9;
	v9 =	vld [tilespmem:s4+$0x420]  }
0x6a4: {  	v10 =	vsub.f32 v10, v11;
	v11 =	vld [tilespmem:s4+$0x430]  }
0x6a5: {  	v63 =	vld [tilespmem:s4+$0x440]  }
0x6a6: {  	[tilespmem:s4+$0x10470] =	vst v8;
	v8 =	vsub.f32 v12, v13;
	v12 =	vld [tilespmem:s4+$0x8440]  }
0x6a7: {  	[tilespmem:s4+$0x10400] =	vst v10;
	v10 =	vld [tilespmem:s4+$0x450]  }
0x6a8: {  	[tilespmem:s4+$0x10410] =	vst v8;
	v8 =	vld [tilespmem:s4+$0x8450];
	v9 =	vsub.f32 v14, v9  }
0x6a9: {  	v14 =	vsub.f32 v15, v11;
	v11 =	vld [tilespmem:s4+$0x460]  }
0x6aa: {  	s5 =	simm.s32 $0x80;
	[tilespmem:s4+$0x10420] =	vst v9;
	v9 =	vld [tilespmem:s4+$0x8460]  }
0x6ab: {  	s6 =	simm.s32 $0x400;
	v13 =	vld [tilespmem:s5+$0x8470];
	[tilespmem:s4+$0x10430] =	vst v14;
	v12 =	vsub.f32 v12, v63  }
.LBB2_28:
0x6ac: {  	p0 =	sne.s32 s6, $0xFE00;
	v14 =	vld [tilespmem:s5+$0x470]  }
0x6ad: {  	v15 =	vld [tilespmem:s5+$0x8400];
	[tilespmem:s4+$0x10440] =	vst v12;
	v8 =	vsub.f32 v8, v10  }
0x6ae: {  	v10 =	vld [tilespmem:s5+$0x400]  }
0x6af: {  	v12 =	vld [tilespmem:s5+$0x8410];
	[tilespmem:s4+$0x10450] =	vst v8;
	v8 =	vsub.f32 v9, v11  }
0x6b0: {  	v9 =	vld [tilespmem:s5+$0x410]  }
0x6b1: {  	v11 =	vld [tilespmem:s5+$0x8420];
	v13 =	vsub.f32 v13, v14;
	[tilespmem:s4+$0x10460] =	vst v8;
	s4 =	smov.u32 s5  }
0x6b2: {  	v8 =	vld [tilespmem:s4+$0x420]  }
0x6b3: {  	v10 =	vsub.f32 v15, v10;
	v14 =	vld [tilespmem:s4+$0x8430];
	[tilespmem:s4+$0x10470] =	vst v13  }
0x6b4: {  	v13 =	vld [tilespmem:s4+$0x430]  }
0x6b5: {  	[tilespmem:s4+$0x10400] =	vst v10;
	v9 =	vsub.f32 v12, v9;
	v12 =	vld [tilespmem:s4+$0x8440]  }
0x6b6: {  	v15 =	vld [tilespmem:s4+$0x440]  }
.Ltmp16:
0x6b7: {  	[tilespmem:s4+$0x10410] =	vst v9;
	v9 =	vsub.f32 v11, v8;
	v8 =	vld [tilespmem:s4+$0x8450];
	(pc) =	sbr.rel @p0 .LBB2_28-.Ltmp16, $4  }
0x6b8: {  	v10 =	vld [tilespmem:s4+$0x450]  }
0x6b9: {  	[tilespmem:s4+$0x10420] =	vst v9;
	v14 =	vsub.f32 v14, v13;
	v9 =	vld [tilespmem:s4+$0x8460]  }
0x6ba: {  	s5 =	sshra.s32 s6, $0x2;
	v11 =	vld [tilespmem:s4+$0x460]  }
0x6bb: {  	s6 =	sadd.s32 $0x200, s6;
	v13 =	vld [tilespmem:s5+$0x8470];
	[tilespmem:s4+$0x10430] =	vst v14;
	v12 =	vsub.f32 v12, v15  }
0x6bc: {  	v14 =	vld [tilespmem:s5+$0x470]  }
0x6bd: {  	v15 =	vld [tilespmem:s5+$0x8400]  }
0x6be: {  	v16 =	vld [tilespmem:s5+$0x400]  }
0x6bf: {  	v17 =	vld [tilespmem:s5+$0x8410]  }
0x6c0: {  	v18 =	vld [tilespmem:s5+$0x410]  }
0x6c1: {  	v19 =	vld [tilespmem:s5+$0x8420]  }
0x6c2: {  	v20 =	vld [tilespmem:s5+$0x8430]  }
0x6c3: {  	v13 =	vsub.f32 v13, v14;
	v14 =	vld [tilespmem:s5+$0x420]  }
0x6c4: {  	v60 =	vld [tilespmem:s5+$0x8440]  }
0x6c5: {  	v61 =	vld [tilespmem:s5+$0x440];
	v15 =	vsub.f32 v15, v16  }
0x6c6: {  	v62 =	vld [tilespmem:s5+$0x450];
	[tilespmem:s5+$0x10470] =	vst v13  }
0x6c7: {  	v13 =	vld [tilespmem:s5+$0x430];
	[tilespmem:s5+$0x10400] =	vst v15;
	v15 =	vsub.f32 v17, v18  }
0x6c8: {  	v8 =	vsub.f32 v8, v10;
	v10 =	vld [tilespmem:s5+$0x460];
	v14 =	vsub.f32 v19, v14  }
0x6c9: {  	[tilespmem:s5+$0x10410] =	vst v15;
	v15 =	vld [tilespmem:s5+$0x8450]  }
0x6ca: {  	[tilespmem:s5+$0x10420] =	vst v14;
	v14 =	vld [tilespmem:s5+$0x8460]  }
0x6cb: {  	[tilespmem:s4+$0x10440] =	vst v12;
	v9 =	vsub.f32 v9, v11  }
0x6cc: {  	[tilespmem:s4+$0x10450] =	vst v8;
	v8 =	vsub.f32 v20, v13  }
0x6cd: {  	[tilespmem:s4+$0x10460] =	vst v9;
	v9 =	vsub.f32 v60, v61  }
0x6ce: {  	[tilespmem:s5+$0x10430] =	vst v8;
	v8 =	vsub.f32 v15, v62  }
0x6cf: {  	[tilespmem:s5+$0x10440] =	vst v9;
	v9 =	vsub.f32 v14, v10  }
0x6d0: {  	[tilespmem:s5+$0x10450] =	vst v8  }
0x6d1: {  	[tilespmem:s5+$0x10460] =	vst v9  }
0x6d2: {  	s13 =	simm.s32 $0x0;
	s5 =	rddreg [dreg:$0xb]  }
0x6d3: {  	[hbm4b:s5+s13] =	stream.linear.scatter [tilespmem:s30], [sflag:$0x5], $0x4000, $0x38;
	[tilespmem:$0x1C400] =	vst v63  }
0x6d4: {  	_ =	swait.ge [sflag:s25], $0x4000  }
0x6d5: {  	[sflag:s25] =	ssyncset.done $0x0  }
0x6d6: {  	s14 =	simm.s32 $0x280;
	[sflag:s25] =	ssyncadd.s32 $0xFFFFC000  }
0x6d7: {  	[tilespmem:s26], [sflag:$0x3] =	stream.indirect.gather [hbm4b:s2+s0], $0x80, s14, s0, $0xb8;
	[tilespmem:$0x1C400] =	vst v63  }
0x6d8: {  	s24 =	rddreg [dreg:$0xc]  }
0x6d9: {  	[tilespmem:s7], [sflag:$0x2] =	stream.linear.gather [hbm4b:s24+s13], $0x4000, $0x38;
	[tilespmem:$0x1C400] =	vst v63  }
0x6da: {  	_ =	swait.ge [sflag:s29], $0x4000  }
0x6db: {  	[sflag:s29] =	ssyncset.done $0x0  }
0x6dc: {  	[sflag:s29] =	ssyncadd.s32 $0xFFFFC000  }
0x6dd: {  	_ =	swait.ge [sflag:s28], $0x4000  }
0x6de: {  	[sflag:s28] =	ssyncset.done $0x0  }
0x6df: {  	s4 =	simm.s32 $0x0;
	[sflag:s28] =	ssyncadd.s32 $0xFFFFC000  }
0x6e0: {  	v8 =	vld [tilespmem:s4+$0xC470]  }
0x6e1: {  	v9 =	vld [tilespmem:s4+$0x470]  }
0x6e2: {  	v10 =	vld [tilespmem:s4+$0xC400]  }
0x6e3: {  	v11 =	vld [tilespmem:s4+$0x400]  }
0x6e4: {  	v12 =	vld [tilespmem:s4+$0xC410]  }
0x6e5: {  	v13 =	vld [tilespmem:s4+$0x410]  }
0x6e6: {  	v14 =	vld [tilespmem:s4+$0xC420]  }
0x6e7: {  	v15 =	vld [tilespmem:s4+$0xC430]  }
0x6e8: {  	v8 =	vsub.f32 v8, v9;
	v9 =	vld [tilespmem:s4+$0x420]  }
0x6e9: {  	v10 =	vsub.f32 v10, v11;
	v11 =	vld [tilespmem:s4+$0x430]  }
0x6ea: {  	v63 =	vld [tilespmem:s4+$0x440]  }
0x6eb: {  	[tilespmem:s4+$0x10470] =	vst v8;
	v8 =	vsub.f32 v12, v13;
	v12 =	vld [tilespmem:s4+$0xC440]  }
0x6ec: {  	[tilespmem:s4+$0x10400] =	vst v10;
	v10 =	vld [tilespmem:s4+$0x450]  }
0x6ed: {  	[tilespmem:s4+$0x10410] =	vst v8;
	v8 =	vld [tilespmem:s4+$0xC450];
	v9 =	vsub.f32 v14, v9  }
0x6ee: {  	v14 =	vsub.f32 v15, v11;
	v11 =	vld [tilespmem:s4+$0x460]  }
0x6ef: {  	s5 =	simm.s32 $0x80;
	[tilespmem:s4+$0x10420] =	vst v9;
	v9 =	vld [tilespmem:s4+$0xC460]  }
0x6f0: {  	s6 =	simm.s32 $0x400;
	v13 =	vld [tilespmem:s5+$0xC470];
	[tilespmem:s4+$0x10430] =	vst v14;
	v12 =	vsub.f32 v12, v63  }
.LBB2_30:
0x6f1: {  	p0 =	sne.s32 s6, $0xFE00;
	v14 =	vld [tilespmem:s5+$0x470]  }
0x6f2: {  	v15 =	vld [tilespmem:s5+$0xC400];
	[tilespmem:s4+$0x10440] =	vst v12;
	v8 =	vsub.f32 v8, v10  }
0x6f3: {  	v10 =	vld [tilespmem:s5+$0x400]  }
0x6f4: {  	v12 =	vld [tilespmem:s5+$0xC410];
	[tilespmem:s4+$0x10450] =	vst v8;
	v8 =	vsub.f32 v9, v11  }
0x6f5: {  	v9 =	vld [tilespmem:s5+$0x410]  }
0x6f6: {  	v11 =	vld [tilespmem:s5+$0xC420];
	v13 =	vsub.f32 v13, v14;
	[tilespmem:s4+$0x10460] =	vst v8;
	s4 =	smov.u32 s5  }
0x6f7: {  	v8 =	vld [tilespmem:s4+$0x420]  }
0x6f8: {  	v10 =	vsub.f32 v15, v10;
	v14 =	vld [tilespmem:s4+$0xC430];
	[tilespmem:s4+$0x10470] =	vst v13  }
0x6f9: {  	v13 =	vld [tilespmem:s4+$0x430]  }
0x6fa: {  	[tilespmem:s4+$0x10400] =	vst v10;
	v9 =	vsub.f32 v12, v9;
	v12 =	vld [tilespmem:s4+$0xC440]  }
0x6fb: {  	v15 =	vld [tilespmem:s4+$0x440]  }
.Ltmp17:
0x6fc: {  	[tilespmem:s4+$0x10410] =	vst v9;
	v9 =	vsub.f32 v11, v8;
	v8 =	vld [tilespmem:s4+$0xC450];
	(pc) =	sbr.rel @p0 .LBB2_30-.Ltmp17, $4  }
0x6fd: {  	v10 =	vld [tilespmem:s4+$0x450]  }
0x6fe: {  	[tilespmem:s4+$0x10420] =	vst v9;
	v14 =	vsub.f32 v14, v13;
	v9 =	vld [tilespmem:s4+$0xC460]  }
0x6ff: {  	s5 =	sshra.s32 s6, $0x2;
	v11 =	vld [tilespmem:s4+$0x460]  }
0x700: {  	s6 =	sadd.s32 $0x200, s6;
	v13 =	vld [tilespmem:s5+$0xC470];
	[tilespmem:s4+$0x10430] =	vst v14;
	v12 =	vsub.f32 v12, v15  }
0x701: {  	v14 =	vld [tilespmem:s5+$0x470]  }
0x702: {  	v15 =	vld [tilespmem:s5+$0xC400]  }
0x703: {  	v16 =	vld [tilespmem:s5+$0x400]  }
0x704: {  	v17 =	vld [tilespmem:s5+$0xC410]  }
0x705: {  	v18 =	vld [tilespmem:s5+$0x410]  }
0x706: {  	v19 =	vld [tilespmem:s5+$0xC420]  }
0x707: {  	v20 =	vld [tilespmem:s5+$0xC430]  }
0x708: {  	v13 =	vsub.f32 v13, v14;
	v14 =	vld [tilespmem:s5+$0x420]  }
0x709: {  	v60 =	vld [tilespmem:s5+$0xC440]  }
0x70a: {  	v61 =	vld [tilespmem:s5+$0x440];
	v15 =	vsub.f32 v15, v16  }
0x70b: {  	v62 =	vld [tilespmem:s5+$0x450];
	[tilespmem:s5+$0x10470] =	vst v13  }
0x70c: {  	v13 =	vld [tilespmem:s5+$0x430];
	[tilespmem:s5+$0x10400] =	vst v15;
	v15 =	vsub.f32 v17, v18  }
0x70d: {  	v8 =	vsub.f32 v8, v10;
	v10 =	vld [tilespmem:s5+$0x460];
	v14 =	vsub.f32 v19, v14  }
0x70e: {  	[tilespmem:s5+$0x10410] =	vst v15;
	v15 =	vld [tilespmem:s5+$0xC450]  }
0x70f: {  	[tilespmem:s5+$0x10420] =	vst v14;
	v14 =	vld [tilespmem:s5+$0xC460]  }
0x710: {  	[tilespmem:s4+$0x10440] =	vst v12;
	v9 =	vsub.f32 v9, v11  }
0x711: {  	[tilespmem:s4+$0x10450] =	vst v8;
	v8 =	vsub.f32 v20, v13  }
0x712: {  	[tilespmem:s4+$0x10460] =	vst v9;
	v9 =	vsub.f32 v60, v61  }
0x713: {  	[tilespmem:s5+$0x10430] =	vst v8;
	v8 =	vsub.f32 v15, v62  }
0x714: {  	[tilespmem:s5+$0x10440] =	vst v9;
	v9 =	vsub.f32 v14, v10  }
0x715: {  	[tilespmem:s5+$0x10450] =	vst v8  }
0x716: {  	[tilespmem:s5+$0x10460] =	vst v9  }
0x717: {  	s13 =	simm.s32 $0x0;
	s5 =	rddreg [dreg:$0xd]  }
0x718: {  	[hbm4b:s5+s13] =	stream.linear.scatter [tilespmem:s30], [sflag:$0x5], $0x4000, $0x38;
	[tilespmem:$0x1C400] =	vst v63  }
0x719: {  	_ =	swait.ge [sflag:s25], $0x4000  }
0x71a: {  	[sflag:s25] =	ssyncset.done $0x0  }
0x71b: {  	s14 =	simm.s32 $0x300;
	[sflag:s25] =	ssyncadd.s32 $0xFFFFC000  }
0x71c: {  	[tilespmem:s26], [sflag:$0x3] =	stream.indirect.gather [hbm4b:s2+s0], $0x80, s14, s0, $0xb8;
	[tilespmem:$0x1C400] =	vst v63  }
0x71d: {  	s24 =	rddreg [dreg:$0xe]  }
0x71e: {  	[tilespmem:s22], [sflag:$0x2] =	stream.linear.gather [hbm4b:s24+s13], $0x4000, $0x38;
	[tilespmem:$0x1C400] =	vst v63  }
0x71f: {  	_ =	swait.ge [sflag:s29], $0x4000  }
0x720: {  	[sflag:s29] =	ssyncset.done $0x0  }
0x721: {  	[sflag:s29] =	ssyncadd.s32 $0xFFFFC000  }
0x722: {  	_ =	swait.ge [sflag:s28], $0x4000  }
0x723: {  	[sflag:s28] =	ssyncset.done $0x0  }
0x724: {  	s4 =	simm.s32 $0x0;
	[sflag:s28] =	ssyncadd.s32 $0xFFFFC000  }
0x725: {  	v8 =	vld [tilespmem:s4+$0x4470]  }
0x726: {  	v9 =	vld [tilespmem:s4+$0x470]  }
0x727: {  	v10 =	vld [tilespmem:s4+$0x4400]  }
0x728: {  	v11 =	vld [tilespmem:s4+$0x400]  }
0x729: {  	v12 =	vld [tilespmem:s4+$0x4410]  }
0x72a: {  	v13 =	vld [tilespmem:s4+$0x410]  }
0x72b: {  	v14 =	vld [tilespmem:s4+$0x4420]  }
0x72c: {  	v15 =	vld [tilespmem:s4+$0x4430]  }
0x72d: {  	v8 =	vsub.f32 v8, v9;
	v9 =	vld [tilespmem:s4+$0x420]  }
0x72e: {  	v10 =	vsub.f32 v10, v11;
	v11 =	vld [tilespmem:s4+$0x430]  }
0x72f: {  	v63 =	vld [tilespmem:s4+$0x440]  }
0x730: {  	[tilespmem:s4+$0x10470] =	vst v8;
	v8 =	vsub.f32 v12, v13;
	v12 =	vld [tilespmem:s4+$0x4440]  }
0x731: {  	[tilespmem:s4+$0x10400] =	vst v10;
	v10 =	vld [tilespmem:s4+$0x450]  }
0x732: {  	[tilespmem:s4+$0x10410] =	vst v8;
	v8 =	vld [tilespmem:s4+$0x4450];
	v9 =	vsub.f32 v14, v9  }
0x733: {  	v14 =	vsub.f32 v15, v11;
	v11 =	vld [tilespmem:s4+$0x460]  }
0x734: {  	s5 =	simm.s32 $0x80;
	[tilespmem:s4+$0x10420] =	vst v9;
	v9 =	vld [tilespmem:s4+$0x4460]  }
0x735: {  	s6 =	simm.s32 $0x400;
	v13 =	vld [tilespmem:s5+$0x4470];
	[tilespmem:s4+$0x10430] =	vst v14;
	v12 =	vsub.f32 v12, v63  }
.LBB2_32:
0x736: {  	p0 =	sne.s32 s6, $0xFE00;
	v14 =	vld [tilespmem:s5+$0x470]  }
0x737: {  	v15 =	vld [tilespmem:s5+$0x4400];
	[tilespmem:s4+$0x10440] =	vst v12;
	v8 =	vsub.f32 v8, v10  }
0x738: {  	v10 =	vld [tilespmem:s5+$0x400]  }
0x739: {  	v12 =	vld [tilespmem:s5+$0x4410];
	[tilespmem:s4+$0x10450] =	vst v8;
	v8 =	vsub.f32 v9, v11  }
0x73a: {  	v9 =	vld [tilespmem:s5+$0x410]  }
0x73b: {  	v11 =	vld [tilespmem:s5+$0x4420];
	v13 =	vsub.f32 v13, v14;
	[tilespmem:s4+$0x10460] =	vst v8;
	s4 =	smov.u32 s5  }
0x73c: {  	v8 =	vld [tilespmem:s4+$0x420]  }
0x73d: {  	v10 =	vsub.f32 v15, v10;
	v14 =	vld [tilespmem:s4+$0x4430];
	[tilespmem:s4+$0x10470] =	vst v13  }
0x73e: {  	v13 =	vld [tilespmem:s4+$0x430]  }
0x73f: {  	[tilespmem:s4+$0x10400] =	vst v10;
	v9 =	vsub.f32 v12, v9;
	v12 =	vld [tilespmem:s4+$0x4440]  }
0x740: {  	v15 =	vld [tilespmem:s4+$0x440]  }
.Ltmp18:
0x741: {  	[tilespmem:s4+$0x10410] =	vst v9;
	v9 =	vsub.f32 v11, v8;
	v8 =	vld [tilespmem:s4+$0x4450];
	(pc) =	sbr.rel @p0 .LBB2_32-.Ltmp18, $4  }
0x742: {  	v10 =	vld [tilespmem:s4+$0x450]  }
0x743: {  	[tilespmem:s4+$0x10420] =	vst v9;
	v14 =	vsub.f32 v14, v13;
	v9 =	vld [tilespmem:s4+$0x4460]  }
0x744: {  	s5 =	sshra.s32 s6, $0x2;
	v11 =	vld [tilespmem:s4+$0x460]  }
0x745: {  	s6 =	sadd.s32 $0x200, s6;
	v13 =	vld [tilespmem:s5+$0x4470];
	[tilespmem:s4+$0x10430] =	vst v14;
	v12 =	vsub.f32 v12, v15  }
0x746: {  	v14 =	vld [tilespmem:s5+$0x470]  }
0x747: {  	v15 =	vld [tilespmem:s5+$0x4400]  }
0x748: {  	v16 =	vld [tilespmem:s5+$0x400]  }
0x749: {  	v17 =	vld [tilespmem:s5+$0x4410]  }
0x74a: {  	v18 =	vld [tilespmem:s5+$0x410]  }
0x74b: {  	v19 =	vld [tilespmem:s5+$0x4420]  }
0x74c: {  	v20 =	vld [tilespmem:s5+$0x4430]  }
0x74d: {  	v13 =	vsub.f32 v13, v14;
	v14 =	vld [tilespmem:s5+$0x420]  }
0x74e: {  	v60 =	vld [tilespmem:s5+$0x4440]  }
0x74f: {  	v61 =	vld [tilespmem:s5+$0x440];
	v15 =	vsub.f32 v15, v16  }
0x750: {  	v62 =	vld [tilespmem:s5+$0x450];
	[tilespmem:s5+$0x10470] =	vst v13  }
0x751: {  	v13 =	vld [tilespmem:s5+$0x430];
	[tilespmem:s5+$0x10400] =	vst v15;
	v15 =	vsub.f32 v17, v18  }
0x752: {  	v8 =	vsub.f32 v8, v10;
	v10 =	vld [tilespmem:s5+$0x460];
	v14 =	vsub.f32 v19, v14  }
0x753: {  	[tilespmem:s5+$0x10410] =	vst v15;
	v15 =	vld [tilespmem:s5+$0x4450]  }
0x754: {  	[tilespmem:s5+$0x10420] =	vst v14;
	v14 =	vld [tilespmem:s5+$0x4460]  }
0x755: {  	[tilespmem:s4+$0x10440] =	vst v12;
	v9 =	vsub.f32 v9, v11  }
0x756: {  	[tilespmem:s4+$0x10450] =	vst v8;
	v8 =	vsub.f32 v20, v13  }
0x757: {  	[tilespmem:s4+$0x10460] =	vst v9;
	v9 =	vsub.f32 v60, v61  }
0x758: {  	[tilespmem:s5+$0x10430] =	vst v8;
	v8 =	vsub.f32 v15, v62  }
0x759: {  	[tilespmem:s5+$0x10440] =	vst v9;
	v9 =	vsub.f32 v14, v10  }
0x75a: {  	[tilespmem:s5+$0x10450] =	vst v8  }
0x75b: {  	s13 =	simm.s32 $0x0;
	[tilespmem:s5+$0x10460] =	vst v9  }
0x75c: {  	[hbm4b:s19+s13] =	stream.linear.scatter [tilespmem:s30], [sflag:$0x5], $0x4000, $0x38;
	[tilespmem:$0x1C400] =	vst v63  }
0x75d: {  	_ =	swait.ge [sflag:s25], $0x4000  }
0x75e: {  	[sflag:s25] =	ssyncset.done $0x0  }
0x75f: {  	s14 =	simm.s32 $0x380;
	[sflag:s25] =	ssyncadd.s32 $0xFFFFC000  }
0x760: {  	[tilespmem:s26], [sflag:$0x3] =	stream.indirect.gather [hbm4b:s2+s0], $0x80, s14, s0, $0xb8;
	[tilespmem:$0x1C400] =	vst v63  }
0x761: {  	s24 =	rddreg [dreg:$0xf]  }
0x762: {  	[tilespmem:s23], [sflag:$0x2] =	stream.linear.gather [hbm4b:s24+s13], $0x4000, $0x38;
	[tilespmem:$0x1C400] =	vst v63  }
0x763: {  	_ =	swait.ge [sflag:s29], $0x4000  }
0x764: {  	[sflag:s29] =	ssyncset.done $0x0  }
0x765: {  	[sflag:s29] =	ssyncadd.s32 $0xFFFFC000  }
0x766: {  	_ =	swait.ge [sflag:s28], $0x4000  }
0x767: {  	[sflag:s28] =	ssyncset.done $0x0  }
0x768: {  	s4 =	simm.s32 $0x0;
	[sflag:s28] =	ssyncadd.s32 $0xFFFFC000  }
0x769: {  	v8 =	vld [tilespmem:s4+$0x8470]  }
0x76a: {  	v9 =	vld [tilespmem:s4+$0x470]  }
0x76b: {  	v10 =	vld [tilespmem:s4+$0x8400]  }
0x76c: {  	v11 =	vld [tilespmem:s4+$0x400]  }
0x76d: {  	v12 =	vld [tilespmem:s4+$0x8410]  }
0x76e: {  	v13 =	vld [tilespmem:s4+$0x410]  }
0x76f: {  	v14 =	vld [tilespmem:s4+$0x8420]  }
0x770: {  	v15 =	vld [tilespmem:s4+$0x8430]  }
0x771: {  	v8 =	vsub.f32 v8, v9;
	v9 =	vld [tilespmem:s4+$0x420]  }
0x772: {  	v10 =	vsub.f32 v10, v11;
	v11 =	vld [tilespmem:s4+$0x430]  }
0x773: {  	v63 =	vld [tilespmem:s4+$0x440]  }
0x774: {  	[tilespmem:s4+$0x10470] =	vst v8;
	v8 =	vsub.f32 v12, v13;
	v12 =	vld [tilespmem:s4+$0x8440]  }
0x775: {  	[tilespmem:s4+$0x10400] =	vst v10;
	v10 =	vld [tilespmem:s4+$0x450]  }
0x776: {  	[tilespmem:s4+$0x10410] =	vst v8;
	v8 =	vld [tilespmem:s4+$0x8450];
	v9 =	vsub.f32 v14, v9  }
0x777: {  	v14 =	vsub.f32 v15, v11;
	v11 =	vld [tilespmem:s4+$0x460]  }
0x778: {  	s5 =	simm.s32 $0x80;
	[tilespmem:s4+$0x10420] =	vst v9;
	v9 =	vld [tilespmem:s4+$0x8460]  }
0x779: {  	s6 =	simm.s32 $0x400;
	v13 =	vld [tilespmem:s5+$0x8470];
	[tilespmem:s4+$0x10430] =	vst v14;
	v12 =	vsub.f32 v12, v63  }
.LBB2_34:
0x77a: {  	p0 =	sne.s32 s6, $0xFE00;
	v14 =	vld [tilespmem:s5+$0x470]  }
0x77b: {  	v8 =	vsub.f32 v8, v10;
	v15 =	vld [tilespmem:s5+$0x8400];
	[tilespmem:s4+$0x10440] =	vst v12  }
0x77c: {  	v10 =	vld [tilespmem:s5+$0x400]  }
0x77d: {  	v12 =	vld [tilespmem:s5+$0x8410];
	[tilespmem:s4+$0x10450] =	vst v8;
	v8 =	vsub.f32 v9, v11  }
0x77e: {  	v9 =	vld [tilespmem:s5+$0x410]  }
0x77f: {  	v11 =	vld [tilespmem:s5+$0x8420];
	v13 =	vsub.f32 v13, v14;
	[tilespmem:s4+$0x10460] =	vst v8;
	s4 =	smov.u32 s5  }
0x780: {  	v8 =	vld [tilespmem:s4+$0x420]  }
0x781: {  	v10 =	vsub.f32 v15, v10;
	v14 =	vld [tilespmem:s4+$0x8430];
	[tilespmem:s4+$0x10470] =	vst v13  }
0x782: {  	v13 =	vld [tilespmem:s4+$0x430]  }
0x783: {  	[tilespmem:s4+$0x10400] =	vst v10;
	v9 =	vsub.f32 v12, v9;
	v12 =	vld [tilespmem:s4+$0x8440]  }
0x784: {  	v15 =	vld [tilespmem:s4+$0x440]  }
.Ltmp19:
0x785: {  	[tilespmem:s4+$0x10410] =	vst v9;
	v9 =	vsub.f32 v11, v8;
	v8 =	vld [tilespmem:s4+$0x8450];
	(pc) =	sbr.rel @p0 .LBB2_34-.Ltmp19, $4  }
0x786: {  	v10 =	vld [tilespmem:s4+$0x450]  }
0x787: {  	[tilespmem:s4+$0x10420] =	vst v9;
	v14 =	vsub.f32 v14, v13;
	v9 =	vld [tilespmem:s4+$0x8460]  }
0x788: {  	s5 =	sshra.s32 s6, $0x2;
	v11 =	vld [tilespmem:s4+$0x460]  }
0x789: {  	s6 =	sadd.s32 $0x200, s6;
	v13 =	vld [tilespmem:s5+$0x8470];
	[tilespmem:s4+$0x10430] =	vst v14;
	v12 =	vsub.f32 v12, v15  }
.Ltmp20:
0x78a: {  	_ = 	snop;
	(pc) =	sbr.rel .LBB2_35-.Ltmp20, $1  }
0x78b: {  	_ =	sdelay $0x3  }
.LBB2_37:
0x78c: {  	_ =	sfence.sel $0x180000  }
0x78d: {  	[bflag:$0x0] =	sbarrier.arrive $0xFFFF  }
0x78e: {  	_ =	strace $0x90000047  }
0x78f: {  	s0 =	stileid.u32;
	[bflag:$0x2] =	sbarrier.arrive $0xFFFF  }
0x790: {  	p0 =	sne.s32 s0, $0x0;
	s0 =	rddreg [dreg:$0x4]  }
0x791: {  	s0 =	sadd.s32 @!p0 $0x100000, s0  }
0x792: {  	[sflag:s0] =	ssyncadd.tile.s32 @!p0 $0x1;
	_ =	shalt  }
.Lfunc_end2:
_tile_overlayer_lowered:
.L_overlay_start_2:
0x793: {  	(tag) =	ssettag $0x2  }
0x794: {  	s0 =	rddreg [dreg:$0x0];
	s2 =	stileid.u32  }
0x795: {  	s1 =	rddreg [dreg:$0x1];
	p0 =	sne.s32 s2, $0x0  }
0x796: {  	s3 =	rddreg [dreg:$0x2];
	[bflag:$0x3] =	sbarrier.arrive $0xFFFF;
	s2 =	simm.s32 @!p0 $0x1C05  }
0x797: {  	[timem:s3], [sflag:s2] =	dma.local @!p0 [hbm:s0], s1  }
0x798: {  	s0 =	simm.s32 @!p0 $0x5  }
0x799: {  	_ =	swait.ge @!p0 [sflag:s0], s1  }
0x79a: {  	s1 =	ssub.s32 @!p0 $0x0, s1;
	[sflag:s0] =	ssyncset.done @!p0 $0x0  }
0x79b: {  	[sflag:s0] =	ssyncadd.s32 @!p0 s1  }
0x79c: {  	[bflag:$0x3] =	sbarrier.arrive $0xFFFF  }
0x79d: {  	_ =	shalt  }

</sc_bundles>
